<compile_context>
chip_gen: v7x
topology: tpu7x:2x2x1
jax: 0.10.2.dev20260603
libtpu: 0.0.44.dev20260713+nightly
codegen_flags: <defaults>
</compile_context>

<pallas_src>
import jax
import jax.numpy as jnp
from jax import lax
from jax.experimental import pallas as pl
from jax.experimental.pallas import tpu as pltpu
from jax.experimental.pallas import tpu_sc as plsc

_INFO = plsc.get_sparse_core_info()
_NC = _INFO.num_cores
_NS = _INFO.num_subcores
_NW = _NC * _NS

_B = 16384
_H = 200
_D = 32
_BPW = _B // _NW
_BT = _BPW // 128


def _body(x_hbm, w_hbm, out_hbm,
          idx0, idx1, rv0, rv1, tv0, tv1, iv,
          s_i0, s_i1, s_g0, s_g1, s_s0, s_s1):
  wid = lax.axis_index("s") * _NC + lax.axis_index("c")
  b0 = wid * _BPW
  bt0 = wid * _BT
  idx = (idx0, idx1)
  rv = (rv0, rv1)
  tv = (tv0, tv1)
  s_i = (s_i0, s_i1)
  s_g = (s_g0, s_g1)
  s_s = (s_s0, s_s1)
  iota = lax.iota(jnp.int32, 16)

  def x_slice(h):
    return x_hbm.at[pl.ds(h * _B + b0, _BPW)]

  def issue_stores(h, b):
    for ct in range(4):
      pltpu.async_copy(tv[b].at[ct], out_hbm.at[h, ct, pl.ds(bt0, _BT)],
                       s_s[b])

  def drain_stores(h, b):
    for ct in range(4):
      pltpu.make_async_copy(tv[b].at[ct], out_hbm.at[h, ct, pl.ds(bt0, _BT)],
                            s_s[b]).wait()

  def shuffle(b):
    @plsc.parallel_loop(0, _BPW, unroll=16)
    def _(r):
      rbc = jnp.full((16,), r, jnp.int32)
      plsc.store_scatter(iv, [iota, rbc], rv[b][r, pl.ds(0, 16)])
      plsc.store_scatter(iv, [iota + 16, rbc], rv[b][r, pl.ds(16, 16)])

    @plsc.parallel_loop(0, _BT * 8, unroll=4)
    def _(n):
      btl = n // 8
      b1g = n % 8
      off = btl * 128 + b1g * 16
      for ct in range(4):
        for c8 in range(8):
          tv[b][ct, btl, c8, pl.ds(b1g * 16, 16)] = (
              iv[ct * 8 + c8, pl.ds(off, 16)])

  pltpu.async_copy(x_slice(0), idx[0], s_i[0])
  pltpu.async_copy(x_slice(1), idx[1], s_i[1])
  pltpu.make_async_copy(x_slice(0), idx[0], s_i[0]).wait()
  pltpu.async_copy(w_hbm.at[idx[0]], rv[0], s_g[0])

  def pair(g, carry):
    for b in range(2):
      h = g * 2 + b

      @pl.when(g > 0)
      def _():
        drain_stores(h, b)

      pltpu.make_async_copy(w_hbm.at[idx[b]], rv[b], s_g[b]).wait()
      pltpu.async_copy(x_slice(lax.rem(h + 2, _H)), idx[b], s_i[b])
      pltpu.make_async_copy(x_slice(h), idx[1 - b], s_i[1 - b]).wait()
      if b == 0:
        pltpu.async_copy(w_hbm.at[idx[1 - b]], rv[1 - b], s_g[1 - b])
      else:
        @pl.when(g < _H // 2 - 1)
        def _():
          pltpu.async_copy(w_hbm.at[idx[1 - b]], rv[1 - b], s_g[1 - b])
      shuffle(b)
      issue_stores(h, b)
    return carry

  lax.fori_loop(0, _H // 2, pair, 0)

  drain_stores(_H - 2, 0)
  drain_stores(_H - 1, 1)
  pltpu.make_async_copy(x_slice(1), idx[1], s_i[1]).wait()


@jax.jit
def _gather(xt_flat, w):
  mesh = plsc.VectorSubcoreMesh(core_axis_name="c", subcore_axis_name="s")
  return pl.kernel(
      _body,
      out_type=jax.ShapeDtypeStruct((_H, _D // 8, _B // 128, 8, 128),
                                    jnp.float32),
      mesh=mesh,
      compiler_params=pltpu.CompilerParams(use_tc_tiling_on_sc=False,
                                           needs_layout_passes=False),
      scratch_types=[
          pltpu.VMEM((_BPW,), jnp.int32),
          pltpu.VMEM((_BPW,), jnp.int32),
          pltpu.VMEM((_BPW, _D), jnp.float32),
          pltpu.VMEM((_BPW, _D), jnp.float32),
          pltpu.VMEM((_D // 8, _BT, 8, 128), jnp.float32),
          pltpu.VMEM((_D // 8, _BT, 8, 128), jnp.float32),
          pltpu.VMEM((_D, 513), jnp.float32),
          pltpu.SemaphoreType.DMA,
          pltpu.SemaphoreType.DMA,
          pltpu.SemaphoreType.DMA,
          pltpu.SemaphoreType.DMA,
          pltpu.SemaphoreType.DMA,
          pltpu.SemaphoreType.DMA,
      ],
  )(xt_flat, w)


def kernel(x, W):
  b, h = x.shape
  _, d = W.shape
  xt_flat = x.T.reshape(b * h).astype(jnp.int32)
  o5 = _gather(xt_flat, W)
  return o5.transpose(2, 4, 0, 1, 3).reshape(b, h, d)

# --- scband reference (transcript-rebuilt; emitter-appended) ---
"""Pipeline reference for scband-gflow-net-encoder-89094801588521 (READ-ONLY COPY).

The authoritative reference and input builder live on the scoring server;
editing this copy changes nothing except your own understanding.
"""

import jax, jax.numpy as jnp
import numpy as np

NUM_TASKS = 1000000
EMBED_DIM = 32
BATCH = 16384
HIST = 200

def setup_inputs(seed: int = 0) -> dict:
    key = jax.random.key(seed)
    k_idx, k_w = jax.random.split(key)
    x = jax.random.randint(k_idx, (BATCH, HIST), 0, NUM_TASKS, dtype=jnp.int64 if jax.config.jax_enable_x64 else jnp.int32)
    W = jax.random.normal(k_w, (NUM_TASKS, EMBED_DIM), dtype=jnp.float32)
    return {"x": x, "W": W}

def reference(x, W):
    # nn.Embedding forward: gather rows of the embedding table
    return jnp.take(W, x, axis=0)

if __name__ == "__main__":
    import jax
    _d = setup_inputs()
    print(jax.jit(kernel)(*tuple(_d.values())))

</pallas_src>

<mosaic_0001>
#map = affine_map<(d0, d1) -> (0)>
#map1 = affine_map<(d0, d1) -> (0, 0)>
#map2 = affine_map<(d0, d1) -> (0, 0, 0, 0, 0)>
module attributes {stable_mosaic.version = 14 : i64} {
  func.func @_body(%arg0: i32, %arg1: i32, %arg2: memref<3276800xi32, #tpu.memory_space<hbm>>, %arg3: memref<1000000x32xf32, #tpu.memory_space<hbm>>, %arg4: memref<200x4x128x8x128xf32, #tpu.memory_space<hbm>>, %arg5: memref<512xi32, #tpu.memory_space<vmem>>, %arg6: memref<512xi32, #tpu.memory_space<vmem>>, %arg7: memref<512x32xf32, #tpu.memory_space<vmem>>, %arg8: memref<512x32xf32, #tpu.memory_space<vmem>>, %arg9: memref<4x4x8x128xf32, #tpu.memory_space<vmem>>, %arg10: memref<4x4x8x128xf32, #tpu.memory_space<vmem>>, %arg11: memref<32x513xf32, #tpu.memory_space<vmem>>, %arg12: memref<!tpu.dma_semaphore, #tpu.memory_space<semaphore_mem>>, %arg13: memref<!tpu.dma_semaphore, #tpu.memory_space<semaphore_mem>>, %arg14: memref<!tpu.dma_semaphore, #tpu.memory_space<semaphore_mem>>, %arg15: memref<!tpu.dma_semaphore, #tpu.memory_space<semaphore_mem>>, %arg16: memref<!tpu.dma_semaphore, #tpu.memory_space<semaphore_mem>>, %arg17: memref<!tpu.dma_semaphore, #tpu.memory_space<semaphore_mem>>) attributes {dimension_semantics = [#tpu.dimension_semantics<core_parallel>, #tpu.dimension_semantics<subcore_parallel>], iteration_bounds = array<i64: 2, 16>, scalar_prefetch = 0 : i64, scratch_operands = 13 : i64, tpu.core_type = #tpu.core_type<sc_vector_subcore>, window_params = [{transform_indices = #map}, {transform_indices = #map1}, {transform_indices = #map2}]} {
    %mul3A = arith.constant 2 : i32
    %mul3A_0 = arith.muli %arg1, %mul3A : i32
    %add3A = arith.addi %mul3A_0, %arg0 : i32
    %mul3A_1 = arith.constant 512 : i32
    %mul3A_2 = arith.muli %add3A, %mul3A_1 : i32
    %mul3A_3 = arith.constant 4 : i32
    %mul3A_4 = arith.muli %add3A, %mul3A_3 : i32
    %iota3A = tpu.iota {dimensions = array<i32: 0>} : vector<16xi32>
    %add3A_5 = arith.constant 0 : i32
    %add3A_6 = arith.addi %add3A_5, %mul3A_2 : i32
    %dma_start3A = tpu.memref_slice %arg2[%add3A_6] : memref<3276800xi32, #tpu.memory_space<hbm>> -> memref<512xi32, #tpu.memory_space<hbm>>
    %dma_start3A_7 = tpu.memref_slice %arg2[%add3A_6] : memref<3276800xi32, #tpu.memory_space<hbm>> -> memref<512xi32, #tpu.memory_space<hbm>>
    tpu.enqueue_dma source(%dma_start3A_7 : memref<512xi32, #tpu.memory_space<hbm>>) target(%arg5 : memref<512xi32, #tpu.memory_space<vmem>>) target_semaphore(%arg12 : memref<!tpu.dma_semaphore, #tpu.memory_space<semaphore_mem>>)
    %add3A_8 = arith.constant 16384 : i32
    %add3A_9 = arith.addi %add3A_8, %mul3A_2 : i32
    %dma_start3A_10 = tpu.memref_slice %arg2[%add3A_9] : memref<3276800xi32, #tpu.memory_space<hbm>> -> memref<512xi32, #tpu.memory_space<hbm>>
    %dma_start3A_11 = tpu.memref_slice %arg2[%add3A_9] : memref<3276800xi32, #tpu.memory_space<hbm>> -> memref<512xi32, #tpu.memory_space<hbm>>
    tpu.enqueue_dma source(%dma_start3A_11 : memref<512xi32, #tpu.memory_space<hbm>>) target(%arg6 : memref<512xi32, #tpu.memory_space<vmem>>) target_semaphore(%arg13 : memref<!tpu.dma_semaphore, #tpu.memory_space<semaphore_mem>>)
    %add3A_12 = arith.constant 0 : i32
    %add3A_13 = arith.addi %add3A_12, %mul3A_2 : i32
    %dma_wait3A = tpu.memref_slice %arg2[%add3A_13] : memref<3276800xi32, #tpu.memory_space<hbm>> -> memref<512xi32, #tpu.memory_space<hbm>>
    %dma_wait3A_14 = tpu.memref_slice %arg2[%add3A_13] : memref<3276800xi32, #tpu.memory_space<hbm>> -> memref<512xi32, #tpu.memory_space<hbm>>
    tpu.wait_dma2 semaphore(%arg12 : memref<!tpu.dma_semaphore, #tpu.memory_space<semaphore_mem>>) src(%dma_wait3A_14 : memref<512xi32, #tpu.memory_space<hbm>>) dst(%arg5 : memref<512xi32, #tpu.memory_space<vmem>>)
    %dma_start3A_15 = arith.constant 0 : i32
    %dma_start3A_16 = arith.constant 0 : i32
    %dma_start3A_17 = tpu.memref_slice %arg3[%dma_start3A_15, %dma_start3A_16] : memref<1000000x32xf32, #tpu.memory_space<hbm>> -> memref<1000000x32xf32, #tpu.memory_space<hbm>>
    tpu.enqueue_indirect_dma source(%dma_start3A_17 : memref<1000000x32xf32, #tpu.memory_space<hbm>>) target(%arg7 : memref<512x32xf32, #tpu.memory_space<vmem>>) offsets(%arg5 : memref<512xi32, #tpu.memory_space<vmem>>) semaphore(%arg14 : memref<!tpu.dma_semaphore, #tpu.memory_space<semaphore_mem>>)
    %scan3A = arith.constant 0 : i32
    %scan3A_18 = arith.constant 0 : i32
    %scan3A_19 = arith.constant 100 : i32
    %scan3A_20 = arith.addi %scan3A_18, %scan3A_19 : i32
    %scan3A_21 = arith.constant 1 : i32
    scf.for %scan3A_195 = %scan3A_18 to %scan3A_20 step %scan3A_21  : i32 {
      %mul3A_196 = arith.constant 2 : i32
      %mul3A_197 = arith.muli %scan3A_195, %mul3A_196 : i32
      %add3A_198 = arith.constant 0 : i32
      %add3A_199 = arith.addi %mul3A_197, %add3A_198 : i32
      %gt3A = arith.constant 0 : i32
      %gt3A_200 = arith.cmpi sgt, %scan3A_195, %gt3A : i32
      %convert_element_type3A = arith.extui %gt3A_200 : i1 to i32
      %cond3A = arith.constant 0 : i32
      %cond3A_201 = arith.cmpi ne, %convert_element_type3A, %cond3A : i32
      scf.if %cond3A_201 {
        %dma_wait3A_422 = arith.constant 0 : i32
        %dma_wait3A_423 = arith.constant 0 : i32
        %dma_wait3A_424 = arith.constant 0 : i32
        %dma_wait3A_425 = arith.constant 0 : i32
        %dma_wait3A_426 = arith.constant 0 : i32
        %dma_wait3A_427 = tpu.memref_slice %arg9[%dma_wait3A_422, %dma_wait3A_424, %dma_wait3A_425, %dma_wait3A_426] : memref<4x4x8x128xf32, #tpu.memory_space<vmem>> -> memref<1x4x8x128xf32, #tpu.memory_space<vmem>>
        %dma_wait3A_428 = tpu.memref_squeeze %dma_wait3A_427 : memref<1x4x8x128xf32, #tpu.memory_space<vmem>> -> memref<4x8x128xf32, #tpu.memory_space<vmem>>
        %dma_wait3A_429 = arith.constant 0 : i32
        %dma_wait3A_430 = arith.constant 0 : i32
        %dma_wait3A_431 = tpu.memref_slice %arg4[%add3A_199, %dma_wait3A_423, %mul3A_4, %dma_wait3A_429, %dma_wait3A_430] : memref<200x4x128x8x128xf32, #tpu.memory_space<hbm>> -> memref<1x1x4x8x128xf32, #tpu.memory_space<hbm>>
        %dma_wait3A_432 = tpu.memref_squeeze %dma_wait3A_431 : memref<1x1x4x8x128xf32, #tpu.memory_space<hbm>> -> memref<4x8x128xf32, #tpu.memory_space<hbm>>
        %dma_wait3A_433 = arith.constant 0 : i32
        %dma_wait3A_434 = arith.constant 0 : i32
        %dma_wait3A_435 = tpu.memref_slice %arg4[%add3A_199, %dma_wait3A_423, %mul3A_4, %dma_wait3A_433, %dma_wait3A_434] : memref<200x4x128x8x128xf32, #tpu.memory_space<hbm>> -> memref<1x1x4x8x128xf32, #tpu.memory_space<hbm>>
        %dma_wait3A_436 = tpu.memref_squeeze %dma_wait3A_435 : memref<1x1x4x8x128xf32, #tpu.memory_space<hbm>> -> memref<4x8x128xf32, #tpu.memory_space<hbm>>
        %dma_wait3A_437 = arith.constant 0 : i32
        %dma_wait3A_438 = arith.constant 0 : i32
        %dma_wait3A_439 = arith.constant 0 : i32
        %dma_wait3A_440 = tpu.memref_slice %arg9[%dma_wait3A_422, %dma_wait3A_437, %dma_wait3A_438, %dma_wait3A_439] : memref<4x4x8x128xf32, #tpu.memory_space<vmem>> -> memref<1x4x8x128xf32, #tpu.memory_space<vmem>>
        %dma_wait3A_441 = tpu.memref_squeeze %dma_wait3A_440 : memref<1x4x8x128xf32, #tpu.memory_space<vmem>> -> memref<4x8x128xf32, #tpu.memory_space<vmem>>
        tpu.wait_dma2 semaphore(%arg16 : memref<!tpu.dma_semaphore, #tpu.memory_space<semaphore_mem>>) src(%dma_wait3A_441 : memref<4x8x128xf32, #tpu.memory_space<vmem>>) dst(%dma_wait3A_436 : memref<4x8x128xf32, #tpu.memory_space<hbm>>)
        %dma_wait3A_442 = arith.constant 1 : i32
        %dma_wait3A_443 = arith.constant 1 : i32
        %dma_wait3A_444 = arith.constant 0 : i32
        %dma_wait3A_445 = arith.constant 0 : i32
        %dma_wait3A_446 = arith.constant 0 : i32
        %dma_wait3A_447 = tpu.memref_slice %arg9[%dma_wait3A_442, %dma_wait3A_444, %dma_wait3A_445, %dma_wait3A_446] : memref<4x4x8x128xf32, #tpu.memory_space<vmem>> -> memref<1x4x8x128xf32, #tpu.memory_space<vmem>>
        %dma_wait3A_448 = tpu.memref_squeeze %dma_wait3A_447 : memref<1x4x8x128xf32, #tpu.memory_space<vmem>> -> memref<4x8x128xf32, #tpu.memory_space<vmem>>
        %dma_wait3A_449 = arith.constant 0 : i32
        %dma_wait3A_450 = arith.constant 0 : i32
        %dma_wait3A_451 = tpu.memref_slice %arg4[%add3A_199, %dma_wait3A_443, %mul3A_4, %dma_wait3A_449, %dma_wait3A_450] : memref<200x4x128x8x128xf32, #tpu.memory_space<hbm>> -> memref<1x1x4x8x128xf32, #tpu.memory_space<hbm>>
        %dma_wait3A_452 = tpu.memref_squeeze %dma_wait3A_451 : memref<1x1x4x8x128xf32, #tpu.memory_space<hbm>> -> memref<4x8x128xf32, #tpu.memory_space<hbm>>
        %dma_wait3A_453 = arith.constant 0 : i32
        %dma_wait3A_454 = arith.constant 0 : i32
        %dma_wait3A_455 = tpu.memref_slice %arg4[%add3A_199, %dma_wait3A_443, %mul3A_4, %dma_wait3A_453, %dma_wait3A_454] : memref<200x4x128x8x128xf32, #tpu.memory_space<hbm>> -> memref<1x1x4x8x128xf32, #tpu.memory_space<hbm>>
        %dma_wait3A_456 = tpu.memref_squeeze %dma_wait3A_455 : memref<1x1x4x8x128xf32, #tpu.memory_space<hbm>> -> memref<4x8x128xf32, #tpu.memory_space<hbm>>
        %dma_wait3A_457 = arith.constant 0 : i32
        %dma_wait3A_458 = arith.constant 0 : i32
        %dma_wait3A_459 = arith.constant 0 : i32
        %dma_wait3A_460 = tpu.memref_slice %arg9[%dma_wait3A_442, %dma_wait3A_457, %dma_wait3A_458, %dma_wait3A_459] : memref<4x4x8x128xf32, #tpu.memory_space<vmem>> -> memref<1x4x8x128xf32, #tpu.memory_space<vmem>>
        %dma_wait3A_461 = tpu.memref_squeeze %dma_wait3A_460 : memref<1x4x8x128xf32, #tpu.memory_space<vmem>> -> memref<4x8x128xf32, #tpu.memory_space<vmem>>
        tpu.wait_dma2 semaphore(%arg16 : memref<!tpu.dma_semaphore, #tpu.memory_space<semaphore_mem>>) src(%dma_wait3A_461 : memref<4x8x128xf32, #tpu.memory_space<vmem>>) dst(%dma_wait3A_456 : memref<4x8x128xf32, #tpu.memory_space<hbm>>)
        %dma_wait3A_462 = arith.constant 2 : i32
        %dma_wait3A_463 = arith.constant 2 : i32
        %dma_wait3A_464 = arith.constant 0 : i32
        %dma_wait3A_465 = arith.constant 0 : i32
        %dma_wait3A_466 = arith.constant 0 : i32
        %dma_wait3A_467 = tpu.memref_slice %arg9[%dma_wait3A_462, %dma_wait3A_464, %dma_wait3A_465, %dma_wait3A_466] : memref<4x4x8x128xf32, #tpu.memory_space<vmem>> -> memref<1x4x8x128xf32, #tpu.memory_space<vmem>>
        %dma_wait3A_468 = tpu.memref_squeeze %dma_wait3A_467 : memref<1x4x8x128xf32, #tpu.memory_space<vmem>> -> memref<4x8x128xf32, #tpu.memory_space<vmem>>
        %dma_wait3A_469 = arith.constant 0 : i32
        %dma_wait3A_470 = arith.constant 0 : i32
        %dma_wait3A_471 = tpu.memref_slice %arg4[%add3A_199, %dma_wait3A_463, %mul3A_4, %dma_wait3A_469, %dma_wait3A_470] : memref<200x4x128x8x128xf32, #tpu.memory_space<hbm>> -> memref<1x1x4x8x128xf32, #tpu.memory_space<hbm>>
        %dma_wait3A_472 = tpu.memref_squeeze %dma_wait3A_471 : memref<1x1x4x8x128xf32, #tpu.memory_space<hbm>> -> memref<4x8x128xf32, #tpu.memory_space<hbm>>
        %dma_wait3A_473 = arith.constant 0 : i32
        %dma_wait3A_474 = arith.constant 0 : i32
        %dma_wait3A_475 = tpu.memref_slice %arg4[%add3A_199, %dma_wait3A_463, %mul3A_4, %dma_wait3A_473, %dma_wait3A_474] : memref<200x4x128x8x128xf32, #tpu.memory_space<hbm>> -> memref<1x1x4x8x128xf32, #tpu.memory_space<hbm>>
        %dma_wait3A_476 = tpu.memref_squeeze %dma_wait3A_475 : memref<1x1x4x8x128xf32, #tpu.memory_space<hbm>> -> memref<4x8x128xf32, #tpu.memory_space<hbm>>
        %dma_wait3A_477 = arith.constant 0 : i32
        %dma_wait3A_478 = arith.constant 0 : i32
        %dma_wait3A_479 = arith.constant 0 : i32
        %dma_wait3A_480 = tpu.memref_slice %arg9[%dma_wait3A_462, %dma_wait3A_477, %dma_wait3A_478, %dma_wait3A_479] : memref<4x4x8x128xf32, #tpu.memory_space<vmem>> -> memref<1x4x8x128xf32, #tpu.memory_space<vmem>>
        %dma_wait3A_481 = tpu.memref_squeeze %dma_wait3A_480 : memref<1x4x8x128xf32, #tpu.memory_space<vmem>> -> memref<4x8x128xf32, #tpu.memory_space<vmem>>
        tpu.wait_dma2 semaphore(%arg16 : memref<!tpu.dma_semaphore, #tpu.memory_space<semaphore_mem>>) src(%dma_wait3A_481 : memref<4x8x128xf32, #tpu.memory_space<vmem>>) dst(%dma_wait3A_476 : memref<4x8x128xf32, #tpu.memory_space<hbm>>)
        %dma_wait3A_482 = arith.constant 3 : i32
        %dma_wait3A_483 = arith.constant 3 : i32
        %dma_wait3A_484 = arith.constant 0 : i32
        %dma_wait3A_485 = arith.constant 0 : i32
        %dma_wait3A_486 = arith.constant 0 : i32
        %dma_wait3A_487 = tpu.memref_slice %arg9[%dma_wait3A_482, %dma_wait3A_484, %dma_wait3A_485, %dma_wait3A_486] : memref<4x4x8x128xf32, #tpu.memory_space<vmem>> -> memref<1x4x8x128xf32, #tpu.memory_space<vmem>>
        %dma_wait3A_488 = tpu.memref_squeeze %dma_wait3A_487 : memref<1x4x8x128xf32, #tpu.memory_space<vmem>> -> memref<4x8x128xf32, #tpu.memory_space<vmem>>
        %dma_wait3A_489 = arith.constant 0 : i32
        %dma_wait3A_490 = arith.constant 0 : i32
        %dma_wait3A_491 = tpu.memref_slice %arg4[%add3A_199, %dma_wait3A_483, %mul3A_4, %dma_wait3A_489, %dma_wait3A_490] : memref<200x4x128x8x128xf32, #tpu.memory_space<hbm>> -> memref<1x1x4x8x128xf32, #tpu.memory_space<hbm>>
        %dma_wait3A_492 = tpu.memref_squeeze %dma_wait3A_491 : memref<1x1x4x8x128xf32, #tpu.memory_space<hbm>> -> memref<4x8x128xf32, #tpu.memory_space<hbm>>
        %dma_wait3A_493 = arith.constant 0 : i32
        %dma_wait3A_494 = arith.constant 0 : i32
        %dma_wait3A_495 = tpu.memref_slice %arg4[%add3A_199, %dma_wait3A_483, %mul3A_4, %dma_wait3A_493, %dma_wait3A_494] : memref<200x4x128x8x128xf32, #tpu.memory_space<hbm>> -> memref<1x1x4x8x128xf32, #tpu.memory_space<hbm>>
        %dma_wait3A_496 = tpu.memref_squeeze %dma_wait3A_495 : memref<1x1x4x8x128xf32, #tpu.memory_space<hbm>> -> memref<4x8x128xf32, #tpu.memory_space<hbm>>
        %dma_wait3A_497 = arith.constant 0 : i32
        %dma_wait3A_498 = arith.constant 0 : i32
        %dma_wait3A_499 = arith.constant 0 : i32
        %dma_wait3A_500 = tpu.memref_slice %arg9[%dma_wait3A_482, %dma_wait3A_497, %dma_wait3A_498, %dma_wait3A_499] : memref<4x4x8x128xf32, #tpu.memory_space<vmem>> -> memref<1x4x8x128xf32, #tpu.memory_space<vmem>>
        %dma_wait3A_501 = tpu.memref_squeeze %dma_wait3A_500 : memref<1x4x8x128xf32, #tpu.memory_space<vmem>> -> memref<4x8x128xf32, #tpu.memory_space<vmem>>
        tpu.wait_dma2 semaphore(%arg16 : memref<!tpu.dma_semaphore, #tpu.memory_space<semaphore_mem>>) src(%dma_wait3A_501 : memref<4x8x128xf32, #tpu.memory_space<vmem>>) dst(%dma_wait3A_496 : memref<4x8x128xf32, #tpu.memory_space<hbm>>)
      } else {
      }
      %dma_wait3A_202 = arith.constant 0 : i32
      %dma_wait3A_203 = arith.constant 0 : i32
      %dma_wait3A_204 = tpu.memref_slice %arg3[%dma_wait3A_202, %dma_wait3A_203] : memref<1000000x32xf32, #tpu.memory_space<hbm>> -> memref<1000000x32xf32, #tpu.memory_space<hbm>>
      tpu.wait_indirect_dma semaphore(%arg14 : memref<!tpu.dma_semaphore, #tpu.memory_space<semaphore_mem>>) src(%dma_wait3A_204 : memref<1000000x32xf32, #tpu.memory_space<hbm>>) dst(%arg7 : memref<512x32xf32, #tpu.memory_space<vmem>>)
      %add3A_205 = arith.constant 2 : i32
      %add3A_206 = arith.addi %add3A_199, %add3A_205 : i32
      %rem3A = arith.constant 200 : i32
      %rem3A_207 = arith.remsi %add3A_206, %rem3A : i32
      %mul3A_208 = arith.constant 16384 : i32
      %mul3A_209 = arith.muli %rem3A_207, %mul3A_208 : i32
      %add3A_210 = arith.addi %mul3A_209, %mul3A_2 : i32
      %dma_start3A_211 = tpu.memref_slice %arg2[%add3A_210] : memref<3276800xi32, #tpu.memory_space<hbm>> -> memref<512xi32, #tpu.memory_space<hbm>>
      %dma_start3A_212 = tpu.memref_slice %arg2[%add3A_210] : memref<3276800xi32, #tpu.memory_space<hbm>> -> memref<512xi32, #tpu.memory_space<hbm>>
      tpu.enqueue_dma source(%dma_start3A_212 : memref<512xi32, #tpu.memory_space<hbm>>) target(%arg5 : memref<512xi32, #tpu.memory_space<vmem>>) target_semaphore(%arg12 : memref<!tpu.dma_semaphore, #tpu.memory_space<semaphore_mem>>)
      %mul3A_213 = arith.constant 16384 : i32
      %mul3A_214 = arith.muli %add3A_199, %mul3A_213 : i32
      %add3A_215 = arith.addi %mul3A_214, %mul3A_2 : i32
      %dma_wait3A_216 = tpu.memref_slice %arg2[%add3A_215] : memref<3276800xi32, #tpu.memory_space<hbm>> -> memref<512xi32, #tpu.memory_space<hbm>>
      %dma_wait3A_217 = tpu.memref_slice %arg2[%add3A_215] : memref<3276800xi32, #tpu.memory_space<hbm>> -> memref<512xi32, #tpu.memory_space<hbm>>
      tpu.wait_dma2 semaphore(%arg13 : memref<!tpu.dma_semaphore, #tpu.memory_space<semaphore_mem>>) src(%dma_wait3A_217 : memref<512xi32, #tpu.memory_space<hbm>>) dst(%arg6 : memref<512xi32, #tpu.memory_space<vmem>>)
      %dma_start3A_218 = arith.constant 0 : i32
      %dma_start3A_219 = arith.constant 0 : i32
      %dma_start3A_220 = tpu.memref_slice %arg3[%dma_start3A_218, %dma_start3A_219] : memref<1000000x32xf32, #tpu.memory_space<hbm>> -> memref<1000000x32xf32, #tpu.memory_space<hbm>>
      tpu.enqueue_indirect_dma source(%dma_start3A_220 : memref<1000000x32xf32, #tpu.memory_space<hbm>>) target(%arg8 : memref<512x32xf32, #tpu.memory_space<vmem>>) offsets(%arg6 : memref<512xi32, #tpu.memory_space<vmem>>) semaphore(%arg15 : memref<!tpu.dma_semaphore, #tpu.memory_space<semaphore_mem>>)
      %parallel_loop3A = arith.constant 0 : i32
      %parallel_loop3A_221 = arith.constant 512 : i32
      %parallel_loop3A_222 = arith.constant 1 : i32
      scf.for %parallel_loop3A_422 = %parallel_loop3A to %parallel_loop3A_221 step %parallel_loop3A_222  : i32 {
        %parallel_loop3A_423 = vector.broadcast %parallel_loop3A_422 : i32 to vector<16xi32>
        %parallel_loop3A_424 = arith.index_cast %parallel_loop3A_422 : i32 to index
        %parallel_loop3A_425 = arith.constant 0 : index
        %parallel_loop3A_426 = tpu.vector_load %arg7[%parallel_loop3A_424, %parallel_loop3A_425] {strides = array<i32>} : memref<512x32xf32, #tpu.memory_space<vmem>>, vector<16xf32>,
        tpu.vector_store_idx %arg11[%iota3A, %parallel_loop3A_423], %parallel_loop3A_426 : memref<32x513xf32, #tpu.memory_space<vmem>>[vector<16xi32>, vector<16xi32>], vector<16xf32>,
        %parallel_loop3A_427 = arith.constant 16 : i32
        %parallel_loop3A_428 = vector.broadcast %parallel_loop3A_427 : i32 to vector<16xi32>
        %parallel_loop3A_429 = arith.addi %iota3A, %parallel_loop3A_428 : vector<16xi32>
        %parallel_loop3A_430 = arith.index_cast %parallel_loop3A_422 : i32 to index
        %parallel_loop3A_431 = arith.constant 16 : index
        %parallel_loop3A_432 = tpu.vector_load %arg7[%parallel_loop3A_430, %parallel_loop3A_431] {strides = array<i32>} : memref<512x32xf32, #tpu.memory_space<vmem>>, vector<16xf32>,
        tpu.vector_store_idx %arg11[%parallel_loop3A_429, %parallel_loop3A_423], %parallel_loop3A_432 : memref<32x513xf32, #tpu.memory_space<vmem>>[vector<16xi32>, vector<16xi32>], vector<16xf32>,
      } {sc.loop_unroll_factor = 16 : i64, sc.parallel_access}
      %parallel_loop3A_223 = arith.constant 0 : i32
      %parallel_loop3A_224 = arith.constant 32 : i32
      %parallel_loop3A_225 = arith.constant 1 : i32
      scf.for %parallel_loop3A_422 = %parallel_loop3A_223 to %parallel_loop3A_224 step %parallel_loop3A_225  : i32 {
        %parallel_loop3A_423 = arith.constant 8 : i32
        %parallel_loop3A_424 = arith.divsi %parallel_loop3A_422, %parallel_loop3A_423 : i32
        %parallel_loop3A_425 = arith.constant 0 : i32
        %parallel_loop3A_426 = arith.cmpi sgt, %parallel_loop3A_422, %parallel_loop3A_425 : i32
        %parallel_loop3A_427 = arith.extui %parallel_loop3A_426 : i1 to i32
        %parallel_loop3A_428 = arith.constant 0 : i32
        %parallel_loop3A_429 = arith.cmpi slt, %parallel_loop3A_422, %parallel_loop3A_428 : i32
        %parallel_loop3A_430 = arith.extui %parallel_loop3A_429 : i1 to i32
        %parallel_loop3A_431 = arith.subi %parallel_loop3A_427, %parallel_loop3A_430 : i32
        %parallel_loop3A_432 = arith.constant 0 : i32
        %parallel_loop3A_433 = arith.cmpi sgt, %parallel_loop3A_423, %parallel_loop3A_432 : i32
        %parallel_loop3A_434 = arith.extui %parallel_loop3A_433 : i1 to i32
        %parallel_loop3A_435 = arith.constant 0 : i32
        %parallel_loop3A_436 = arith.cmpi slt, %parallel_loop3A_423, %parallel_loop3A_435 : i32
        %parallel_loop3A_437 = arith.extui %parallel_loop3A_436 : i1 to i32
        %parallel_loop3A_438 = arith.subi %parallel_loop3A_434, %parallel_loop3A_437 : i32
        %parallel_loop3A_439 = arith.cmpi ne, %parallel_loop3A_431, %parallel_loop3A_438 : i32
        %parallel_loop3A_440 = arith.remsi %parallel_loop3A_422, %parallel_loop3A_423 : i32
        %parallel_loop3A_441 = arith.constant 0 : i32
        %parallel_loop3A_442 = arith.cmpi ne, %parallel_loop3A_440, %parallel_loop3A_441 : i32
        %parallel_loop3A_443 = arith.andi %parallel_loop3A_439, %parallel_loop3A_442 : i1
        %parallel_loop3A_444 = arith.constant 1 : i32
        %parallel_loop3A_445 = arith.subi %parallel_loop3A_424, %parallel_loop3A_444 : i32
        %parallel_loop3A_446 = arith.select %parallel_loop3A_443, %parallel_loop3A_445, %parallel_loop3A_424 : i32
        %parallel_loop3A_447 = arith.constant 8 : i32
        %parallel_loop3A_448 = arith.constant 0 : i32
        %parallel_loop3A_449 = arith.cmpi eq, %parallel_loop3A_447, %parallel_loop3A_448 : i32
        %parallel_loop3A_450 = arith.constant 1 : i32
        %parallel_loop3A_451 = arith.select %parallel_loop3A_449, %parallel_loop3A_450, %parallel_loop3A_447 : i32
        %parallel_loop3A_452 = arith.remsi %parallel_loop3A_422, %parallel_loop3A_451 : i32
        %parallel_loop3A_453 = arith.constant 0 : i32
        %parallel_loop3A_454 = arith.cmpi ne, %parallel_loop3A_452, %parallel_loop3A_453 : i32
        %parallel_loop3A_455 = arith.constant 0 : i32
        %parallel_loop3A_456 = arith.cmpi slt, %parallel_loop3A_452, %parallel_loop3A_455 : i32
        %parallel_loop3A_457 = arith.constant 0 : i32
        %parallel_loop3A_458 = arith.cmpi slt, %parallel_loop3A_451, %parallel_loop3A_457 : i32
        %parallel_loop3A_459 = arith.xori %parallel_loop3A_456, %parallel_loop3A_458 : i1
        %parallel_loop3A_460 = arith.andi %parallel_loop3A_459, %parallel_loop3A_454 : i1
        %parallel_loop3A_461 = arith.addi %parallel_loop3A_452, %parallel_loop3A_451 : i32
        %parallel_loop3A_462 = arith.select %parallel_loop3A_460, %parallel_loop3A_461, %parallel_loop3A_452 : i32
        %parallel_loop3A_463 = arith.constant 128 : i32
        %parallel_loop3A_464 = arith.muli %parallel_loop3A_446, %parallel_loop3A_463 : i32
        %parallel_loop3A_465 = arith.constant 16 : i32
        %parallel_loop3A_466 = arith.muli %parallel_loop3A_462, %parallel_loop3A_465 : i32
        %parallel_loop3A_467 = arith.addi %parallel_loop3A_464, %parallel_loop3A_466 : i32
        %parallel_loop3A_468 = arith.constant 0 : i32
        %parallel_loop3A_469 = arith.index_cast %parallel_loop3A_468 : i32 to index
        %parallel_loop3A_470 = arith.index_cast %parallel_loop3A_467 : i32 to index
        %parallel_loop3A_471 = tpu.vector_load %arg11[%parallel_loop3A_469, %parallel_loop3A_470] {strides = array<i32>} : memref<32x513xf32, #tpu.memory_space<vmem>>, vector<16xf32>,
        %parallel_loop3A_472 = arith.constant 16 : i32
        %parallel_loop3A_473 = arith.muli %parallel_loop3A_462, %parallel_loop3A_472 : i32
        %parallel_loop3A_474 = arith.constant 0 : i32
        %parallel_loop3A_475 = arith.constant 0 : i32
        %parallel_loop3A_476 = arith.index_cast %parallel_loop3A_474 : i32 to index
        %parallel_loop3A_477 = arith.index_cast %parallel_loop3A_446 : i32 to index
        %parallel_loop3A_478 = arith.index_cast %parallel_loop3A_475 : i32 to index
        %parallel_loop3A_479 = arith.index_cast %parallel_loop3A_473 : i32 to index
        %parallel_loop3A_480 = tpu.vector_load %arg9[%parallel_loop3A_476, %parallel_loop3A_477, %parallel_loop3A_478, %parallel_loop3A_479] {strides = array<i32>} : memref<4x4x8x128xf32, #tpu.memory_space<vmem>>, vector<16xf32>,
        tpu.vector_store %arg9[%parallel_loop3A_476, %parallel_loop3A_477, %parallel_loop3A_478, %parallel_loop3A_479], %parallel_loop3A_471 {strides = array<i32>} : memref<4x4x8x128xf32, #tpu.memory_space<vmem>>, vector<16xf32>,
        %parallel_loop3A_481 = arith.constant 1 : i32
        %parallel_loop3A_482 = arith.index_cast %parallel_loop3A_481 : i32 to index
        %parallel_loop3A_483 = arith.index_cast %parallel_loop3A_467 : i32 to index
        %parallel_loop3A_484 = tpu.vector_load %arg11[%parallel_loop3A_482, %parallel_loop3A_483] {strides = array<i32>} : memref<32x513xf32, #tpu.memory_space<vmem>>, vector<16xf32>,
        %parallel_loop3A_485 = arith.constant 16 : i32
        %parallel_loop3A_486 = arith.muli %parallel_loop3A_462, %parallel_loop3A_485 : i32
        %parallel_loop3A_487 = arith.constant 0 : i32
        %parallel_loop3A_488 = arith.constant 1 : i32
        %parallel_loop3A_489 = arith.index_cast %parallel_loop3A_487 : i32 to index
        %parallel_loop3A_490 = arith.index_cast %parallel_loop3A_446 : i32 to index
        %parallel_loop3A_491 = arith.index_cast %parallel_loop3A_488 : i32 to index
        %parallel_loop3A_492 = arith.index_cast %parallel_loop3A_486 : i32 to index
        %parallel_loop3A_493 = tpu.vector_load %arg9[%parallel_loop3A_489, %parallel_loop3A_490, %parallel_loop3A_491, %parallel_loop3A_492] {strides = array<i32>} : memref<4x4x8x128xf32, #tpu.memory_space<vmem>>, vector<16xf32>,
        tpu.vector_store %arg9[%parallel_loop3A_489, %parallel_loop3A_490, %parallel_loop3A_491, %parallel_loop3A_492], %parallel_loop3A_484 {strides = array<i32>} : memref<4x4x8x128xf32, #tpu.memory_space<vmem>>, vector<16xf32>,
        %parallel_loop3A_494 = arith.constant 2 : i32
        %parallel_loop3A_495 = arith.index_cast %parallel_loop3A_494 : i32 to index
        %parallel_loop3A_496 = arith.index_cast %parallel_loop3A_467 : i32 to index
        %parallel_loop3A_497 = tpu.vector_load %arg11[%parallel_loop3A_495, %parallel_loop3A_496] {strides = array<i32>} : memref<32x513xf32, #tpu.memory_space<vmem>>, vector<16xf32>,
        %parallel_loop3A_498 = arith.constant 16 : i32
        %parallel_loop3A_499 = arith.muli %parallel_loop3A_462, %parallel_loop3A_498 : i32
        %parallel_loop3A_500 = arith.constant 0 : i32
        %parallel_loop3A_501 = arith.constant 2 : i32
        %parallel_loop3A_502 = arith.index_cast %parallel_loop3A_500 : i32 to index
        %parallel_loop3A_503 = arith.index_cast %parallel_loop3A_446 : i32 to index
        %parallel_loop3A_504 = arith.index_cast %parallel_loop3A_501 : i32 to index
        %parallel_loop3A_505 = arith.index_cast %parallel_loop3A_499 : i32 to index
        %parallel_loop3A_506 = tpu.vector_load %arg9[%parallel_loop3A_502, %parallel_loop3A_503, %parallel_loop3A_504, %parallel_loop3A_505] {strides = array<i32>} : memref<4x4x8x128xf32, #tpu.memory_space<vmem>>, vector<16xf32>,
        tpu.vector_store %arg9[%parallel_loop3A_502, %parallel_loop3A_503, %parallel_loop3A_504, %parallel_loop3A_505], %parallel_loop3A_497 {strides = array<i32>} : memref<4x4x8x128xf32, #tpu.memory_space<vmem>>, vector<16xf32>,
        %parallel_loop3A_507 = arith.constant 3 : i32
        %parallel_loop3A_508 = arith.index_cast %parallel_loop3A_507 : i32 to index
        %parallel_loop3A_509 = arith.index_cast %parallel_loop3A_467 : i32 to index
        %parallel_loop3A_510 = tpu.vector_load %arg11[%parallel_loop3A_508, %parallel_loop3A_509] {strides = array<i32>} : memref<32x513xf32, #tpu.memory_space<vmem>>, vector<16xf32>,
        %parallel_loop3A_511 = arith.constant 16 : i32
        %parallel_loop3A_512 = arith.muli %parallel_loop3A_462, %parallel_loop3A_511 : i32
        %parallel_loop3A_513 = arith.constant 0 : i32
        %parallel_loop3A_514 = arith.constant 3 : i32
        %parallel_loop3A_515 = arith.index_cast %parallel_loop3A_513 : i32 to index
        %parallel_loop3A_516 = arith.index_cast %parallel_loop3A_446 : i32 to index
        %parallel_loop3A_517 = arith.index_cast %parallel_loop3A_514 : i32 to index
        %parallel_loop3A_518 = arith.index_cast %parallel_loop3A_512 : i32 to index
        %parallel_loop3A_519 = tpu.vector_load %arg9[%parallel_loop3A_515, %parallel_loop3A_516, %parallel_loop3A_517, %parallel_loop3A_518] {strides = array<i32>} : memref<4x4x8x128xf32, #tpu.memory_space<vmem>>, vector<16xf32>,
        tpu.vector_store %arg9[%parallel_loop3A_515, %parallel_loop3A_516, %parallel_loop3A_517, %parallel_loop3A_518], %parallel_loop3A_510 {strides = array<i32>} : memref<4x4x8x128xf32, #tpu.memory_space<vmem>>, vector<16xf32>,
        %parallel_loop3A_520 = arith.constant 4 : i32
        %parallel_loop3A_521 = arith.index_cast %parallel_loop3A_520 : i32 to index
        %parallel_loop3A_522 = arith.index_cast %parallel_loop3A_467 : i32 to index
        %parallel_loop3A_523 = tpu.vector_load %arg11[%parallel_loop3A_521, %parallel_loop3A_522] {strides = array<i32>} : memref<32x513xf32, #tpu.memory_space<vmem>>, vector<16xf32>,
        %parallel_loop3A_524 = arith.constant 16 : i32
        %parallel_loop3A_525 = arith.muli %parallel_loop3A_462, %parallel_loop3A_524 : i32
        %parallel_loop3A_526 = arith.constant 0 : i32
        %parallel_loop3A_527 = arith.constant 4 : i32
        %parallel_loop3A_528 = arith.index_cast %parallel_loop3A_526 : i32 to index
        %parallel_loop3A_529 = arith.index_cast %parallel_loop3A_446 : i32 to index
        %parallel_loop3A_530 = arith.index_cast %parallel_loop3A_527 : i32 to index
        %parallel_loop3A_531 = arith.index_cast %parallel_loop3A_525 : i32 to index
        %parallel_loop3A_532 = tpu.vector_load %arg9[%parallel_loop3A_528, %parallel_loop3A_529, %parallel_loop3A_530, %parallel_loop3A_531] {strides = array<i32>} : memref<4x4x8x128xf32, #tpu.memory_space<vmem>>, vector<16xf32>,
        tpu.vector_store %arg9[%parallel_loop3A_528, %parallel_loop3A_529, %parallel_loop3A_530, %parallel_loop3A_531], %parallel_loop3A_523 {strides = array<i32>} : memref<4x4x8x128xf32, #tpu.memory_space<vmem>>, vector<16xf32>,
        %parallel_loop3A_533 = arith.constant 5 : i32
        %parallel_loop3A_534 = arith.index_cast %parallel_loop3A_533 : i32 to index
        %parallel_loop3A_535 = arith.index_cast %parallel_loop3A_467 : i32 to index
        %parallel_loop3A_536 = tpu.vector_load %arg11[%parallel_loop3A_534, %parallel_loop3A_535] {strides = array<i32>} : memref<32x513xf32, #tpu.memory_space<vmem>>, vector<16xf32>,
        %parallel_loop3A_537 = arith.constant 16 : i32
        %parallel_loop3A_538 = arith.muli %parallel_loop3A_462, %parallel_loop3A_537 : i32
        %parallel_loop3A_539 = arith.constant 0 : i32
        %parallel_loop3A_540 = arith.constant 5 : i32
        %parallel_loop3A_541 = arith.index_cast %parallel_loop3A_539 : i32 to index
        %parallel_loop3A_542 = arith.index_cast %parallel_loop3A_446 : i32 to index
        %parallel_loop3A_543 = arith.index_cast %parallel_loop3A_540 : i32 to index
        %parallel_loop3A_544 = arith.index_cast %parallel_loop3A_538 : i32 to index
        %parallel_loop3A_545 = tpu.vector_load %arg9[%parallel_loop3A_541, %parallel_loop3A_542, %parallel_loop3A_543, %parallel_loop3A_544] {strides = array<i32>} : memref<4x4x8x128xf32, #tpu.memory_space<vmem>>, vector<16xf32>,
        tpu.vector_store %arg9[%parallel_loop3A_541, %parallel_loop3A_542, %parallel_loop3A_543, %parallel_loop3A_544], %parallel_loop3A_536 {strides = array<i32>} : memref<4x4x8x128xf32, #tpu.memory_space<vmem>>, vector<16xf32>,
        %parallel_loop3A_546 = arith.constant 6 : i32
        %parallel_loop3A_547 = arith.index_cast %parallel_loop3A_546 : i32 to index
        %parallel_loop3A_548 = arith.index_cast %parallel_loop3A_467 : i32 to index
        %parallel_loop3A_549 = tpu.vector_load %arg11[%parallel_loop3A_547, %parallel_loop3A_548] {strides = array<i32>} : memref<32x513xf32, #tpu.memory_space<vmem>>, vector<16xf32>,
        %parallel_loop3A_550 = arith.constant 16 : i32
        %parallel_loop3A_551 = arith.muli %parallel_loop3A_462, %parallel_loop3A_550 : i32
        %parallel_loop3A_552 = arith.constant 0 : i32
        %parallel_loop3A_553 = arith.constant 6 : i32
        %parallel_loop3A_554 = arith.index_cast %parallel_loop3A_552 : i32 to index
        %parallel_loop3A_555 = arith.index_cast %parallel_loop3A_446 : i32 to index
        %parallel_loop3A_556 = arith.index_cast %parallel_loop3A_553 : i32 to index
        %parallel_loop3A_557 = arith.index_cast %parallel_loop3A_551 : i32 to index
        %parallel_loop3A_558 = tpu.vector_load %arg9[%parallel_loop3A_554, %parallel_loop3A_555, %parallel_loop3A_556, %parallel_loop3A_557] {strides = array<i32>} : memref<4x4x8x128xf32, #tpu.memory_space<vmem>>, vector<16xf32>,
        tpu.vector_store %arg9[%parallel_loop3A_554, %parallel_loop3A_555, %parallel_loop3A_556, %parallel_loop3A_557], %parallel_loop3A_549 {strides = array<i32>} : memref<4x4x8x128xf32, #tpu.memory_space<vmem>>, vector<16xf32>,
        %parallel_loop3A_559 = arith.constant 7 : i32
        %parallel_loop3A_560 = arith.index_cast %parallel_loop3A_559 : i32 to index
        %parallel_loop3A_561 = arith.index_cast %parallel_loop3A_467 : i32 to index
        %parallel_loop3A_562 = tpu.vector_load %arg11[%parallel_loop3A_560, %parallel_loop3A_561] {strides = array<i32>} : memref<32x513xf32, #tpu.memory_space<vmem>>, vector<16xf32>,
        %parallel_loop3A_563 = arith.constant 16 : i32
        %parallel_loop3A_564 = arith.muli %parallel_loop3A_462, %parallel_loop3A_563 : i32
        %parallel_loop3A_565 = arith.constant 0 : i32
        %parallel_loop3A_566 = arith.constant 7 : i32
        %parallel_loop3A_567 = arith.index_cast %parallel_loop3A_565 : i32 to index
        %parallel_loop3A_568 = arith.index_cast %parallel_loop3A_446 : i32 to index
        %parallel_loop3A_569 = arith.index_cast %parallel_loop3A_566 : i32 to index
        %parallel_loop3A_570 = arith.index_cast %parallel_loop3A_564 : i32 to index
        %parallel_loop3A_571 = tpu.vector_load %arg9[%parallel_loop3A_567, %parallel_loop3A_568, %parallel_loop3A_569, %parallel_loop3A_570] {strides = array<i32>} : memref<4x4x8x128xf32, #tpu.memory_space<vmem>>, vector<16xf32>,
        tpu.vector_store %arg9[%parallel_loop3A_567, %parallel_loop3A_568, %parallel_loop3A_569, %parallel_loop3A_570], %parallel_loop3A_562 {strides = array<i32>} : memref<4x4x8x128xf32, #tpu.memory_space<vmem>>, vector<16xf32>,
        %parallel_loop3A_572 = arith.constant 8 : i32
        %parallel_loop3A_573 = arith.index_cast %parallel_loop3A_572 : i32 to index
        %parallel_loop3A_574 = arith.index_cast %parallel_loop3A_467 : i32 to index
        %parallel_loop3A_575 = tpu.vector_load %arg11[%parallel_loop3A_573, %parallel_loop3A_574] {strides = array<i32>} : memref<32x513xf32, #tpu.memory_space<vmem>>, vector<16xf32>,
        %parallel_loop3A_576 = arith.constant 16 : i32
        %parallel_loop3A_577 = arith.muli %parallel_loop3A_462, %parallel_loop3A_576 : i32
        %parallel_loop3A_578 = arith.constant 1 : i32
        %parallel_loop3A_579 = arith.constant 0 : i32
        %parallel_loop3A_580 = arith.index_cast %parallel_loop3A_578 : i32 to index
        %parallel_loop3A_581 = arith.index_cast %parallel_loop3A_446 : i32 to index
        %parallel_loop3A_582 = arith.index_cast %parallel_loop3A_579 : i32 to index
        %parallel_loop3A_583 = arith.index_cast %parallel_loop3A_577 : i32 to index
        %parallel_loop3A_584 = tpu.vector_load %arg9[%parallel_loop3A_580, %parallel_loop3A_581, %parallel_loop3A_582, %parallel_loop3A_583] {strides = array<i32>} : memref<4x4x8x128xf32, #tpu.memory_space<vmem>>, vector<16xf32>,
        tpu.vector_store %arg9[%parallel_loop3A_580, %parallel_loop3A_581, %parallel_loop3A_582, %parallel_loop3A_583], %parallel_loop3A_575 {strides = array<i32>} : memref<4x4x8x128xf32, #tpu.memory_space<vmem>>, vector<16xf32>,
        %parallel_loop3A_585 = arith.constant 9 : i32
        %parallel_loop3A_586 = arith.index_cast %parallel_loop3A_585 : i32 to index
        %parallel_loop3A_587 = arith.index_cast %parallel_loop3A_467 : i32 to index
        %parallel_loop3A_588 = tpu.vector_load %arg11[%parallel_loop3A_586, %parallel_loop3A_587] {strides = array<i32>} : memref<32x513xf32, #tpu.memory_space<vmem>>, vector<16xf32>,
        %parallel_loop3A_589 = arith.constant 16 : i32
        %parallel_loop3A_590 = arith.muli %parallel_loop3A_462, %parallel_loop3A_589 : i32
        %parallel_loop3A_591 = arith.constant 1 : i32
        %parallel_loop3A_592 = arith.constant 1 : i32
        %parallel_loop3A_593 = arith.index_cast %parallel_loop3A_591 : i32 to index
        %parallel_loop3A_594 = arith.index_cast %parallel_loop3A_446 : i32 to index
        %parallel_loop3A_595 = arith.index_cast %parallel_loop3A_592 : i32 to index
        %parallel_loop3A_596 = arith.index_cast %parallel_loop3A_590 : i32 to index
        %parallel_loop3A_597 = tpu.vector_load %arg9[%parallel_loop3A_593, %parallel_loop3A_594, %parallel_loop3A_595, %parallel_loop3A_596] {strides = array<i32>} : memref<4x4x8x128xf32, #tpu.memory_space<vmem>>, vector<16xf32>,
        tpu.vector_store %arg9[%parallel_loop3A_593, %parallel_loop3A_594, %parallel_loop3A_595, %parallel_loop3A_596], %parallel_loop3A_588 {strides = array<i32>} : memref<4x4x8x128xf32, #tpu.memory_space<vmem>>, vector<16xf32>,
        %parallel_loop3A_598 = arith.constant 10 : i32
        %parallel_loop3A_599 = arith.index_cast %parallel_loop3A_598 : i32 to index
        %parallel_loop3A_600 = arith.index_cast %parallel_loop3A_467 : i32 to index
        %parallel_loop3A_601 = tpu.vector_load %arg11[%parallel_loop3A_599, %parallel_loop3A_600] {strides = array<i32>} : memref<32x513xf32, #tpu.memory_space<vmem>>, vector<16xf32>,
        %parallel_loop3A_602 = arith.constant 16 : i32
        %parallel_loop3A_603 = arith.muli %parallel_loop3A_462, %parallel_loop3A_602 : i32
        %parallel_loop3A_604 = arith.constant 1 : i32
        %parallel_loop3A_605 = arith.constant 2 : i32
        %parallel_loop3A_606 = arith.index_cast %parallel_loop3A_604 : i32 to index
        %parallel_loop3A_607 = arith.index_cast %parallel_loop3A_446 : i32 to index
        %parallel_loop3A_608 = arith.index_cast %parallel_loop3A_605 : i32 to index
        %parallel_loop3A_609 = arith.index_cast %parallel_loop3A_603 : i32 to index
        %parallel_loop3A_610 = tpu.vector_load %arg9[%parallel_loop3A_606, %parallel_loop3A_607, %parallel_loop3A_608, %parallel_loop3A_609] {strides = array<i32>} : memref<4x4x8x128xf32, #tpu.memory_space<vmem>>, vector<16xf32>,
        tpu.vector_store %arg9[%parallel_loop3A_606, %parallel_loop3A_607, %parallel_loop3A_608, %parallel_loop3A_609], %parallel_loop3A_601 {strides = array<i32>} : memref<4x4x8x128xf32, #tpu.memory_space<vmem>>, vector<16xf32>,
        %parallel_loop3A_611 = arith.constant 11 : i32
        %parallel_loop3A_612 = arith.index_cast %parallel_loop3A_611 : i32 to index
        %parallel_loop3A_613 = arith.index_cast %parallel_loop3A_467 : i32 to index
        %parallel_loop3A_614 = tpu.vector_load %arg11[%parallel_loop3A_612, %parallel_loop3A_613] {strides = array<i32>} : memref<32x513xf32, #tpu.memory_space<vmem>>, vector<16xf32>,
        %parallel_loop3A_615 = arith.constant 16 : i32
        %parallel_loop3A_616 = arith.muli %parallel_loop3A_462, %parallel_loop3A_615 : i32
        %parallel_loop3A_617 = arith.constant 1 : i32
        %parallel_loop3A_618 = arith.constant 3 : i32
        %parallel_loop3A_619 = arith.index_cast %parallel_loop3A_617 : i32 to index
        %parallel_loop3A_620 = arith.index_cast %parallel_loop3A_446 : i32 to index
        %parallel_loop3A_621 = arith.index_cast %parallel_loop3A_618 : i32 to index
        %parallel_loop3A_622 = arith.index_cast %parallel_loop3A_616 : i32 to index
        %parallel_loop3A_623 = tpu.vector_load %arg9[%parallel_loop3A_619, %parallel_loop3A_620, %parallel_loop3A_621, %parallel_loop3A_622] {strides = array<i32>} : memref<4x4x8x128xf32, #tpu.memory_space<vmem>>, vector<16xf32>,
        tpu.vector_store %arg9[%parallel_loop3A_619, %parallel_loop3A_620, %parallel_loop3A_621, %parallel_loop3A_622], %parallel_loop3A_614 {strides = array<i32>} : memref<4x4x8x128xf32, #tpu.memory_space<vmem>>, vector<16xf32>,
        %parallel_loop3A_624 = arith.constant 12 : i32
        %parallel_loop3A_625 = arith.index_cast %parallel_loop3A_624 : i32 to index
        %parallel_loop3A_626 = arith.index_cast %parallel_loop3A_467 : i32 to index
        %parallel_loop3A_627 = tpu.vector_load %arg11[%parallel_loop3A_625, %parallel_loop3A_626] {strides = array<i32>} : memref<32x513xf32, #tpu.memory_space<vmem>>, vector<16xf32>,
        %parallel_loop3A_628 = arith.constant 16 : i32
        %parallel_loop3A_629 = arith.muli %parallel_loop3A_462, %parallel_loop3A_628 : i32
        %parallel_loop3A_630 = arith.constant 1 : i32
        %parallel_loop3A_631 = arith.constant 4 : i32
        %parallel_loop3A_632 = arith.index_cast %parallel_loop3A_630 : i32 to index
        %parallel_loop3A_633 = arith.index_cast %parallel_loop3A_446 : i32 to index
        %parallel_loop3A_634 = arith.index_cast %parallel_loop3A_631 : i32 to index
        %parallel_loop3A_635 = arith.index_cast %parallel_loop3A_629 : i32 to index
        %parallel_loop3A_636 = tpu.vector_load %arg9[%parallel_loop3A_632, %parallel_loop3A_633, %parallel_loop3A_634, %parallel_loop3A_635] {strides = array<i32>} : memref<4x4x8x128xf32, #tpu.memory_space<vmem>>, vector<16xf32>,
        tpu.vector_store %arg9[%parallel_loop3A_632, %parallel_loop3A_633, %parallel_loop3A_634, %parallel_loop3A_635], %parallel_loop3A_627 {strides = array<i32>} : memref<4x4x8x128xf32, #tpu.memory_space<vmem>>, vector<16xf32>,
        %parallel_loop3A_637 = arith.constant 13 : i32
        %parallel_loop3A_638 = arith.index_cast %parallel_loop3A_637 : i32 to index
        %parallel_loop3A_639 = arith.index_cast %parallel_loop3A_467 : i32 to index
        %parallel_loop3A_640 = tpu.vector_load %arg11[%parallel_loop3A_638, %parallel_loop3A_639] {strides = array<i32>} : memref<32x513xf32, #tpu.memory_space<vmem>>, vector<16xf32>,
        %parallel_loop3A_641 = arith.constant 16 : i32
        %parallel_loop3A_642 = arith.muli %parallel_loop3A_462, %parallel_loop3A_641 : i32
        %parallel_loop3A_643 = arith.constant 1 : i32
        %parallel_loop3A_644 = arith.constant 5 : i32
        %parallel_loop3A_645 = arith.index_cast %parallel_loop3A_643 : i32 to index
        %parallel_loop3A_646 = arith.index_cast %parallel_loop3A_446 : i32 to index
        %parallel_loop3A_647 = arith.index_cast %parallel_loop3A_644 : i32 to index
        %parallel_loop3A_648 = arith.index_cast %parallel_loop3A_642 : i32 to index
        %parallel_loop3A_649 = tpu.vector_load %arg9[%parallel_loop3A_645, %parallel_loop3A_646, %parallel_loop3A_647, %parallel_loop3A_648] {strides = array<i32>} : memref<4x4x8x128xf32, #tpu.memory_space<vmem>>, vector<16xf32>,
        tpu.vector_store %arg9[%parallel_loop3A_645, %parallel_loop3A_646, %parallel_loop3A_647, %parallel_loop3A_648], %parallel_loop3A_640 {strides = array<i32>} : memref<4x4x8x128xf32, #tpu.memory_space<vmem>>, vector<16xf32>,
        %parallel_loop3A_650 = arith.constant 14 : i32
        %parallel_loop3A_651 = arith.index_cast %parallel_loop3A_650 : i32 to index
        %parallel_loop3A_652 = arith.index_cast %parallel_loop3A_467 : i32 to index
        %parallel_loop3A_653 = tpu.vector_load %arg11[%parallel_loop3A_651, %parallel_loop3A_652] {strides = array<i32>} : memref<32x513xf32, #tpu.memory_space<vmem>>, vector<16xf32>,
        %parallel_loop3A_654 = arith.constant 16 : i32
        %parallel_loop3A_655 = arith.muli %parallel_loop3A_462, %parallel_loop3A_654 : i32
        %parallel_loop3A_656 = arith.constant 1 : i32
        %parallel_loop3A_657 = arith.constant 6 : i32
        %parallel_loop3A_658 = arith.index_cast %parallel_loop3A_656 : i32 to index
        %parallel_loop3A_659 = arith.index_cast %parallel_loop3A_446 : i32 to index
        %parallel_loop3A_660 = arith.index_cast %parallel_loop3A_657 : i32 to index
        %parallel_loop3A_661 = arith.index_cast %parallel_loop3A_655 : i32 to index
        %parallel_loop3A_662 = tpu.vector_load %arg9[%parallel_loop3A_658, %parallel_loop3A_659, %parallel_loop3A_660, %parallel_loop3A_661] {strides = array<i32>} : memref<4x4x8x128xf32, #tpu.memory_space<vmem>>, vector<16xf32>,
        tpu.vector_store %arg9[%parallel_loop3A_658, %parallel_loop3A_659, %parallel_loop3A_660, %parallel_loop3A_661], %parallel_loop3A_653 {strides = array<i32>} : memref<4x4x8x128xf32, #tpu.memory_space<vmem>>, vector<16xf32>,
        %parallel_loop3A_663 = arith.constant 15 : i32
        %parallel_loop3A_664 = arith.index_cast %parallel_loop3A_663 : i32 to index
        %parallel_loop3A_665 = arith.index_cast %parallel_loop3A_467 : i32 to index
        %parallel_loop3A_666 = tpu.vector_load %arg11[%parallel_loop3A_664, %parallel_loop3A_665] {strides = array<i32>} : memref<32x513xf32, #tpu.memory_space<vmem>>, vector<16xf32>,
        %parallel_loop3A_667 = arith.constant 16 : i32
        %parallel_loop3A_668 = arith.muli %parallel_loop3A_462, %parallel_loop3A_667 : i32
        %parallel_loop3A_669 = arith.constant 1 : i32
        %parallel_loop3A_670 = arith.constant 7 : i32
        %parallel_loop3A_671 = arith.index_cast %parallel_loop3A_669 : i32 to index
        %parallel_loop3A_672 = arith.index_cast %parallel_loop3A_446 : i32 to index
        %parallel_loop3A_673 = arith.index_cast %parallel_loop3A_670 : i32 to index
        %parallel_loop3A_674 = arith.index_cast %parallel_loop3A_668 : i32 to index
        %parallel_loop3A_675 = tpu.vector_load %arg9[%parallel_loop3A_671, %parallel_loop3A_672, %parallel_loop3A_673, %parallel_loop3A_674] {strides = array<i32>} : memref<4x4x8x128xf32, #tpu.memory_space<vmem>>, vector<16xf32>,
        tpu.vector_store %arg9[%parallel_loop3A_671, %parallel_loop3A_672, %parallel_loop3A_673, %parallel_loop3A_674], %parallel_loop3A_666 {strides = array<i32>} : memref<4x4x8x128xf32, #tpu.memory_space<vmem>>, vector<16xf32>,
        %parallel_loop3A_676 = arith.constant 16 : i32
        %parallel_loop3A_677 = arith.index_cast %parallel_loop3A_676 : i32 to index
        %parallel_loop3A_678 = arith.index_cast %parallel_loop3A_467 : i32 to index
        %parallel_loop3A_679 = tpu.vector_load %arg11[%parallel_loop3A_677, %parallel_loop3A_678] {strides = array<i32>} : memref<32x513xf32, #tpu.memory_space<vmem>>, vector<16xf32>,
        %parallel_loop3A_680 = arith.constant 16 : i32
        %parallel_loop3A_681 = arith.muli %parallel_loop3A_462, %parallel_loop3A_680 : i32
        %parallel_loop3A_682 = arith.constant 2 : i32
        %parallel_loop3A_683 = arith.constant 0 : i32
        %parallel_loop3A_684 = arith.index_cast %parallel_loop3A_682 : i32 to index
        %parallel_loop3A_685 = arith.index_cast %parallel_loop3A_446 : i32 to index
        %parallel_loop3A_686 = arith.index_cast %parallel_loop3A_683 : i32 to index
        %parallel_loop3A_687 = arith.index_cast %parallel_loop3A_681 : i32 to index
        %parallel_loop3A_688 = tpu.vector_load %arg9[%parallel_loop3A_684, %parallel_loop3A_685, %parallel_loop3A_686, %parallel_loop3A_687] {strides = array<i32>} : memref<4x4x8x128xf32, #tpu.memory_space<vmem>>, vector<16xf32>,
        tpu.vector_store %arg9[%parallel_loop3A_684, %parallel_loop3A_685, %parallel_loop3A_686, %parallel_loop3A_687], %parallel_loop3A_679 {strides = array<i32>} : memref<4x4x8x128xf32, #tpu.memory_space<vmem>>, vector<16xf32>,
        %parallel_loop3A_689 = arith.constant 17 : i32
        %parallel_loop3A_690 = arith.index_cast %parallel_loop3A_689 : i32 to index
        %parallel_loop3A_691 = arith.index_cast %parallel_loop3A_467 : i32 to index
        %parallel_loop3A_692 = tpu.vector_load %arg11[%parallel_loop3A_690, %parallel_loop3A_691] {strides = array<i32>} : memref<32x513xf32, #tpu.memory_space<vmem>>, vector<16xf32>,
        %parallel_loop3A_693 = arith.constant 16 : i32
        %parallel_loop3A_694 = arith.muli %parallel_loop3A_462, %parallel_loop3A_693 : i32
        %parallel_loop3A_695 = arith.constant 2 : i32
        %parallel_loop3A_696 = arith.constant 1 : i32
        %parallel_loop3A_697 = arith.index_cast %parallel_loop3A_695 : i32 to index
        %parallel_loop3A_698 = arith.index_cast %parallel_loop3A_446 : i32 to index
        %parallel_loop3A_699 = arith.index_cast %parallel_loop3A_696 : i32 to index
        %parallel_loop3A_700 = arith.index_cast %parallel_loop3A_694 : i32 to index
        %parallel_loop3A_701 = tpu.vector_load %arg9[%parallel_loop3A_697, %parallel_loop3A_698, %parallel_loop3A_699, %parallel_loop3A_700] {strides = array<i32>} : memref<4x4x8x128xf32, #tpu.memory_space<vmem>>, vector<16xf32>,
        tpu.vector_store %arg9[%parallel_loop3A_697, %parallel_loop3A_698, %parallel_loop3A_699, %parallel_loop3A_700], %parallel_loop3A_692 {strides = array<i32>} : memref<4x4x8x128xf32, #tpu.memory_space<vmem>>, vector<16xf32>,
        %parallel_loop3A_702 = arith.constant 18 : i32
        %parallel_loop3A_703 = arith.index_cast %parallel_loop3A_702 : i32 to index
        %parallel_loop3A_704 = arith.index_cast %parallel_loop3A_467 : i32 to index
        %parallel_loop3A_705 = tpu.vector_load %arg11[%parallel_loop3A_703, %parallel_loop3A_704] {strides = array<i32>} : memref<32x513xf32, #tpu.memory_space<vmem>>, vector<16xf32>,
        %parallel_loop3A_706 = arith.constant 16 : i32
        %parallel_loop3A_707 = arith.muli %parallel_loop3A_462, %parallel_loop3A_706 : i32
        %parallel_loop3A_708 = arith.constant 2 : i32
        %parallel_loop3A_709 = arith.constant 2 : i32
        %parallel_loop3A_710 = arith.index_cast %parallel_loop3A_708 : i32 to index
        %parallel_loop3A_711 = arith.index_cast %parallel_loop3A_446 : i32 to index
        %parallel_loop3A_712 = arith.index_cast %parallel_loop3A_709 : i32 to index
        %parallel_loop3A_713 = arith.index_cast %parallel_loop3A_707 : i32 to index
        %parallel_loop3A_714 = tpu.vector_load %arg9[%parallel_loop3A_710, %parallel_loop3A_711, %parallel_loop3A_712, %parallel_loop3A_713] {strides = array<i32>} : memref<4x4x8x128xf32, #tpu.memory_space<vmem>>, vector<16xf32>,
        tpu.vector_store %arg9[%parallel_loop3A_710, %parallel_loop3A_711, %parallel_loop3A_712, %parallel_loop3A_713], %parallel_loop3A_705 {strides = array<i32>} : memref<4x4x8x128xf32, #tpu.memory_space<vmem>>, vector<16xf32>,
        %parallel_loop3A_715 = arith.constant 19 : i32
        %parallel_loop3A_716 = arith.index_cast %parallel_loop3A_715 : i32 to index
        %parallel_loop3A_717 = arith.index_cast %parallel_loop3A_467 : i32 to index
        %parallel_loop3A_718 = tpu.vector_load %arg11[%parallel_loop3A_716, %parallel_loop3A_717] {strides = array<i32>} : memref<32x513xf32, #tpu.memory_space<vmem>>, vector<16xf32>,
        %parallel_loop3A_719 = arith.constant 16 : i32
        %parallel_loop3A_720 = arith.muli %parallel_loop3A_462, %parallel_loop3A_719 : i32
        %parallel_loop3A_721 = arith.constant 2 : i32
        %parallel_loop3A_722 = arith.constant 3 : i32
        %parallel_loop3A_723 = arith.index_cast %parallel_loop3A_721 : i32 to index
        %parallel_loop3A_724 = arith.index_cast %parallel_loop3A_446 : i32 to index
        %parallel_loop3A_725 = arith.index_cast %parallel_loop3A_722 : i32 to index
        %parallel_loop3A_726 = arith.index_cast %parallel_loop3A_720 : i32 to index
        %parallel_loop3A_727 = tpu.vector_load %arg9[%parallel_loop3A_723, %parallel_loop3A_724, %parallel_loop3A_725, %parallel_loop3A_726] {strides = array<i32>} : memref<4x4x8x128xf32, #tpu.memory_space<vmem>>, vector<16xf32>,
        tpu.vector_store %arg9[%parallel_loop3A_723, %parallel_loop3A_724, %parallel_loop3A_725, %parallel_loop3A_726], %parallel_loop3A_718 {strides = array<i32>} : memref<4x4x8x128xf32, #tpu.memory_space<vmem>>, vector<16xf32>,
        %parallel_loop3A_728 = arith.constant 20 : i32
        %parallel_loop3A_729 = arith.index_cast %parallel_loop3A_728 : i32 to index
        %parallel_loop3A_730 = arith.index_cast %parallel_loop3A_467 : i32 to index
        %parallel_loop3A_731 = tpu.vector_load %arg11[%parallel_loop3A_729, %parallel_loop3A_730] {strides = array<i32>} : memref<32x513xf32, #tpu.memory_space<vmem>>, vector<16xf32>,
        %parallel_loop3A_732 = arith.constant 16 : i32
        %parallel_loop3A_733 = arith.muli %parallel_loop3A_462, %parallel_loop3A_732 : i32
        %parallel_loop3A_734 = arith.constant 2 : i32
        %parallel_loop3A_735 = arith.constant 4 : i32
        %parallel_loop3A_736 = arith.index_cast %parallel_loop3A_734 : i32 to index
        %parallel_loop3A_737 = arith.index_cast %parallel_loop3A_446 : i32 to index
        %parallel_loop3A_738 = arith.index_cast %parallel_loop3A_735 : i32 to index
        %parallel_loop3A_739 = arith.index_cast %parallel_loop3A_733 : i32 to index
        %parallel_loop3A_740 = tpu.vector_load %arg9[%parallel_loop3A_736, %parallel_loop3A_737, %parallel_loop3A_738, %parallel_loop3A_739] {strides = array<i32>} : memref<4x4x8x128xf32, #tpu.memory_space<vmem>>, vector<16xf32>,
        tpu.vector_store %arg9[%parallel_loop3A_736, %parallel_loop3A_737, %parallel_loop3A_738, %parallel_loop3A_739], %parallel_loop3A_731 {strides = array<i32>} : memref<4x4x8x128xf32, #tpu.memory_space<vmem>>, vector<16xf32>,
        %parallel_loop3A_741 = arith.constant 21 : i32
        %parallel_loop3A_742 = arith.index_cast %parallel_loop3A_741 : i32 to index
        %parallel_loop3A_743 = arith.index_cast %parallel_loop3A_467 : i32 to index
        %parallel_loop3A_744 = tpu.vector_load %arg11[%parallel_loop3A_742, %parallel_loop3A_743] {strides = array<i32>} : memref<32x513xf32, #tpu.memory_space<vmem>>, vector<16xf32>,
        %parallel_loop3A_745 = arith.constant 16 : i32
        %parallel_loop3A_746 = arith.muli %parallel_loop3A_462, %parallel_loop3A_745 : i32
        %parallel_loop3A_747 = arith.constant 2 : i32
        %parallel_loop3A_748 = arith.constant 5 : i32
        %parallel_loop3A_749 = arith.index_cast %parallel_loop3A_747 : i32 to index
        %parallel_loop3A_750 = arith.index_cast %parallel_loop3A_446 : i32 to index
        %parallel_loop3A_751 = arith.index_cast %parallel_loop3A_748 : i32 to index
        %parallel_loop3A_752 = arith.index_cast %parallel_loop3A_746 : i32 to index
        %parallel_loop3A_753 = tpu.vector_load %arg9[%parallel_loop3A_749, %parallel_loop3A_750, %parallel_loop3A_751, %parallel_loop3A_752] {strides = array<i32>} : memref<4x4x8x128xf32, #tpu.memory_space<vmem>>, vector<16xf32>,
        tpu.vector_store %arg9[%parallel_loop3A_749, %parallel_loop3A_750, %parallel_loop3A_751, %parallel_loop3A_752], %parallel_loop3A_744 {strides = array<i32>} : memref<4x4x8x128xf32, #tpu.memory_space<vmem>>, vector<16xf32>,
        %parallel_loop3A_754 = arith.constant 22 : i32
        %parallel_loop3A_755 = arith.index_cast %parallel_loop3A_754 : i32 to index
        %parallel_loop3A_756 = arith.index_cast %parallel_loop3A_467 : i32 to index
        %parallel_loop3A_757 = tpu.vector_load %arg11[%parallel_loop3A_755, %parallel_loop3A_756] {strides = array<i32>} : memref<32x513xf32, #tpu.memory_space<vmem>>, vector<16xf32>,
        %parallel_loop3A_758 = arith.constant 16 : i32
        %parallel_loop3A_759 = arith.muli %parallel_loop3A_462, %parallel_loop3A_758 : i32
        %parallel_loop3A_760 = arith.constant 2 : i32
        %parallel_loop3A_761 = arith.constant 6 : i32
        %parallel_loop3A_762 = arith.index_cast %parallel_loop3A_760 : i32 to index
        %parallel_loop3A_763 = arith.index_cast %parallel_loop3A_446 : i32 to index
        %parallel_loop3A_764 = arith.index_cast %parallel_loop3A_761 : i32 to index
        %parallel_loop3A_765 = arith.index_cast %parallel_loop3A_759 : i32 to index
        %parallel_loop3A_766 = tpu.vector_load %arg9[%parallel_loop3A_762, %parallel_loop3A_763, %parallel_loop3A_764, %parallel_loop3A_765] {strides = array<i32>} : memref<4x4x8x128xf32, #tpu.memory_space<vmem>>, vector<16xf32>,
        tpu.vector_store %arg9[%parallel_loop3A_762, %parallel_loop3A_763, %parallel_loop3A_764, %parallel_loop3A_765], %parallel_loop3A_757 {strides = array<i32>} : memref<4x4x8x128xf32, #tpu.memory_space<vmem>>, vector<16xf32>,
        %parallel_loop3A_767 = arith.constant 23 : i32
        %parallel_loop3A_768 = arith.index_cast %parallel_loop3A_767 : i32 to index
        %parallel_loop3A_769 = arith.index_cast %parallel_loop3A_467 : i32 to index
        %parallel_loop3A_770 = tpu.vector_load %arg11[%parallel_loop3A_768, %parallel_loop3A_769] {strides = array<i32>} : memref<32x513xf32, #tpu.memory_space<vmem>>, vector<16xf32>,
        %parallel_loop3A_771 = arith.constant 16 : i32
        %parallel_loop3A_772 = arith.muli %parallel_loop3A_462, %parallel_loop3A_771 : i32
        %parallel_loop3A_773 = arith.constant 2 : i32
        %parallel_loop3A_774 = arith.constant 7 : i32
        %parallel_loop3A_775 = arith.index_cast %parallel_loop3A_773 : i32 to index
        %parallel_loop3A_776 = arith.index_cast %parallel_loop3A_446 : i32 to index
        %parallel_loop3A_777 = arith.index_cast %parallel_loop3A_774 : i32 to index
        %parallel_loop3A_778 = arith.index_cast %parallel_loop3A_772 : i32 to index
        %parallel_loop3A_779 = tpu.vector_load %arg9[%parallel_loop3A_775, %parallel_loop3A_776, %parallel_loop3A_777, %parallel_loop3A_778] {strides = array<i32>} : memref<4x4x8x128xf32, #tpu.memory_space<vmem>>, vector<16xf32>,
        tpu.vector_store %arg9[%parallel_loop3A_775, %parallel_loop3A_776, %parallel_loop3A_777, %parallel_loop3A_778], %parallel_loop3A_770 {strides = array<i32>} : memref<4x4x8x128xf32, #tpu.memory_space<vmem>>, vector<16xf32>,
        %parallel_loop3A_780 = arith.constant 24 : i32
        %parallel_loop3A_781 = arith.index_cast %parallel_loop3A_780 : i32 to index
        %parallel_loop3A_782 = arith.index_cast %parallel_loop3A_467 : i32 to index
        %parallel_loop3A_783 = tpu.vector_load %arg11[%parallel_loop3A_781, %parallel_loop3A_782] {strides = array<i32>} : memref<32x513xf32, #tpu.memory_space<vmem>>, vector<16xf32>,
        %parallel_loop3A_784 = arith.constant 16 : i32
        %parallel_loop3A_785 = arith.muli %parallel_loop3A_462, %parallel_loop3A_784 : i32
        %parallel_loop3A_786 = arith.constant 3 : i32
        %parallel_loop3A_787 = arith.constant 0 : i32
        %parallel_loop3A_788 = arith.index_cast %parallel_loop3A_786 : i32 to index
        %parallel_loop3A_789 = arith.index_cast %parallel_loop3A_446 : i32 to index
        %parallel_loop3A_790 = arith.index_cast %parallel_loop3A_787 : i32 to index
        %parallel_loop3A_791 = arith.index_cast %parallel_loop3A_785 : i32 to index
        %parallel_loop3A_792 = tpu.vector_load %arg9[%parallel_loop3A_788, %parallel_loop3A_789, %parallel_loop3A_790, %parallel_loop3A_791] {strides = array<i32>} : memref<4x4x8x128xf32, #tpu.memory_space<vmem>>, vector<16xf32>,
        tpu.vector_store %arg9[%parallel_loop3A_788, %parallel_loop3A_789, %parallel_loop3A_790, %parallel_loop3A_791], %parallel_loop3A_783 {strides = array<i32>} : memref<4x4x8x128xf32, #tpu.memory_space<vmem>>, vector<16xf32>,
        %parallel_loop3A_793 = arith.constant 25 : i32
        %parallel_loop3A_794 = arith.index_cast %parallel_loop3A_793 : i32 to index
        %parallel_loop3A_795 = arith.index_cast %parallel_loop3A_467 : i32 to index
        %parallel_loop3A_796 = tpu.vector_load %arg11[%parallel_loop3A_794, %parallel_loop3A_795] {strides = array<i32>} : memref<32x513xf32, #tpu.memory_space<vmem>>, vector<16xf32>,
        %parallel_loop3A_797 = arith.constant 16 : i32
        %parallel_loop3A_798 = arith.muli %parallel_loop3A_462, %parallel_loop3A_797 : i32
        %parallel_loop3A_799 = arith.constant 3 : i32
        %parallel_loop3A_800 = arith.constant 1 : i32
        %parallel_loop3A_801 = arith.index_cast %parallel_loop3A_799 : i32 to index
        %parallel_loop3A_802 = arith.index_cast %parallel_loop3A_446 : i32 to index
        %parallel_loop3A_803 = arith.index_cast %parallel_loop3A_800 : i32 to index
        %parallel_loop3A_804 = arith.index_cast %parallel_loop3A_798 : i32 to index
        %parallel_loop3A_805 = tpu.vector_load %arg9[%parallel_loop3A_801, %parallel_loop3A_802, %parallel_loop3A_803, %parallel_loop3A_804] {strides = array<i32>} : memref<4x4x8x128xf32, #tpu.memory_space<vmem>>, vector<16xf32>,
        tpu.vector_store %arg9[%parallel_loop3A_801, %parallel_loop3A_802, %parallel_loop3A_803, %parallel_loop3A_804], %parallel_loop3A_796 {strides = array<i32>} : memref<4x4x8x128xf32, #tpu.memory_space<vmem>>, vector<16xf32>,
        %parallel_loop3A_806 = arith.constant 26 : i32
        %parallel_loop3A_807 = arith.index_cast %parallel_loop3A_806 : i32 to index
        %parallel_loop3A_808 = arith.index_cast %parallel_loop3A_467 : i32 to index
        %parallel_loop3A_809 = tpu.vector_load %arg11[%parallel_loop3A_807, %parallel_loop3A_808] {strides = array<i32>} : memref<32x513xf32, #tpu.memory_space<vmem>>, vector<16xf32>,
        %parallel_loop3A_810 = arith.constant 16 : i32
        %parallel_loop3A_811 = arith.muli %parallel_loop3A_462, %parallel_loop3A_810 : i32
        %parallel_loop3A_812 = arith.constant 3 : i32
        %parallel_loop3A_813 = arith.constant 2 : i32
        %parallel_loop3A_814 = arith.index_cast %parallel_loop3A_812 : i32 to index
        %parallel_loop3A_815 = arith.index_cast %parallel_loop3A_446 : i32 to index
        %parallel_loop3A_816 = arith.index_cast %parallel_loop3A_813 : i32 to index
        %parallel_loop3A_817 = arith.index_cast %parallel_loop3A_811 : i32 to index
        %parallel_loop3A_818 = tpu.vector_load %arg9[%parallel_loop3A_814, %parallel_loop3A_815, %parallel_loop3A_816, %parallel_loop3A_817] {strides = array<i32>} : memref<4x4x8x128xf32, #tpu.memory_space<vmem>>, vector<16xf32>,
        tpu.vector_store %arg9[%parallel_loop3A_814, %parallel_loop3A_815, %parallel_loop3A_816, %parallel_loop3A_817], %parallel_loop3A_809 {strides = array<i32>} : memref<4x4x8x128xf32, #tpu.memory_space<vmem>>, vector<16xf32>,
        %parallel_loop3A_819 = arith.constant 27 : i32
        %parallel_loop3A_820 = arith.index_cast %parallel_loop3A_819 : i32 to index
        %parallel_loop3A_821 = arith.index_cast %parallel_loop3A_467 : i32 to index
        %parallel_loop3A_822 = tpu.vector_load %arg11[%parallel_loop3A_820, %parallel_loop3A_821] {strides = array<i32>} : memref<32x513xf32, #tpu.memory_space<vmem>>, vector<16xf32>,
        %parallel_loop3A_823 = arith.constant 16 : i32
        %parallel_loop3A_824 = arith.muli %parallel_loop3A_462, %parallel_loop3A_823 : i32
        %parallel_loop3A_825 = arith.constant 3 : i32
        %parallel_loop3A_826 = arith.constant 3 : i32
        %parallel_loop3A_827 = arith.index_cast %parallel_loop3A_825 : i32 to index
        %parallel_loop3A_828 = arith.index_cast %parallel_loop3A_446 : i32 to index
        %parallel_loop3A_829 = arith.index_cast %parallel_loop3A_826 : i32 to index
        %parallel_loop3A_830 = arith.index_cast %parallel_loop3A_824 : i32 to index
        %parallel_loop3A_831 = tpu.vector_load %arg9[%parallel_loop3A_827, %parallel_loop3A_828, %parallel_loop3A_829, %parallel_loop3A_830] {strides = array<i32>} : memref<4x4x8x128xf32, #tpu.memory_space<vmem>>, vector<16xf32>,
        tpu.vector_store %arg9[%parallel_loop3A_827, %parallel_loop3A_828, %parallel_loop3A_829, %parallel_loop3A_830], %parallel_loop3A_822 {strides = array<i32>} : memref<4x4x8x128xf32, #tpu.memory_space<vmem>>, vector<16xf32>,
        %parallel_loop3A_832 = arith.constant 28 : i32
        %parallel_loop3A_833 = arith.index_cast %parallel_loop3A_832 : i32 to index
        %parallel_loop3A_834 = arith.index_cast %parallel_loop3A_467 : i32 to index
        %parallel_loop3A_835 = tpu.vector_load %arg11[%parallel_loop3A_833, %parallel_loop3A_834] {strides = array<i32>} : memref<32x513xf32, #tpu.memory_space<vmem>>, vector<16xf32>,
        %parallel_loop3A_836 = arith.constant 16 : i32
        %parallel_loop3A_837 = arith.muli %parallel_loop3A_462, %parallel_loop3A_836 : i32
        %parallel_loop3A_838 = arith.constant 3 : i32
        %parallel_loop3A_839 = arith.constant 4 : i32
        %parallel_loop3A_840 = arith.index_cast %parallel_loop3A_838 : i32 to index
        %parallel_loop3A_841 = arith.index_cast %parallel_loop3A_446 : i32 to index
        %parallel_loop3A_842 = arith.index_cast %parallel_loop3A_839 : i32 to index
        %parallel_loop3A_843 = arith.index_cast %parallel_loop3A_837 : i32 to index
        %parallel_loop3A_844 = tpu.vector_load %arg9[%parallel_loop3A_840, %parallel_loop3A_841, %parallel_loop3A_842, %parallel_loop3A_843] {strides = array<i32>} : memref<4x4x8x128xf32, #tpu.memory_space<vmem>>, vector<16xf32>,
        tpu.vector_store %arg9[%parallel_loop3A_840, %parallel_loop3A_841, %parallel_loop3A_842, %parallel_loop3A_843], %parallel_loop3A_835 {strides = array<i32>} : memref<4x4x8x128xf32, #tpu.memory_space<vmem>>, vector<16xf32>,
        %parallel_loop3A_845 = arith.constant 29 : i32
        %parallel_loop3A_846 = arith.index_cast %parallel_loop3A_845 : i32 to index
        %parallel_loop3A_847 = arith.index_cast %parallel_loop3A_467 : i32 to index
        %parallel_loop3A_848 = tpu.vector_load %arg11[%parallel_loop3A_846, %parallel_loop3A_847] {strides = array<i32>} : memref<32x513xf32, #tpu.memory_space<vmem>>, vector<16xf32>,
        %parallel_loop3A_849 = arith.constant 16 : i32
        %parallel_loop3A_850 = arith.muli %parallel_loop3A_462, %parallel_loop3A_849 : i32
        %parallel_loop3A_851 = arith.constant 3 : i32
        %parallel_loop3A_852 = arith.constant 5 : i32
        %parallel_loop3A_853 = arith.index_cast %parallel_loop3A_851 : i32 to index
        %parallel_loop3A_854 = arith.index_cast %parallel_loop3A_446 : i32 to index
        %parallel_loop3A_855 = arith.index_cast %parallel_loop3A_852 : i32 to index
        %parallel_loop3A_856 = arith.index_cast %parallel_loop3A_850 : i32 to index
        %parallel_loop3A_857 = tpu.vector_load %arg9[%parallel_loop3A_853, %parallel_loop3A_854, %parallel_loop3A_855, %parallel_loop3A_856] {strides = array<i32>} : memref<4x4x8x128xf32, #tpu.memory_space<vmem>>, vector<16xf32>,
        tpu.vector_store %arg9[%parallel_loop3A_853, %parallel_loop3A_854, %parallel_loop3A_855, %parallel_loop3A_856], %parallel_loop3A_848 {strides = array<i32>} : memref<4x4x8x128xf32, #tpu.memory_space<vmem>>, vector<16xf32>,
        %parallel_loop3A_858 = arith.constant 30 : i32
        %parallel_loop3A_859 = arith.index_cast %parallel_loop3A_858 : i32 to index
        %parallel_loop3A_860 = arith.index_cast %parallel_loop3A_467 : i32 to index
        %parallel_loop3A_861 = tpu.vector_load %arg11[%parallel_loop3A_859, %parallel_loop3A_860] {strides = array<i32>} : memref<32x513xf32, #tpu.memory_space<vmem>>, vector<16xf32>,
        %parallel_loop3A_862 = arith.constant 16 : i32
        %parallel_loop3A_863 = arith.muli %parallel_loop3A_462, %parallel_loop3A_862 : i32
        %parallel_loop3A_864 = arith.constant 3 : i32
        %parallel_loop3A_865 = arith.constant 6 : i32
        %parallel_loop3A_866 = arith.index_cast %parallel_loop3A_864 : i32 to index
        %parallel_loop3A_867 = arith.index_cast %parallel_loop3A_446 : i32 to index
        %parallel_loop3A_868 = arith.index_cast %parallel_loop3A_865 : i32 to index
        %parallel_loop3A_869 = arith.index_cast %parallel_loop3A_863 : i32 to index
        %parallel_loop3A_870 = tpu.vector_load %arg9[%parallel_loop3A_866, %parallel_loop3A_867, %parallel_loop3A_868, %parallel_loop3A_869] {strides = array<i32>} : memref<4x4x8x128xf32, #tpu.memory_space<vmem>>, vector<16xf32>,
        tpu.vector_store %arg9[%parallel_loop3A_866, %parallel_loop3A_867, %parallel_loop3A_868, %parallel_loop3A_869], %parallel_loop3A_861 {strides = array<i32>} : memref<4x4x8x128xf32, #tpu.memory_space<vmem>>, vector<16xf32>,
        %parallel_loop3A_871 = arith.constant 31 : i32
        %parallel_loop3A_872 = arith.index_cast %parallel_loop3A_871 : i32 to index
        %parallel_loop3A_873 = arith.index_cast %parallel_loop3A_467 : i32 to index
        %parallel_loop3A_874 = tpu.vector_load %arg11[%parallel_loop3A_872, %parallel_loop3A_873] {strides = array<i32>} : memref<32x513xf32, #tpu.memory_space<vmem>>, vector<16xf32>,
        %parallel_loop3A_875 = arith.constant 16 : i32
        %parallel_loop3A_876 = arith.muli %parallel_loop3A_462, %parallel_loop3A_875 : i32
        %parallel_loop3A_877 = arith.constant 3 : i32
        %parallel_loop3A_878 = arith.constant 7 : i32
        %parallel_loop3A_879 = arith.index_cast %parallel_loop3A_877 : i32 to index
        %parallel_loop3A_880 = arith.index_cast %parallel_loop3A_446 : i32 to index
        %parallel_loop3A_881 = arith.index_cast %parallel_loop3A_878 : i32 to index
        %parallel_loop3A_882 = arith.index_cast %parallel_loop3A_876 : i32 to index
        %parallel_loop3A_883 = tpu.vector_load %arg9[%parallel_loop3A_879, %parallel_loop3A_880, %parallel_loop3A_881, %parallel_loop3A_882] {strides = array<i32>} : memref<4x4x8x128xf32, #tpu.memory_space<vmem>>, vector<16xf32>,
        tpu.vector_store %arg9[%parallel_loop3A_879, %parallel_loop3A_880, %parallel_loop3A_881, %parallel_loop3A_882], %parallel_loop3A_874 {strides = array<i32>} : memref<4x4x8x128xf32, #tpu.memory_space<vmem>>, vector<16xf32>,
      } {sc.loop_unroll_factor = 4 : i64, sc.parallel_access}
      %dma_start3A_226 = arith.constant 0 : i32
      %dma_start3A_227 = arith.constant 0 : i32
      %dma_start3A_228 = arith.constant 0 : i32
      %dma_start3A_229 = arith.constant 0 : i32
      %dma_start3A_230 = arith.constant 0 : i32
      %dma_start3A_231 = tpu.memref_slice %arg9[%dma_start3A_226, %dma_start3A_228, %dma_start3A_229, %dma_start3A_230] : memref<4x4x8x128xf32, #tpu.memory_space<vmem>> -> memref<1x4x8x128xf32, #tpu.memory_space<vmem>>
      %dma_start3A_232 = tpu.memref_squeeze %dma_start3A_231 : memref<1x4x8x128xf32, #tpu.memory_space<vmem>> -> memref<4x8x128xf32, #tpu.memory_space<vmem>>
      %dma_start3A_233 = arith.constant 0 : i32
      %dma_start3A_234 = arith.constant 0 : i32
      %dma_start3A_235 = tpu.memref_slice %arg4[%add3A_199, %dma_start3A_227, %mul3A_4, %dma_start3A_233, %dma_start3A_234] : memref<200x4x128x8x128xf32, #tpu.memory_space<hbm>> -> memref<1x1x4x8x128xf32, #tpu.memory_space<hbm>>
      %dma_start3A_236 = tpu.memref_squeeze %dma_start3A_235 : memref<1x1x4x8x128xf32, #tpu.memory_space<hbm>> -> memref<4x8x128xf32, #tpu.memory_space<hbm>>
      %dma_start3A_237 = arith.constant 0 : i32
      %dma_start3A_238 = arith.constant 0 : i32
      %dma_start3A_239 = tpu.memref_slice %arg4[%add3A_199, %dma_start3A_227, %mul3A_4, %dma_start3A_237, %dma_start3A_238] : memref<200x4x128x8x128xf32, #tpu.memory_space<hbm>> -> memref<1x1x4x8x128xf32, #tpu.memory_space<hbm>>
      %dma_start3A_240 = tpu.memref_squeeze %dma_start3A_239 : memref<1x1x4x8x128xf32, #tpu.memory_space<hbm>> -> memref<4x8x128xf32, #tpu.memory_space<hbm>>
      %dma_start3A_241 = arith.constant 0 : i32
      %dma_start3A_242 = arith.constant 0 : i32
      %dma_start3A_243 = arith.constant 0 : i32
      %dma_start3A_244 = tpu.memref_slice %arg9[%dma_start3A_226, %dma_start3A_241, %dma_start3A_242, %dma_start3A_243] : memref<4x4x8x128xf32, #tpu.memory_space<vmem>> -> memref<1x4x8x128xf32, #tpu.memory_space<vmem>>
      %dma_start3A_245 = tpu.memref_squeeze %dma_start3A_244 : memref<1x4x8x128xf32, #tpu.memory_space<vmem>> -> memref<4x8x128xf32, #tpu.memory_space<vmem>>
      tpu.enqueue_dma source(%dma_start3A_245 : memref<4x8x128xf32, #tpu.memory_space<vmem>>) target(%dma_start3A_240 : memref<4x8x128xf32, #tpu.memory_space<hbm>>) target_semaphore(%arg16 : memref<!tpu.dma_semaphore, #tpu.memory_space<semaphore_mem>>)
      %dma_start3A_246 = arith.constant 1 : i32
      %dma_start3A_247 = arith.constant 1 : i32
      %dma_start3A_248 = arith.constant 0 : i32
      %dma_start3A_249 = arith.constant 0 : i32
      %dma_start3A_250 = arith.constant 0 : i32
      %dma_start3A_251 = tpu.memref_slice %arg9[%dma_start3A_246, %dma_start3A_248, %dma_start3A_249, %dma_start3A_250] : memref<4x4x8x128xf32, #tpu.memory_space<vmem>> -> memref<1x4x8x128xf32, #tpu.memory_space<vmem>>
      %dma_start3A_252 = tpu.memref_squeeze %dma_start3A_251 : memref<1x4x8x128xf32, #tpu.memory_space<vmem>> -> memref<4x8x128xf32, #tpu.memory_space<vmem>>
      %dma_start3A_253 = arith.constant 0 : i32
      %dma_start3A_254 = arith.constant 0 : i32
      %dma_start3A_255 = tpu.memref_slice %arg4[%add3A_199, %dma_start3A_247, %mul3A_4, %dma_start3A_253, %dma_start3A_254] : memref<200x4x128x8x128xf32, #tpu.memory_space<hbm>> -> memref<1x1x4x8x128xf32, #tpu.memory_space<hbm>>
      %dma_start3A_256 = tpu.memref_squeeze %dma_start3A_255 : memref<1x1x4x8x128xf32, #tpu.memory_space<hbm>> -> memref<4x8x128xf32, #tpu.memory_space<hbm>>
      %dma_start3A_257 = arith.constant 0 : i32
      %dma_start3A_258 = arith.constant 0 : i32
      %dma_start3A_259 = tpu.memref_slice %arg4[%add3A_199, %dma_start3A_247, %mul3A_4, %dma_start3A_257, %dma_start3A_258] : memref<200x4x128x8x128xf32, #tpu.memory_space<hbm>> -> memref<1x1x4x8x128xf32, #tpu.memory_space<hbm>>
      %dma_start3A_260 = tpu.memref_squeeze %dma_start3A_259 : memref<1x1x4x8x128xf32, #tpu.memory_space<hbm>> -> memref<4x8x128xf32, #tpu.memory_space<hbm>>
      %dma_start3A_261 = arith.constant 0 : i32
      %dma_start3A_262 = arith.constant 0 : i32
      %dma_start3A_263 = arith.constant 0 : i32
      %dma_start3A_264 = tpu.memref_slice %arg9[%dma_start3A_246, %dma_start3A_261, %dma_start3A_262, %dma_start3A_263] : memref<4x4x8x128xf32, #tpu.memory_space<vmem>> -> memref<1x4x8x128xf32, #tpu.memory_space<vmem>>
      %dma_start3A_265 = tpu.memref_squeeze %dma_start3A_264 : memref<1x4x8x128xf32, #tpu.memory_space<vmem>> -> memref<4x8x128xf32, #tpu.memory_space<vmem>>
      tpu.enqueue_dma source(%dma_start3A_265 : memref<4x8x128xf32, #tpu.memory_space<vmem>>) target(%dma_start3A_260 : memref<4x8x128xf32, #tpu.memory_space<hbm>>) target_semaphore(%arg16 : memref<!tpu.dma_semaphore, #tpu.memory_space<semaphore_mem>>)
      %dma_start3A_266 = arith.constant 2 : i32
      %dma_start3A_267 = arith.constant 2 : i32
      %dma_start3A_268 = arith.constant 0 : i32
      %dma_start3A_269 = arith.constant 0 : i32
      %dma_start3A_270 = arith.constant 0 : i32
      %dma_start3A_271 = tpu.memref_slice %arg9[%dma_start3A_266, %dma_start3A_268, %dma_start3A_269, %dma_start3A_270] : memref<4x4x8x128xf32, #tpu.memory_space<vmem>> -> memref<1x4x8x128xf32, #tpu.memory_space<vmem>>
      %dma_start3A_272 = tpu.memref_squeeze %dma_start3A_271 : memref<1x4x8x128xf32, #tpu.memory_space<vmem>> -> memref<4x8x128xf32, #tpu.memory_space<vmem>>
      %dma_start3A_273 = arith.constant 0 : i32
      %dma_start3A_274 = arith.constant 0 : i32
      %dma_start3A_275 = tpu.memref_slice %arg4[%add3A_199, %dma_start3A_267, %mul3A_4, %dma_start3A_273, %dma_start3A_274] : memref<200x4x128x8x128xf32, #tpu.memory_space<hbm>> -> memref<1x1x4x8x128xf32, #tpu.memory_space<hbm>>
      %dma_start3A_276 = tpu.memref_squeeze %dma_start3A_275 : memref<1x1x4x8x128xf32, #tpu.memory_space<hbm>> -> memref<4x8x128xf32, #tpu.memory_space<hbm>>
      %dma_start3A_277 = arith.constant 0 : i32
      %dma_start3A_278 = arith.constant 0 : i32
      %dma_start3A_279 = tpu.memref_slice %arg4[%add3A_199, %dma_start3A_267, %mul3A_4, %dma_start3A_277, %dma_start3A_278] : memref<200x4x128x8x128xf32, #tpu.memory_space<hbm>> -> memref<1x1x4x8x128xf32, #tpu.memory_space<hbm>>
      %dma_start3A_280 = tpu.memref_squeeze %dma_start3A_279 : memref<1x1x4x8x128xf32, #tpu.memory_space<hbm>> -> memref<4x8x128xf32, #tpu.memory_space<hbm>>
      %dma_start3A_281 = arith.constant 0 : i32
      %dma_start3A_282 = arith.constant 0 : i32
      %dma_start3A_283 = arith.constant 0 : i32
      %dma_start3A_284 = tpu.memref_slice %arg9[%dma_start3A_266, %dma_start3A_281, %dma_start3A_282, %dma_start3A_283] : memref<4x4x8x128xf32, #tpu.memory_space<vmem>> -> memref<1x4x8x128xf32, #tpu.memory_space<vmem>>
      %dma_start3A_285 = tpu.memref_squeeze %dma_start3A_284 : memref<1x4x8x128xf32, #tpu.memory_space<vmem>> -> memref<4x8x128xf32, #tpu.memory_space<vmem>>
      tpu.enqueue_dma source(%dma_start3A_285 : memref<4x8x128xf32, #tpu.memory_space<vmem>>) target(%dma_start3A_280 : memref<4x8x128xf32, #tpu.memory_space<hbm>>) target_semaphore(%arg16 : memref<!tpu.dma_semaphore, #tpu.memory_space<semaphore_mem>>)
      %dma_start3A_286 = arith.constant 3 : i32
      %dma_start3A_287 = arith.constant 3 : i32
      %dma_start3A_288 = arith.constant 0 : i32
      %dma_start3A_289 = arith.constant 0 : i32
      %dma_start3A_290 = arith.constant 0 : i32
      %dma_start3A_291 = tpu.memref_slice %arg9[%dma_start3A_286, %dma_start3A_288, %dma_start3A_289, %dma_start3A_290] : memref<4x4x8x128xf32, #tpu.memory_space<vmem>> -> memref<1x4x8x128xf32, #tpu.memory_space<vmem>>
      %dma_start3A_292 = tpu.memref_squeeze %dma_start3A_291 : memref<1x4x8x128xf32, #tpu.memory_space<vmem>> -> memref<4x8x128xf32, #tpu.memory_space<vmem>>
      %dma_start3A_293 = arith.constant 0 : i32
      %dma_start3A_294 = arith.constant 0 : i32
      %dma_start3A_295 = tpu.memref_slice %arg4[%add3A_199, %dma_start3A_287, %mul3A_4, %dma_start3A_293, %dma_start3A_294] : memref<200x4x128x8x128xf32, #tpu.memory_space<hbm>> -> memref<1x1x4x8x128xf32, #tpu.memory_space<hbm>>
      %dma_start3A_296 = tpu.memref_squeeze %dma_start3A_295 : memref<1x1x4x8x128xf32, #tpu.memory_space<hbm>> -> memref<4x8x128xf32, #tpu.memory_space<hbm>>
      %dma_start3A_297 = arith.constant 0 : i32
      %dma_start3A_298 = arith.constant 0 : i32
      %dma_start3A_299 = tpu.memref_slice %arg4[%add3A_199, %dma_start3A_287, %mul3A_4, %dma_start3A_297, %dma_start3A_298] : memref<200x4x128x8x128xf32, #tpu.memory_space<hbm>> -> memref<1x1x4x8x128xf32, #tpu.memory_space<hbm>>
      %dma_start3A_300 = tpu.memref_squeeze %dma_start3A_299 : memref<1x1x4x8x128xf32, #tpu.memory_space<hbm>> -> memref<4x8x128xf32, #tpu.memory_space<hbm>>
      %dma_start3A_301 = arith.constant 0 : i32
      %dma_start3A_302 = arith.constant 0 : i32
      %dma_start3A_303 = arith.constant 0 : i32
      %dma_start3A_304 = tpu.memref_slice %arg9[%dma_start3A_286, %dma_start3A_301, %dma_start3A_302, %dma_start3A_303] : memref<4x4x8x128xf32, #tpu.memory_space<vmem>> -> memref<1x4x8x128xf32, #tpu.memory_space<vmem>>
      %dma_start3A_305 = tpu.memref_squeeze %dma_start3A_304 : memref<1x4x8x128xf32, #tpu.memory_space<vmem>> -> memref<4x8x128xf32, #tpu.memory_space<vmem>>
      tpu.enqueue_dma source(%dma_start3A_305 : memref<4x8x128xf32, #tpu.memory_space<vmem>>) target(%dma_start3A_300 : memref<4x8x128xf32, #tpu.memory_space<hbm>>) target_semaphore(%arg16 : memref<!tpu.dma_semaphore, #tpu.memory_space<semaphore_mem>>)
      %mul3A_306 = arith.constant 2 : i32
      %mul3A_307 = arith.muli %scan3A_195, %mul3A_306 : i32
      %add3A_308 = arith.constant 1 : i32
      %add3A_309 = arith.addi %mul3A_307, %add3A_308 : i32
      %gt3A_310 = arith.constant 0 : i32
      %gt3A_311 = arith.cmpi sgt, %scan3A_195, %gt3A_310 : i32
      %convert_element_type3A_312 = arith.extui %gt3A_311 : i1 to i32
      %cond3A_313 = arith.constant 0 : i32
      %cond3A_314 = arith.cmpi ne, %convert_element_type3A_312, %cond3A_313 : i32
      scf.if %cond3A_314 {
        %dma_wait3A_422 = arith.constant 0 : i32
        %dma_wait3A_423 = arith.constant 0 : i32
        %dma_wait3A_424 = arith.constant 0 : i32
        %dma_wait3A_425 = arith.constant 0 : i32
        %dma_wait3A_426 = arith.constant 0 : i32
        %dma_wait3A_427 = tpu.memref_slice %arg10[%dma_wait3A_422, %dma_wait3A_424, %dma_wait3A_425, %dma_wait3A_426] : memref<4x4x8x128xf32, #tpu.memory_space<vmem>> -> memref<1x4x8x128xf32, #tpu.memory_space<vmem>>
        %dma_wait3A_428 = tpu.memref_squeeze %dma_wait3A_427 : memref<1x4x8x128xf32, #tpu.memory_space<vmem>> -> memref<4x8x128xf32, #tpu.memory_space<vmem>>
        %dma_wait3A_429 = arith.constant 0 : i32
        %dma_wait3A_430 = arith.constant 0 : i32
        %dma_wait3A_431 = tpu.memref_slice %arg4[%add3A_309, %dma_wait3A_423, %mul3A_4, %dma_wait3A_429, %dma_wait3A_430] : memref<200x4x128x8x128xf32, #tpu.memory_space<hbm>> -> memref<1x1x4x8x128xf32, #tpu.memory_space<hbm>>
        %dma_wait3A_432 = tpu.memref_squeeze %dma_wait3A_431 : memref<1x1x4x8x128xf32, #tpu.memory_space<hbm>> -> memref<4x8x128xf32, #tpu.memory_space<hbm>>
        %dma_wait3A_433 = arith.constant 0 : i32
        %dma_wait3A_434 = arith.constant 0 : i32
        %dma_wait3A_435 = tpu.memref_slice %arg4[%add3A_309, %dma_wait3A_423, %mul3A_4, %dma_wait3A_433, %dma_wait3A_434] : memref<200x4x128x8x128xf32, #tpu.memory_space<hbm>> -> memref<1x1x4x8x128xf32, #tpu.memory_space<hbm>>
        %dma_wait3A_436 = tpu.memref_squeeze %dma_wait3A_435 : memref<1x1x4x8x128xf32, #tpu.memory_space<hbm>> -> memref<4x8x128xf32, #tpu.memory_space<hbm>>
        %dma_wait3A_437 = arith.constant 0 : i32
        %dma_wait3A_438 = arith.constant 0 : i32
        %dma_wait3A_439 = arith.constant 0 : i32
        %dma_wait3A_440 = tpu.memref_slice %arg10[%dma_wait3A_422, %dma_wait3A_437, %dma_wait3A_438, %dma_wait3A_439] : memref<4x4x8x128xf32, #tpu.memory_space<vmem>> -> memref<1x4x8x128xf32, #tpu.memory_space<vmem>>
        %dma_wait3A_441 = tpu.memref_squeeze %dma_wait3A_440 : memref<1x4x8x128xf32, #tpu.memory_space<vmem>> -> memref<4x8x128xf32, #tpu.memory_space<vmem>>
        tpu.wait_dma2 semaphore(%arg17 : memref<!tpu.dma_semaphore, #tpu.memory_space<semaphore_mem>>) src(%dma_wait3A_441 : memref<4x8x128xf32, #tpu.memory_space<vmem>>) dst(%dma_wait3A_436 : memref<4x8x128xf32, #tpu.memory_space<hbm>>)
        %dma_wait3A_442 = arith.constant 1 : i32
        %dma_wait3A_443 = arith.constant 1 : i32
        %dma_wait3A_444 = arith.constant 0 : i32
        %dma_wait3A_445 = arith.constant 0 : i32
        %dma_wait3A_446 = arith.constant 0 : i32
        %dma_wait3A_447 = tpu.memref_slice %arg10[%dma_wait3A_442, %dma_wait3A_444, %dma_wait3A_445, %dma_wait3A_446] : memref<4x4x8x128xf32, #tpu.memory_space<vmem>> -> memref<1x4x8x128xf32, #tpu.memory_space<vmem>>
        %dma_wait3A_448 = tpu.memref_squeeze %dma_wait3A_447 : memref<1x4x8x128xf32, #tpu.memory_space<vmem>> -> memref<4x8x128xf32, #tpu.memory_space<vmem>>
        %dma_wait3A_449 = arith.constant 0 : i32
        %dma_wait3A_450 = arith.constant 0 : i32
        %dma_wait3A_451 = tpu.memref_slice %arg4[%add3A_309, %dma_wait3A_443, %mul3A_4, %dma_wait3A_449, %dma_wait3A_450] : memref<200x4x128x8x128xf32, #tpu.memory_space<hbm>> -> memref<1x1x4x8x128xf32, #tpu.memory_space<hbm>>
        %dma_wait3A_452 = tpu.memref_squeeze %dma_wait3A_451 : memref<1x1x4x8x128xf32, #tpu.memory_space<hbm>> -> memref<4x8x128xf32, #tpu.memory_space<hbm>>
        %dma_wait3A_453 = arith.constant 0 : i32
        %dma_wait3A_454 = arith.constant 0 : i32
        %dma_wait3A_455 = tpu.memref_slice %arg4[%add3A_309, %dma_wait3A_443, %mul3A_4, %dma_wait3A_453, %dma_wait3A_454] : memref<200x4x128x8x128xf32, #tpu.memory_space<hbm>> -> memref<1x1x4x8x128xf32, #tpu.memory_space<hbm>>
        %dma_wait3A_456 = tpu.memref_squeeze %dma_wait3A_455 : memref<1x1x4x8x128xf32, #tpu.memory_space<hbm>> -> memref<4x8x128xf32, #tpu.memory_space<hbm>>
        %dma_wait3A_457 = arith.constant 0 : i32
        %dma_wait3A_458 = arith.constant 0 : i32
        %dma_wait3A_459 = arith.constant 0 : i32
        %dma_wait3A_460 = tpu.memref_slice %arg10[%dma_wait3A_442, %dma_wait3A_457, %dma_wait3A_458, %dma_wait3A_459] : memref<4x4x8x128xf32, #tpu.memory_space<vmem>> -> memref<1x4x8x128xf32, #tpu.memory_space<vmem>>
        %dma_wait3A_461 = tpu.memref_squeeze %dma_wait3A_460 : memref<1x4x8x128xf32, #tpu.memory_space<vmem>> -> memref<4x8x128xf32, #tpu.memory_space<vmem>>
        tpu.wait_dma2 semaphore(%arg17 : memref<!tpu.dma_semaphore, #tpu.memory_space<semaphore_mem>>) src(%dma_wait3A_461 : memref<4x8x128xf32, #tpu.memory_space<vmem>>) dst(%dma_wait3A_456 : memref<4x8x128xf32, #tpu.memory_space<hbm>>)
        %dma_wait3A_462 = arith.constant 2 : i32
        %dma_wait3A_463 = arith.constant 2 : i32
        %dma_wait3A_464 = arith.constant 0 : i32
        %dma_wait3A_465 = arith.constant 0 : i32
        %dma_wait3A_466 = arith.constant 0 : i32
        %dma_wait3A_467 = tpu.memref_slice %arg10[%dma_wait3A_462, %dma_wait3A_464, %dma_wait3A_465, %dma_wait3A_466] : memref<4x4x8x128xf32, #tpu.memory_space<vmem>> -> memref<1x4x8x128xf32, #tpu.memory_space<vmem>>
        %dma_wait3A_468 = tpu.memref_squeeze %dma_wait3A_467 : memref<1x4x8x128xf32, #tpu.memory_space<vmem>> -> memref<4x8x128xf32, #tpu.memory_space<vmem>>
        %dma_wait3A_469 = arith.constant 0 : i32
        %dma_wait3A_470 = arith.constant 0 : i32
        %dma_wait3A_471 = tpu.memref_slice %arg4[%add3A_309, %dma_wait3A_463, %mul3A_4, %dma_wait3A_469, %dma_wait3A_470] : memref<200x4x128x8x128xf32, #tpu.memory_space<hbm>> -> memref<1x1x4x8x128xf32, #tpu.memory_space<hbm>>
        %dma_wait3A_472 = tpu.memref_squeeze %dma_wait3A_471 : memref<1x1x4x8x128xf32, #tpu.memory_space<hbm>> -> memref<4x8x128xf32, #tpu.memory_space<hbm>>
        %dma_wait3A_473 = arith.constant 0 : i32
        %dma_wait3A_474 = arith.constant 0 : i32
        %dma_wait3A_475 = tpu.memref_slice %arg4[%add3A_309, %dma_wait3A_463, %mul3A_4, %dma_wait3A_473, %dma_wait3A_474] : memref<200x4x128x8x128xf32, #tpu.memory_space<hbm>> -> memref<1x1x4x8x128xf32, #tpu.memory_space<hbm>>
        %dma_wait3A_476 = tpu.memref_squeeze %dma_wait3A_475 : memref<1x1x4x8x128xf32, #tpu.memory_space<hbm>> -> memref<4x8x128xf32, #tpu.memory_space<hbm>>
        %dma_wait3A_477 = arith.constant 0 : i32
        %dma_wait3A_478 = arith.constant 0 : i32
        %dma_wait3A_479 = arith.constant 0 : i32
        %dma_wait3A_480 = tpu.memref_slice %arg10[%dma_wait3A_462, %dma_wait3A_477, %dma_wait3A_478, %dma_wait3A_479] : memref<4x4x8x128xf32, #tpu.memory_space<vmem>> -> memref<1x4x8x128xf32, #tpu.memory_space<vmem>>
        %dma_wait3A_481 = tpu.memref_squeeze %dma_wait3A_480 : memref<1x4x8x128xf32, #tpu.memory_space<vmem>> -> memref<4x8x128xf32, #tpu.memory_space<vmem>>
        tpu.wait_dma2 semaphore(%arg17 : memref<!tpu.dma_semaphore, #tpu.memory_space<semaphore_mem>>) src(%dma_wait3A_481 : memref<4x8x128xf32, #tpu.memory_space<vmem>>) dst(%dma_wait3A_476 : memref<4x8x128xf32, #tpu.memory_space<hbm>>)
        %dma_wait3A_482 = arith.constant 3 : i32
        %dma_wait3A_483 = arith.constant 3 : i32
        %dma_wait3A_484 = arith.constant 0 : i32
        %dma_wait3A_485 = arith.constant 0 : i32
        %dma_wait3A_486 = arith.constant 0 : i32
        %dma_wait3A_487 = tpu.memref_slice %arg10[%dma_wait3A_482, %dma_wait3A_484, %dma_wait3A_485, %dma_wait3A_486] : memref<4x4x8x128xf32, #tpu.memory_space<vmem>> -> memref<1x4x8x128xf32, #tpu.memory_space<vmem>>
        %dma_wait3A_488 = tpu.memref_squeeze %dma_wait3A_487 : memref<1x4x8x128xf32, #tpu.memory_space<vmem>> -> memref<4x8x128xf32, #tpu.memory_space<vmem>>
        %dma_wait3A_489 = arith.constant 0 : i32
        %dma_wait3A_490 = arith.constant 0 : i32
        %dma_wait3A_491 = tpu.memref_slice %arg4[%add3A_309, %dma_wait3A_483, %mul3A_4, %dma_wait3A_489, %dma_wait3A_490] : memref<200x4x128x8x128xf32, #tpu.memory_space<hbm>> -> memref<1x1x4x8x128xf32, #tpu.memory_space<hbm>>
        %dma_wait3A_492 = tpu.memref_squeeze %dma_wait3A_491 : memref<1x1x4x8x128xf32, #tpu.memory_space<hbm>> -> memref<4x8x128xf32, #tpu.memory_space<hbm>>
        %dma_wait3A_493 = arith.constant 0 : i32
        %dma_wait3A_494 = arith.constant 0 : i32
        %dma_wait3A_495 = tpu.memref_slice %arg4[%add3A_309, %dma_wait3A_483, %mul3A_4, %dma_wait3A_493, %dma_wait3A_494] : memref<200x4x128x8x128xf32, #tpu.memory_space<hbm>> -> memref<1x1x4x8x128xf32, #tpu.memory_space<hbm>>
        %dma_wait3A_496 = tpu.memref_squeeze %dma_wait3A_495 : memref<1x1x4x8x128xf32, #tpu.memory_space<hbm>> -> memref<4x8x128xf32, #tpu.memory_space<hbm>>
        %dma_wait3A_497 = arith.constant 0 : i32
        %dma_wait3A_498 = arith.constant 0 : i32
        %dma_wait3A_499 = arith.constant 0 : i32
        %dma_wait3A_500 = tpu.memref_slice %arg10[%dma_wait3A_482, %dma_wait3A_497, %dma_wait3A_498, %dma_wait3A_499] : memref<4x4x8x128xf32, #tpu.memory_space<vmem>> -> memref<1x4x8x128xf32, #tpu.memory_space<vmem>>
        %dma_wait3A_501 = tpu.memref_squeeze %dma_wait3A_500 : memref<1x4x8x128xf32, #tpu.memory_space<vmem>> -> memref<4x8x128xf32, #tpu.memory_space<vmem>>
        tpu.wait_dma2 semaphore(%arg17 : memref<!tpu.dma_semaphore, #tpu.memory_space<semaphore_mem>>) src(%dma_wait3A_501 : memref<4x8x128xf32, #tpu.memory_space<vmem>>) dst(%dma_wait3A_496 : memref<4x8x128xf32, #tpu.memory_space<hbm>>)
      } else {
      }
      %dma_wait3A_315 = arith.constant 0 : i32
      %dma_wait3A_316 = arith.constant 0 : i32
      %dma_wait3A_317 = tpu.memref_slice %arg3[%dma_wait3A_315, %dma_wait3A_316] : memref<1000000x32xf32, #tpu.memory_space<hbm>> -> memref<1000000x32xf32, #tpu.memory_space<hbm>>
      tpu.wait_indirect_dma semaphore(%arg15 : memref<!tpu.dma_semaphore, #tpu.memory_space<semaphore_mem>>) src(%dma_wait3A_317 : memref<1000000x32xf32, #tpu.memory_space<hbm>>) dst(%arg8 : memref<512x32xf32, #tpu.memory_space<vmem>>)
      %add3A_318 = arith.constant 2 : i32
      %add3A_319 = arith.addi %add3A_309, %add3A_318 : i32
      %rem3A_320 = arith.constant 200 : i32
      %rem3A_321 = arith.remsi %add3A_319, %rem3A_320 : i32
      %mul3A_322 = arith.constant 16384 : i32
      %mul3A_323 = arith.muli %rem3A_321, %mul3A_322 : i32
      %add3A_324 = arith.addi %mul3A_323, %mul3A_2 : i32
      %dma_start3A_325 = tpu.memref_slice %arg2[%add3A_324] : memref<3276800xi32, #tpu.memory_space<hbm>> -> memref<512xi32, #tpu.memory_space<hbm>>
      %dma_start3A_326 = tpu.memref_slice %arg2[%add3A_324] : memref<3276800xi32, #tpu.memory_space<hbm>> -> memref<512xi32, #tpu.memory_space<hbm>>
      tpu.enqueue_dma source(%dma_start3A_326 : memref<512xi32, #tpu.memory_space<hbm>>) target(%arg6 : memref<512xi32, #tpu.memory_space<vmem>>) target_semaphore(%arg13 : memref<!tpu.dma_semaphore, #tpu.memory_space<semaphore_mem>>)
      %mul3A_327 = arith.constant 16384 : i32
      %mul3A_328 = arith.muli %add3A_309, %mul3A_327 : i32
      %add3A_329 = arith.addi %mul3A_328, %mul3A_2 : i32
      %dma_wait3A_330 = tpu.memref_slice %arg2[%add3A_329] : memref<3276800xi32, #tpu.memory_space<hbm>> -> memref<512xi32, #tpu.memory_space<hbm>>
      %dma_wait3A_331 = tpu.memref_slice %arg2[%add3A_329] : memref<3276800xi32, #tpu.memory_space<hbm>> -> memref<512xi32, #tpu.memory_space<hbm>>
      tpu.wait_dma2 semaphore(%arg12 : memref<!tpu.dma_semaphore, #tpu.memory_space<semaphore_mem>>) src(%dma_wait3A_331 : memref<512xi32, #tpu.memory_space<hbm>>) dst(%arg5 : memref<512xi32, #tpu.memory_space<vmem>>)
      %lt3A = arith.constant 99 : i32
      %lt3A_332 = arith.cmpi slt, %scan3A_195, %lt3A : i32
      %convert_element_type3A_333 = arith.extui %lt3A_332 : i1 to i32
      %cond3A_334 = arith.constant 0 : i32
      %cond3A_335 = arith.cmpi ne, %convert_element_type3A_333, %cond3A_334 : i32
      scf.if %cond3A_335 {
        %dma_start3A_422 = arith.constant 0 : i32
        %dma_start3A_423 = arith.constant 0 : i32
        %dma_start3A_424 = tpu.memref_slice %arg3[%dma_start3A_422, %dma_start3A_423] : memref<1000000x32xf32, #tpu.memory_space<hbm>> -> memref<1000000x32xf32, #tpu.memory_space<hbm>>
        tpu.enqueue_indirect_dma source(%dma_start3A_424 : memref<1000000x32xf32, #tpu.memory_space<hbm>>) target(%arg7 : memref<512x32xf32, #tpu.memory_space<vmem>>) offsets(%arg5 : memref<512xi32, #tpu.memory_space<vmem>>) semaphore(%arg14 : memref<!tpu.dma_semaphore, #tpu.memory_space<semaphore_mem>>)
      } else {
      }
      %parallel_loop3A_336 = arith.constant 0 : i32
      %parallel_loop3A_337 = arith.constant 512 : i32
      %parallel_loop3A_338 = arith.constant 1 : i32
      scf.for %parallel_loop3A_422 = %parallel_loop3A_336 to %parallel_loop3A_337 step %parallel_loop3A_338  : i32 {
        %parallel_loop3A_423 = vector.broadcast %parallel_loop3A_422 : i32 to vector<16xi32>
        %parallel_loop3A_424 = arith.index_cast %parallel_loop3A_422 : i32 to index
        %parallel_loop3A_425 = arith.constant 0 : index
        %parallel_loop3A_426 = tpu.vector_load %arg8[%parallel_loop3A_424, %parallel_loop3A_425] {strides = array<i32>} : memref<512x32xf32, #tpu.memory_space<vmem>>, vector<16xf32>,
        tpu.vector_store_idx %arg11[%iota3A, %parallel_loop3A_423], %parallel_loop3A_426 : memref<32x513xf32, #tpu.memory_space<vmem>>[vector<16xi32>, vector<16xi32>], vector<16xf32>,
        %parallel_loop3A_427 = arith.constant 16 : i32
        %parallel_loop3A_428 = vector.broadcast %parallel_loop3A_427 : i32 to vector<16xi32>
        %parallel_loop3A_429 = arith.addi %iota3A, %parallel_loop3A_428 : vector<16xi32>
        %parallel_loop3A_430 = arith.index_cast %parallel_loop3A_422 : i32 to index
        %parallel_loop3A_431 = arith.constant 16 : index
        %parallel_loop3A_432 = tpu.vector_load %arg8[%parallel_loop3A_430, %parallel_loop3A_431] {strides = array<i32>} : memref<512x32xf32, #tpu.memory_space<vmem>>, vector<16xf32>,
        tpu.vector_store_idx %arg11[%parallel_loop3A_429, %parallel_loop3A_423], %parallel_loop3A_432 : memref<32x513xf32, #tpu.memory_space<vmem>>[vector<16xi32>, vector<16xi32>], vector<16xf32>,
      } {sc.loop_unroll_factor = 16 : i64, sc.parallel_access}
      %parallel_loop3A_339 = arith.constant 0 : i32
      %parallel_loop3A_340 = arith.constant 32 : i32
      %parallel_loop3A_341 = arith.constant 1 : i32
      scf.for %parallel_loop3A_422 = %parallel_loop3A_339 to %parallel_loop3A_340 step %parallel_loop3A_341  : i32 {
        %parallel_loop3A_423 = arith.constant 8 : i32
        %parallel_loop3A_424 = arith.divsi %parallel_loop3A_422, %parallel_loop3A_423 : i32
        %parallel_loop3A_425 = arith.constant 0 : i32
        %parallel_loop3A_426 = arith.cmpi sgt, %parallel_loop3A_422, %parallel_loop3A_425 : i32
        %parallel_loop3A_427 = arith.extui %parallel_loop3A_426 : i1 to i32
        %parallel_loop3A_428 = arith.constant 0 : i32
        %parallel_loop3A_429 = arith.cmpi slt, %parallel_loop3A_422, %parallel_loop3A_428 : i32
        %parallel_loop3A_430 = arith.extui %parallel_loop3A_429 : i1 to i32
        %parallel_loop3A_431 = arith.subi %parallel_loop3A_427, %parallel_loop3A_430 : i32
        %parallel_loop3A_432 = arith.constant 0 : i32
        %parallel_loop3A_433 = arith.cmpi sgt, %parallel_loop3A_423, %parallel_loop3A_432 : i32
        %parallel_loop3A_434 = arith.extui %parallel_loop3A_433 : i1 to i32
        %parallel_loop3A_435 = arith.constant 0 : i32
        %parallel_loop3A_436 = arith.cmpi slt, %parallel_loop3A_423, %parallel_loop3A_435 : i32
        %parallel_loop3A_437 = arith.extui %parallel_loop3A_436 : i1 to i32
        %parallel_loop3A_438 = arith.subi %parallel_loop3A_434, %parallel_loop3A_437 : i32
        %parallel_loop3A_439 = arith.cmpi ne, %parallel_loop3A_431, %parallel_loop3A_438 : i32
        %parallel_loop3A_440 = arith.remsi %parallel_loop3A_422, %parallel_loop3A_423 : i32
        %parallel_loop3A_441 = arith.constant 0 : i32
        %parallel_loop3A_442 = arith.cmpi ne, %parallel_loop3A_440, %parallel_loop3A_441 : i32
        %parallel_loop3A_443 = arith.andi %parallel_loop3A_439, %parallel_loop3A_442 : i1
        %parallel_loop3A_444 = arith.constant 1 : i32
        %parallel_loop3A_445 = arith.subi %parallel_loop3A_424, %parallel_loop3A_444 : i32
        %parallel_loop3A_446 = arith.select %parallel_loop3A_443, %parallel_loop3A_445, %parallel_loop3A_424 : i32
        %parallel_loop3A_447 = arith.constant 8 : i32
        %parallel_loop3A_448 = arith.constant 0 : i32
        %parallel_loop3A_449 = arith.cmpi eq, %parallel_loop3A_447, %parallel_loop3A_448 : i32
        %parallel_loop3A_450 = arith.constant 1 : i32
        %parallel_loop3A_451 = arith.select %parallel_loop3A_449, %parallel_loop3A_450, %parallel_loop3A_447 : i32
        %parallel_loop3A_452 = arith.remsi %parallel_loop3A_422, %parallel_loop3A_451 : i32
        %parallel_loop3A_453 = arith.constant 0 : i32
        %parallel_loop3A_454 = arith.cmpi ne, %parallel_loop3A_452, %parallel_loop3A_453 : i32
        %parallel_loop3A_455 = arith.constant 0 : i32
        %parallel_loop3A_456 = arith.cmpi slt, %parallel_loop3A_452, %parallel_loop3A_455 : i32
        %parallel_loop3A_457 = arith.constant 0 : i32
        %parallel_loop3A_458 = arith.cmpi slt, %parallel_loop3A_451, %parallel_loop3A_457 : i32
        %parallel_loop3A_459 = arith.xori %parallel_loop3A_456, %parallel_loop3A_458 : i1
        %parallel_loop3A_460 = arith.andi %parallel_loop3A_459, %parallel_loop3A_454 : i1
        %parallel_loop3A_461 = arith.addi %parallel_loop3A_452, %parallel_loop3A_451 : i32
        %parallel_loop3A_462 = arith.select %parallel_loop3A_460, %parallel_loop3A_461, %parallel_loop3A_452 : i32
        %parallel_loop3A_463 = arith.constant 128 : i32
        %parallel_loop3A_464 = arith.muli %parallel_loop3A_446, %parallel_loop3A_463 : i32
        %parallel_loop3A_465 = arith.constant 16 : i32
        %parallel_loop3A_466 = arith.muli %parallel_loop3A_462, %parallel_loop3A_465 : i32
        %parallel_loop3A_467 = arith.addi %parallel_loop3A_464, %parallel_loop3A_466 : i32
        %parallel_loop3A_468 = arith.constant 0 : i32
        %parallel_loop3A_469 = arith.index_cast %parallel_loop3A_468 : i32 to index
        %parallel_loop3A_470 = arith.index_cast %parallel_loop3A_467 : i32 to index
        %parallel_loop3A_471 = tpu.vector_load %arg11[%parallel_loop3A_469, %parallel_loop3A_470] {strides = array<i32>} : memref<32x513xf32, #tpu.memory_space<vmem>>, vector<16xf32>,
        %parallel_loop3A_472 = arith.constant 16 : i32
        %parallel_loop3A_473 = arith.muli %parallel_loop3A_462, %parallel_loop3A_472 : i32
        %parallel_loop3A_474 = arith.constant 0 : i32
        %parallel_loop3A_475 = arith.constant 0 : i32
        %parallel_loop3A_476 = arith.index_cast %parallel_loop3A_474 : i32 to index
        %parallel_loop3A_477 = arith.index_cast %parallel_loop3A_446 : i32 to index
        %parallel_loop3A_478 = arith.index_cast %parallel_loop3A_475 : i32 to index
        %parallel_loop3A_479 = arith.index_cast %parallel_loop3A_473 : i32 to index
        %parallel_loop3A_480 = tpu.vector_load %arg10[%parallel_loop3A_476, %parallel_loop3A_477, %parallel_loop3A_478, %parallel_loop3A_479] {strides = array<i32>} : memref<4x4x8x128xf32, #tpu.memory_space<vmem>>, vector<16xf32>,
        tpu.vector_store %arg10[%parallel_loop3A_476, %parallel_loop3A_477, %parallel_loop3A_478, %parallel_loop3A_479], %parallel_loop3A_471 {strides = array<i32>} : memref<4x4x8x128xf32, #tpu.memory_space<vmem>>, vector<16xf32>,
        %parallel_loop3A_481 = arith.constant 1 : i32
        %parallel_loop3A_482 = arith.index_cast %parallel_loop3A_481 : i32 to index
        %parallel_loop3A_483 = arith.index_cast %parallel_loop3A_467 : i32 to index
        %parallel_loop3A_484 = tpu.vector_load %arg11[%parallel_loop3A_482, %parallel_loop3A_483] {strides = array<i32>} : memref<32x513xf32, #tpu.memory_space<vmem>>, vector<16xf32>,
        %parallel_loop3A_485 = arith.constant 16 : i32
        %parallel_loop3A_486 = arith.muli %parallel_loop3A_462, %parallel_loop3A_485 : i32
        %parallel_loop3A_487 = arith.constant 0 : i32
        %parallel_loop3A_488 = arith.constant 1 : i32
        %parallel_loop3A_489 = arith.index_cast %parallel_loop3A_487 : i32 to index
        %parallel_loop3A_490 = arith.index_cast %parallel_loop3A_446 : i32 to index
        %parallel_loop3A_491 = arith.index_cast %parallel_loop3A_488 : i32 to index
        %parallel_loop3A_492 = arith.index_cast %parallel_loop3A_486 : i32 to index
        %parallel_loop3A_493 = tpu.vector_load %arg10[%parallel_loop3A_489, %parallel_loop3A_490, %parallel_loop3A_491, %parallel_loop3A_492] {strides = array<i32>} : memref<4x4x8x128xf32, #tpu.memory_space<vmem>>, vector<16xf32>,
        tpu.vector_store %arg10[%parallel_loop3A_489, %parallel_loop3A_490, %parallel_loop3A_491, %parallel_loop3A_492], %parallel_loop3A_484 {strides = array<i32>} : memref<4x4x8x128xf32, #tpu.memory_space<vmem>>, vector<16xf32>,
        %parallel_loop3A_494 = arith.constant 2 : i32
        %parallel_loop3A_495 = arith.index_cast %parallel_loop3A_494 : i32 to index
        %parallel_loop3A_496 = arith.index_cast %parallel_loop3A_467 : i32 to index
        %parallel_loop3A_497 = tpu.vector_load %arg11[%parallel_loop3A_495, %parallel_loop3A_496] {strides = array<i32>} : memref<32x513xf32, #tpu.memory_space<vmem>>, vector<16xf32>,
        %parallel_loop3A_498 = arith.constant 16 : i32
        %parallel_loop3A_499 = arith.muli %parallel_loop3A_462, %parallel_loop3A_498 : i32
        %parallel_loop3A_500 = arith.constant 0 : i32
        %parallel_loop3A_501 = arith.constant 2 : i32
        %parallel_loop3A_502 = arith.index_cast %parallel_loop3A_500 : i32 to index
        %parallel_loop3A_503 = arith.index_cast %parallel_loop3A_446 : i32 to index
        %parallel_loop3A_504 = arith.index_cast %parallel_loop3A_501 : i32 to index
        %parallel_loop3A_505 = arith.index_cast %parallel_loop3A_499 : i32 to index
        %parallel_loop3A_506 = tpu.vector_load %arg10[%parallel_loop3A_502, %parallel_loop3A_503, %parallel_loop3A_504, %parallel_loop3A_505] {strides = array<i32>} : memref<4x4x8x128xf32, #tpu.memory_space<vmem>>, vector<16xf32>,
        tpu.vector_store %arg10[%parallel_loop3A_502, %parallel_loop3A_503, %parallel_loop3A_504, %parallel_loop3A_505], %parallel_loop3A_497 {strides = array<i32>} : memref<4x4x8x128xf32, #tpu.memory_space<vmem>>, vector<16xf32>,
        %parallel_loop3A_507 = arith.constant 3 : i32
        %parallel_loop3A_508 = arith.index_cast %parallel_loop3A_507 : i32 to index
        %parallel_loop3A_509 = arith.index_cast %parallel_loop3A_467 : i32 to index
        %parallel_loop3A_510 = tpu.vector_load %arg11[%parallel_loop3A_508, %parallel_loop3A_509] {strides = array<i32>} : memref<32x513xf32, #tpu.memory_space<vmem>>, vector<16xf32>,
        %parallel_loop3A_511 = arith.constant 16 : i32
        %parallel_loop3A_512 = arith.muli %parallel_loop3A_462, %parallel_loop3A_511 : i32
        %parallel_loop3A_513 = arith.constant 0 : i32
        %parallel_loop3A_514 = arith.constant 3 : i32
        %parallel_loop3A_515 = arith.index_cast %parallel_loop3A_513 : i32 to index
        %parallel_loop3A_516 = arith.index_cast %parallel_loop3A_446 : i32 to index
        %parallel_loop3A_517 = arith.index_cast %parallel_loop3A_514 : i32 to index
        %parallel_loop3A_518 = arith.index_cast %parallel_loop3A_512 : i32 to index
        %parallel_loop3A_519 = tpu.vector_load %arg10[%parallel_loop3A_515, %parallel_loop3A_516, %parallel_loop3A_517, %parallel_loop3A_518] {strides = array<i32>} : memref<4x4x8x128xf32, #tpu.memory_space<vmem>>, vector<16xf32>,
        tpu.vector_store %arg10[%parallel_loop3A_515, %parallel_loop3A_516, %parallel_loop3A_517, %parallel_loop3A_518], %parallel_loop3A_510 {strides = array<i32>} : memref<4x4x8x128xf32, #tpu.memory_space<vmem>>, vector<16xf32>,
        %parallel_loop3A_520 = arith.constant 4 : i32
        %parallel_loop3A_521 = arith.index_cast %parallel_loop3A_520 : i32 to index
        %parallel_loop3A_522 = arith.index_cast %parallel_loop3A_467 : i32 to index
        %parallel_loop3A_523 = tpu.vector_load %arg11[%parallel_loop3A_521, %parallel_loop3A_522] {strides = array<i32>} : memref<32x513xf32, #tpu.memory_space<vmem>>, vector<16xf32>,
        %parallel_loop3A_524 = arith.constant 16 : i32
        %parallel_loop3A_525 = arith.muli %parallel_loop3A_462, %parallel_loop3A_524 : i32
        %parallel_loop3A_526 = arith.constant 0 : i32
        %parallel_loop3A_527 = arith.constant 4 : i32
        %parallel_loop3A_528 = arith.index_cast %parallel_loop3A_526 : i32 to index
        %parallel_loop3A_529 = arith.index_cast %parallel_loop3A_446 : i32 to index
        %parallel_loop3A_530 = arith.index_cast %parallel_loop3A_527 : i32 to index
        %parallel_loop3A_531 = arith.index_cast %parallel_loop3A_525 : i32 to index
        %parallel_loop3A_532 = tpu.vector_load %arg10[%parallel_loop3A_528, %parallel_loop3A_529, %parallel_loop3A_530, %parallel_loop3A_531] {strides = array<i32>} : memref<4x4x8x128xf32, #tpu.memory_space<vmem>>, vector<16xf32>,
        tpu.vector_store %arg10[%parallel_loop3A_528, %parallel_loop3A_529, %parallel_loop3A_530, %parallel_loop3A_531], %parallel_loop3A_523 {strides = array<i32>} : memref<4x4x8x128xf32, #tpu.memory_space<vmem>>, vector<16xf32>,
        %parallel_loop3A_533 = arith.constant 5 : i32
        %parallel_loop3A_534 = arith.index_cast %parallel_loop3A_533 : i32 to index
        %parallel_loop3A_535 = arith.index_cast %parallel_loop3A_467 : i32 to index
        %parallel_loop3A_536 = tpu.vector_load %arg11[%parallel_loop3A_534, %parallel_loop3A_535] {strides = array<i32>} : memref<32x513xf32, #tpu.memory_space<vmem>>, vector<16xf32>,
        %parallel_loop3A_537 = arith.constant 16 : i32
        %parallel_loop3A_538 = arith.muli %parallel_loop3A_462, %parallel_loop3A_537 : i32
        %parallel_loop3A_539 = arith.constant 0 : i32
        %parallel_loop3A_540 = arith.constant 5 : i32
        %parallel_loop3A_541 = arith.index_cast %parallel_loop3A_539 : i32 to index
        %parallel_loop3A_542 = arith.index_cast %parallel_loop3A_446 : i32 to index
        %parallel_loop3A_543 = arith.index_cast %parallel_loop3A_540 : i32 to index
        %parallel_loop3A_544 = arith.index_cast %parallel_loop3A_538 : i32 to index
        %parallel_loop3A_545 = tpu.vector_load %arg10[%parallel_loop3A_541, %parallel_loop3A_542, %parallel_loop3A_543, %parallel_loop3A_544] {strides = array<i32>} : memref<4x4x8x128xf32, #tpu.memory_space<vmem>>, vector<16xf32>,
        tpu.vector_store %arg10[%parallel_loop3A_541, %parallel_loop3A_542, %parallel_loop3A_543, %parallel_loop3A_544], %parallel_loop3A_536 {strides = array<i32>} : memref<4x4x8x128xf32, #tpu.memory_space<vmem>>, vector<16xf32>,
        %parallel_loop3A_546 = arith.constant 6 : i32
        %parallel_loop3A_547 = arith.index_cast %parallel_loop3A_546 : i32 to index
        %parallel_loop3A_548 = arith.index_cast %parallel_loop3A_467 : i32 to index
        %parallel_loop3A_549 = tpu.vector_load %arg11[%parallel_loop3A_547, %parallel_loop3A_548] {strides = array<i32>} : memref<32x513xf32, #tpu.memory_space<vmem>>, vector<16xf32>,
        %parallel_loop3A_550 = arith.constant 16 : i32
        %parallel_loop3A_551 = arith.muli %parallel_loop3A_462, %parallel_loop3A_550 : i32
        %parallel_loop3A_552 = arith.constant 0 : i32
        %parallel_loop3A_553 = arith.constant 6 : i32
        %parallel_loop3A_554 = arith.index_cast %parallel_loop3A_552 : i32 to index
        %parallel_loop3A_555 = arith.index_cast %parallel_loop3A_446 : i32 to index
        %parallel_loop3A_556 = arith.index_cast %parallel_loop3A_553 : i32 to index
        %parallel_loop3A_557 = arith.index_cast %parallel_loop3A_551 : i32 to index
        %parallel_loop3A_558 = tpu.vector_load %arg10[%parallel_loop3A_554, %parallel_loop3A_555, %parallel_loop3A_556, %parallel_loop3A_557] {strides = array<i32>} : memref<4x4x8x128xf32, #tpu.memory_space<vmem>>, vector<16xf32>,
        tpu.vector_store %arg10[%parallel_loop3A_554, %parallel_loop3A_555, %parallel_loop3A_556, %parallel_loop3A_557], %parallel_loop3A_549 {strides = array<i32>} : memref<4x4x8x128xf32, #tpu.memory_space<vmem>>, vector<16xf32>,
        %parallel_loop3A_559 = arith.constant 7 : i32
        %parallel_loop3A_560 = arith.index_cast %parallel_loop3A_559 : i32 to index
        %parallel_loop3A_561 = arith.index_cast %parallel_loop3A_467 : i32 to index
        %parallel_loop3A_562 = tpu.vector_load %arg11[%parallel_loop3A_560, %parallel_loop3A_561] {strides = array<i32>} : memref<32x513xf32, #tpu.memory_space<vmem>>, vector<16xf32>,
        %parallel_loop3A_563 = arith.constant 16 : i32
        %parallel_loop3A_564 = arith.muli %parallel_loop3A_462, %parallel_loop3A_563 : i32
        %parallel_loop3A_565 = arith.constant 0 : i32
        %parallel_loop3A_566 = arith.constant 7 : i32
        %parallel_loop3A_567 = arith.index_cast %parallel_loop3A_565 : i32 to index
        %parallel_loop3A_568 = arith.index_cast %parallel_loop3A_446 : i32 to index
        %parallel_loop3A_569 = arith.index_cast %parallel_loop3A_566 : i32 to index
        %parallel_loop3A_570 = arith.index_cast %parallel_loop3A_564 : i32 to index
        %parallel_loop3A_571 = tpu.vector_load %arg10[%parallel_loop3A_567, %parallel_loop3A_568, %parallel_loop3A_569, %parallel_loop3A_570] {strides = array<i32>} : memref<4x4x8x128xf32, #tpu.memory_space<vmem>>, vector<16xf32>,
        tpu.vector_store %arg10[%parallel_loop3A_567, %parallel_loop3A_568, %parallel_loop3A_569, %parallel_loop3A_570], %parallel_loop3A_562 {strides = array<i32>} : memref<4x4x8x128xf32, #tpu.memory_space<vmem>>, vector<16xf32>,
        %parallel_loop3A_572 = arith.constant 8 : i32
        %parallel_loop3A_573 = arith.index_cast %parallel_loop3A_572 : i32 to index
        %parallel_loop3A_574 = arith.index_cast %parallel_loop3A_467 : i32 to index
        %parallel_loop3A_575 = tpu.vector_load %arg11[%parallel_loop3A_573, %parallel_loop3A_574] {strides = array<i32>} : memref<32x513xf32, #tpu.memory_space<vmem>>, vector<16xf32>,
        %parallel_loop3A_576 = arith.constant 16 : i32
        %parallel_loop3A_577 = arith.muli %parallel_loop3A_462, %parallel_loop3A_576 : i32
        %parallel_loop3A_578 = arith.constant 1 : i32
        %parallel_loop3A_579 = arith.constant 0 : i32
        %parallel_loop3A_580 = arith.index_cast %parallel_loop3A_578 : i32 to index
        %parallel_loop3A_581 = arith.index_cast %parallel_loop3A_446 : i32 to index
        %parallel_loop3A_582 = arith.index_cast %parallel_loop3A_579 : i32 to index
        %parallel_loop3A_583 = arith.index_cast %parallel_loop3A_577 : i32 to index
        %parallel_loop3A_584 = tpu.vector_load %arg10[%parallel_loop3A_580, %parallel_loop3A_581, %parallel_loop3A_582, %parallel_loop3A_583] {strides = array<i32>} : memref<4x4x8x128xf32, #tpu.memory_space<vmem>>, vector<16xf32>,
        tpu.vector_store %arg10[%parallel_loop3A_580, %parallel_loop3A_581, %parallel_loop3A_582, %parallel_loop3A_583], %parallel_loop3A_575 {strides = array<i32>} : memref<4x4x8x128xf32, #tpu.memory_space<vmem>>, vector<16xf32>,
        %parallel_loop3A_585 = arith.constant 9 : i32
        %parallel_loop3A_586 = arith.index_cast %parallel_loop3A_585 : i32 to index
        %parallel_loop3A_587 = arith.index_cast %parallel_loop3A_467 : i32 to index
        %parallel_loop3A_588 = tpu.vector_load %arg11[%parallel_loop3A_586, %parallel_loop3A_587] {strides = array<i32>} : memref<32x513xf32, #tpu.memory_space<vmem>>, vector<16xf32>,
        %parallel_loop3A_589 = arith.constant 16 : i32
        %parallel_loop3A_590 = arith.muli %parallel_loop3A_462, %parallel_loop3A_589 : i32
        %parallel_loop3A_591 = arith.constant 1 : i32
        %parallel_loop3A_592 = arith.constant 1 : i32
        %parallel_loop3A_593 = arith.index_cast %parallel_loop3A_591 : i32 to index
        %parallel_loop3A_594 = arith.index_cast %parallel_loop3A_446 : i32 to index
        %parallel_loop3A_595 = arith.index_cast %parallel_loop3A_592 : i32 to index
        %parallel_loop3A_596 = arith.index_cast %parallel_loop3A_590 : i32 to index
        %parallel_loop3A_597 = tpu.vector_load %arg10[%parallel_loop3A_593, %parallel_loop3A_594, %parallel_loop3A_595, %parallel_loop3A_596] {strides = array<i32>} : memref<4x4x8x128xf32, #tpu.memory_space<vmem>>, vector<16xf32>,
        tpu.vector_store %arg10[%parallel_loop3A_593, %parallel_loop3A_594, %parallel_loop3A_595, %parallel_loop3A_596], %parallel_loop3A_588 {strides = array<i32>} : memref<4x4x8x128xf32, #tpu.memory_space<vmem>>, vector<16xf32>,
        %parallel_loop3A_598 = arith.constant 10 : i32
        %parallel_loop3A_599 = arith.index_cast %parallel_loop3A_598 : i32 to index
        %parallel_loop3A_600 = arith.index_cast %parallel_loop3A_467 : i32 to index
        %parallel_loop3A_601 = tpu.vector_load %arg11[%parallel_loop3A_599, %parallel_loop3A_600] {strides = array<i32>} : memref<32x513xf32, #tpu.memory_space<vmem>>, vector<16xf32>,
        %parallel_loop3A_602 = arith.constant 16 : i32
        %parallel_loop3A_603 = arith.muli %parallel_loop3A_462, %parallel_loop3A_602 : i32
        %parallel_loop3A_604 = arith.constant 1 : i32
        %parallel_loop3A_605 = arith.constant 2 : i32
        %parallel_loop3A_606 = arith.index_cast %parallel_loop3A_604 : i32 to index
        %parallel_loop3A_607 = arith.index_cast %parallel_loop3A_446 : i32 to index
        %parallel_loop3A_608 = arith.index_cast %parallel_loop3A_605 : i32 to index
        %parallel_loop3A_609 = arith.index_cast %parallel_loop3A_603 : i32 to index
        %parallel_loop3A_610 = tpu.vector_load %arg10[%parallel_loop3A_606, %parallel_loop3A_607, %parallel_loop3A_608, %parallel_loop3A_609] {strides = array<i32>} : memref<4x4x8x128xf32, #tpu.memory_space<vmem>>, vector<16xf32>,
        tpu.vector_store %arg10[%parallel_loop3A_606, %parallel_loop3A_607, %parallel_loop3A_608, %parallel_loop3A_609], %parallel_loop3A_601 {strides = array<i32>} : memref<4x4x8x128xf32, #tpu.memory_space<vmem>>, vector<16xf32>,
        %parallel_loop3A_611 = arith.constant 11 : i32
        %parallel_loop3A_612 = arith.index_cast %parallel_loop3A_611 : i32 to index
        %parallel_loop3A_613 = arith.index_cast %parallel_loop3A_467 : i32 to index
        %parallel_loop3A_614 = tpu.vector_load %arg11[%parallel_loop3A_612, %parallel_loop3A_613] {strides = array<i32>} : memref<32x513xf32, #tpu.memory_space<vmem>>, vector<16xf32>,
        %parallel_loop3A_615 = arith.constant 16 : i32
        %parallel_loop3A_616 = arith.muli %parallel_loop3A_462, %parallel_loop3A_615 : i32
        %parallel_loop3A_617 = arith.constant 1 : i32
        %parallel_loop3A_618 = arith.constant 3 : i32
        %parallel_loop3A_619 = arith.index_cast %parallel_loop3A_617 : i32 to index
        %parallel_loop3A_620 = arith.index_cast %parallel_loop3A_446 : i32 to index
        %parallel_loop3A_621 = arith.index_cast %parallel_loop3A_618 : i32 to index
        %parallel_loop3A_622 = arith.index_cast %parallel_loop3A_616 : i32 to index
        %parallel_loop3A_623 = tpu.vector_load %arg10[%parallel_loop3A_619, %parallel_loop3A_620, %parallel_loop3A_621, %parallel_loop3A_622] {strides = array<i32>} : memref<4x4x8x128xf32, #tpu.memory_space<vmem>>, vector<16xf32>,
        tpu.vector_store %arg10[%parallel_loop3A_619, %parallel_loop3A_620, %parallel_loop3A_621, %parallel_loop3A_622], %parallel_loop3A_614 {strides = array<i32>} : memref<4x4x8x128xf32, #tpu.memory_space<vmem>>, vector<16xf32>,
        %parallel_loop3A_624 = arith.constant 12 : i32
        %parallel_loop3A_625 = arith.index_cast %parallel_loop3A_624 : i32 to index
        %parallel_loop3A_626 = arith.index_cast %parallel_loop3A_467 : i32 to index
        %parallel_loop3A_627 = tpu.vector_load %arg11[%parallel_loop3A_625, %parallel_loop3A_626] {strides = array<i32>} : memref<32x513xf32, #tpu.memory_space<vmem>>, vector<16xf32>,
        %parallel_loop3A_628 = arith.constant 16 : i32
        %parallel_loop3A_629 = arith.muli %parallel_loop3A_462, %parallel_loop3A_628 : i32
        %parallel_loop3A_630 = arith.constant 1 : i32
        %parallel_loop3A_631 = arith.constant 4 : i32
        %parallel_loop3A_632 = arith.index_cast %parallel_loop3A_630 : i32 to index
        %parallel_loop3A_633 = arith.index_cast %parallel_loop3A_446 : i32 to index
        %parallel_loop3A_634 = arith.index_cast %parallel_loop3A_631 : i32 to index
        %parallel_loop3A_635 = arith.index_cast %parallel_loop3A_629 : i32 to index
        %parallel_loop3A_636 = tpu.vector_load %arg10[%parallel_loop3A_632, %parallel_loop3A_633, %parallel_loop3A_634, %parallel_loop3A_635] {strides = array<i32>} : memref<4x4x8x128xf32, #tpu.memory_space<vmem>>, vector<16xf32>,
        tpu.vector_store %arg10[%parallel_loop3A_632, %parallel_loop3A_633, %parallel_loop3A_634, %parallel_loop3A_635], %parallel_loop3A_627 {strides = array<i32>} : memref<4x4x8x128xf32, #tpu.memory_space<vmem>>, vector<16xf32>,
        %parallel_loop3A_637 = arith.constant 13 : i32
        %parallel_loop3A_638 = arith.index_cast %parallel_loop3A_637 : i32 to index
        %parallel_loop3A_639 = arith.index_cast %parallel_loop3A_467 : i32 to index
        %parallel_loop3A_640 = tpu.vector_load %arg11[%parallel_loop3A_638, %parallel_loop3A_639] {strides = array<i32>} : memref<32x513xf32, #tpu.memory_space<vmem>>, vector<16xf32>,
        %parallel_loop3A_641 = arith.constant 16 : i32
        %parallel_loop3A_642 = arith.muli %parallel_loop3A_462, %parallel_loop3A_641 : i32
        %parallel_loop3A_643 = arith.constant 1 : i32
        %parallel_loop3A_644 = arith.constant 5 : i32
        %parallel_loop3A_645 = arith.index_cast %parallel_loop3A_643 : i32 to index
        %parallel_loop3A_646 = arith.index_cast %parallel_loop3A_446 : i32 to index
        %parallel_loop3A_647 = arith.index_cast %parallel_loop3A_644 : i32 to index
        %parallel_loop3A_648 = arith.index_cast %parallel_loop3A_642 : i32 to index
        %parallel_loop3A_649 = tpu.vector_load %arg10[%parallel_loop3A_645, %parallel_loop3A_646, %parallel_loop3A_647, %parallel_loop3A_648] {strides = array<i32>} : memref<4x4x8x128xf32, #tpu.memory_space<vmem>>, vector<16xf32>,
        tpu.vector_store %arg10[%parallel_loop3A_645, %parallel_loop3A_646, %parallel_loop3A_647, %parallel_loop3A_648], %parallel_loop3A_640 {strides = array<i32>} : memref<4x4x8x128xf32, #tpu.memory_space<vmem>>, vector<16xf32>,
        %parallel_loop3A_650 = arith.constant 14 : i32
        %parallel_loop3A_651 = arith.index_cast %parallel_loop3A_650 : i32 to index
        %parallel_loop3A_652 = arith.index_cast %parallel_loop3A_467 : i32 to index
        %parallel_loop3A_653 = tpu.vector_load %arg11[%parallel_loop3A_651, %parallel_loop3A_652] {strides = array<i32>} : memref<32x513xf32, #tpu.memory_space<vmem>>, vector<16xf32>,
        %parallel_loop3A_654 = arith.constant 16 : i32
        %parallel_loop3A_655 = arith.muli %parallel_loop3A_462, %parallel_loop3A_654 : i32
        %parallel_loop3A_656 = arith.constant 1 : i32
        %parallel_loop3A_657 = arith.constant 6 : i32
        %parallel_loop3A_658 = arith.index_cast %parallel_loop3A_656 : i32 to index
        %parallel_loop3A_659 = arith.index_cast %parallel_loop3A_446 : i32 to index
        %parallel_loop3A_660 = arith.index_cast %parallel_loop3A_657 : i32 to index
        %parallel_loop3A_661 = arith.index_cast %parallel_loop3A_655 : i32 to index
        %parallel_loop3A_662 = tpu.vector_load %arg10[%parallel_loop3A_658, %parallel_loop3A_659, %parallel_loop3A_660, %parallel_loop3A_661] {strides = array<i32>} : memref<4x4x8x128xf32, #tpu.memory_space<vmem>>, vector<16xf32>,
        tpu.vector_store %arg10[%parallel_loop3A_658, %parallel_loop3A_659, %parallel_loop3A_660, %parallel_loop3A_661], %parallel_loop3A_653 {strides = array<i32>} : memref<4x4x8x128xf32, #tpu.memory_space<vmem>>, vector<16xf32>,
        %parallel_loop3A_663 = arith.constant 15 : i32
        %parallel_loop3A_664 = arith.index_cast %parallel_loop3A_663 : i32 to index
        %parallel_loop3A_665 = arith.index_cast %parallel_loop3A_467 : i32 to index
        %parallel_loop3A_666 = tpu.vector_load %arg11[%parallel_loop3A_664, %parallel_loop3A_665] {strides = array<i32>} : memref<32x513xf32, #tpu.memory_space<vmem>>, vector<16xf32>,
        %parallel_loop3A_667 = arith.constant 16 : i32
        %parallel_loop3A_668 = arith.muli %parallel_loop3A_462, %parallel_loop3A_667 : i32
        %parallel_loop3A_669 = arith.constant 1 : i32
        %parallel_loop3A_670 = arith.constant 7 : i32
        %parallel_loop3A_671 = arith.index_cast %parallel_loop3A_669 : i32 to index
        %parallel_loop3A_672 = arith.index_cast %parallel_loop3A_446 : i32 to index
        %parallel_loop3A_673 = arith.index_cast %parallel_loop3A_670 : i32 to index
        %parallel_loop3A_674 = arith.index_cast %parallel_loop3A_668 : i32 to index
        %parallel_loop3A_675 = tpu.vector_load %arg10[%parallel_loop3A_671, %parallel_loop3A_672, %parallel_loop3A_673, %parallel_loop3A_674] {strides = array<i32>} : memref<4x4x8x128xf32, #tpu.memory_space<vmem>>, vector<16xf32>,
        tpu.vector_store %arg10[%parallel_loop3A_671, %parallel_loop3A_672, %parallel_loop3A_673, %parallel_loop3A_674], %parallel_loop3A_666 {strides = array<i32>} : memref<4x4x8x128xf32, #tpu.memory_space<vmem>>, vector<16xf32>,
        %parallel_loop3A_676 = arith.constant 16 : i32
        %parallel_loop3A_677 = arith.index_cast %parallel_loop3A_676 : i32 to index
        %parallel_loop3A_678 = arith.index_cast %parallel_loop3A_467 : i32 to index
        %parallel_loop3A_679 = tpu.vector_load %arg11[%parallel_loop3A_677, %parallel_loop3A_678] {strides = array<i32>} : memref<32x513xf32, #tpu.memory_space<vmem>>, vector<16xf32>,
        %parallel_loop3A_680 = arith.constant 16 : i32
        %parallel_loop3A_681 = arith.muli %parallel_loop3A_462, %parallel_loop3A_680 : i32
        %parallel_loop3A_682 = arith.constant 2 : i32
        %parallel_loop3A_683 = arith.constant 0 : i32
        %parallel_loop3A_684 = arith.index_cast %parallel_loop3A_682 : i32 to index
        %parallel_loop3A_685 = arith.index_cast %parallel_loop3A_446 : i32 to index
        %parallel_loop3A_686 = arith.index_cast %parallel_loop3A_683 : i32 to index
        %parallel_loop3A_687 = arith.index_cast %parallel_loop3A_681 : i32 to index
        %parallel_loop3A_688 = tpu.vector_load %arg10[%parallel_loop3A_684, %parallel_loop3A_685, %parallel_loop3A_686, %parallel_loop3A_687] {strides = array<i32>} : memref<4x4x8x128xf32, #tpu.memory_space<vmem>>, vector<16xf32>,
        tpu.vector_store %arg10[%parallel_loop3A_684, %parallel_loop3A_685, %parallel_loop3A_686, %parallel_loop3A_687], %parallel_loop3A_679 {strides = array<i32>} : memref<4x4x8x128xf32, #tpu.memory_space<vmem>>, vector<16xf32>,
        %parallel_loop3A_689 = arith.constant 17 : i32
        %parallel_loop3A_690 = arith.index_cast %parallel_loop3A_689 : i32 to index
        %parallel_loop3A_691 = arith.index_cast %parallel_loop3A_467 : i32 to index
        %parallel_loop3A_692 = tpu.vector_load %arg11[%parallel_loop3A_690, %parallel_loop3A_691] {strides = array<i32>} : memref<32x513xf32, #tpu.memory_space<vmem>>, vector<16xf32>,
        %parallel_loop3A_693 = arith.constant 16 : i32
        %parallel_loop3A_694 = arith.muli %parallel_loop3A_462, %parallel_loop3A_693 : i32
        %parallel_loop3A_695 = arith.constant 2 : i32
        %parallel_loop3A_696 = arith.constant 1 : i32
        %parallel_loop3A_697 = arith.index_cast %parallel_loop3A_695 : i32 to index
        %parallel_loop3A_698 = arith.index_cast %parallel_loop3A_446 : i32 to index
        %parallel_loop3A_699 = arith.index_cast %parallel_loop3A_696 : i32 to index
        %parallel_loop3A_700 = arith.index_cast %parallel_loop3A_694 : i32 to index
        %parallel_loop3A_701 = tpu.vector_load %arg10[%parallel_loop3A_697, %parallel_loop3A_698, %parallel_loop3A_699, %parallel_loop3A_700] {strides = array<i32>} : memref<4x4x8x128xf32, #tpu.memory_space<vmem>>, vector<16xf32>,
        tpu.vector_store %arg10[%parallel_loop3A_697, %parallel_loop3A_698, %parallel_loop3A_699, %parallel_loop3A_700], %parallel_loop3A_692 {strides = array<i32>} : memref<4x4x8x128xf32, #tpu.memory_space<vmem>>, vector<16xf32>,
        %parallel_loop3A_702 = arith.constant 18 : i32
        %parallel_loop3A_703 = arith.index_cast %parallel_loop3A_702 : i32 to index
        %parallel_loop3A_704 = arith.index_cast %parallel_loop3A_467 : i32 to index
        %parallel_loop3A_705 = tpu.vector_load %arg11[%parallel_loop3A_703, %parallel_loop3A_704] {strides = array<i32>} : memref<32x513xf32, #tpu.memory_space<vmem>>, vector<16xf32>,
        %parallel_loop3A_706 = arith.constant 16 : i32
        %parallel_loop3A_707 = arith.muli %parallel_loop3A_462, %parallel_loop3A_706 : i32
        %parallel_loop3A_708 = arith.constant 2 : i32
        %parallel_loop3A_709 = arith.constant 2 : i32
        %parallel_loop3A_710 = arith.index_cast %parallel_loop3A_708 : i32 to index
        %parallel_loop3A_711 = arith.index_cast %parallel_loop3A_446 : i32 to index
        %parallel_loop3A_712 = arith.index_cast %parallel_loop3A_709 : i32 to index
        %parallel_loop3A_713 = arith.index_cast %parallel_loop3A_707 : i32 to index
        %parallel_loop3A_714 = tpu.vector_load %arg10[%parallel_loop3A_710, %parallel_loop3A_711, %parallel_loop3A_712, %parallel_loop3A_713] {strides = array<i32>} : memref<4x4x8x128xf32, #tpu.memory_space<vmem>>, vector<16xf32>,
        tpu.vector_store %arg10[%parallel_loop3A_710, %parallel_loop3A_711, %parallel_loop3A_712, %parallel_loop3A_713], %parallel_loop3A_705 {strides = array<i32>} : memref<4x4x8x128xf32, #tpu.memory_space<vmem>>, vector<16xf32>,
        %parallel_loop3A_715 = arith.constant 19 : i32
        %parallel_loop3A_716 = arith.index_cast %parallel_loop3A_715 : i32 to index
        %parallel_loop3A_717 = arith.index_cast %parallel_loop3A_467 : i32 to index
        %parallel_loop3A_718 = tpu.vector_load %arg11[%parallel_loop3A_716, %parallel_loop3A_717] {strides = array<i32>} : memref<32x513xf32, #tpu.memory_space<vmem>>, vector<16xf32>,
        %parallel_loop3A_719 = arith.constant 16 : i32
        %parallel_loop3A_720 = arith.muli %parallel_loop3A_462, %parallel_loop3A_719 : i32
        %parallel_loop3A_721 = arith.constant 2 : i32
        %parallel_loop3A_722 = arith.constant 3 : i32
        %parallel_loop3A_723 = arith.index_cast %parallel_loop3A_721 : i32 to index
        %parallel_loop3A_724 = arith.index_cast %parallel_loop3A_446 : i32 to index
        %parallel_loop3A_725 = arith.index_cast %parallel_loop3A_722 : i32 to index
        %parallel_loop3A_726 = arith.index_cast %parallel_loop3A_720 : i32 to index
        %parallel_loop3A_727 = tpu.vector_load %arg10[%parallel_loop3A_723, %parallel_loop3A_724, %parallel_loop3A_725, %parallel_loop3A_726] {strides = array<i32>} : memref<4x4x8x128xf32, #tpu.memory_space<vmem>>, vector<16xf32>,
        tpu.vector_store %arg10[%parallel_loop3A_723, %parallel_loop3A_724, %parallel_loop3A_725, %parallel_loop3A_726], %parallel_loop3A_718 {strides = array<i32>} : memref<4x4x8x128xf32, #tpu.memory_space<vmem>>, vector<16xf32>,
        %parallel_loop3A_728 = arith.constant 20 : i32
        %parallel_loop3A_729 = arith.index_cast %parallel_loop3A_728 : i32 to index
        %parallel_loop3A_730 = arith.index_cast %parallel_loop3A_467 : i32 to index
        %parallel_loop3A_731 = tpu.vector_load %arg11[%parallel_loop3A_729, %parallel_loop3A_730] {strides = array<i32>} : memref<32x513xf32, #tpu.memory_space<vmem>>, vector<16xf32>,
        %parallel_loop3A_732 = arith.constant 16 : i32
        %parallel_loop3A_733 = arith.muli %parallel_loop3A_462, %parallel_loop3A_732 : i32
        %parallel_loop3A_734 = arith.constant 2 : i32
        %parallel_loop3A_735 = arith.constant 4 : i32
        %parallel_loop3A_736 = arith.index_cast %parallel_loop3A_734 : i32 to index
        %parallel_loop3A_737 = arith.index_cast %parallel_loop3A_446 : i32 to index
        %parallel_loop3A_738 = arith.index_cast %parallel_loop3A_735 : i32 to index
        %parallel_loop3A_739 = arith.index_cast %parallel_loop3A_733 : i32 to index
        %parallel_loop3A_740 = tpu.vector_load %arg10[%parallel_loop3A_736, %parallel_loop3A_737, %parallel_loop3A_738, %parallel_loop3A_739] {strides = array<i32>} : memref<4x4x8x128xf32, #tpu.memory_space<vmem>>, vector<16xf32>,
        tpu.vector_store %arg10[%parallel_loop3A_736, %parallel_loop3A_737, %parallel_loop3A_738, %parallel_loop3A_739], %parallel_loop3A_731 {strides = array<i32>} : memref<4x4x8x128xf32, #tpu.memory_space<vmem>>, vector<16xf32>,
        %parallel_loop3A_741 = arith.constant 21 : i32
        %parallel_loop3A_742 = arith.index_cast %parallel_loop3A_741 : i32 to index
        %parallel_loop3A_743 = arith.index_cast %parallel_loop3A_467 : i32 to index
        %parallel_loop3A_744 = tpu.vector_load %arg11[%parallel_loop3A_742, %parallel_loop3A_743] {strides = array<i32>} : memref<32x513xf32, #tpu.memory_space<vmem>>, vector<16xf32>,
        %parallel_loop3A_745 = arith.constant 16 : i32
        %parallel_loop3A_746 = arith.muli %parallel_loop3A_462, %parallel_loop3A_745 : i32
        %parallel_loop3A_747 = arith.constant 2 : i32
        %parallel_loop3A_748 = arith.constant 5 : i32
        %parallel_loop3A_749 = arith.index_cast %parallel_loop3A_747 : i32 to index
        %parallel_loop3A_750 = arith.index_cast %parallel_loop3A_446 : i32 to index
        %parallel_loop3A_751 = arith.index_cast %parallel_loop3A_748 : i32 to index
        %parallel_loop3A_752 = arith.index_cast %parallel_loop3A_746 : i32 to index
        %parallel_loop3A_753 = tpu.vector_load %arg10[%parallel_loop3A_749, %parallel_loop3A_750, %parallel_loop3A_751, %parallel_loop3A_752] {strides = array<i32>} : memref<4x4x8x128xf32, #tpu.memory_space<vmem>>, vector<16xf32>,
        tpu.vector_store %arg10[%parallel_loop3A_749, %parallel_loop3A_750, %parallel_loop3A_751, %parallel_loop3A_752], %parallel_loop3A_744 {strides = array<i32>} : memref<4x4x8x128xf32, #tpu.memory_space<vmem>>, vector<16xf32>,
        %parallel_loop3A_754 = arith.constant 22 : i32
        %parallel_loop3A_755 = arith.index_cast %parallel_loop3A_754 : i32 to index
        %parallel_loop3A_756 = arith.index_cast %parallel_loop3A_467 : i32 to index
        %parallel_loop3A_757 = tpu.vector_load %arg11[%parallel_loop3A_755, %parallel_loop3A_756] {strides = array<i32>} : memref<32x513xf32, #tpu.memory_space<vmem>>, vector<16xf32>,
        %parallel_loop3A_758 = arith.constant 16 : i32
        %parallel_loop3A_759 = arith.muli %parallel_loop3A_462, %parallel_loop3A_758 : i32
        %parallel_loop3A_760 = arith.constant 2 : i32
        %parallel_loop3A_761 = arith.constant 6 : i32
        %parallel_loop3A_762 = arith.index_cast %parallel_loop3A_760 : i32 to index
        %parallel_loop3A_763 = arith.index_cast %parallel_loop3A_446 : i32 to index
        %parallel_loop3A_764 = arith.index_cast %parallel_loop3A_761 : i32 to index
        %parallel_loop3A_765 = arith.index_cast %parallel_loop3A_759 : i32 to index
        %parallel_loop3A_766 = tpu.vector_load %arg10[%parallel_loop3A_762, %parallel_loop3A_763, %parallel_loop3A_764, %parallel_loop3A_765] {strides = array<i32>} : memref<4x4x8x128xf32, #tpu.memory_space<vmem>>, vector<16xf32>,
        tpu.vector_store %arg10[%parallel_loop3A_762, %parallel_loop3A_763, %parallel_loop3A_764, %parallel_loop3A_765], %parallel_loop3A_757 {strides = array<i32>} : memref<4x4x8x128xf32, #tpu.memory_space<vmem>>, vector<16xf32>,
        %parallel_loop3A_767 = arith.constant 23 : i32
        %parallel_loop3A_768 = arith.index_cast %parallel_loop3A_767 : i32 to index
        %parallel_loop3A_769 = arith.index_cast %parallel_loop3A_467 : i32 to index
        %parallel_loop3A_770 = tpu.vector_load %arg11[%parallel_loop3A_768, %parallel_loop3A_769] {strides = array<i32>} : memref<32x513xf32, #tpu.memory_space<vmem>>, vector<16xf32>,
        %parallel_loop3A_771 = arith.constant 16 : i32
        %parallel_loop3A_772 = arith.muli %parallel_loop3A_462, %parallel_loop3A_771 : i32
        %parallel_loop3A_773 = arith.constant 2 : i32
        %parallel_loop3A_774 = arith.constant 7 : i32
        %parallel_loop3A_775 = arith.index_cast %parallel_loop3A_773 : i32 to index
        %parallel_loop3A_776 = arith.index_cast %parallel_loop3A_446 : i32 to index
        %parallel_loop3A_777 = arith.index_cast %parallel_loop3A_774 : i32 to index
        %parallel_loop3A_778 = arith.index_cast %parallel_loop3A_772 : i32 to index
        %parallel_loop3A_779 = tpu.vector_load %arg10[%parallel_loop3A_775, %parallel_loop3A_776, %parallel_loop3A_777, %parallel_loop3A_778] {strides = array<i32>} : memref<4x4x8x128xf32, #tpu.memory_space<vmem>>, vector<16xf32>,
        tpu.vector_store %arg10[%parallel_loop3A_775, %parallel_loop3A_776, %parallel_loop3A_777, %parallel_loop3A_778], %parallel_loop3A_770 {strides = array<i32>} : memref<4x4x8x128xf32, #tpu.memory_space<vmem>>, vector<16xf32>,
        %parallel_loop3A_780 = arith.constant 24 : i32
        %parallel_loop3A_781 = arith.index_cast %parallel_loop3A_780 : i32 to index
        %parallel_loop3A_782 = arith.index_cast %parallel_loop3A_467 : i32 to index
        %parallel_loop3A_783 = tpu.vector_load %arg11[%parallel_loop3A_781, %parallel_loop3A_782] {strides = array<i32>} : memref<32x513xf32, #tpu.memory_space<vmem>>, vector<16xf32>,
        %parallel_loop3A_784 = arith.constant 16 : i32
        %parallel_loop3A_785 = arith.muli %parallel_loop3A_462, %parallel_loop3A_784 : i32
        %parallel_loop3A_786 = arith.constant 3 : i32
        %parallel_loop3A_787 = arith.constant 0 : i32
        %parallel_loop3A_788 = arith.index_cast %parallel_loop3A_786 : i32 to index
        %parallel_loop3A_789 = arith.index_cast %parallel_loop3A_446 : i32 to index
        %parallel_loop3A_790 = arith.index_cast %parallel_loop3A_787 : i32 to index
        %parallel_loop3A_791 = arith.index_cast %parallel_loop3A_785 : i32 to index
        %parallel_loop3A_792 = tpu.vector_load %arg10[%parallel_loop3A_788, %parallel_loop3A_789, %parallel_loop3A_790, %parallel_loop3A_791] {strides = array<i32>} : memref<4x4x8x128xf32, #tpu.memory_space<vmem>>, vector<16xf32>,
        tpu.vector_store %arg10[%parallel_loop3A_788, %parallel_loop3A_789, %parallel_loop3A_790, %parallel_loop3A_791], %parallel_loop3A_783 {strides = array<i32>} : memref<4x4x8x128xf32, #tpu.memory_space<vmem>>, vector<16xf32>,
        %parallel_loop3A_793 = arith.constant 25 : i32
        %parallel_loop3A_794 = arith.index_cast %parallel_loop3A_793 : i32 to index
        %parallel_loop3A_795 = arith.index_cast %parallel_loop3A_467 : i32 to index
        %parallel_loop3A_796 = tpu.vector_load %arg11[%parallel_loop3A_794, %parallel_loop3A_795] {strides = array<i32>} : memref<32x513xf32, #tpu.memory_space<vmem>>, vector<16xf32>,
        %parallel_loop3A_797 = arith.constant 16 : i32
        %parallel_loop3A_798 = arith.muli %parallel_loop3A_462, %parallel_loop3A_797 : i32
        %parallel_loop3A_799 = arith.constant 3 : i32
        %parallel_loop3A_800 = arith.constant 1 : i32
        %parallel_loop3A_801 = arith.index_cast %parallel_loop3A_799 : i32 to index
        %parallel_loop3A_802 = arith.index_cast %parallel_loop3A_446 : i32 to index
        %parallel_loop3A_803 = arith.index_cast %parallel_loop3A_800 : i32 to index
        %parallel_loop3A_804 = arith.index_cast %parallel_loop3A_798 : i32 to index
        %parallel_loop3A_805 = tpu.vector_load %arg10[%parallel_loop3A_801, %parallel_loop3A_802, %parallel_loop3A_803, %parallel_loop3A_804] {strides = array<i32>} : memref<4x4x8x128xf32, #tpu.memory_space<vmem>>, vector<16xf32>,
        tpu.vector_store %arg10[%parallel_loop3A_801, %parallel_loop3A_802, %parallel_loop3A_803, %parallel_loop3A_804], %parallel_loop3A_796 {strides = array<i32>} : memref<4x4x8x128xf32, #tpu.memory_space<vmem>>, vector<16xf32>,
        %parallel_loop3A_806 = arith.constant 26 : i32
        %parallel_loop3A_807 = arith.index_cast %parallel_loop3A_806 : i32 to index
        %parallel_loop3A_808 = arith.index_cast %parallel_loop3A_467 : i32 to index
        %parallel_loop3A_809 = tpu.vector_load %arg11[%parallel_loop3A_807, %parallel_loop3A_808] {strides = array<i32>} : memref<32x513xf32, #tpu.memory_space<vmem>>, vector<16xf32>,
        %parallel_loop3A_810 = arith.constant 16 : i32
        %parallel_loop3A_811 = arith.muli %parallel_loop3A_462, %parallel_loop3A_810 : i32
        %parallel_loop3A_812 = arith.constant 3 : i32
        %parallel_loop3A_813 = arith.constant 2 : i32
        %parallel_loop3A_814 = arith.index_cast %parallel_loop3A_812 : i32 to index
        %parallel_loop3A_815 = arith.index_cast %parallel_loop3A_446 : i32 to index
        %parallel_loop3A_816 = arith.index_cast %parallel_loop3A_813 : i32 to index
        %parallel_loop3A_817 = arith.index_cast %parallel_loop3A_811 : i32 to index
        %parallel_loop3A_818 = tpu.vector_load %arg10[%parallel_loop3A_814, %parallel_loop3A_815, %parallel_loop3A_816, %parallel_loop3A_817] {strides = array<i32>} : memref<4x4x8x128xf32, #tpu.memory_space<vmem>>, vector<16xf32>,
        tpu.vector_store %arg10[%parallel_loop3A_814, %parallel_loop3A_815, %parallel_loop3A_816, %parallel_loop3A_817], %parallel_loop3A_809 {strides = array<i32>} : memref<4x4x8x128xf32, #tpu.memory_space<vmem>>, vector<16xf32>,
        %parallel_loop3A_819 = arith.constant 27 : i32
        %parallel_loop3A_820 = arith.index_cast %parallel_loop3A_819 : i32 to index
        %parallel_loop3A_821 = arith.index_cast %parallel_loop3A_467 : i32 to index
        %parallel_loop3A_822 = tpu.vector_load %arg11[%parallel_loop3A_820, %parallel_loop3A_821] {strides = array<i32>} : memref<32x513xf32, #tpu.memory_space<vmem>>, vector<16xf32>,
        %parallel_loop3A_823 = arith.constant 16 : i32
        %parallel_loop3A_824 = arith.muli %parallel_loop3A_462, %parallel_loop3A_823 : i32
        %parallel_loop3A_825 = arith.constant 3 : i32
        %parallel_loop3A_826 = arith.constant 3 : i32
        %parallel_loop3A_827 = arith.index_cast %parallel_loop3A_825 : i32 to index
        %parallel_loop3A_828 = arith.index_cast %parallel_loop3A_446 : i32 to index
        %parallel_loop3A_829 = arith.index_cast %parallel_loop3A_826 : i32 to index
        %parallel_loop3A_830 = arith.index_cast %parallel_loop3A_824 : i32 to index
        %parallel_loop3A_831 = tpu.vector_load %arg10[%parallel_loop3A_827, %parallel_loop3A_828, %parallel_loop3A_829, %parallel_loop3A_830] {strides = array<i32>} : memref<4x4x8x128xf32, #tpu.memory_space<vmem>>, vector<16xf32>,
        tpu.vector_store %arg10[%parallel_loop3A_827, %parallel_loop3A_828, %parallel_loop3A_829, %parallel_loop3A_830], %parallel_loop3A_822 {strides = array<i32>} : memref<4x4x8x128xf32, #tpu.memory_space<vmem>>, vector<16xf32>,
        %parallel_loop3A_832 = arith.constant 28 : i32
        %parallel_loop3A_833 = arith.index_cast %parallel_loop3A_832 : i32 to index
        %parallel_loop3A_834 = arith.index_cast %parallel_loop3A_467 : i32 to index
        %parallel_loop3A_835 = tpu.vector_load %arg11[%parallel_loop3A_833, %parallel_loop3A_834] {strides = array<i32>} : memref<32x513xf32, #tpu.memory_space<vmem>>, vector<16xf32>,
        %parallel_loop3A_836 = arith.constant 16 : i32
        %parallel_loop3A_837 = arith.muli %parallel_loop3A_462, %parallel_loop3A_836 : i32
        %parallel_loop3A_838 = arith.constant 3 : i32
        %parallel_loop3A_839 = arith.constant 4 : i32
        %parallel_loop3A_840 = arith.index_cast %parallel_loop3A_838 : i32 to index
        %parallel_loop3A_841 = arith.index_cast %parallel_loop3A_446 : i32 to index
        %parallel_loop3A_842 = arith.index_cast %parallel_loop3A_839 : i32 to index
        %parallel_loop3A_843 = arith.index_cast %parallel_loop3A_837 : i32 to index
        %parallel_loop3A_844 = tpu.vector_load %arg10[%parallel_loop3A_840, %parallel_loop3A_841, %parallel_loop3A_842, %parallel_loop3A_843] {strides = array<i32>} : memref<4x4x8x128xf32, #tpu.memory_space<vmem>>, vector<16xf32>,
        tpu.vector_store %arg10[%parallel_loop3A_840, %parallel_loop3A_841, %parallel_loop3A_842, %parallel_loop3A_843], %parallel_loop3A_835 {strides = array<i32>} : memref<4x4x8x128xf32, #tpu.memory_space<vmem>>, vector<16xf32>,
        %parallel_loop3A_845 = arith.constant 29 : i32
        %parallel_loop3A_846 = arith.index_cast %parallel_loop3A_845 : i32 to index
        %parallel_loop3A_847 = arith.index_cast %parallel_loop3A_467 : i32 to index
        %parallel_loop3A_848 = tpu.vector_load %arg11[%parallel_loop3A_846, %parallel_loop3A_847] {strides = array<i32>} : memref<32x513xf32, #tpu.memory_space<vmem>>, vector<16xf32>,
        %parallel_loop3A_849 = arith.constant 16 : i32
        %parallel_loop3A_850 = arith.muli %parallel_loop3A_462, %parallel_loop3A_849 : i32
        %parallel_loop3A_851 = arith.constant 3 : i32
        %parallel_loop3A_852 = arith.constant 5 : i32
        %parallel_loop3A_853 = arith.index_cast %parallel_loop3A_851 : i32 to index
        %parallel_loop3A_854 = arith.index_cast %parallel_loop3A_446 : i32 to index
        %parallel_loop3A_855 = arith.index_cast %parallel_loop3A_852 : i32 to index
        %parallel_loop3A_856 = arith.index_cast %parallel_loop3A_850 : i32 to index
        %parallel_loop3A_857 = tpu.vector_load %arg10[%parallel_loop3A_853, %parallel_loop3A_854, %parallel_loop3A_855, %parallel_loop3A_856] {strides = array<i32>} : memref<4x4x8x128xf32, #tpu.memory_space<vmem>>, vector<16xf32>,
        tpu.vector_store %arg10[%parallel_loop3A_853, %parallel_loop3A_854, %parallel_loop3A_855, %parallel_loop3A_856], %parallel_loop3A_848 {strides = array<i32>} : memref<4x4x8x128xf32, #tpu.memory_space<vmem>>, vector<16xf32>,
        %parallel_loop3A_858 = arith.constant 30 : i32
        %parallel_loop3A_859 = arith.index_cast %parallel_loop3A_858 : i32 to index
        %parallel_loop3A_860 = arith.index_cast %parallel_loop3A_467 : i32 to index
        %parallel_loop3A_861 = tpu.vector_load %arg11[%parallel_loop3A_859, %parallel_loop3A_860] {strides = array<i32>} : memref<32x513xf32, #tpu.memory_space<vmem>>, vector<16xf32>,
        %parallel_loop3A_862 = arith.constant 16 : i32
        %parallel_loop3A_863 = arith.muli %parallel_loop3A_462, %parallel_loop3A_862 : i32
        %parallel_loop3A_864 = arith.constant 3 : i32
        %parallel_loop3A_865 = arith.constant 6 : i32
        %parallel_loop3A_866 = arith.index_cast %parallel_loop3A_864 : i32 to index
        %parallel_loop3A_867 = arith.index_cast %parallel_loop3A_446 : i32 to index
        %parallel_loop3A_868 = arith.index_cast %parallel_loop3A_865 : i32 to index
        %parallel_loop3A_869 = arith.index_cast %parallel_loop3A_863 : i32 to index
        %parallel_loop3A_870 = tpu.vector_load %arg10[%parallel_loop3A_866, %parallel_loop3A_867, %parallel_loop3A_868, %parallel_loop3A_869] {strides = array<i32>} : memref<4x4x8x128xf32, #tpu.memory_space<vmem>>, vector<16xf32>,
        tpu.vector_store %arg10[%parallel_loop3A_866, %parallel_loop3A_867, %parallel_loop3A_868, %parallel_loop3A_869], %parallel_loop3A_861 {strides = array<i32>} : memref<4x4x8x128xf32, #tpu.memory_space<vmem>>, vector<16xf32>,
        %parallel_loop3A_871 = arith.constant 31 : i32
        %parallel_loop3A_872 = arith.index_cast %parallel_loop3A_871 : i32 to index
        %parallel_loop3A_873 = arith.index_cast %parallel_loop3A_467 : i32 to index
        %parallel_loop3A_874 = tpu.vector_load %arg11[%parallel_loop3A_872, %parallel_loop3A_873] {strides = array<i32>} : memref<32x513xf32, #tpu.memory_space<vmem>>, vector<16xf32>,
        %parallel_loop3A_875 = arith.constant 16 : i32
        %parallel_loop3A_876 = arith.muli %parallel_loop3A_462, %parallel_loop3A_875 : i32
        %parallel_loop3A_877 = arith.constant 3 : i32
        %parallel_loop3A_878 = arith.constant 7 : i32
        %parallel_loop3A_879 = arith.index_cast %parallel_loop3A_877 : i32 to index
        %parallel_loop3A_880 = arith.index_cast %parallel_loop3A_446 : i32 to index
        %parallel_loop3A_881 = arith.index_cast %parallel_loop3A_878 : i32 to index
        %parallel_loop3A_882 = arith.index_cast %parallel_loop3A_876 : i32 to index
        %parallel_loop3A_883 = tpu.vector_load %arg10[%parallel_loop3A_879, %parallel_loop3A_880, %parallel_loop3A_881, %parallel_loop3A_882] {strides = array<i32>} : memref<4x4x8x128xf32, #tpu.memory_space<vmem>>, vector<16xf32>,
        tpu.vector_store %arg10[%parallel_loop3A_879, %parallel_loop3A_880, %parallel_loop3A_881, %parallel_loop3A_882], %parallel_loop3A_874 {strides = array<i32>} : memref<4x4x8x128xf32, #tpu.memory_space<vmem>>, vector<16xf32>,
      } {sc.loop_unroll_factor = 4 : i64, sc.parallel_access}
      %dma_start3A_342 = arith.constant 0 : i32
      %dma_start3A_343 = arith.constant 0 : i32
      %dma_start3A_344 = arith.constant 0 : i32
      %dma_start3A_345 = arith.constant 0 : i32
      %dma_start3A_346 = arith.constant 0 : i32
      %dma_start3A_347 = tpu.memref_slice %arg10[%dma_start3A_342, %dma_start3A_344, %dma_start3A_345, %dma_start3A_346] : memref<4x4x8x128xf32, #tpu.memory_space<vmem>> -> memref<1x4x8x128xf32, #tpu.memory_space<vmem>>
      %dma_start3A_348 = tpu.memref_squeeze %dma_start3A_347 : memref<1x4x8x128xf32, #tpu.memory_space<vmem>> -> memref<4x8x128xf32, #tpu.memory_space<vmem>>
      %dma_start3A_349 = arith.constant 0 : i32
      %dma_start3A_350 = arith.constant 0 : i32
      %dma_start3A_351 = tpu.memref_slice %arg4[%add3A_309, %dma_start3A_343, %mul3A_4, %dma_start3A_349, %dma_start3A_350] : memref<200x4x128x8x128xf32, #tpu.memory_space<hbm>> -> memref<1x1x4x8x128xf32, #tpu.memory_space<hbm>>
      %dma_start3A_352 = tpu.memref_squeeze %dma_start3A_351 : memref<1x1x4x8x128xf32, #tpu.memory_space<hbm>> -> memref<4x8x128xf32, #tpu.memory_space<hbm>>
      %dma_start3A_353 = arith.constant 0 : i32
      %dma_start3A_354 = arith.constant 0 : i32
      %dma_start3A_355 = tpu.memref_slice %arg4[%add3A_309, %dma_start3A_343, %mul3A_4, %dma_start3A_353, %dma_start3A_354] : memref<200x4x128x8x128xf32, #tpu.memory_space<hbm>> -> memref<1x1x4x8x128xf32, #tpu.memory_space<hbm>>
      %dma_start3A_356 = tpu.memref_squeeze %dma_start3A_355 : memref<1x1x4x8x128xf32, #tpu.memory_space<hbm>> -> memref<4x8x128xf32, #tpu.memory_space<hbm>>
      %dma_start3A_357 = arith.constant 0 : i32
      %dma_start3A_358 = arith.constant 0 : i32
      %dma_start3A_359 = arith.constant 0 : i32
      %dma_start3A_360 = tpu.memref_slice %arg10[%dma_start3A_342, %dma_start3A_357, %dma_start3A_358, %dma_start3A_359] : memref<4x4x8x128xf32, #tpu.memory_space<vmem>> -> memref<1x4x8x128xf32, #tpu.memory_space<vmem>>
      %dma_start3A_361 = tpu.memref_squeeze %dma_start3A_360 : memref<1x4x8x128xf32, #tpu.memory_space<vmem>> -> memref<4x8x128xf32, #tpu.memory_space<vmem>>
      tpu.enqueue_dma source(%dma_start3A_361 : memref<4x8x128xf32, #tpu.memory_space<vmem>>) target(%dma_start3A_356 : memref<4x8x128xf32, #tpu.memory_space<hbm>>) target_semaphore(%arg17 : memref<!tpu.dma_semaphore, #tpu.memory_space<semaphore_mem>>)
      %dma_start3A_362 = arith.constant 1 : i32
      %dma_start3A_363 = arith.constant 1 : i32
      %dma_start3A_364 = arith.constant 0 : i32
      %dma_start3A_365 = arith.constant 0 : i32
      %dma_start3A_366 = arith.constant 0 : i32
      %dma_start3A_367 = tpu.memref_slice %arg10[%dma_start3A_362, %dma_start3A_364, %dma_start3A_365, %dma_start3A_366] : memref<4x4x8x128xf32, #tpu.memory_space<vmem>> -> memref<1x4x8x128xf32, #tpu.memory_space<vmem>>
      %dma_start3A_368 = tpu.memref_squeeze %dma_start3A_367 : memref<1x4x8x128xf32, #tpu.memory_space<vmem>> -> memref<4x8x128xf32, #tpu.memory_space<vmem>>
      %dma_start3A_369 = arith.constant 0 : i32
      %dma_start3A_370 = arith.constant 0 : i32
      %dma_start3A_371 = tpu.memref_slice %arg4[%add3A_309, %dma_start3A_363, %mul3A_4, %dma_start3A_369, %dma_start3A_370] : memref<200x4x128x8x128xf32, #tpu.memory_space<hbm>> -> memref<1x1x4x8x128xf32, #tpu.memory_space<hbm>>
      %dma_start3A_372 = tpu.memref_squeeze %dma_start3A_371 : memref<1x1x4x8x128xf32, #tpu.memory_space<hbm>> -> memref<4x8x128xf32, #tpu.memory_space<hbm>>
      %dma_start3A_373 = arith.constant 0 : i32
      %dma_start3A_374 = arith.constant 0 : i32
      %dma_start3A_375 = tpu.memref_slice %arg4[%add3A_309, %dma_start3A_363, %mul3A_4, %dma_start3A_373, %dma_start3A_374] : memref<200x4x128x8x128xf32, #tpu.memory_space<hbm>> -> memref<1x1x4x8x128xf32, #tpu.memory_space<hbm>>
      %dma_start3A_376 = tpu.memref_squeeze %dma_start3A_375 : memref<1x1x4x8x128xf32, #tpu.memory_space<hbm>> -> memref<4x8x128xf32, #tpu.memory_space<hbm>>
      %dma_start3A_377 = arith.constant 0 : i32
      %dma_start3A_378 = arith.constant 0 : i32
      %dma_start3A_379 = arith.constant 0 : i32
      %dma_start3A_380 = tpu.memref_slice %arg10[%dma_start3A_362, %dma_start3A_377, %dma_start3A_378, %dma_start3A_379] : memref<4x4x8x128xf32, #tpu.memory_space<vmem>> -> memref<1x4x8x128xf32, #tpu.memory_space<vmem>>
      %dma_start3A_381 = tpu.memref_squeeze %dma_start3A_380 : memref<1x4x8x128xf32, #tpu.memory_space<vmem>> -> memref<4x8x128xf32, #tpu.memory_space<vmem>>
      tpu.enqueue_dma source(%dma_start3A_381 : memref<4x8x128xf32, #tpu.memory_space<vmem>>) target(%dma_start3A_376 : memref<4x8x128xf32, #tpu.memory_space<hbm>>) target_semaphore(%arg17 : memref<!tpu.dma_semaphore, #tpu.memory_space<semaphore_mem>>)
      %dma_start3A_382 = arith.constant 2 : i32
      %dma_start3A_383 = arith.constant 2 : i32
      %dma_start3A_384 = arith.constant 0 : i32
      %dma_start3A_385 = arith.constant 0 : i32
      %dma_start3A_386 = arith.constant 0 : i32
      %dma_start3A_387 = tpu.memref_slice %arg10[%dma_start3A_382, %dma_start3A_384, %dma_start3A_385, %dma_start3A_386] : memref<4x4x8x128xf32, #tpu.memory_space<vmem>> -> memref<1x4x8x128xf32, #tpu.memory_space<vmem>>
      %dma_start3A_388 = tpu.memref_squeeze %dma_start3A_387 : memref<1x4x8x128xf32, #tpu.memory_space<vmem>> -> memref<4x8x128xf32, #tpu.memory_space<vmem>>
      %dma_start3A_389 = arith.constant 0 : i32
      %dma_start3A_390 = arith.constant 0 : i32
      %dma_start3A_391 = tpu.memref_slice %arg4[%add3A_309, %dma_start3A_383, %mul3A_4, %dma_start3A_389, %dma_start3A_390] : memref<200x4x128x8x128xf32, #tpu.memory_space<hbm>> -> memref<1x1x4x8x128xf32, #tpu.memory_space<hbm>>
      %dma_start3A_392 = tpu.memref_squeeze %dma_start3A_391 : memref<1x1x4x8x128xf32, #tpu.memory_space<hbm>> -> memref<4x8x128xf32, #tpu.memory_space<hbm>>
      %dma_start3A_393 = arith.constant 0 : i32
      %dma_start3A_394 = arith.constant 0 : i32
      %dma_start3A_395 = tpu.memref_slice %arg4[%add3A_309, %dma_start3A_383, %mul3A_4, %dma_start3A_393, %dma_start3A_394] : memref<200x4x128x8x128xf32, #tpu.memory_space<hbm>> -> memref<1x1x4x8x128xf32, #tpu.memory_space<hbm>>
      %dma_start3A_396 = tpu.memref_squeeze %dma_start3A_395 : memref<1x1x4x8x128xf32, #tpu.memory_space<hbm>> -> memref<4x8x128xf32, #tpu.memory_space<hbm>>
      %dma_start3A_397 = arith.constant 0 : i32
      %dma_start3A_398 = arith.constant 0 : i32
      %dma_start3A_399 = arith.constant 0 : i32
      %dma_start3A_400 = tpu.memref_slice %arg10[%dma_start3A_382, %dma_start3A_397, %dma_start3A_398, %dma_start3A_399] : memref<4x4x8x128xf32, #tpu.memory_space<vmem>> -> memref<1x4x8x128xf32, #tpu.memory_space<vmem>>
      %dma_start3A_401 = tpu.memref_squeeze %dma_start3A_400 : memref<1x4x8x128xf32, #tpu.memory_space<vmem>> -> memref<4x8x128xf32, #tpu.memory_space<vmem>>
      tpu.enqueue_dma source(%dma_start3A_401 : memref<4x8x128xf32, #tpu.memory_space<vmem>>) target(%dma_start3A_396 : memref<4x8x128xf32, #tpu.memory_space<hbm>>) target_semaphore(%arg17 : memref<!tpu.dma_semaphore, #tpu.memory_space<semaphore_mem>>)
      %dma_start3A_402 = arith.constant 3 : i32
      %dma_start3A_403 = arith.constant 3 : i32
      %dma_start3A_404 = arith.constant 0 : i32
      %dma_start3A_405 = arith.constant 0 : i32
      %dma_start3A_406 = arith.constant 0 : i32
      %dma_start3A_407 = tpu.memref_slice %arg10[%dma_start3A_402, %dma_start3A_404, %dma_start3A_405, %dma_start3A_406] : memref<4x4x8x128xf32, #tpu.memory_space<vmem>> -> memref<1x4x8x128xf32, #tpu.memory_space<vmem>>
      %dma_start3A_408 = tpu.memref_squeeze %dma_start3A_407 : memref<1x4x8x128xf32, #tpu.memory_space<vmem>> -> memref<4x8x128xf32, #tpu.memory_space<vmem>>
      %dma_start3A_409 = arith.constant 0 : i32
      %dma_start3A_410 = arith.constant 0 : i32
      %dma_start3A_411 = tpu.memref_slice %arg4[%add3A_309, %dma_start3A_403, %mul3A_4, %dma_start3A_409, %dma_start3A_410] : memref<200x4x128x8x128xf32, #tpu.memory_space<hbm>> -> memref<1x1x4x8x128xf32, #tpu.memory_space<hbm>>
      %dma_start3A_412 = tpu.memref_squeeze %dma_start3A_411 : memref<1x1x4x8x128xf32, #tpu.memory_space<hbm>> -> memref<4x8x128xf32, #tpu.memory_space<hbm>>
      %dma_start3A_413 = arith.constant 0 : i32
      %dma_start3A_414 = arith.constant 0 : i32
      %dma_start3A_415 = tpu.memref_slice %arg4[%add3A_309, %dma_start3A_403, %mul3A_4, %dma_start3A_413, %dma_start3A_414] : memref<200x4x128x8x128xf32, #tpu.memory_space<hbm>> -> memref<1x1x4x8x128xf32, #tpu.memory_space<hbm>>
      %dma_start3A_416 = tpu.memref_squeeze %dma_start3A_415 : memref<1x1x4x8x128xf32, #tpu.memory_space<hbm>> -> memref<4x8x128xf32, #tpu.memory_space<hbm>>
      %dma_start3A_417 = arith.constant 0 : i32
      %dma_start3A_418 = arith.constant 0 : i32
      %dma_start3A_419 = arith.constant 0 : i32
      %dma_start3A_420 = tpu.memref_slice %arg10[%dma_start3A_402, %dma_start3A_417, %dma_start3A_418, %dma_start3A_419] : memref<4x4x8x128xf32, #tpu.memory_space<vmem>> -> memref<1x4x8x128xf32, #tpu.memory_space<vmem>>
      %dma_start3A_421 = tpu.memref_squeeze %dma_start3A_420 : memref<1x4x8x128xf32, #tpu.memory_space<vmem>> -> memref<4x8x128xf32, #tpu.memory_space<vmem>>
      tpu.enqueue_dma source(%dma_start3A_421 : memref<4x8x128xf32, #tpu.memory_space<vmem>>) target(%dma_start3A_416 : memref<4x8x128xf32, #tpu.memory_space<hbm>>) target_semaphore(%arg17 : memref<!tpu.dma_semaphore, #tpu.memory_space<semaphore_mem>>)
    }
    %scan3A_22 = arith.constant 100 : i32
    %dma_wait3A_23 = arith.constant 0 : i32
    %dma_wait3A_24 = arith.constant 198 : i32
    %dma_wait3A_25 = arith.constant 0 : i32
    %dma_wait3A_26 = arith.constant 0 : i32
    %dma_wait3A_27 = arith.constant 0 : i32
    %dma_wait3A_28 = arith.constant 0 : i32
    %dma_wait3A_29 = tpu.memref_slice %arg9[%dma_wait3A_23, %dma_wait3A_26, %dma_wait3A_27, %dma_wait3A_28] : memref<4x4x8x128xf32, #tpu.memory_space<vmem>> -> memref<1x4x8x128xf32, #tpu.memory_space<vmem>>
    %dma_wait3A_30 = tpu.memref_squeeze %dma_wait3A_29 : memref<1x4x8x128xf32, #tpu.memory_space<vmem>> -> memref<4x8x128xf32, #tpu.memory_space<vmem>>
    %dma_wait3A_31 = arith.constant 0 : i32
    %dma_wait3A_32 = arith.constant 0 : i32
    %dma_wait3A_33 = tpu.memref_slice %arg4[%dma_wait3A_24, %dma_wait3A_25, %mul3A_4, %dma_wait3A_31, %dma_wait3A_32] : memref<200x4x128x8x128xf32, #tpu.memory_space<hbm>> -> memref<1x1x4x8x128xf32, #tpu.memory_space<hbm>>
    %dma_wait3A_34 = tpu.memref_squeeze %dma_wait3A_33 : memref<1x1x4x8x128xf32, #tpu.memory_space<hbm>> -> memref<4x8x128xf32, #tpu.memory_space<hbm>>
    %dma_wait3A_35 = arith.constant 0 : i32
    %dma_wait3A_36 = arith.constant 0 : i32
    %dma_wait3A_37 = tpu.memref_slice %arg4[%dma_wait3A_24, %dma_wait3A_25, %mul3A_4, %dma_wait3A_35, %dma_wait3A_36] : memref<200x4x128x8x128xf32, #tpu.memory_space<hbm>> -> memref<1x1x4x8x128xf32, #tpu.memory_space<hbm>>
    %dma_wait3A_38 = tpu.memref_squeeze %dma_wait3A_37 : memref<1x1x4x8x128xf32, #tpu.memory_space<hbm>> -> memref<4x8x128xf32, #tpu.memory_space<hbm>>
    %dma_wait3A_39 = arith.constant 0 : i32
    %dma_wait3A_40 = arith.constant 0 : i32
    %dma_wait3A_41 = arith.constant 0 : i32
    %dma_wait3A_42 = tpu.memref_slice %arg9[%dma_wait3A_23, %dma_wait3A_39, %dma_wait3A_40, %dma_wait3A_41] : memref<4x4x8x128xf32, #tpu.memory_space<vmem>> -> memref<1x4x8x128xf32, #tpu.memory_space<vmem>>
    %dma_wait3A_43 = tpu.memref_squeeze %dma_wait3A_42 : memref<1x4x8x128xf32, #tpu.memory_space<vmem>> -> memref<4x8x128xf32, #tpu.memory_space<vmem>>
    tpu.wait_dma2 semaphore(%arg16 : memref<!tpu.dma_semaphore, #tpu.memory_space<semaphore_mem>>) src(%dma_wait3A_43 : memref<4x8x128xf32, #tpu.memory_space<vmem>>) dst(%dma_wait3A_38 : memref<4x8x128xf32, #tpu.memory_space<hbm>>)
    %dma_wait3A_44 = arith.constant 1 : i32
    %dma_wait3A_45 = arith.constant 198 : i32
    %dma_wait3A_46 = arith.constant 1 : i32
    %dma_wait3A_47 = arith.constant 0 : i32
    %dma_wait3A_48 = arith.constant 0 : i32
    %dma_wait3A_49 = arith.constant 0 : i32
    %dma_wait3A_50 = tpu.memref_slice %arg9[%dma_wait3A_44, %dma_wait3A_47, %dma_wait3A_48, %dma_wait3A_49] : memref<4x4x8x128xf32, #tpu.memory_space<vmem>> -> memref<1x4x8x128xf32, #tpu.memory_space<vmem>>
    %dma_wait3A_51 = tpu.memref_squeeze %dma_wait3A_50 : memref<1x4x8x128xf32, #tpu.memory_space<vmem>> -> memref<4x8x128xf32, #tpu.memory_space<vmem>>
    %dma_wait3A_52 = arith.constant 0 : i32
    %dma_wait3A_53 = arith.constant 0 : i32
    %dma_wait3A_54 = tpu.memref_slice %arg4[%dma_wait3A_45, %dma_wait3A_46, %mul3A_4, %dma_wait3A_52, %dma_wait3A_53] : memref<200x4x128x8x128xf32, #tpu.memory_space<hbm>> -> memref<1x1x4x8x128xf32, #tpu.memory_space<hbm>>
    %dma_wait3A_55 = tpu.memref_squeeze %dma_wait3A_54 : memref<1x1x4x8x128xf32, #tpu.memory_space<hbm>> -> memref<4x8x128xf32, #tpu.memory_space<hbm>>
    %dma_wait3A_56 = arith.constant 0 : i32
    %dma_wait3A_57 = arith.constant 0 : i32
    %dma_wait3A_58 = tpu.memref_slice %arg4[%dma_wait3A_45, %dma_wait3A_46, %mul3A_4, %dma_wait3A_56, %dma_wait3A_57] : memref<200x4x128x8x128xf32, #tpu.memory_space<hbm>> -> memref<1x1x4x8x128xf32, #tpu.memory_space<hbm>>
    %dma_wait3A_59 = tpu.memref_squeeze %dma_wait3A_58 : memref<1x1x4x8x128xf32, #tpu.memory_space<hbm>> -> memref<4x8x128xf32, #tpu.memory_space<hbm>>
    %dma_wait3A_60 = arith.constant 0 : i32
    %dma_wait3A_61 = arith.constant 0 : i32
    %dma_wait3A_62 = arith.constant 0 : i32
    %dma_wait3A_63 = tpu.memref_slice %arg9[%dma_wait3A_44, %dma_wait3A_60, %dma_wait3A_61, %dma_wait3A_62] : memref<4x4x8x128xf32, #tpu.memory_space<vmem>> -> memref<1x4x8x128xf32, #tpu.memory_space<vmem>>
    %dma_wait3A_64 = tpu.memref_squeeze %dma_wait3A_63 : memref<1x4x8x128xf32, #tpu.memory_space<vmem>> -> memref<4x8x128xf32, #tpu.memory_space<vmem>>
    tpu.wait_dma2 semaphore(%arg16 : memref<!tpu.dma_semaphore, #tpu.memory_space<semaphore_mem>>) src(%dma_wait3A_64 : memref<4x8x128xf32, #tpu.memory_space<vmem>>) dst(%dma_wait3A_59 : memref<4x8x128xf32, #tpu.memory_space<hbm>>)
    %dma_wait3A_65 = arith.constant 2 : i32
    %dma_wait3A_66 = arith.constant 198 : i32
    %dma_wait3A_67 = arith.constant 2 : i32
    %dma_wait3A_68 = arith.constant 0 : i32
    %dma_wait3A_69 = arith.constant 0 : i32
    %dma_wait3A_70 = arith.constant 0 : i32
    %dma_wait3A_71 = tpu.memref_slice %arg9[%dma_wait3A_65, %dma_wait3A_68, %dma_wait3A_69, %dma_wait3A_70] : memref<4x4x8x128xf32, #tpu.memory_space<vmem>> -> memref<1x4x8x128xf32, #tpu.memory_space<vmem>>
    %dma_wait3A_72 = tpu.memref_squeeze %dma_wait3A_71 : memref<1x4x8x128xf32, #tpu.memory_space<vmem>> -> memref<4x8x128xf32, #tpu.memory_space<vmem>>
    %dma_wait3A_73 = arith.constant 0 : i32
    %dma_wait3A_74 = arith.constant 0 : i32
    %dma_wait3A_75 = tpu.memref_slice %arg4[%dma_wait3A_66, %dma_wait3A_67, %mul3A_4, %dma_wait3A_73, %dma_wait3A_74] : memref<200x4x128x8x128xf32, #tpu.memory_space<hbm>> -> memref<1x1x4x8x128xf32, #tpu.memory_space<hbm>>
    %dma_wait3A_76 = tpu.memref_squeeze %dma_wait3A_75 : memref<1x1x4x8x128xf32, #tpu.memory_space<hbm>> -> memref<4x8x128xf32, #tpu.memory_space<hbm>>
    %dma_wait3A_77 = arith.constant 0 : i32
    %dma_wait3A_78 = arith.constant 0 : i32
    %dma_wait3A_79 = tpu.memref_slice %arg4[%dma_wait3A_66, %dma_wait3A_67, %mul3A_4, %dma_wait3A_77, %dma_wait3A_78] : memref<200x4x128x8x128xf32, #tpu.memory_space<hbm>> -> memref<1x1x4x8x128xf32, #tpu.memory_space<hbm>>
    %dma_wait3A_80 = tpu.memref_squeeze %dma_wait3A_79 : memref<1x1x4x8x128xf32, #tpu.memory_space<hbm>> -> memref<4x8x128xf32, #tpu.memory_space<hbm>>
    %dma_wait3A_81 = arith.constant 0 : i32
    %dma_wait3A_82 = arith.constant 0 : i32
    %dma_wait3A_83 = arith.constant 0 : i32
    %dma_wait3A_84 = tpu.memref_slice %arg9[%dma_wait3A_65, %dma_wait3A_81, %dma_wait3A_82, %dma_wait3A_83] : memref<4x4x8x128xf32, #tpu.memory_space<vmem>> -> memref<1x4x8x128xf32, #tpu.memory_space<vmem>>
    %dma_wait3A_85 = tpu.memref_squeeze %dma_wait3A_84 : memref<1x4x8x128xf32, #tpu.memory_space<vmem>> -> memref<4x8x128xf32, #tpu.memory_space<vmem>>
    tpu.wait_dma2 semaphore(%arg16 : memref<!tpu.dma_semaphore, #tpu.memory_space<semaphore_mem>>) src(%dma_wait3A_85 : memref<4x8x128xf32, #tpu.memory_space<vmem>>) dst(%dma_wait3A_80 : memref<4x8x128xf32, #tpu.memory_space<hbm>>)
    %dma_wait3A_86 = arith.constant 3 : i32
    %dma_wait3A_87 = arith.constant 198 : i32
    %dma_wait3A_88 = arith.constant 3 : i32
    %dma_wait3A_89 = arith.constant 0 : i32
    %dma_wait3A_90 = arith.constant 0 : i32
    %dma_wait3A_91 = arith.constant 0 : i32
    %dma_wait3A_92 = tpu.memref_slice %arg9[%dma_wait3A_86, %dma_wait3A_89, %dma_wait3A_90, %dma_wait3A_91] : memref<4x4x8x128xf32, #tpu.memory_space<vmem>> -> memref<1x4x8x128xf32, #tpu.memory_space<vmem>>
    %dma_wait3A_93 = tpu.memref_squeeze %dma_wait3A_92 : memref<1x4x8x128xf32, #tpu.memory_space<vmem>> -> memref<4x8x128xf32, #tpu.memory_space<vmem>>
    %dma_wait3A_94 = arith.constant 0 : i32
    %dma_wait3A_95 = arith.constant 0 : i32
    %dma_wait3A_96 = tpu.memref_slice %arg4[%dma_wait3A_87, %dma_wait3A_88, %mul3A_4, %dma_wait3A_94, %dma_wait3A_95] : memref<200x4x128x8x128xf32, #tpu.memory_space<hbm>> -> memref<1x1x4x8x128xf32, #tpu.memory_space<hbm>>
    %dma_wait3A_97 = tpu.memref_squeeze %dma_wait3A_96 : memref<1x1x4x8x128xf32, #tpu.memory_space<hbm>> -> memref<4x8x128xf32, #tpu.memory_space<hbm>>
    %dma_wait3A_98 = arith.constant 0 : i32
    %dma_wait3A_99 = arith.constant 0 : i32
    %dma_wait3A_100 = tpu.memref_slice %arg4[%dma_wait3A_87, %dma_wait3A_88, %mul3A_4, %dma_wait3A_98, %dma_wait3A_99] : memref<200x4x128x8x128xf32, #tpu.memory_space<hbm>> -> memref<1x1x4x8x128xf32, #tpu.memory_space<hbm>>
    %dma_wait3A_101 = tpu.memref_squeeze %dma_wait3A_100 : memref<1x1x4x8x128xf32, #tpu.memory_space<hbm>> -> memref<4x8x128xf32, #tpu.memory_space<hbm>>
    %dma_wait3A_102 = arith.constant 0 : i32
    %dma_wait3A_103 = arith.constant 0 : i32
    %dma_wait3A_104 = arith.constant 0 : i32
    %dma_wait3A_105 = tpu.memref_slice %arg9[%dma_wait3A_86, %dma_wait3A_102, %dma_wait3A_103, %dma_wait3A_104] : memref<4x4x8x128xf32, #tpu.memory_space<vmem>> -> memref<1x4x8x128xf32, #tpu.memory_space<vmem>>
    %dma_wait3A_106 = tpu.memref_squeeze %dma_wait3A_105 : memref<1x4x8x128xf32, #tpu.memory_space<vmem>> -> memref<4x8x128xf32, #tpu.memory_space<vmem>>
    tpu.wait_dma2 semaphore(%arg16 : memref<!tpu.dma_semaphore, #tpu.memory_space<semaphore_mem>>) src(%dma_wait3A_106 : memref<4x8x128xf32, #tpu.memory_space<vmem>>) dst(%dma_wait3A_101 : memref<4x8x128xf32, #tpu.memory_space<hbm>>)
    %dma_wait3A_107 = arith.constant 0 : i32
    %dma_wait3A_108 = arith.constant 199 : i32
    %dma_wait3A_109 = arith.constant 0 : i32
    %dma_wait3A_110 = arith.constant 0 : i32
    %dma_wait3A_111 = arith.constant 0 : i32
    %dma_wait3A_112 = arith.constant 0 : i32
    %dma_wait3A_113 = tpu.memref_slice %arg10[%dma_wait3A_107, %dma_wait3A_110, %dma_wait3A_111, %dma_wait3A_112] : memref<4x4x8x128xf32, #tpu.memory_space<vmem>> -> memref<1x4x8x128xf32, #tpu.memory_space<vmem>>
    %dma_wait3A_114 = tpu.memref_squeeze %dma_wait3A_113 : memref<1x4x8x128xf32, #tpu.memory_space<vmem>> -> memref<4x8x128xf32, #tpu.memory_space<vmem>>
    %dma_wait3A_115 = arith.constant 0 : i32
    %dma_wait3A_116 = arith.constant 0 : i32
    %dma_wait3A_117 = tpu.memref_slice %arg4[%dma_wait3A_108, %dma_wait3A_109, %mul3A_4, %dma_wait3A_115, %dma_wait3A_116] : memref<200x4x128x8x128xf32, #tpu.memory_space<hbm>> -> memref<1x1x4x8x128xf32, #tpu.memory_space<hbm>>
    %dma_wait3A_118 = tpu.memref_squeeze %dma_wait3A_117 : memref<1x1x4x8x128xf32, #tpu.memory_space<hbm>> -> memref<4x8x128xf32, #tpu.memory_space<hbm>>
    %dma_wait3A_119 = arith.constant 0 : i32
    %dma_wait3A_120 = arith.constant 0 : i32
    %dma_wait3A_121 = tpu.memref_slice %arg4[%dma_wait3A_108, %dma_wait3A_109, %mul3A_4, %dma_wait3A_119, %dma_wait3A_120] : memref<200x4x128x8x128xf32, #tpu.memory_space<hbm>> -> memref<1x1x4x8x128xf32, #tpu.memory_space<hbm>>
    %dma_wait3A_122 = tpu.memref_squeeze %dma_wait3A_121 : memref<1x1x4x8x128xf32, #tpu.memory_space<hbm>> -> memref<4x8x128xf32, #tpu.memory_space<hbm>>
    %dma_wait3A_123 = arith.constant 0 : i32
    %dma_wait3A_124 = arith.constant 0 : i32
    %dma_wait3A_125 = arith.constant 0 : i32
    %dma_wait3A_126 = tpu.memref_slice %arg10[%dma_wait3A_107, %dma_wait3A_123, %dma_wait3A_124, %dma_wait3A_125] : memref<4x4x8x128xf32, #tpu.memory_space<vmem>> -> memref<1x4x8x128xf32, #tpu.memory_space<vmem>>
    %dma_wait3A_127 = tpu.memref_squeeze %dma_wait3A_126 : memref<1x4x8x128xf32, #tpu.memory_space<vmem>> -> memref<4x8x128xf32, #tpu.memory_space<vmem>>
    tpu.wait_dma2 semaphore(%arg17 : memref<!tpu.dma_semaphore, #tpu.memory_space<semaphore_mem>>) src(%dma_wait3A_127 : memref<4x8x128xf32, #tpu.memory_space<vmem>>) dst(%dma_wait3A_122 : memref<4x8x128xf32, #tpu.memory_space<hbm>>)
    %dma_wait3A_128 = arith.constant 1 : i32
    %dma_wait3A_129 = arith.constant 199 : i32
    %dma_wait3A_130 = arith.constant 1 : i32
    %dma_wait3A_131 = arith.constant 0 : i32
    %dma_wait3A_132 = arith.constant 0 : i32
    %dma_wait3A_133 = arith.constant 0 : i32
    %dma_wait3A_134 = tpu.memref_slice %arg10[%dma_wait3A_128, %dma_wait3A_131, %dma_wait3A_132, %dma_wait3A_133] : memref<4x4x8x128xf32, #tpu.memory_space<vmem>> -> memref<1x4x8x128xf32, #tpu.memory_space<vmem>>
    %dma_wait3A_135 = tpu.memref_squeeze %dma_wait3A_134 : memref<1x4x8x128xf32, #tpu.memory_space<vmem>> -> memref<4x8x128xf32, #tpu.memory_space<vmem>>
    %dma_wait3A_136 = arith.constant 0 : i32
    %dma_wait3A_137 = arith.constant 0 : i32
    %dma_wait3A_138 = tpu.memref_slice %arg4[%dma_wait3A_129, %dma_wait3A_130, %mul3A_4, %dma_wait3A_136, %dma_wait3A_137] : memref<200x4x128x8x128xf32, #tpu.memory_space<hbm>> -> memref<1x1x4x8x128xf32, #tpu.memory_space<hbm>>
    %dma_wait3A_139 = tpu.memref_squeeze %dma_wait3A_138 : memref<1x1x4x8x128xf32, #tpu.memory_space<hbm>> -> memref<4x8x128xf32, #tpu.memory_space<hbm>>
    %dma_wait3A_140 = arith.constant 0 : i32
    %dma_wait3A_141 = arith.constant 0 : i32
    %dma_wait3A_142 = tpu.memref_slice %arg4[%dma_wait3A_129, %dma_wait3A_130, %mul3A_4, %dma_wait3A_140, %dma_wait3A_141] : memref<200x4x128x8x128xf32, #tpu.memory_space<hbm>> -> memref<1x1x4x8x128xf32, #tpu.memory_space<hbm>>
    %dma_wait3A_143 = tpu.memref_squeeze %dma_wait3A_142 : memref<1x1x4x8x128xf32, #tpu.memory_space<hbm>> -> memref<4x8x128xf32, #tpu.memory_space<hbm>>
    %dma_wait3A_144 = arith.constant 0 : i32
    %dma_wait3A_145 = arith.constant 0 : i32
    %dma_wait3A_146 = arith.constant 0 : i32
    %dma_wait3A_147 = tpu.memref_slice %arg10[%dma_wait3A_128, %dma_wait3A_144, %dma_wait3A_145, %dma_wait3A_146] : memref<4x4x8x128xf32, #tpu.memory_space<vmem>> -> memref<1x4x8x128xf32, #tpu.memory_space<vmem>>
    %dma_wait3A_148 = tpu.memref_squeeze %dma_wait3A_147 : memref<1x4x8x128xf32, #tpu.memory_space<vmem>> -> memref<4x8x128xf32, #tpu.memory_space<vmem>>
    tpu.wait_dma2 semaphore(%arg17 : memref<!tpu.dma_semaphore, #tpu.memory_space<semaphore_mem>>) src(%dma_wait3A_148 : memref<4x8x128xf32, #tpu.memory_space<vmem>>) dst(%dma_wait3A_143 : memref<4x8x128xf32, #tpu.memory_space<hbm>>)
    %dma_wait3A_149 = arith.constant 2 : i32
    %dma_wait3A_150 = arith.constant 199 : i32
    %dma_wait3A_151 = arith.constant 2 : i32
    %dma_wait3A_152 = arith.constant 0 : i32
    %dma_wait3A_153 = arith.constant 0 : i32
    %dma_wait3A_154 = arith.constant 0 : i32
    %dma_wait3A_155 = tpu.memref_slice %arg10[%dma_wait3A_149, %dma_wait3A_152, %dma_wait3A_153, %dma_wait3A_154] : memref<4x4x8x128xf32, #tpu.memory_space<vmem>> -> memref<1x4x8x128xf32, #tpu.memory_space<vmem>>
    %dma_wait3A_156 = tpu.memref_squeeze %dma_wait3A_155 : memref<1x4x8x128xf32, #tpu.memory_space<vmem>> -> memref<4x8x128xf32, #tpu.memory_space<vmem>>
    %dma_wait3A_157 = arith.constant 0 : i32
    %dma_wait3A_158 = arith.constant 0 : i32
    %dma_wait3A_159 = tpu.memref_slice %arg4[%dma_wait3A_150, %dma_wait3A_151, %mul3A_4, %dma_wait3A_157, %dma_wait3A_158] : memref<200x4x128x8x128xf32, #tpu.memory_space<hbm>> -> memref<1x1x4x8x128xf32, #tpu.memory_space<hbm>>
    %dma_wait3A_160 = tpu.memref_squeeze %dma_wait3A_159 : memref<1x1x4x8x128xf32, #tpu.memory_space<hbm>> -> memref<4x8x128xf32, #tpu.memory_space<hbm>>
    %dma_wait3A_161 = arith.constant 0 : i32
    %dma_wait3A_162 = arith.constant 0 : i32
    %dma_wait3A_163 = tpu.memref_slice %arg4[%dma_wait3A_150, %dma_wait3A_151, %mul3A_4, %dma_wait3A_161, %dma_wait3A_162] : memref<200x4x128x8x128xf32, #tpu.memory_space<hbm>> -> memref<1x1x4x8x128xf32, #tpu.memory_space<hbm>>
    %dma_wait3A_164 = tpu.memref_squeeze %dma_wait3A_163 : memref<1x1x4x8x128xf32, #tpu.memory_space<hbm>> -> memref<4x8x128xf32, #tpu.memory_space<hbm>>
    %dma_wait3A_165 = arith.constant 0 : i32
    %dma_wait3A_166 = arith.constant 0 : i32
    %dma_wait3A_167 = arith.constant 0 : i32
    %dma_wait3A_168 = tpu.memref_slice %arg10[%dma_wait3A_149, %dma_wait3A_165, %dma_wait3A_166, %dma_wait3A_167] : memref<4x4x8x128xf32, #tpu.memory_space<vmem>> -> memref<1x4x8x128xf32, #tpu.memory_space<vmem>>
    %dma_wait3A_169 = tpu.memref_squeeze %dma_wait3A_168 : memref<1x4x8x128xf32, #tpu.memory_space<vmem>> -> memref<4x8x128xf32, #tpu.memory_space<vmem>>
    tpu.wait_dma2 semaphore(%arg17 : memref<!tpu.dma_semaphore, #tpu.memory_space<semaphore_mem>>) src(%dma_wait3A_169 : memref<4x8x128xf32, #tpu.memory_space<vmem>>) dst(%dma_wait3A_164 : memref<4x8x128xf32, #tpu.memory_space<hbm>>)
    %dma_wait3A_170 = arith.constant 3 : i32
    %dma_wait3A_171 = arith.constant 199 : i32
    %dma_wait3A_172 = arith.constant 3 : i32
    %dma_wait3A_173 = arith.constant 0 : i32
    %dma_wait3A_174 = arith.constant 0 : i32
    %dma_wait3A_175 = arith.constant 0 : i32
    %dma_wait3A_176 = tpu.memref_slice %arg10[%dma_wait3A_170, %dma_wait3A_173, %dma_wait3A_174, %dma_wait3A_175] : memref<4x4x8x128xf32, #tpu.memory_space<vmem>> -> memref<1x4x8x128xf32, #tpu.memory_space<vmem>>
    %dma_wait3A_177 = tpu.memref_squeeze %dma_wait3A_176 : memref<1x4x8x128xf32, #tpu.memory_space<vmem>> -> memref<4x8x128xf32, #tpu.memory_space<vmem>>
    %dma_wait3A_178 = arith.constant 0 : i32
    %dma_wait3A_179 = arith.constant 0 : i32
    %dma_wait3A_180 = tpu.memref_slice %arg4[%dma_wait3A_171, %dma_wait3A_172, %mul3A_4, %dma_wait3A_178, %dma_wait3A_179] : memref<200x4x128x8x128xf32, #tpu.memory_space<hbm>> -> memref<1x1x4x8x128xf32, #tpu.memory_space<hbm>>
    %dma_wait3A_181 = tpu.memref_squeeze %dma_wait3A_180 : memref<1x1x4x8x128xf32, #tpu.memory_space<hbm>> -> memref<4x8x128xf32, #tpu.memory_space<hbm>>
    %dma_wait3A_182 = arith.constant 0 : i32
    %dma_wait3A_183 = arith.constant 0 : i32
    %dma_wait3A_184 = tpu.memref_slice %arg4[%dma_wait3A_171, %dma_wait3A_172, %mul3A_4, %dma_wait3A_182, %dma_wait3A_183] : memref<200x4x128x8x128xf32, #tpu.memory_space<hbm>> -> memref<1x1x4x8x128xf32, #tpu.memory_space<hbm>>
    %dma_wait3A_185 = tpu.memref_squeeze %dma_wait3A_184 : memref<1x1x4x8x128xf32, #tpu.memory_space<hbm>> -> memref<4x8x128xf32, #tpu.memory_space<hbm>>
    %dma_wait3A_186 = arith.constant 0 : i32
    %dma_wait3A_187 = arith.constant 0 : i32
    %dma_wait3A_188 = arith.constant 0 : i32
    %dma_wait3A_189 = tpu.memref_slice %arg10[%dma_wait3A_170, %dma_wait3A_186, %dma_wait3A_187, %dma_wait3A_188] : memref<4x4x8x128xf32, #tpu.memory_space<vmem>> -> memref<1x4x8x128xf32, #tpu.memory_space<vmem>>
    %dma_wait3A_190 = tpu.memref_squeeze %dma_wait3A_189 : memref<1x4x8x128xf32, #tpu.memory_space<vmem>> -> memref<4x8x128xf32, #tpu.memory_space<vmem>>
    tpu.wait_dma2 semaphore(%arg17 : memref<!tpu.dma_semaphore, #tpu.memory_space<semaphore_mem>>) src(%dma_wait3A_190 : memref<4x8x128xf32, #tpu.memory_space<vmem>>) dst(%dma_wait3A_185 : memref<4x8x128xf32, #tpu.memory_space<hbm>>)
    %add3A_191 = arith.constant 16384 : i32
    %add3A_192 = arith.addi %add3A_191, %mul3A_2 : i32
    %dma_wait3A_193 = tpu.memref_slice %arg2[%add3A_192] : memref<3276800xi32, #tpu.memory_space<hbm>> -> memref<512xi32, #tpu.memory_space<hbm>>
    %dma_wait3A_194 = tpu.memref_slice %arg2[%add3A_192] : memref<3276800xi32, #tpu.memory_space<hbm>> -> memref<512xi32, #tpu.memory_space<hbm>>
    tpu.wait_dma2 semaphore(%arg13 : memref<!tpu.dma_semaphore, #tpu.memory_space<semaphore_mem>>) src(%dma_wait3A_194 : memref<512xi32, #tpu.memory_space<hbm>>) dst(%arg6 : memref<512xi32, #tpu.memory_space<vmem>>)
    return
  }
}

</mosaic_0001>

<sc_bundles>
// kernel: _gather.3.cloned.1.call-start
scs
__scs_entry_jumppad:
0x0: {  	(pc) =	sbr.rel $0x88, $3  }
0x1: {  	(tag) =	ssettag $0x0;
	lr =	simm.s32 $0x1  }
0x2: {  	[smem:$0x3F9F] =	sst lr;
	_ =	strace $0xD0000000  }
0x3: {  	_ = 	snop  }
0x4: {  	_ = 	snop  }
0x5: {  	_ = 	snop  }
0x6: {  	_ = 	snop  }
0x7: {  	_ = 	snop  }
__scs_overlays_trampoline_lowered:
0x8: {  	[smem:$0x3FAE] =	sst s0  }
0x9: {  	[smem:$0x3FAF] =	sst s1  }
0xa: {  	[smem:$0x3FB0] =	sst s2  }
0xb: {  	[smem:$0x3FB1] =	sst s3  }
0xc: {  	[smem:$0x3FB2] =	sst s4  }
0xd: {  	[smem:$0x3FB3] =	sst s5  }
0xe: {  	[smem:$0x3FB4] =	sst s6  }
0xf: {  	[smem:$0x3FB5] =	sst s7  }
0x10: {  	[smem:$0x3FB6] =	sst s8  }
0x11: {  	[smem:$0x3FB7] =	sst s9;
	s0 =	simm.s32 @!p0 $0x0  }
0x12: {  	s1 =	sld [smem:$0x3F9D];
	s0 =	simm.s32 @p0 $0x1  }
0x13: {  	[smem:$0x3FB8] =	sst s0;
	s0 =	simm.s32 @!p1 $0x0  }
0x14: {  	s2 =	sld [smem:$0x3F9C];
	s0 =	simm.s32 @p1 $0x1  }
0x15: {  	[smem:$0x3FB9] =	sst s0;
	s0 =	simm.s32 @!p2 $0x0  }
0x16: {  	s3 =	sld [smem:$0x3FDB];
	s0 =	simm.s32 @p2 $0x1  }
0x17: {  	s4 =	simm.s32 $0x1BF5;
	[smem:$0x3FBB] =	sst s0  }
0x18: {  	s0 =	sld [smem:$0x3F9E];
	_ =	swait.ge [sflag:s4], $0x0  }
0x19: {  	s7 =	sld [smem:$0x3F9F]  }
0x1a: {  	s8 =	sadd.s32 $0xFFFFE003, lr  }
0x1b: {  	s9 =	sadd.s32 $0xFFFFFEF7, lr;
	s5 =	simm.s32 $0xFFFFFFFF;
	p2 =	slt.u32 s8, $0xFFFFF086  }
0x1c: {  	p1 =	slt.u32 s9, $0xF7A;
	s5 =	simm.s32 @!p2 $0x0  }
0x1d: {  	s5 =	simm.s32 @p1 $0x1;
	p0 =	seq.s32 s7, s2  }
0x1e: {  	s7 =	smul.u32 @!p0 $0xF7A, s2;
	p2 =	seq.s32 @!p0 s5, $0x0  }
0x1f: {  	s9 =	smul.u32 $0xF7A, s1;
	s8 =	simm.s32 @!p0 $0x1BF5;
	p2 =	por !p2, p0  }
0x20: {  	[sflag:s8] =	ssyncset.s32 @!p0 $0xFFFFF086;
	s6 =	sadd.s32 @!p0 s3, s7;
	s7 =	simm.s32 @!p0 $0x108  }
0x21: {  	s3 =	sadd.s32 s3, s9;
	s6 =	sadd.s32 @!p0 $0x88, s6;
	s7 =	simm.s32 @p2 $0x1082  }
0x22: {  	[simem:s7], [sflag:s8] =	dma.local @!p0 [hbm:s6], $0xF7A  }
0x23: {  	s9 =	sor.u32 $0xD0000000, s2;
	s6 =	simm.s32 $0x108;
	_ =	swait.ge @!p0 [sflag:s8], $0x0  }
0x24: {  	s3 =	sadd.s32 $0x88, s3;
	s6 =	simm.s32 @!p1 $0x1082;
	[sflag:s4] =	ssyncset.s32 $0xFFFFF086  }
0x25: {  	[simem:s6], [sflag:s4] =	dma.local [hbm:s3], $0xF7A  }
0x26: {  	[smem:$0x3F9F] =	sst s1;
	(tag) =	ssettag s2;
	_ =	strace s9  }
0x27: {  	s1 =	sld [smem:$0x3FAF]  }
0x28: {  	s2 =	sld [smem:$0x3FB0]  }
0x29: {  	s4 =	sld [smem:$0x3FB2]  }
0x2a: {  	p0 =	seq.s32 s5, $0x0;
	s5 =	sld [smem:$0x3FB3]  }
0x2b: {  	s6 =	sld [smem:$0x3FB4]  }
0x2c: {  	s7 =	sld [smem:$0x3FB5]  }
0x2d: {  	s3 =	simm.s32 $0x108;
	s8 =	sld [smem:$0x3FB6]  }
0x2e: {  	s3 =	simm.s32 @!p0 $0x1082;
	s9 =	sld [smem:$0x3FB7]  }
0x2f: {  	lr =	sadd.s32 s0, s3;
	s0 =	sld [smem:$0x3FAE]  }
0x30: {  	s3 =	sld [smem:$0x3FB1]  }
0x31: {  	[smem:$0x3FBA] =	sst s10  }
0x32: {  	s10 =	sld [smem:$0x3FB8];
	_ =	sdelay $0x3  }
0x33: {  	p0 =	seq.s32 s10, $0x1;
	s10 =	sld [smem:$0x3FBA];
	_ =	sdelay $0x3  }
0x34: {  	[smem:$0x3FBA] =	sst s10  }
0x35: {  	s10 =	sld [smem:$0x3FB9];
	_ =	sdelay $0x3  }
0x36: {  	p1 =	seq.s32 s10, $0x1;
	s10 =	sld [smem:$0x3FBA];
	_ =	sdelay $0x3  }
0x37: {  	[smem:$0x3FBA] =	sst s10  }
0x38: {  	s10 =	sld [smem:$0x3FBB]  }
0x39: {  	_ = 	snop;
	(pc) =	sbr.ind lr, $3  }
0x3a: {  	_ = 	snop  }
0x3b: {  	_ = 	snop  }
0x3c: {  	p2 =	seq.s32 s10, $0x1;
	s10 =	sld [smem:$0x3FBA]  }
0x3d: {  	_ =	shalt  }
0x3e: {  	_ =	shalt  }
0x3f: {  	_ =	shalt  }
0x40: {  	_ =	shalt  }
0x41: {  	_ =	shalt  }
0x42: {  	_ =	shalt  }
0x43: {  	_ =	shalt  }
0x44: {  	_ =	shalt  }
0x45: {  	_ =	shalt  }
0x46: {  	_ =	shalt  }
0x47: {  	_ =	shalt  }
0x48: {  	_ =	shalt  }
0x49: {  	_ =	shalt  }
0x4a: {  	_ =	shalt  }
0x4b: {  	_ =	shalt  }
0x4c: {  	_ =	shalt  }
0x4d: {  	_ =	shalt  }
0x4e: {  	_ =	shalt  }
0x4f: {  	_ =	shalt  }
0x50: {  	_ =	shalt  }
0x51: {  	_ =	shalt  }
0x52: {  	_ =	shalt  }
0x53: {  	_ =	shalt  }
0x54: {  	_ =	shalt  }
0x55: {  	_ =	shalt  }
0x56: {  	_ =	shalt  }
0x57: {  	_ =	shalt  }
0x58: {  	_ =	shalt  }
0x59: {  	_ =	shalt  }
0x5a: {  	_ =	shalt  }
0x5b: {  	_ =	shalt  }
0x5c: {  	_ =	shalt  }
0x5d: {  	_ =	shalt  }
0x5e: {  	_ =	shalt  }
0x5f: {  	_ =	shalt  }
0x60: {  	_ =	shalt  }
0x61: {  	_ =	shalt  }
0x62: {  	_ =	shalt  }
0x63: {  	_ =	shalt  }
0x64: {  	_ =	shalt  }
0x65: {  	_ =	shalt  }
0x66: {  	_ =	shalt  }
0x67: {  	_ =	shalt  }
0x68: {  	_ =	shalt  }
0x69: {  	_ =	shalt  }
0x6a: {  	_ =	shalt  }
0x6b: {  	_ =	shalt  }
0x6c: {  	_ =	shalt  }
0x6d: {  	_ =	shalt  }
0x6e: {  	_ =	shalt  }
0x6f: {  	_ =	shalt  }
0x70: {  	_ =	shalt  }
0x71: {  	_ =	shalt  }
0x72: {  	_ =	shalt  }
0x73: {  	_ =	shalt  }
0x74: {  	_ =	shalt  }
0x75: {  	_ =	shalt  }
0x76: {  	_ =	shalt  }
0x77: {  	_ =	shalt  }
0x78: {  	_ =	shalt  }
0x79: {  	_ =	shalt  }
0x7a: {  	_ =	shalt  }
0x7b: {  	_ =	shalt  }
0x7c: {  	_ =	shalt  }
0x7d: {  	_ =	shalt  }
0x7e: {  	_ =	shalt  }
0x7f: {  	_ =	shalt  }
0x80: {  	_ =	shalt  }
0x81: {  	_ =	shalt  }
0x82: {  	_ =	shalt  }
0x83: {  	_ =	shalt  }
0x84: {  	_ =	shalt  }
0x85: {  	_ =	shalt  }
0x86: {  	_ =	shalt  }
0x87: {  	_ =	shalt  }
.Lfunc_end0:
.L_simem_size_0:
called_computation_lowered:
.L_overlay_start_0:
0x88: {  	s2 =	sld [smem:$0x3FD9]  }
0x89: {  	s3 =	sld [smem:$0x3FFE];
	_ =	sdelay $0x1  }
0x8a: {  	s1 =	srdreg.scid  }
0x8b: {  	s0 =	sand.u32 $0x1, s1  }
0x8c: {  	s17 =	sshll.u32 s0, $0xA;
	s2 =	sadd.s32 s3, s2  }
0x8d: {  	s2 =	sadd.s32 s2, s17  }
0x8e: {  	[smem:$0x3FC6] =	sst s2  }
0x8f: {  	_ = 	snop  }
0x90: {  	s2 =	sld [smem:$0x3FC9]  }
0x91: {  	s18 =	sld [smem:$0x3FD0];
	(tm) =	ssettm $0x1  }
0x92: {  	s4 =	sld [smem:$0x3FFB];
	_ =	sdelay $0x3  }
0x93: {  	_ =	strace s4  }
0x94: {  	s4 =	sld [smem:$0x3FFC];
	_ =	sdelay $0x3  }
0x95: {  	_ =	strace s4  }
0x96: {  	s4 =	sld [smem:$0x3FFD];
	_ =	sdelay $0x3  }
0x97: {  	_ =	strace s4  }
0x98: {  	_ =	strace $0x8FFFFFFF  }
0x99: {  	s19 =	sld [smem:$0x3FDB];
	_ =	sdelay $0x1  }
0x9a: {  	s5 =	simm.s32 $_scs_section_size  }
0x9b: {  	s6 =	simm.s32 $_size__tile_overlayer_lowered;
	s7 =	simm.s32 $_tile_overlayer_lowered  }
0x9c: {  	s22 =	simm.s32 $0x1BFF;
	s21 =	sshll.u32 s7, $0x1;
	s4 =	sadd.s32 s5, s19  }
0x9d: {  	s8 =	simm.s32 $0x0;
	s20 =	sshll.u32 s6, $0x1;
	s6 =	sadd.s32 s21, s4  }
0x9e: {  	[timem:s8], [sflag:s22] =	dma.local [hbm:s6], s20  }
0x9f: {  	_ =	swait.ge [sflag:s22], s20  }
0xa0: {  	s5 =	ssub.s32 $0x0, s20;
	[sflag:s22] =	ssyncset.done $0x0  }
0xa1: {  	[sflag:s22] =	ssyncadd.s32 s5;
	_ =	sdelay $0x1  }
0xa2: {  	s23 =	simm.s32 $0x1B8B  }
0xa3: {  	_ =	swait.ge [sflag:s23], $0x1  }
0xa4: {  	[sflag:s23] =	ssyncset.done $0x0  }
0xa5: {  	s25 =	simm.s32 $0x1B8E;
	s24 =	sld [smem:$0x3FFE];
	[sflag:s23] =	ssyncadd.s32 $0xFFFFFFFF  }
0xa6: {  	s26 =	simm.s32 $execute0_lowered;
	[smem:$0x3FD2] =	sst s25  }
0xa7: {  	s6 =	sshll.u32 s26, $0x1;
	_ =	strace $0x80000046;
	[dreg:$0x1] =	wrdreg $0xFFFFFFFF  }
0xa8: {  	s28 =	simm.s32 $_size_execute0_lowered;
	s4 =	sadd.s32 s4, s6;
	[dreg:$0x0] =	wrdreg $0x0  }
0xa9: {  	s6 =	sshll.u32 s28, $0x1;
	[dreg:$0x2] =	wrdreg s4  }
0xaa: {  	[dreg:$0x3] =	wrdreg s6  }
0xab: {  	[dreg:$0x4] =	wrdreg $0xC0  }
0xac: {  	_ =	task [dreg:s8], $0x5FFFF  }
0xad: {  	[dreg:$0x1] =	wrdreg $0xFFFFFFFF  }
0xae: {  	[dreg:$0x0] =	wrdreg $0x60  }
0xaf: {  	[dreg:$0x2] =	wrdreg s2  }
0xb0: {  	[dreg:$0x3] =	wrdreg s24  }
0xb1: {  	[dreg:$0x4] =	wrdreg s18  }
0xb2: {  	[dreg:$0x5] =	wrdreg $0x9  }
0xb3: {  	_ =	task.clear_ibuf [dreg:s8], $0x6FFFF;
	_ =	strace $0x90000046  }
0xb4: {  	s29 =	simm.s32 $0x9;
	_ =	strace $0x80000048  }
0xb5: {  	_ =	swait.ge [sflag:s29], $0x1  }
0xb6: {  	[sflag:s29] =	ssyncadd.s32 $0xFFFFFFFF  }
0xb7: {  	_ =	strace $0x90000048  }
0xb8: {  	_ =	sfence  }
0xb9: {  	s30 =	sld [smem:$0x0];
	_ =	sdelay $0x2  }
0xba: {  	s31 =	sshll.u32 s1, $0xD;
	s1 =	sshrl.u32 s1, $0x2  }
0xbb: {  	s3 =	sand.u32 $0x4000, s31;
	s1 =	sadd.s32 s1, s30  }
0xbc: {  	s0 =	sor.u32 s3, s0;
	s1 =	sshll.u32 s1, $0x11  }
0xbd: {  	s0 =	sor.u32 s1, s0  }
0xbe: {  	s0 =	sadd.s32 $0x8F2B, s0  }
0xbf: {  	[sflag:s0] =	ssyncadd.remote.s32 $0x1  }
0xc0: {  	_ =	sfence.sel $0xFFFF  }
0xc1: {  	[dreg:$0x0] =	wrdreg $0xFFFFFFFF;
	(pc) =	sbr.abs _section_cstart, $3  }
0xc2: {  	[dreg:$0x1] =	wrdreg $0xFFFFFFFF  }
0xc3: {  	_ =	task.clear_ibuf [dreg:s8], $0x2FFFF;
	_ =	strace $0x9FFFFFFF  }
0xc4: {  	(tm) =	ssettm $0x7FFFFFFF  }
0xc5: {  	_ =	shalt  }
tec
execute0_lowered:
.L_overlay_start_1:
0x0: {  	(tag) =	ssettag $0x1  }
0x1: {  	s4 =	rddreg [dreg:$0x0]  }
0x2: {  	s0 =	rddreg [dreg:$0x1]  }
0x3: {  	s5 =	rddreg [dreg:$0x2];
	s3 =	simm.s32 $0x0  }
0x4: {  	[smem:$0x7FF] =	sst s3;
	s0 =	sadd.s32 $0xF42800, s0  }
0x5: {  	s23 =	sadd.s32 $0x4000, s5;
	_ =	strace $0x80000047;
	[smem:$0x7F2] =	sst s0  }
0x6: {  	s24 =	sadd.s32 $0x8000, s5;
	[smem:$0x7F6] =	sst s23  }
0x7: {  	s25 =	sadd.s32 $0xC000, s5;
	[smem:$0x7F7] =	sst s24  }
0x8: {  	s1 =	srdreg.scid;
	s26 =	sadd.s32 $0x10000, s5;
	[smem:$0x7F8] =	sst s25  }
0x9: {  	s2 =	stileid.u32;
	s28 =	sadd.s32 $0x14000, s5;
	[smem:$0x7F9] =	sst s26  }
0xa: {  	v0 =	vlaneseq.u32;
	s1 =	sand.u32 $0x1, s1;
	s30 =	sadd.s32 $0x18000, s5;
	[smem:$0x7FA] =	sst s28  }
0xb: {  	v1 =	vimm.s32 $0x0;
	vm0 =	vcmask $0x300;
	s2 =	sshll.u32 s2, $0x1;
	s31 =	sadd.s32 $0x1C000, s5;
	v0 =	vmul.u32 $0x208, v0;
	[smem:$0x7FB] =	sst s30  }
0xc: {  	v1 =	vsel vm0, $0x3, v1;
	s2 =	sor.u32 s1, s2;
	s1 =	ssub.s32 $0x2, s1;
	[smem:$0x7FC] =	sst s31  }
.Ltmp0:
0xd: {  	s19 =	sshll.u32 s2, $0x6;
	s21 =	sshll.u32 s2, $0x9;
	v2 =	vadd.s32 $0x2080, v0;
	v3 =	vor.u32 $0x1, v0;
	v4 =	vadd.s32 $0x2081, v0;
	(pc) =	sbr.rel .LBB2_1-.Ltmp0, $4  }
0xe: {  	s20 =	sshrl.u32 s1, $0x1;
	v5 =	vor.u32 $0x2, v0;
	v6 =	vadd.s32 $0x2082, v0;
	v7 =	vor.u32 $0x3, v0;
	s3 =	sadd.s32 s4, s19;
	[smem:$0x7F3] =	sst s21  }
0xf: {  	v8 =	vadd.s32 $0x2083, v0;
	v9 =	vor.u32 $0x4, v0;
	v10 =	vadd.s32 $0x2084, v0;
	s0 =	ssub.s32 s1, s20;
	[smem:$0x7F4] =	sst s3;
	s22 =	sadd.s32 $0x800, s3  }
0x10: {  	v11 =	vor.u32 $0x5, v0;
	v12 =	vadd.s32 $0x2085, v0;
	v13 =	vor.u32 $0x6, v0;
	s0 =	smax.u32 s0, $0x1;
	[smem:$0x7F5] =	sst s22  }
0x11: {  	s29 =	simm.s32 $0x10400;
	v14 =	vadd.s32 $0x2086, v0;
	v15 =	vor.u32 $0x7, v0;
	v16 =	vadd.s32 $0x2087, v0;
	s2 =	simm.s32 $0x0;
	[smem:$0x7FD] =	sst s0  }
.LBB2_23:
0x12: {  	s0 =	simm.s32 $0x5  }
0x13: {  	_ =	swait.ge [sflag:s0], $0x1000  }
0x14: {  	[sflag:s0] =	ssyncset.done $0x0  }
0x15: {  	[sflag:s0] =	ssyncadd.s32 $0xFFFFF000  }
0x16: {  	_ =	swait.ge [sflag:s0], $0x1000  }
0x17: {  	[sflag:s0] =	ssyncset.done $0x0  }
0x18: {  	[sflag:s0] =	ssyncadd.s32 $0xFFFFF000  }
0x19: {  	_ =	swait.ge [sflag:s0], $0x1000  }
0x1a: {  	[sflag:s0] =	ssyncset.done $0x0  }
0x1b: {  	[sflag:s0] =	ssyncadd.s32 $0xFFFFF000  }
0x1c: {  	_ =	swait.ge [sflag:s0], $0x1000  }
0x1d: {  	[sflag:s0] =	ssyncset.done $0x0  }
0x1e: {  	s30 =	simm.s32 $0x6;
	[sflag:s0] =	ssyncadd.s32 $0xFFFFF000  }
0x1f: {  	_ =	swait.ge [sflag:s30], $0x1000  }
0x20: {  	[sflag:s30] =	ssyncset.done $0x0  }
0x21: {  	[sflag:s30] =	ssyncadd.s32 $0xFFFFF000  }
0x22: {  	_ =	swait.ge [sflag:s30], $0x1000  }
0x23: {  	[sflag:s30] =	ssyncset.done $0x0  }
0x24: {  	[sflag:s30] =	ssyncadd.s32 $0xFFFFF000  }
0x25: {  	_ =	swait.ge [sflag:s30], $0x1000  }
0x26: {  	[sflag:s30] =	ssyncset.done $0x0  }
0x27: {  	[sflag:s30] =	ssyncadd.s32 $0xFFFFF000  }
0x28: {  	_ =	swait.ge [sflag:s30], $0x1000  }
0x29: {  	[sflag:s30] =	ssyncset.done $0x0  }
0x2a: {  	s1 =	simm.s32 $0x2;
	[sflag:s30] =	ssyncadd.s32 $0xFFFFF000  }
0x2b: {  	_ =	swait.ge [sflag:s1], $0x200  }
0x2c: {  	s2 =	sld [smem:$0x7F1]  }
0x2d: {  	s31 =	sld [smem:$0x7FD];
	_ =	sdelay $0x1  }
0x2e: {  	s2 =	sadd.s32 $0x1, s2  }
0x2f: {  	p0 =	sne.s32 s2, s31  }
.Ltmp1:
0x30: {  	_ = 	snop;
	(pc) =	sbr.rel @!p0 .LBB2_24-.Ltmp1, $3  }
0x31: {  	_ =	sdelay $0x1  }
0x32: {  	[sflag:s1] =	ssyncset.done $0x0  }
0x33: {  	[sflag:s1] =	ssyncadd.s32 $0xFFFFFE00  }
.LBB2_1:
0x34: {  	s1 =	sld [smem:$0x7F4];
	_ =	sdelay $0x1  }
0x35: {  	s0 =	simm.s32 $0x0;
	s25 =	sld [smem:$0x7F5]  }
0x36: {  	[tilespmem:s0], [sflag:$0x1] =	stream.linear.gather [hbm4b:s1+s0], $0x200, $0x38;
	[tilespmem:$0x14500] =	vst v63  }
0x37: {  	[smem:$0x7F1] =	sst s2;
	s26 =	simm.s32 $0x200;
	s28 =	simm.s32 $0x1  }
0x38: {  	[tilespmem:s26], [sflag:$0x2] =	stream.linear.gather [hbm4b:s25+s0], $0x200, $0x38;
	[tilespmem:$0x14500] =	vst v63  }
0x39: {  	_ =	swait.ge [sflag:s28], $0x200  }
0x3a: {  	s31 =	sld [smem:$0x7F2]  }
0x3b: {  	[sflag:s28] =	ssyncset.done $0x0  }
0x3c: {  	s3 =	simm.s32 $0x400;
	s30 =	simm.s32 $0x0;
	[sflag:s28] =	ssyncadd.s32 $0xFFFFFE00  }
0x3d: {  	[tilespmem:s3], [sflag:$0x3] =	stream.indirect.gather [hbm4b:s31+s26], $0x20, s0, s26, $0xb8;
	[tilespmem:$0x14500] =	vst v63  }
.LBB2_2:
0x3e: {  	p1 =	seq.s32 s30, $0x0  }
0x3f: {  	s0 =	simm.s32 @!p1 $0x5  }
0x40: {  	_ =	swait.ge @!p1 [sflag:s0], $0x1000  }
0x41: {  	[sflag:s0] =	ssyncset.done @!p1 $0x0  }
0x42: {  	[sflag:s0] =	ssyncadd.s32 @!p1 $0xFFFFF000  }
0x43: {  	_ =	swait.ge @!p1 [sflag:s0], $0x1000  }
0x44: {  	[sflag:s0] =	ssyncset.done @!p1 $0x0  }
0x45: {  	s1 =	sshll.u32 s30, $0xF;
	p0 =	seq.s32 s30, $0x63;
	[sflag:s0] =	ssyncadd.s32 @!p1 $0xFFFFF000  }
0x46: {  	s2 =	simm.s32 $0x3;
	s22 =	simm.s32 $0x1;
	_ =	swait.ge @!p1 [sflag:s0], $0x1000  }
0x47: {  	s3 =	simm.s32 $0x2;
	s4 =	simm.s32 $0x3;
	[sflag:s0] =	ssyncset.done @!p1 $0x0  }
0x48: {  	s23 =	simm.s32 $0x4;
	s24 =	simm.s32 $0x5;
	[sflag:s0] =	ssyncadd.s32 @!p1 $0xFFFFF000  }
0x49: {  	s25 =	simm.s32 $0x6;
	s26 =	simm.s32 $0x7;
	_ =	swait.ge @!p1 [sflag:s0], $0x1000  }
0x4a: {  	s28 =	simm.s32 $0x8;
	s31 =	simm.s32 $0x9;
	[sflag:s0] =	ssyncset.done @!p1 $0x0  }
0x4b: {  	s6 =	simm.s32 $0xC;
	s7 =	simm.s32 $0xD;
	[sflag:s0] =	ssyncadd.s32 @!p1 $0xFFFFF000  }
0x4c: {  	s8 =	simm.s32 $0xE;
	s9 =	simm.s32 $0xF;
	_ =	swait.ge [sflag:s2], $0x4000  }
0x4d: {  	s10 =	simm.s32 $0x2;
	s15 =	simm.s32 $0x11;
	v18 =	vmov s22;
	v19 =	vmov s3;
	s21 =	sld [smem:$0x7F3]  }
0x4e: {  	s16 =	simm.s32 $0x12;
	s17 =	simm.s32 $0x13;
	v20 =	vmov s4;
	v21 =	vmov s23;
	v22 =	vmov s24;
	s0 =	sadd.s32 $0x8000, s1  }
0x4f: {  	s18 =	simm.s32 $0x14;
	v23 =	vmov s25;
	v24 =	vmov s26;
	v25 =	vmov s28;
	s0 =	simm.s32 @p0 $0x0;
	[sflag:s2] =	ssyncset.done $0x0  }
0x50: {  	s19 =	simm.s32 $0x15;
	v26 =	vmov s31;
	v29 =	vmov s6;
	v30 =	vmov s7;
	[sflag:s2] =	ssyncadd.s32 $0xFFFFC000;
	s1 =	sor.u32 s21, s0  }
0x51: {  	s3 =	simm.s32 $0xA;
	v31 =	vmov s8;
	v32 =	vmov s9;
	v60 =	vmov s15;
	s5 =	rddreg [dreg:$0x0];
	s1 =	sshrl.u32 s1, $0x3  }
0x52: {  	s4 =	simm.s32 $0xB;
	v61 =	vmov s16;
	v62 =	vmov s17;
	v49 =	vmov s18;
	s0 =	simm.s32 $0x0;
	s1 =	sadd.s32 s5, s1  }
0x53: {  	v50 =	vmov s19;
	v27 =	vmov s3;
	v28 =	vmov s4;
	[tilespmem:s0], [sflag:$0x1] =	stream.linear.gather [hbm4b:s1+s0], $0x200, $0x38;
	[tilespmem:$0x14500] =	vst v63  }
0x54: {  	v18 =	vshrl.u32 v18, $0x3;
	v19 =	vshrl.u32 v19, $0x3;
	v32 =	vshrl.u32 v32, $0x3;
	_ =	swait.ge [sflag:s10], $0x200  }
0x55: {  	v20 =	vshrl.u32 v20, $0x3;
	v21 =	vshrl.u32 v21, $0x3;
	v32 =	vshll.u32 v32, v1;
	s11 =	sld [smem:$0x7F2]  }
0x56: {  	s12 =	simm.s32 $0x200;
	v18 =	vshll.u32 v18, v1;
	v32 =	vbroadcast v32, $0x0;
	v17 =	vmov s0;
	[sflag:s10] =	ssyncset.done $0x0  }
0x57: {  	s13 =	simm.s32 $0x4400;
	v33 =	vbroadcast v18, $0x0;
	v18 =	vshll.u32 v19, v1;
	v17 =	vshrl.u32 v17, $0x3;
	s1 =	simm.s32 $0x500;
	[sflag:s10] =	ssyncadd.s32 $0xFFFFFE00  }
0x58: {  	v22 =	vshrl.u32 v22, $0x3;
	v37 =	vbroadcast v18, $0x0;
	v17 =	vshll.u32 v17, v1;
	[tilespmem:s13], [sflag:$0x4] =	stream.indirect.gather [hbm4b:s11+s12], $0x20, s12, s12, $0xb8;
	[tilespmem:$0x14500] =	vst v63  }
0x59: {  	v18 =	vshll.u32 v20, v1;
	v34 =	vadd.s32 v15, v32;
	v17 =	vbroadcast v17, $0x0;
	v19 =	vld [tilespmem:s1+$0xE0]  }
0x5a: {  	v23 =	vshrl.u32 v23, $0x3;
	v38 =	vadd.s32 v3, v33;
	v39 =	vbroadcast v18, $0x0;
	v20 =	vld [tilespmem:s1+$0xFFFFFF20]  }
0x5b: {  	v24 =	vshrl.u32 v24, $0x3;
	v18 =	vshll.u32 v21, v1;
	v36 =	vadd.s32 v0, v17;
	v35 =	vld [tilespmem:s1+$0xFFFFFF00]  }
0x5c: {  	v22 =	vshll.u32 v22, v1;
	v41 =	vbroadcast v18, $0x0;
	v42 =	vadd.s32 v7, v39;
	v18 =	vld [tilespmem:s1+$0xFFFFFF60]  }
0x5d: {  	v25 =	vshrl.u32 v25, $0x3;
	v45 =	vbroadcast v22, $0x0;
	v40 =	vadd.s32 v5, v37;
	v21 =	vld [tilespmem:s1+$0xFFFFFF40]  }
0x5e: {  	v26 =	vshrl.u32 v26, $0x3;
	v22 =	vshll.u32 v23, v1;
	v44 =	vadd.s32 v9, v41;
	v43 =	vld [tilespmem:s1+$0xFFFFFF80];
	[tilespmem:v34+s29+$0x0] =	vst.idx.msk $0xffff, v19  }
0x5f: {  	v27 =	vshrl.u32 v27, $0x3;
	v19 =	vshll.u32 v24, v1;
	[tilespmem:v38+s29+$0x0] =	vst.idx.msk $0xffff, v20;
	v20 =	vld [tilespmem:s1+$0xFFFFFFA0];
	v24 =	vadd.s32 v11, v45  }
0x60: {  	v23 =	vadd.s32 v16, v32;
	v33 =	vadd.s32 v4, v33;
	[tilespmem:v36+s29+$0x0] =	vst.idx.msk $0xffff, v35;
	v36 =	vbroadcast v22, $0x0;
	v22 =	vld [tilespmem:s1+$0xF0]  }
0x61: {  	v28 =	vshrl.u32 v28, $0x3;
	v55 =	vadd.s32 v6, v37;
	[tilespmem:v42+s29+$0x0] =	vst.idx.msk $0xffff, v18;
	v18 =	vshll.u32 v27, v1;
	v51 =	vld [tilespmem:s1+$0xFFFFFF30]  }
0x62: {  	[tilespmem:v40+s29+$0x0] =	vst.idx.msk $0xffff, v21;
	v21 =	vld [tilespmem:s1+$0xFFFFFFC0];
	v46 =	vbroadcast v19, $0x0;
	v19 =	vshll.u32 v25, v1;
	v25 =	vadd.s32 v13, v36  }
0x63: {  	[tilespmem:v44+s29+$0x0] =	vst.idx.msk $0xffff, v43;
	v48 =	vbroadcast v18, $0x0;
	v54 =	vld [tilespmem:s1+$0xFFFFFF50];
	v40 =	vbroadcast v19, $0x0;
	v19 =	vshll.u32 v26, v1  }
0x64: {  	v18 =	vshll.u32 v28, v1;
	v26 =	vld [tilespmem:s1+$0xFFFFFFE0];
	v57 =	vadd.s32 v15, v46;
	v47 =	vbroadcast v19, $0x0;
	[tilespmem:v24+s29+$0x0] =	vst.idx.msk $0xffff, v20  }
0x65: {  	s20 =	simm.s32 $0x16;
	v29 =	vshrl.u32 v29, $0x3;
	v27 =	vld [tilespmem:s1+$0x0];
	v18 =	vbroadcast v18, $0x0;
	v58 =	vadd.s32 v0, v40;
	[tilespmem:v23+s29+$0x0] =	vst.idx.msk $0xffff, v22  }
0x66: {  	v52 =	vmov s20;
	v28 =	vld [tilespmem:s1+$0x20];
	v19 =	vshll.u32 v29, v1;
	v59 =	vadd.s32 v3, v47;
	[tilespmem:v33+s29+$0x0] =	vst.idx.msk $0xffff, v51  }
0x67: {  	v30 =	vshrl.u32 v30, $0x3;
	v19 =	vbroadcast v19, $0x0;
	v24 =	vld [tilespmem:s1+$0x60];
	[tilespmem:v25+s29+$0x0] =	vst.idx.msk $0xffff, v21;
	v25 =	vadd.s32 v7, v18  }
0x68: {  	v31 =	vshrl.u32 v31, $0x3;
	v20 =	vshll.u32 v30, v1;
	v22 =	vld [tilespmem:s1+$0x40];
	v23 =	vadd.s32 v5, v48;
	[tilespmem:v55+s29+$0x0] =	vst.idx.msk $0xffff, v54  }
0x69: {  	s26 =	simm.s32 $0x1C;
	v39 =	vadd.s32 v8, v39;
	v20 =	vbroadcast v20, $0x0;
	v30 =	vadd.s32 v9, v19;
	[tilespmem:v57+s29+$0x0] =	vst.idx.msk $0xffff, v26;
	v26 =	vld [tilespmem:s1+$0x80]  }
0x6a: {  	v32 =	vmov s26;
	s21 =	simm.s32 $0x17;
	v56 =	vld [tilespmem:s1+$0xFFFFFFB0];
	v21 =	vshll.u32 v31, v1;
	v57 =	vadd.s32 v12, v45;
	[tilespmem:v58+s29+$0x0] =	vst.idx.msk $0xffff, v27  }
0x6b: {  	s23 =	simm.s32 $0x19;
	s24 =	simm.s32 $0x1A;
	v53 =	vmov s21;
	v21 =	vbroadcast v21, $0x0;
	v31 =	vadd.s32 v11, v20;
	v27 =	vld [tilespmem:s1+$0xA0];
	[tilespmem:v59+s29+$0x0] =	vst.idx.msk $0xffff, v28  }
0x6c: {  	v41 =	vadd.s32 v10, v41;
	v34 =	vmov s23;
	v35 =	vmov s24;
	[tilespmem:v25+s29+$0x0] =	vst.idx.msk $0xffff, v24;
	v25 =	vld [tilespmem:s1+$0xFFFFFF70]  }
0x6d: {  	s14 =	simm.s32 $0x10;
	v42 =	vadd.s32 v14, v36;
	v36 =	vshrl.u32 v60, $0x3;
	v28 =	vld [tilespmem:s1+$0xC0];
	v63 =	vadd.s32 v13, v21;
	[tilespmem:v23+s29+$0x0] =	vst.idx.msk $0xffff, v22  }
0x6e: {  	v29 =	vmov s14;
	v43 =	vadd.s32 v16, v46;
	v46 =	vadd.s32 v6, v48;
	[tilespmem:v30+s29+$0x0] =	vst.idx.msk $0xffff, v26;
	v26 =	vld [tilespmem:s1+$0xFFFFFF90]  }
0x6f: {  	s22 =	simm.s32 $0x18;
	s28 =	simm.s32 $0x1D;
	v29 =	vshrl.u32 v29, $0x3;
	v44 =	vadd.s32 v2, v40;
	v33 =	vshrl.u32 v61, $0x3;
	v37 =	vld [tilespmem:s1+$0xFFFFFFD0];
	[tilespmem:v57+s29+$0x0] =	vst.idx.msk $0xffff, v56  }
0x70: {  	s25 =	simm.s32 $0x1B;
	s31 =	simm.s32 $0x1E;
	v45 =	vadd.s32 v4, v47;
	v38 =	vld [tilespmem:s1+$0xFFFFFFF0];
	v22 =	vmov s28;
	v24 =	vmov s22;
	[tilespmem:v31+s29+$0x0] =	vst.idx.msk $0xffff, v27  }
0x71: {  	v23 =	vmov s31;
	v30 =	vmov s25;
	v24 =	vshrl.u32 v24, $0x3;
	[tilespmem:v39+s29+$0x0] =	vst.idx.msk $0xffff, v25;
	v39 =	vld [tilespmem:s1+$0x10]  }
0x72: {  	v40 =	vld [tilespmem:s1+$0x30];
	v31 =	vshll.u32 v29, v1;
	v29 =	vshrl.u32 v62, $0x3;
	v27 =	vshrl.u32 v50, $0x3;
	[tilespmem:v63+s29+$0x0] =	vst.idx.msk $0xffff, v28  }
0x73: {  	s3 =	simm.s32 $0x1F;
	s2 =	simm.s32 $0x20;
	s11 =	sshll.u32 s30, $0x1;
	v28 =	vshrl.u32 v49, $0x3;
	v25 =	vshrl.u32 v52, $0x3;
	[tilespmem:v41+s29+$0x0] =	vst.idx.msk $0xffff, v26;
	v26 =	vshrl.u32 v53, $0x3;
	v41 =	vld [tilespmem:s1+$0x50]  }
.LBB2_3:
0x74: {  	p2 =	slt.u32 s2, $0x1F0;
	v34 =	vshrl.u32 v34, $0x3;
	v47 =	vmov s3;
	[tilespmem:v42+s29+$0x0] =	vst.idx.msk $0xffff, v37;
	v37 =	vld [tilespmem:s1+$0x70];
	v18 =	vadd.s32 v8, v18  }
0x75: {  	v35 =	vshrl.u32 v35, $0x3;
	v19 =	vadd.s32 v10, v19;
	v42 =	vshrl.u32 v47, $0x3;
	[tilespmem:v43+s29+$0x0] =	vst.idx.msk $0xffff, v38;
	v38 =	vld [tilespmem:s1+$0x90]  }
0x76: {  	v30 =	vshrl.u32 v30, $0x3;
	v20 =	vadd.s32 v12, v20;
	v42 =	vshll.u32 v42, v1;
	[tilespmem:v44+s29+$0x0] =	vst.idx.msk $0xffff, v39;
	v39 =	vld [tilespmem:s1+$0xB0]  }
0x77: {  	v32 =	vshrl.u32 v32, $0x3;
	v21 =	vadd.s32 v14, v21;
	v42 =	vbroadcast v42, $0x0;
	[tilespmem:v45+s29+$0x0] =	vst.idx.msk $0xffff, v40;
	v40 =	vld [tilespmem:s1+$0xD0]  }
0x78: {  	v36 =	vshll.u32 v36, v1;
	v44 =	vadd.s32 v2, v17;
	v17 =	vbroadcast v31, $0x0;
	v43 =	vld [tilespmem:s1+$0xFFFFFF10];
	[tilespmem:v46+s29+$0x0] =	vst.idx.msk $0xffff, v41;
	s1 =	sadd.s32 $0x200, s1  }
0x79: {  	v33 =	vshll.u32 v33, v1;
	v31 =	vbroadcast v36, $0x0;
	v36 =	vld [tilespmem:s1+$0xE0];
	v41 =	vadd.s32 v15, v42;
	[tilespmem:v18+s29+$0x0] =	vst.idx.msk $0xffff, v37  }
0x7a: {  	v29 =	vshll.u32 v29, v1;
	v33 =	vbroadcast v33, $0x0;
	v37 =	vadd.s32 v0, v17;
	v18 =	vld [tilespmem:s1+$0xFFFFFF00];
	[tilespmem:v19+s29+$0x0] =	vst.idx.msk $0xffff, v38  }
0x7b: {  	v28 =	vshll.u32 v28, v1;
	v29 =	vbroadcast v29, $0x0;
	v38 =	vadd.s32 v3, v31;
	v19 =	vld [tilespmem:s1+$0xFFFFFF20];
	[tilespmem:v20+s29+$0x0] =	vst.idx.msk $0xffff, v39  }
0x7c: {  	v22 =	vshrl.u32 v22, $0x3;
	v28 =	vbroadcast v28, $0x0;
	v39 =	vadd.s32 v5, v33;
	v20 =	vld [tilespmem:s1+$0xFFFFFF40];
	[tilespmem:v21+s29+$0x0] =	vst.idx.msk $0xffff, v40  }
0x7d: {  	v27 =	vshll.u32 v27, v1;
	v23 =	vshrl.u32 v23, $0x3;
	v40 =	vadd.s32 v7, v29;
	v21 =	vld [tilespmem:s1+$0xFFFFFF60];
	[tilespmem:v44+s29+$0x0] =	vst.idx.msk $0xffff, v43  }
0x7e: {  	v25 =	vshll.u32 v25, v1;
	v27 =	vbroadcast v27, $0x0;
	v44 =	vadd.s32 v9, v28;
	v43 =	vld [tilespmem:s1+$0xFFFFFF80];
	[tilespmem:v41+s29+$0x0] =	vst.idx.msk $0xffff, v36  }
0x7f: {  	v25 =	vbroadcast v25, $0x0;
	v36 =	vadd.s32 v16, v42;
	[tilespmem:v37+s29+$0x0] =	vst.idx.msk $0xffff, v18;
	v18 =	vshll.u32 v26, v1;
	v26 =	vld [tilespmem:s1+$0xF0]  }
0x80: {  	v37 =	vadd.s32 v11, v27;
	[tilespmem:v38+s29+$0x0] =	vst.idx.msk $0xffff, v19;
	v19 =	vld [tilespmem:s1+$0xFFFFFFA0];
	v41 =	vbroadcast v18, $0x0;
	v18 =	vshll.u32 v24, v1  }
0x81: {  	v24 =	vadd.s32 v13, v25;
	[tilespmem:v39+s29+$0x0] =	vst.idx.msk $0xffff, v20;
	v20 =	vld [tilespmem:s1+$0xFFFFFFC0];
	v45 =	vbroadcast v18, $0x0;
	v18 =	vshll.u32 v34, v1  }
0x82: {  	[tilespmem:v40+s29+$0x0] =	vst.idx.msk $0xffff, v21;
	v21 =	vld [tilespmem:s1+$0xFFFFFFE0];
	v34 =	vadd.s32 v15, v41;
	v46 =	vbroadcast v18, $0x0;
	v18 =	vshll.u32 v35, v1  }
0x83: {  	[tilespmem:v44+s29+$0x0] =	vst.idx.msk $0xffff, v43;
	v35 =	vld [tilespmem:s1+$0x0];
	v38 =	vadd.s32 v0, v45;
	v47 =	vbroadcast v18, $0x0;
	v18 =	vshll.u32 v30, v1  }
0x84: {  	v32 =	vshll.u32 v32, v1;
	v30 =	vld [tilespmem:s1+$0x20];
	v39 =	vadd.s32 v3, v46;
	v18 =	vbroadcast v18, $0x0;
	[tilespmem:v36+s29+$0x0] =	vst.idx.msk $0xffff, v26  }
0x85: {  	v22 =	vshll.u32 v22, v1;
	[tilespmem:v37+s29+$0x0] =	vst.idx.msk $0xffff, v19;
	v26 =	vld [tilespmem:s1+$0x40];
	v36 =	vadd.s32 v5, v47;
	v19 =	vbroadcast v32, $0x0  }
0x86: {  	[tilespmem:v24+s29+$0x0] =	vst.idx.msk $0xffff, v20;
	v24 =	vld [tilespmem:s1+$0x60];
	v32 =	vadd.s32 v7, v18;
	v20 =	vbroadcast v22, $0x0;
	v22 =	vshll.u32 v23, v1  }
0x87: {  	s3 =	sadd.s32 $0x1, s2;
	v23 =	vmov s2;
	[tilespmem:v34+s29+$0x0] =	vst.idx.msk $0xffff, v21;
	v37 =	vld [tilespmem:s1+$0x80];
	v40 =	vadd.s32 v9, v19;
	v21 =	vbroadcast v22, $0x0  }
0x88: {  	s4 =	sadd.s32 $0x3, s2;
	v43 =	vmov s3;
	s3 =	sadd.s32 $0x2, s2;
	v23 =	vshrl.u32 v23, $0x3;
	[tilespmem:v38+s29+$0x0] =	vst.idx.msk $0xffff, v35;
	v22 =	vld [tilespmem:s1+$0xA0];
	v38 =	vadd.s32 v11, v20  }
0x89: {  	v48 =	vmov s4;
	s4 =	sadd.s32 $0x5, s2;
	v44 =	vmov s3;
	s3 =	sadd.s32 $0x4, s2;
	[tilespmem:v39+s29+$0x0] =	vst.idx.msk $0xffff, v30;
	v39 =	vld [tilespmem:s1+$0xC0];
	v42 =	vadd.s32 v13, v21  }
0x8a: {  	v50 =	vmov s4;
	s4 =	sadd.s32 $0x7, s2;
	v52 =	vadd.s32 v4, v31;
	v49 =	vmov s3;
	s3 =	sadd.s32 $0x6, s2;
	v51 =	vld [tilespmem:s1+$0xFFFFFF30];
	[tilespmem:v36+s29+$0x0] =	vst.idx.msk $0xffff, v26  }
0x8b: {  	v53 =	vmov s4;
	s4 =	sadd.s32 $0x9, s2;
	v55 =	vadd.s32 v6, v33;
	v26 =	vmov s3;
	s3 =	sadd.s32 $0x8, s2;
	v54 =	vld [tilespmem:s1+$0xFFFFFF50];
	[tilespmem:v32+s29+$0x0] =	vst.idx.msk $0xffff, v24  }
0x8c: {  	v57 =	vadd.s32 v8, v29;
	v34 =	vmov s4;
	s4 =	sadd.s32 $0xB, s2;
	v24 =	vmov s3;
	s3 =	sadd.s32 $0xA, s2;
	v56 =	vld [tilespmem:s1+$0xFFFFFF70];
	[tilespmem:v40+s29+$0x0] =	vst.idx.msk $0xffff, v37  }
0x8d: {  	v58 =	vadd.s32 v10, v28;
	v30 =	vmov s4;
	s4 =	sadd.s32 $0xD, s2;
	v35 =	vmov s3;
	s3 =	sadd.s32 $0xC, s2;
	v40 =	vld [tilespmem:s1+$0xFFFFFF90];
	[tilespmem:v38+s29+$0x0] =	vst.idx.msk $0xffff, v22  }
0x8e: {  	v60 =	vadd.s32 v12, v27;
	v32 =	vmov s3;
	v22 =	vmov s4;
	s3 =	sadd.s32 $0xE, s2;
	v59 =	vld [tilespmem:s1+$0xFFFFFFB0];
	[tilespmem:v42+s29+$0x0] =	vst.idx.msk $0xffff, v39  }
.Ltmp2:
0x8f: {  	v31 =	vshll.u32 v23, v1;
	v23 =	vmov s3;
	v42 =	vadd.s32 v14, v25;
	[tilespmem:v52+s29+$0x0] =	vst.idx.msk $0xffff, v51;
	v37 =	vld [tilespmem:s1+$0xFFFFFFD0];
	(pc) =	sbr.rel @p2 .LBB2_3-.Ltmp2, $4  }
0x90: {  	v33 =	vshrl.u32 v44, $0x3;
	v36 =	vshrl.u32 v43, $0x3;
	v43 =	vadd.s32 v16, v41;
	[tilespmem:v55+s29+$0x0] =	vst.idx.msk $0xffff, v54;
	v38 =	vld [tilespmem:s1+$0xFFFFFFF0]  }
0x91: {  	v29 =	vshrl.u32 v48, $0x3;
	v44 =	vadd.s32 v2, v45;
	v28 =	vshrl.u32 v49, $0x3;
	[tilespmem:v57+s29+$0x0] =	vst.idx.msk $0xffff, v56;
	v39 =	vld [tilespmem:s1+$0x10]  }
0x92: {  	v27 =	vshrl.u32 v50, $0x3;
	v45 =	vadd.s32 v4, v46;
	v25 =	vshrl.u32 v26, $0x3;
	[tilespmem:v58+s29+$0x0] =	vst.idx.msk $0xffff, v40;
	v40 =	vld [tilespmem:s1+$0x30]  }
0x93: {  	v46 =	vadd.s32 v6, v47;
	v24 =	vshrl.u32 v24, $0x3;
	v26 =	vshrl.u32 v53, $0x3;
	s3 =	sadd.s32 $0xF, s2;
	s2 =	sadd.s32 $0x10, s2;
	[tilespmem:v60+s29+$0x0] =	vst.idx.msk $0xffff, v59;
	v41 =	vld [tilespmem:s1+$0x50]  }
0x94: {  	_ =	sdelay $0x3  }
0x95: {  	v47 =	vmov s3;
	[tilespmem:v42+s29+$0x0] =	vst.idx.msk $0xffff, v37;
	v61 =	vld [tilespmem:s1+$0x70];
	v62 =	vadd.s32 v8, v18  }
0x96: {  	v63 =	vld [tilespmem:s1+$0x90];
	v19 =	vadd.s32 v10, v19;
	v20 =	vadd.s32 v12, v20;
	v18 =	vshrl.u32 v47, $0x3;
	[tilespmem:v43+s29+$0x0] =	vst.idx.msk $0xffff, v38  }
0x97: {  	v34 =	vshrl.u32 v34, $0x3;
	v48 =	vld [tilespmem:s1+$0xB0];
	v21 =	vadd.s32 v14, v21;
	v18 =	vshll.u32 v18, v1;
	[tilespmem:v44+s29+$0x0] =	vst.idx.msk $0xffff, v39  }
0x98: {  	v50 =	vld [tilespmem:s1+$0xD0];
	v51 =	vshll.u32 v36, v1;
	v17 =	vadd.s32 v2, v17;
	v49 =	vbroadcast v18, $0x0;
	[tilespmem:v45+s29+$0x0] =	vst.idx.msk $0xffff, v40  }
0x99: {  	v52 =	vld [tilespmem:s1+$0xFFFFFF10];
	s21 =	sadd.s32 $0x200, s1;
	v33 =	vshll.u32 v33, v1;
	v29 =	vshll.u32 v29, v1;
	v18 =	vbroadcast v31, $0x0;
	[tilespmem:v46+s29+$0x0] =	vst.idx.msk $0xffff, v41  }
0x9a: {  	v28 =	vshll.u32 v28, v1;
	v53 =	vld [tilespmem:s21+$0xE0];
	v31 =	vbroadcast v51, $0x0;
	v54 =	vadd.s32 v15, v49;
	[tilespmem:v62+s29+$0x0] =	vst.idx.msk $0xffff, v61  }
0x9b: {  	v27 =	vshll.u32 v27, v1;
	v55 =	vld [tilespmem:s21+$0xFFFFFF00];
	v33 =	vbroadcast v33, $0x0;
	v56 =	vadd.s32 v0, v18;
	[tilespmem:v19+s29+$0x0] =	vst.idx.msk $0xffff, v63  }
0x9c: {  	v23 =	vshrl.u32 v23, $0x3;
	v29 =	vbroadcast v29, $0x0;
	v19 =	vld [tilespmem:s21+$0xFFFFFF20];
	v57 =	vadd.s32 v3, v31;
	[tilespmem:v20+s29+$0x0] =	vst.idx.msk $0xffff, v48  }
0x9d: {  	v28 =	vbroadcast v28, $0x0;
	v34 =	vshll.u32 v34, v1;
	v58 =	vadd.s32 v5, v33;
	v20 =	vld [tilespmem:s21+$0xFFFFFF40];
	[tilespmem:v21+s29+$0x0] =	vst.idx.msk $0xffff, v50  }
0x9e: {  	v25 =	vshll.u32 v25, v1;
	v34 =	vbroadcast v34, $0x0;
	v59 =	vadd.s32 v7, v29;
	v21 =	vld [tilespmem:s21+$0xFFFFFF60];
	[tilespmem:v17+s29+$0x0] =	vst.idx.msk $0xffff, v52  }
0x9f: {  	v26 =	vshll.u32 v26, v1;
	v27 =	vbroadcast v27, $0x0;
	v60 =	vadd.s32 v9, v28;
	v17 =	vld [tilespmem:s21+$0xFFFFFF80];
	[tilespmem:v54+s29+$0x0] =	vst.idx.msk $0xffff, v53  }
0xa0: {  	v25 =	vbroadcast v25, $0x0;
	v62 =	vadd.s32 v16, v49;
	v48 =	vld [tilespmem:s21+$0x20];
	v49 =	vadd.s32 v3, v34;
	[tilespmem:v56+s29+$0x0] =	vst.idx.msk $0xffff, v55  }
0xa1: {  	v24 =	vshll.u32 v24, v1;
	v26 =	vbroadcast v26, $0x0;
	v63 =	vadd.s32 v11, v27;
	[tilespmem:v57+s29+$0x0] =	vst.idx.msk $0xffff, v19;
	v19 =	vld [tilespmem:s21+$0xFFFFFFA0]  }
0xa2: {  	v24 =	vbroadcast v24, $0x0;
	v23 =	vshll.u32 v23, v1;
	v45 =	vadd.s32 v13, v25;
	[tilespmem:v58+s29+$0x0] =	vst.idx.msk $0xffff, v20;
	v20 =	vld [tilespmem:s21+$0xFFFFFFC0]  }
0xa3: {  	v23 =	vbroadcast v23, $0x0;
	v46 =	vadd.s32 v15, v26;
	[tilespmem:v59+s29+$0x0] =	vst.idx.msk $0xffff, v21;
	v21 =	vld [tilespmem:s21+$0xFFFFFFE0]  }
0xa4: {  	v35 =	vshrl.u32 v35, $0x3;
	v30 =	vshrl.u32 v30, $0x3;
	v47 =	vadd.s32 v0, v24;
	[tilespmem:v60+s29+$0x0] =	vst.idx.msk $0xffff, v17;
	v17 =	vld [tilespmem:s21+$0x0]  }
0xa5: {  	v32 =	vshrl.u32 v32, $0x3;
	v35 =	vshll.u32 v35, v1;
	[tilespmem:v49+s29+$0x0] =	vst.idx.msk $0xffff, v48;
	v54 =	vld [tilespmem:s21+$0xC0];
	v55 =	vadd.s32 v13, v23  }
0xa6: {  	v22 =	vshrl.u32 v22, $0x3;
	v30 =	vshll.u32 v30, v1;
	v35 =	vbroadcast v35, $0x0;
	v61 =	vld [tilespmem:s21+$0xF0];
	[tilespmem:v63+s29+$0x0] =	vst.idx.msk $0xffff, v19  }
0xa7: {  	v32 =	vshll.u32 v32, v1;
	v30 =	vbroadcast v30, $0x0;
	v31 =	vadd.s32 v4, v31;
	v56 =	vld [tilespmem:s21+$0xFFFFFF30];
	[tilespmem:v45+s29+$0x0] =	vst.idx.msk $0xffff, v20  }
0xa8: {  	v22 =	vshll.u32 v22, v1;
	v32 =	vbroadcast v32, $0x0;
	v50 =	vadd.s32 v5, v35;
	v19 =	vld [tilespmem:s21+$0x40];
	[tilespmem:v46+s29+$0x0] =	vst.idx.msk $0xffff, v21  }
0xa9: {  	v22 =	vbroadcast v22, $0x0;
	v51 =	vadd.s32 v7, v30;
	v20 =	vld [tilespmem:s21+$0x60];
	[tilespmem:v47+s29+$0x0] =	vst.idx.msk $0xffff, v17  }
0xaa: {  	v52 =	vadd.s32 v9, v32;
	v21 =	vld [tilespmem:s21+$0x80];
	[tilespmem:v55+s29+$0x0] =	vst.idx.msk $0xffff, v54  }
0xab: {  	v53 =	vadd.s32 v11, v22;
	v17 =	vld [tilespmem:s21+$0xA0];
	[tilespmem:v62+s29+$0x0] =	vst.idx.msk $0xffff, v61  }
0xac: {  	v18 =	vadd.s32 v2, v18;
	v63 =	vld [tilespmem:s21+$0xFFFFFF10];
	[tilespmem:v31+s29+$0x0] =	vst.idx.msk $0xffff, v56  }
0xad: {  	v33 =	vadd.s32 v6, v33;
	[tilespmem:v50+s29+$0x0] =	vst.idx.msk $0xffff, v19;
	v19 =	vld [tilespmem:s21+$0xFFFFFF50]  }
0xae: {  	v29 =	vadd.s32 v8, v29;
	[tilespmem:v51+s29+$0x0] =	vst.idx.msk $0xffff, v20;
	v20 =	vld [tilespmem:s21+$0xFFFFFF70]  }
0xaf: {  	v28 =	vadd.s32 v10, v28;
	[tilespmem:v52+s29+$0x0] =	vst.idx.msk $0xffff, v21;
	v21 =	vld [tilespmem:s21+$0xFFFFFF90]  }
0xb0: {  	v25 =	vadd.s32 v14, v25;
	v57 =	vld [tilespmem:s21+$0xFFFFFFD0];
	[tilespmem:v53+s29+$0x0] =	vst.idx.msk $0xffff, v17  }
0xb1: {  	v27 =	vadd.s32 v12, v27;
	v17 =	vld [tilespmem:s21+$0xFFFFFFB0];
	[tilespmem:v18+s29+$0x0] =	vst.idx.msk $0xffff, v63  }
0xb2: {  	v26 =	vadd.s32 v16, v26;
	[tilespmem:v33+s29+$0x0] =	vst.idx.msk $0xffff, v19;
	v19 =	vld [tilespmem:s21+$0xFFFFFFF0]  }
0xb3: {  	v24 =	vadd.s32 v2, v24;
	[tilespmem:v29+s29+$0x0] =	vst.idx.msk $0xffff, v20;
	v20 =	vld [tilespmem:s21+$0x10]  }
0xb4: {  	v58 =	vadd.s32 v4, v34;
	[tilespmem:v28+s29+$0x0] =	vst.idx.msk $0xffff, v21;
	v21 =	vld [tilespmem:s21+$0x30]  }
0xb5: {  	v61 =	vadd.s32 v8, v30;
	[tilespmem:v25+s29+$0x0] =	vst.idx.msk $0xffff, v57;
	v60 =	vld [tilespmem:s21+$0x70]  }
0xb6: {  	v59 =	vadd.s32 v6, v35;
	[tilespmem:v27+s29+$0x0] =	vst.idx.msk $0xffff, v17;
	v17 =	vld [tilespmem:s21+$0x50]  }
0xb7: {  	v62 =	vadd.s32 v10, v32;
	[tilespmem:v26+s29+$0x0] =	vst.idx.msk $0xffff, v19;
	v19 =	vld [tilespmem:s21+$0x90]  }
0xb8: {  	v22 =	vadd.s32 v12, v22;
	[tilespmem:v24+s29+$0x0] =	vst.idx.msk $0xffff, v20;
	v20 =	vld [tilespmem:s21+$0xB0]  }
0xb9: {  	v23 =	vadd.s32 v14, v23;
	[tilespmem:v58+s29+$0x0] =	vst.idx.msk $0xffff, v21;
	v21 =	vld [tilespmem:s21+$0xD0]  }
0xba: {  	[tilespmem:v61+s29+$0x0] =	vst.idx.msk $0xffff, v60  }
0xbb: {  	s22 =	simm.s32 $0x0;
	[tilespmem:v59+s29+$0x0] =	vst.idx.msk $0xffff, v17  }
0xbc: {  	s19 =	sand.u32 $0x40, s0;
	s23 =	sand.u32 $0x3FFFFF80, s22;
	[tilespmem:v62+s29+$0x0] =	vst.idx.msk $0xffff, v19  }
0xbd: {  	s25 =	sor.u32 $0x30, s19;
	s0 =	sadd.s32 $0x10400, s23;
	[tilespmem:v22+s29+$0x0] =	vst.idx.msk $0xffff, v20  }
0xbe: {  	s7 =	sor.u32 s25, s0;
	[tilespmem:v23+s29+$0x0] =	vst.idx.msk $0xffff, v21  }
0xbf: {  	s13 =	sor.u32 $0x10, s19;
	s23 =	sor.u32 s19, s0;
	v17 =	vld [tilespmem:s7+$0x0]  }
0xc0: {  	s24 =	simm.s32 $0x0;
	s22 =	sor.u32 $0x20, s19;
	s3 =	sor.u32 s13, s0;
	v18 =	vld [tilespmem:s23+$0x0]  }
0xc1: {  	s8 =	sand.u32 $0x3FFFFC00, s24;
	s28 =	sor.u32 s22, s0;
	v19 =	vld [tilespmem:s3+$0x0]  }
0xc2: {  	s26 =	sadd.s32 $0x8400, s8;
	v20 =	vld [tilespmem:s28+$0x0]  }
0xc3: {  	s31 =	sor.u32 s25, s26  }
0xc4: {  	s2 =	sor.u32 s19, s26;
	[tilespmem:s31+$0x0] =	vst v17  }
0xc5: {  	s4 =	sor.u32 s13, s26;
	[tilespmem:s2+$0x0] =	vst v18;
	v17 =	vld [tilespmem:s7+$0x208]  }
0xc6: {  	s0 =	sor.u32 s22, s26;
	[tilespmem:s4+$0x0] =	vst v19;
	v18 =	vld [tilespmem:s23+$0x208]  }
0xc7: {  	[tilespmem:s0+$0x0] =	vst v20;
	v19 =	vld [tilespmem:s3+$0x208]  }
0xc8: {  	v20 =	vld [tilespmem:s28+$0x208];
	_ =	sdelay $0x1  }
0xc9: {  	[tilespmem:s31+$0x80] =	vst v17  }
0xca: {  	[tilespmem:s2+$0x80] =	vst v18;
	v17 =	vld [tilespmem:s7+$0x410]  }
0xcb: {  	[tilespmem:s4+$0x80] =	vst v19;
	v18 =	vld [tilespmem:s23+$0x410]  }
0xcc: {  	[tilespmem:s0+$0x80] =	vst v20;
	v19 =	vld [tilespmem:s3+$0x410]  }
0xcd: {  	v20 =	vld [tilespmem:s28+$0x410];
	_ =	sdelay $0x1  }
0xce: {  	[tilespmem:s31+$0x100] =	vst v17  }
0xcf: {  	[tilespmem:s2+$0x100] =	vst v18;
	v17 =	vld [tilespmem:s7+$0x618]  }
0xd0: {  	[tilespmem:s4+$0x100] =	vst v19;
	v18 =	vld [tilespmem:s23+$0x618]  }
0xd1: {  	[tilespmem:s0+$0x100] =	vst v20;
	v19 =	vld [tilespmem:s3+$0x618]  }
0xd2: {  	v20 =	vld [tilespmem:s28+$0x618];
	_ =	sdelay $0x1  }
0xd3: {  	[tilespmem:s31+$0x180] =	vst v17  }
0xd4: {  	[tilespmem:s2+$0x180] =	vst v18;
	v17 =	vld [tilespmem:s7+$0x820]  }
0xd5: {  	[tilespmem:s4+$0x180] =	vst v19;
	v18 =	vld [tilespmem:s23+$0x820]  }
0xd6: {  	[tilespmem:s0+$0x180] =	vst v20;
	v19 =	vld [tilespmem:s3+$0x820]  }
0xd7: {  	v20 =	vld [tilespmem:s28+$0x820];
	_ =	sdelay $0x1  }
0xd8: {  	[tilespmem:s31+$0x200] =	vst v17  }
0xd9: {  	[tilespmem:s2+$0x200] =	vst v18;
	v17 =	vld [tilespmem:s7+$0xA28]  }
0xda: {  	[tilespmem:s4+$0x200] =	vst v19;
	v18 =	vld [tilespmem:s23+$0xA28]  }
0xdb: {  	[tilespmem:s0+$0x200] =	vst v20;
	v19 =	vld [tilespmem:s3+$0xA28]  }
0xdc: {  	v20 =	vld [tilespmem:s28+$0xA28];
	_ =	sdelay $0x1  }
0xdd: {  	[tilespmem:s31+$0x280] =	vst v17  }
0xde: {  	[tilespmem:s2+$0x280] =	vst v18;
	v17 =	vld [tilespmem:s7+$0xC30]  }
0xdf: {  	[tilespmem:s4+$0x280] =	vst v19;
	v18 =	vld [tilespmem:s23+$0xC30]  }
0xe0: {  	[tilespmem:s0+$0x280] =	vst v20;
	v19 =	vld [tilespmem:s3+$0xC30]  }
0xe1: {  	v20 =	vld [tilespmem:s28+$0xC30];
	_ =	sdelay $0x1  }
0xe2: {  	[tilespmem:s31+$0x300] =	vst v17  }
0xe3: {  	[tilespmem:s2+$0x300] =	vst v18;
	v17 =	vld [tilespmem:s7+$0xE38]  }
0xe4: {  	[tilespmem:s4+$0x300] =	vst v19;
	v18 =	vld [tilespmem:s23+$0xE38]  }
0xe5: {  	[tilespmem:s0+$0x300] =	vst v20;
	v19 =	vld [tilespmem:s3+$0xE38]  }
0xe6: {  	v20 =	vld [tilespmem:s28+$0xE38];
	_ =	sdelay $0x1  }
0xe7: {  	[tilespmem:s31+$0x380] =	vst v17  }
0xe8: {  	[tilespmem:s2+$0x380] =	vst v18;
	v17 =	vld [tilespmem:s7+$0x1040]  }
0xe9: {  	[tilespmem:s4+$0x380] =	vst v19;
	v18 =	vld [tilespmem:s23+$0x1040]  }
0xea: {  	[tilespmem:s0+$0x380] =	vst v20;
	v19 =	vld [tilespmem:s3+$0x1040]  }
0xeb: {  	s4 =	sadd.s32 $0x9400, s8;
	v20 =	vld [tilespmem:s28+$0x1040]  }
0xec: {  	s5 =	sor.u32 s25, s4  }
0xed: {  	s6 =	sor.u32 s19, s4;
	[tilespmem:s5+$0x0] =	vst v17  }
0xee: {  	s9 =	sor.u32 s13, s4;
	[tilespmem:s6+$0x0] =	vst v18;
	v17 =	vld [tilespmem:s7+$0x1248]  }
0xef: {  	s0 =	sor.u32 s22, s4;
	[tilespmem:s9+$0x0] =	vst v19;
	v18 =	vld [tilespmem:s23+$0x1248]  }
0xf0: {  	[tilespmem:s0+$0x0] =	vst v20;
	v19 =	vld [tilespmem:s3+$0x1248]  }
0xf1: {  	s10 =	sadd.s32 $0x9480, s8;
	v20 =	vld [tilespmem:s28+$0x1248]  }
0xf2: {  	s12 =	sor.u32 s25, s10  }
0xf3: {  	s14 =	sor.u32 s19, s10;
	[tilespmem:s12+$0x0] =	vst v17  }
0xf4: {  	s15 =	sor.u32 s13, s10;
	[tilespmem:s14+$0x0] =	vst v18;
	v17 =	vld [tilespmem:s7+$0x1450]  }
0xf5: {  	s0 =	sor.u32 s22, s10;
	[tilespmem:s15+$0x0] =	vst v19;
	v18 =	vld [tilespmem:s23+$0x1450]  }
0xf6: {  	[tilespmem:s0+$0x0] =	vst v20;
	v19 =	vld [tilespmem:s3+$0x1450]  }
0xf7: {  	s16 =	sadd.s32 $0x9500, s8;
	v20 =	vld [tilespmem:s28+$0x1450]  }
0xf8: {  	s17 =	sor.u32 s25, s16  }
0xf9: {  	s18 =	sor.u32 s19, s16;
	[tilespmem:s17+$0x0] =	vst v17  }
0xfa: {  	s20 =	sor.u32 s13, s16;
	[tilespmem:s18+$0x0] =	vst v18;
	v17 =	vld [tilespmem:s7+$0x1658]  }
0xfb: {  	s0 =	sor.u32 s22, s16;
	[tilespmem:s20+$0x0] =	vst v19;
	v18 =	vld [tilespmem:s23+$0x1658]  }
0xfc: {  	[tilespmem:s0+$0x0] =	vst v20;
	v19 =	vld [tilespmem:s3+$0x1658]  }
0xfd: {  	s21 =	sadd.s32 $0x9580, s8;
	v20 =	vld [tilespmem:s28+$0x1658]  }
0xfe: {  	s24 =	sor.u32 s25, s21  }
0xff: {  	s26 =	sor.u32 s19, s21;
	[tilespmem:s24+$0x0] =	vst v17  }
0x100: {  	s31 =	sor.u32 s13, s21;
	[tilespmem:s26+$0x0] =	vst v18;
	v17 =	vld [tilespmem:s7+$0x1860]  }
0x101: {  	s0 =	sor.u32 s22, s21;
	[tilespmem:s31+$0x0] =	vst v19;
	v18 =	vld [tilespmem:s23+$0x1860]  }
0x102: {  	[tilespmem:s0+$0x0] =	vst v20;
	v19 =	vld [tilespmem:s3+$0x1860]  }
0x103: {  	s4 =	sadd.s32 $0x9600, s8;
	v20 =	vld [tilespmem:s28+$0x1860]  }
0x104: {  	s5 =	sor.u32 s25, s4  }
0x105: {  	s6 =	sor.u32 s19, s4;
	[tilespmem:s5+$0x0] =	vst v17  }
0x106: {  	s9 =	sor.u32 s13, s4;
	[tilespmem:s6+$0x0] =	vst v18;
	v17 =	vld [tilespmem:s7+$0x1A68]  }
0x107: {  	s0 =	sor.u32 s22, s4;
	[tilespmem:s9+$0x0] =	vst v19;
	v18 =	vld [tilespmem:s23+$0x1A68]  }
0x108: {  	[tilespmem:s0+$0x0] =	vst v20;
	v19 =	vld [tilespmem:s3+$0x1A68]  }
0x109: {  	s10 =	sadd.s32 $0x9680, s8;
	v20 =	vld [tilespmem:s28+$0x1A68]  }
0x10a: {  	s12 =	sor.u32 s25, s10  }
0x10b: {  	s14 =	sor.u32 s19, s10;
	[tilespmem:s12+$0x0] =	vst v17  }
0x10c: {  	s15 =	sor.u32 s13, s10;
	[tilespmem:s14+$0x0] =	vst v18;
	v17 =	vld [tilespmem:s7+$0x1C70]  }
0x10d: {  	s0 =	sor.u32 s22, s10;
	[tilespmem:s15+$0x0] =	vst v19;
	v18 =	vld [tilespmem:s23+$0x1C70]  }
0x10e: {  	[tilespmem:s0+$0x0] =	vst v20;
	v19 =	vld [tilespmem:s3+$0x1C70]  }
0x10f: {  	s16 =	sadd.s32 $0x9700, s8;
	v20 =	vld [tilespmem:s28+$0x1C70]  }
0x110: {  	s17 =	sor.u32 s25, s16  }
0x111: {  	s18 =	sor.u32 s19, s16;
	[tilespmem:s17+$0x0] =	vst v17  }
0x112: {  	s20 =	sor.u32 s13, s16;
	[tilespmem:s18+$0x0] =	vst v18;
	v17 =	vld [tilespmem:s7+$0x1E78]  }
0x113: {  	s0 =	sor.u32 s22, s16;
	[tilespmem:s20+$0x0] =	vst v19;
	v18 =	vld [tilespmem:s23+$0x1E78]  }
0x114: {  	[tilespmem:s0+$0x0] =	vst v20;
	v19 =	vld [tilespmem:s3+$0x1E78]  }
0x115: {  	s21 =	sadd.s32 $0x9780, s8;
	v20 =	vld [tilespmem:s28+$0x1E78]  }
0x116: {  	s24 =	sor.u32 s25, s21  }
0x117: {  	s26 =	sor.u32 s19, s21;
	[tilespmem:s24+$0x0] =	vst v17  }
0x118: {  	s31 =	sor.u32 s13, s21;
	[tilespmem:s26+$0x0] =	vst v18;
	v17 =	vld [tilespmem:s7+$0x2080]  }
0x119: {  	s0 =	sor.u32 s22, s21;
	[tilespmem:s31+$0x0] =	vst v19;
	v18 =	vld [tilespmem:s23+$0x2080]  }
0x11a: {  	[tilespmem:s0+$0x0] =	vst v20;
	v19 =	vld [tilespmem:s3+$0x2080]  }
0x11b: {  	s4 =	sadd.s32 $0xA400, s8;
	v20 =	vld [tilespmem:s28+$0x2080]  }
0x11c: {  	s5 =	sor.u32 s25, s4  }
0x11d: {  	s6 =	sor.u32 s19, s4;
	[tilespmem:s5+$0x0] =	vst v17  }
0x11e: {  	s9 =	sor.u32 s13, s4;
	[tilespmem:s6+$0x0] =	vst v18;
	v17 =	vld [tilespmem:s7+$0x2288]  }
0x11f: {  	s0 =	sor.u32 s22, s4;
	[tilespmem:s9+$0x0] =	vst v19;
	v18 =	vld [tilespmem:s23+$0x2288]  }
0x120: {  	[tilespmem:s0+$0x0] =	vst v20;
	v19 =	vld [tilespmem:s3+$0x2288]  }
0x121: {  	s10 =	sadd.s32 $0xA480, s8;
	v20 =	vld [tilespmem:s28+$0x2288]  }
0x122: {  	s12 =	sor.u32 s25, s10  }
0x123: {  	s14 =	sor.u32 s19, s10;
	[tilespmem:s12+$0x0] =	vst v17  }
0x124: {  	s15 =	sor.u32 s13, s10;
	[tilespmem:s14+$0x0] =	vst v18;
	v17 =	vld [tilespmem:s7+$0x2490]  }
0x125: {  	s0 =	sor.u32 s22, s10;
	[tilespmem:s15+$0x0] =	vst v19;
	v18 =	vld [tilespmem:s23+$0x2490]  }
0x126: {  	[tilespmem:s0+$0x0] =	vst v20;
	v19 =	vld [tilespmem:s3+$0x2490]  }
0x127: {  	s16 =	sadd.s32 $0xA500, s8;
	v20 =	vld [tilespmem:s28+$0x2490]  }
0x128: {  	s17 =	sor.u32 s25, s16  }
0x129: {  	s18 =	sor.u32 s19, s16;
	[tilespmem:s17+$0x0] =	vst v17  }
0x12a: {  	s20 =	sor.u32 s13, s16;
	[tilespmem:s18+$0x0] =	vst v18;
	v17 =	vld [tilespmem:s7+$0x2698]  }
0x12b: {  	s0 =	sor.u32 s22, s16;
	[tilespmem:s20+$0x0] =	vst v19;
	v18 =	vld [tilespmem:s23+$0x2698]  }
0x12c: {  	[tilespmem:s0+$0x0] =	vst v20;
	v19 =	vld [tilespmem:s3+$0x2698]  }
0x12d: {  	s21 =	sadd.s32 $0xA580, s8;
	v20 =	vld [tilespmem:s28+$0x2698]  }
0x12e: {  	p4 =	por $0x1, $0x1;
	s24 =	sor.u32 s25, s21  }
.Ltmp3:
0x12f: {  	s26 =	sor.u32 s19, s21;
	[tilespmem:s24+$0x0] =	vst v17;
	(pc) =	sbr.rel @!p4 .LBB2_5-.Ltmp3, $4  }
0x130: {  	s31 =	sor.u32 s13, s21;
	[tilespmem:s26+$0x0] =	vst v18  }
0x131: {  	s0 =	sor.u32 s22, s21;
	[tilespmem:s31+$0x0] =	vst v19;
	v22 =	vld [tilespmem:s7+$0x28A0]  }
0x132: {  	[tilespmem:s0+$0x0] =	vst v20;
	v23 =	vld [tilespmem:s23+$0x28A0]  }
0x133: {  	p2 =	por $0x0, $0x0;
	p3 =	por $0x0, $0x0;
	v21 =	vld [tilespmem:s3+$0x28A0];
	[smem:$0x7F0] =	sst s30  }
0x134: {  	s0 =	sadd.s32 $0xA600, s8  }
0x135: {  	[smem:$0x7EF] =	sst s11;
	s1 =	simm.s32 $0x40;
	s2 =	sor.u32 s25, s0  }
0x136: {  	s4 =	simm.s32 $0x40;
	v17 =	vld [tilespmem:s28+$0x28A0];
	s1 =	sand.u32 $0x3FFFFF80, s1;
	s6 =	sor.u32 s19, s0;
	[tilespmem:s2+$0x0] =	vst v22  }
0x137: {  	s10 =	simm.s32 $0x200;
	s11 =	sand.u32 $0x40, s4;
	s1 =	sadd.s32 $0x10400, s1;
	[tilespmem:s6+$0x0] =	vst v23;
	v18 =	vld [tilespmem:s7+$0x2AA8]  }
0x138: {  	s5 =	sadd.s32 $0xA680, s8;
	s15 =	sor.u32 $0x30, s11;
	s14 =	sor.u32 s11, s1;
	v19 =	vld [tilespmem:s23+$0x2AA8]  }
0x139: {  	s9 =	sor.u32 s13, s0;
	s16 =	sor.u32 $0x10, s11;
	s17 =	sor.u32 s15, s1;
	v22 =	vld [tilespmem:s14+$0x0]  }
0x13a: {  	s18 =	sor.u32 s22, s0;
	s12 =	sor.u32 $0x20, s11;
	s31 =	sor.u32 s16, s1;
	v20 =	vld [tilespmem:s17+$0x0];
	[tilespmem:s9+$0x0] =	vst v21  }
0x13b: {  	s20 =	sand.u32 $0x3FFFFC00, s10;
	s21 =	sor.u32 s25, s5;
	s24 =	sor.u32 s12, s1;
	v21 =	vld [tilespmem:s31+$0x0];
	[tilespmem:s18+$0x0] =	vst v17  }
0x13c: {  	s26 =	sor.u32 s19, s5;
	s4 =	sadd.s32 $0x8400, s20;
	v17 =	vld [tilespmem:s24+$0x0];
	[tilespmem:s21+$0x0] =	vst v18  }
0x13d: {  	s2 =	sor.u32 s11, s4;
	[tilespmem:s26+$0x0] =	vst v19;
	v18 =	vld [tilespmem:s7+$0x2CB0]  }
0x13e: {  	s1 =	sor.u32 s15, s4;
	v19 =	vld [tilespmem:s3+$0x2AA8];
	[tilespmem:s2+$0x0] =	vst v22  }
0x13f: {  	s6 =	sor.u32 s16, s4;
	[tilespmem:s1+$0x0] =	vst v20;
	v22 =	vld [tilespmem:s14+$0x208]  }
0x140: {  	s21 =	sor.u32 s12, s4;
	s4 =	sadd.s32 $0xA700, s8;
	[tilespmem:s6+$0x0] =	vst v21;
	v20 =	vld [tilespmem:s17+$0x208]  }
0x141: {  	s0 =	sor.u32 s25, s4;
	v21 =	vld [tilespmem:s31+$0x208];
	[tilespmem:s21+$0x0] =	vst v17  }
0x142: {  	s10 =	smov.u32 s7;
	s9 =	sor.u32 s13, s5;
	v17 =	vld [tilespmem:s24+$0x208];
	[tilespmem:s0+$0x0] =	vst v18  }
0x143: {  	[tilespmem:s9+$0x0] =	vst v19;
	v18 =	vld [tilespmem:s10+$0x2EB8]  }
0x144: {  	v19 =	vld [tilespmem:s28+$0x2AA8];
	[tilespmem:s2+$0x80] =	vst v22  }
0x145: {  	s26 =	smov.u32 s8;
	[tilespmem:s1+$0x80] =	vst v20;
	v22 =	vld [tilespmem:s14+$0x410]  }
0x146: {  	s0 =	smov.u32 s23;
	s23 =	sadd.s32 $0xA780, s26;
	[tilespmem:s6+$0x80] =	vst v21;
	v20 =	vld [tilespmem:s17+$0x410]  }
0x147: {  	s18 =	sor.u32 s25, s23;
	v21 =	vld [tilespmem:s31+$0x410];
	[tilespmem:s21+$0x80] =	vst v17  }
0x148: {  	s5 =	sor.u32 s22, s5;
	v17 =	vld [tilespmem:s24+$0x410];
	[tilespmem:s18+$0x0] =	vst v18  }
0x149: {  	[tilespmem:s5+$0x0] =	vst v19;
	v18 =	vld [tilespmem:s10+$0x30C0]  }
0x14a: {  	v19 =	vld [tilespmem:s0+$0x2CB0];
	[tilespmem:s2+$0x100] =	vst v22  }
0x14b: {  	[tilespmem:s1+$0x100] =	vst v20;
	v22 =	vld [tilespmem:s14+$0x618]  }
0x14c: {  	s18 =	sadd.s32 $0xB400, s26;
	[tilespmem:s6+$0x100] =	vst v21;
	v20 =	vld [tilespmem:s17+$0x618]  }
0x14d: {  	s8 =	sor.u32 s25, s18;
	v21 =	vld [tilespmem:s31+$0x618];
	[tilespmem:s21+$0x100] =	vst v17  }
0x14e: {  	s9 =	sor.u32 s19, s4;
	v17 =	vld [tilespmem:s24+$0x618];
	[tilespmem:s8+$0x0] =	vst v18  }
0x14f: {  	[tilespmem:s9+$0x0] =	vst v19;
	v18 =	vld [tilespmem:s10+$0x32C8]  }
0x150: {  	v19 =	vld [tilespmem:s3+$0x2CB0];
	[tilespmem:s2+$0x180] =	vst v22  }
0x151: {  	[tilespmem:s1+$0x180] =	vst v20;
	v22 =	vld [tilespmem:s14+$0x820]  }
0x152: {  	s9 =	sadd.s32 $0xB480, s26;
	[tilespmem:s6+$0x180] =	vst v21;
	v20 =	vld [tilespmem:s17+$0x820]  }
0x153: {  	s7 =	sor.u32 s25, s9;
	v21 =	vld [tilespmem:s31+$0x820];
	[tilespmem:s21+$0x180] =	vst v17  }
0x154: {  	s8 =	sor.u32 s13, s4;
	v17 =	vld [tilespmem:s24+$0x820];
	[tilespmem:s7+$0x0] =	vst v18  }
0x155: {  	[tilespmem:s8+$0x0] =	vst v19;
	v18 =	vld [tilespmem:s10+$0x34D0]  }
0x156: {  	v19 =	vld [tilespmem:s28+$0x2CB0];
	[tilespmem:s2+$0x200] =	vst v22  }
0x157: {  	[tilespmem:s1+$0x200] =	vst v20;
	v22 =	vld [tilespmem:s14+$0xA28]  }
0x158: {  	s8 =	sadd.s32 $0xB500, s26;
	[tilespmem:s6+$0x200] =	vst v21;
	v20 =	vld [tilespmem:s17+$0xA28]  }
0x159: {  	s7 =	sor.u32 s25, s8;
	v21 =	vld [tilespmem:s31+$0xA28];
	[tilespmem:s21+$0x200] =	vst v17  }
0x15a: {  	s4 =	sor.u32 s22, s4;
	v17 =	vld [tilespmem:s24+$0xA28];
	[tilespmem:s7+$0x0] =	vst v18  }
0x15b: {  	[tilespmem:s4+$0x0] =	vst v19;
	v18 =	vld [tilespmem:s10+$0x36D8]  }
0x15c: {  	v19 =	vld [tilespmem:s0+$0x2EB8];
	[tilespmem:s2+$0x280] =	vst v22  }
0x15d: {  	[tilespmem:s1+$0x280] =	vst v20;
	v22 =	vld [tilespmem:s14+$0xC30]  }
0x15e: {  	s7 =	sadd.s32 $0xB580, s26;
	[tilespmem:s6+$0x280] =	vst v21;
	v20 =	vld [tilespmem:s17+$0xC30]  }
0x15f: {  	s5 =	sor.u32 s25, s7;
	v21 =	vld [tilespmem:s31+$0xC30];
	[tilespmem:s21+$0x280] =	vst v17  }
0x160: {  	v17 =	vld [tilespmem:s24+$0xC30];
	[tilespmem:s5+$0x0] =	vst v18;
	s5 =	sor.u32 s19, s23  }
0x161: {  	[tilespmem:s5+$0x0] =	vst v19;
	v18 =	vld [tilespmem:s10+$0x38E0]  }
0x162: {  	v19 =	vld [tilespmem:s3+$0x2EB8];
	[tilespmem:s2+$0x300] =	vst v22  }
0x163: {  	[tilespmem:s1+$0x300] =	vst v20;
	v22 =	vld [tilespmem:s14+$0xE38]  }
0x164: {  	[tilespmem:s6+$0x300] =	vst v21;
	s5 =	sadd.s32 $0xB600, s26;
	v20 =	vld [tilespmem:s17+$0xE38]  }
0x165: {  	v21 =	vld [tilespmem:s31+$0xE38];
	s4 =	sor.u32 s25, s5;
	[tilespmem:s21+$0x300] =	vst v17  }
0x166: {  	v17 =	vld [tilespmem:s24+$0xE38];
	[tilespmem:s4+$0x0] =	vst v18;
	s4 =	sor.u32 s13, s23  }
0x167: {  	[tilespmem:s4+$0x0] =	vst v19;
	v18 =	vld [tilespmem:s10+$0x3AE8]  }
0x168: {  	v19 =	vld [tilespmem:s28+$0x2EB8];
	[tilespmem:s2+$0x380] =	vst v22  }
0x169: {  	[tilespmem:s1+$0x380] =	vst v20;
	v22 =	vld [tilespmem:s14+$0x1040]  }
0x16a: {  	[tilespmem:s6+$0x380] =	vst v21;
	s2 =	sadd.s32 $0xB680, s26;
	v20 =	vld [tilespmem:s17+$0x1040]  }
0x16b: {  	v21 =	vld [tilespmem:s31+$0x1040];
	s4 =	sor.u32 s25, s2;
	[tilespmem:s21+$0x380] =	vst v17  }
0x16c: {  	s6 =	sadd.s32 $0x9400, s20;
	s21 =	sor.u32 s22, s23;
	v17 =	vld [tilespmem:s24+$0x1040];
	[tilespmem:s4+$0x0] =	vst v18  }
0x16d: {  	[tilespmem:s21+$0x0] =	vst v19;
	s21 =	sor.u32 s11, s6;
	v19 =	vld [tilespmem:s0+$0x30C0]  }
0x16e: {  	s23 =	sor.u32 s15, s6;
	v18 =	vld [tilespmem:s10+$0x3CF0];
	[tilespmem:s21+$0x0] =	vst v22  }
0x16f: {  	[tilespmem:s23+$0x0] =	vst v20;
	s23 =	sor.u32 s16, s6;
	v22 =	vld [tilespmem:s14+$0x1248]  }
0x170: {  	s6 =	sor.u32 s12, s6;
	v20 =	vld [tilespmem:s17+$0x1248];
	[tilespmem:s23+$0x0] =	vst v21  }
0x171: {  	s1 =	sadd.s32 $0xB700, s26;
	s23 =	sor.u32 s19, s18;
	v21 =	vld [tilespmem:s31+$0x1248];
	[tilespmem:s6+$0x0] =	vst v17  }
0x172: {  	s4 =	sadd.s32 $0x9480, s20;
	s21 =	sor.u32 s25, s1;
	v17 =	vld [tilespmem:s24+$0x1248];
	[tilespmem:s23+$0x0] =	vst v19  }
0x173: {  	v19 =	vld [tilespmem:s3+$0x30C0];
	[tilespmem:s21+$0x0] =	vst v18;
	s21 =	sor.u32 s11, s4  }
0x174: {  	v18 =	vld [tilespmem:s10+$0x3EF8];
	s10 =	sor.u32 s15, s4;
	[tilespmem:s21+$0x0] =	vst v22  }
0x175: {  	s23 =	sor.u32 s16, s4;
	[tilespmem:s10+$0x0] =	vst v20  }
0x176: {  	[tilespmem:s23+$0x0] =	vst v21;
	v21 =	vld [tilespmem:s14+$0x1450]  }
0x177: {  	s4 =	sor.u32 s12, s4;
	v20 =	vld [tilespmem:s17+$0x1450]  }
0x178: {  	s6 =	sadd.s32 $0xB780, s26;
	s10 =	sor.u32 s13, s18;
	v22 =	vld [tilespmem:s31+$0x1450];
	[tilespmem:s4+$0x0] =	vst v17  }
0x179: {  	s26 =	sor.u32 s25, s6;
	s23 =	sadd.s32 $0x9500, s20;
	v17 =	vld [tilespmem:s24+$0x1450];
	[tilespmem:s10+$0x0] =	vst v19  }
0x17a: {  	v19 =	vld [tilespmem:s0+$0x32C8];
	[tilespmem:s26+$0x0] =	vst v18;
	s26 =	sor.u32 s11, s23  }
0x17b: {  	s25 =	sor.u32 s15, s23;
	v18 =	vld [tilespmem:s28+$0x30C0];
	[tilespmem:s26+$0x0] =	vst v21  }
0x17c: {  	s10 =	sor.u32 s16, s23;
	[tilespmem:s25+$0x0] =	vst v20;
	v21 =	vld [tilespmem:s14+$0x1658]  }
0x17d: {  	s4 =	sor.u32 s12, s23;
	[tilespmem:s10+$0x0] =	vst v22;
	v20 =	vld [tilespmem:s17+$0x1658]  }
0x17e: {  	s23 =	sor.u32 s19, s9;
	v22 =	vld [tilespmem:s31+$0x1658];
	[tilespmem:s4+$0x0] =	vst v17  }
0x17f: {  	s18 =	sor.u32 s22, s18;
	s25 =	sadd.s32 $0x9580, s20;
	[tilespmem:s23+$0x0] =	vst v19;
	v17 =	vld [tilespmem:s24+$0x1658]  }
0x180: {  	s10 =	sor.u32 s11, s25;
	[tilespmem:s18+$0x0] =	vst v18;
	v18 =	vld [tilespmem:s3+$0x32C8]  }
0x181: {  	s26 =	sor.u32 s15, s25;
	v19 =	vld [tilespmem:s28+$0x32C8];
	[tilespmem:s10+$0x0] =	vst v21  }
0x182: {  	s21 =	sor.u32 s16, s25;
	[tilespmem:s26+$0x0] =	vst v20;
	v21 =	vld [tilespmem:s14+$0x1860]  }
0x183: {  	s23 =	sor.u32 s12, s25;
	[tilespmem:s21+$0x0] =	vst v22;
	v20 =	vld [tilespmem:s17+$0x1860]  }
0x184: {  	s25 =	sor.u32 s13, s9;
	[tilespmem:s23+$0x0] =	vst v17  }
0x185: {  	s9 =	sor.u32 s22, s9;
	s26 =	sadd.s32 $0x9600, s20;
	v17 =	vld [tilespmem:s31+$0x1860];
	[tilespmem:s25+$0x0] =	vst v18  }
0x186: {  	s18 =	sor.u32 s11, s26;
	v18 =	vld [tilespmem:s24+$0x1860];
	[tilespmem:s9+$0x0] =	vst v19  }
0x187: {  	s10 =	sor.u32 s15, s26;
	v19 =	vld [tilespmem:s0+$0x34D0];
	[tilespmem:s18+$0x0] =	vst v21  }
0x188: {  	[tilespmem:s10+$0x0] =	vst v20;
	v20 =	vld [tilespmem:s3+$0x34D0]  }
0x189: {  	s21 =	sor.u32 s16, s26;
	v22 =	vld [tilespmem:s14+$0x1A68]  }
0x18a: {  	s4 =	sor.u32 s12, s26;
	[tilespmem:s21+$0x0] =	vst v17;
	v21 =	vld [tilespmem:s17+$0x1A68]  }
0x18b: {  	s23 =	sor.u32 s19, s8;
	v17 =	vld [tilespmem:s31+$0x1A68];
	[tilespmem:s4+$0x0] =	vst v18  }
0x18c: {  	s26 =	sadd.s32 $0x9680, s20;
	s25 =	sor.u32 s13, s8;
	[tilespmem:s23+$0x0] =	vst v19  }
0x18d: {  	s18 =	sor.u32 s11, s26;
	v18 =	vld [tilespmem:s24+$0x1A68];
	[tilespmem:s25+$0x0] =	vst v20  }
0x18e: {  	s10 =	sor.u32 s15, s26;
	v19 =	vld [tilespmem:s28+$0x34D0];
	[tilespmem:s18+$0x0] =	vst v22  }
0x18f: {  	s21 =	sor.u32 s16, s26;
	v20 =	vld [tilespmem:s0+$0x36D8];
	[tilespmem:s10+$0x0] =	vst v21  }
0x190: {  	[tilespmem:s21+$0x0] =	vst v17;
	v17 =	vld [tilespmem:s14+$0x1C70]  }
0x191: {  	s23 =	sor.u32 s12, s26;
	v21 =	vld [tilespmem:s17+$0x1C70]  }
0x192: {  	s8 =	sor.u32 s22, s8;
	v22 =	vld [tilespmem:s31+$0x1C70];
	[tilespmem:s23+$0x0] =	vst v18  }
0x193: {  	s26 =	sadd.s32 $0x9700, s20;
	s25 =	sor.u32 s19, s7;
	[tilespmem:s8+$0x0] =	vst v19;
	v19 =	vld [tilespmem:s3+$0x36D8]  }
0x194: {  	s10 =	sor.u32 s11, s26;
	v18 =	vld [tilespmem:s24+$0x1C70];
	[tilespmem:s25+$0x0] =	vst v20  }
0x195: {  	s9 =	sor.u32 s15, s26;
	v20 =	vld [tilespmem:s28+$0x36D8];
	[tilespmem:s10+$0x0] =	vst v17  }
0x196: {  	s18 =	sor.u32 s16, s26;
	[tilespmem:s9+$0x0] =	vst v21;
	v21 =	vld [tilespmem:s14+$0x1E78]  }
0x197: {  	s23 =	sor.u32 s13, s7;
	[tilespmem:s18+$0x0] =	vst v22;
	v17 =	vld [tilespmem:s17+$0x1E78]  }
0x198: {  	s21 =	sor.u32 s12, s26;
	[tilespmem:s23+$0x0] =	vst v19  }
0x199: {  	s7 =	sor.u32 s22, s7;
	s25 =	sadd.s32 $0x9780, s20;
	[tilespmem:s21+$0x0] =	vst v18;
	v18 =	vld [tilespmem:s31+$0x1E78]  }
0x19a: {  	s8 =	sor.u32 s11, s25;
	v19 =	vld [tilespmem:s24+$0x1E78];
	[tilespmem:s7+$0x0] =	vst v20  }
0x19b: {  	s26 =	sor.u32 s15, s25;
	v20 =	vld [tilespmem:s0+$0x38E0];
	[tilespmem:s8+$0x0] =	vst v21  }
0x19c: {  	[tilespmem:s26+$0x0] =	vst v17;
	v17 =	vld [tilespmem:s3+$0x38E0]  }
0x19d: {  	s9 =	sor.u32 s16, s25;
	v22 =	vld [tilespmem:s14+$0x2080]  }
0x19e: {  	s4 =	sor.u32 s12, s25;
	[tilespmem:s9+$0x0] =	vst v18;
	v21 =	vld [tilespmem:s17+$0x2080]  }
0x19f: {  	s10 =	sor.u32 s19, s5;
	v18 =	vld [tilespmem:s31+$0x2080];
	[tilespmem:s4+$0x0] =	vst v19  }
0x1a0: {  	s18 =	sor.u32 s13, s5;
	s21 =	sadd.s32 $0xA400, s20;
	[tilespmem:s10+$0x0] =	vst v20  }
0x1a1: {  	s25 =	sor.u32 s11, s21;
	v19 =	vld [tilespmem:s24+$0x2080];
	[tilespmem:s18+$0x0] =	vst v17  }
0x1a2: {  	s23 =	sor.u32 s15, s21;
	v20 =	vld [tilespmem:s0+$0x3AE8];
	[tilespmem:s25+$0x0] =	vst v22  }
0x1a3: {  	s26 =	sor.u32 s16, s21;
	v17 =	vld [tilespmem:s28+$0x38E0];
	[tilespmem:s23+$0x0] =	vst v21  }
0x1a4: {  	[tilespmem:s26+$0x0] =	vst v18;
	v18 =	vld [tilespmem:s14+$0x2288]  }
0x1a5: {  	s8 =	sor.u32 s12, s21;
	v21 =	vld [tilespmem:s17+$0x2288]  }
0x1a6: {  	s9 =	sor.u32 s19, s2;
	v22 =	vld [tilespmem:s31+$0x2288];
	[tilespmem:s8+$0x0] =	vst v19  }
0x1a7: {  	s5 =	sor.u32 s22, s5;
	s10 =	sadd.s32 $0xA480, s20;
	v19 =	vld [tilespmem:s3+$0x3AE8];
	[tilespmem:s9+$0x0] =	vst v20  }
0x1a8: {  	s21 =	sor.u32 s11, s10;
	[tilespmem:s5+$0x0] =	vst v17;
	v17 =	vld [tilespmem:s24+$0x2288]  }
0x1a9: {  	s18 =	sor.u32 s15, s10;
	v20 =	vld [tilespmem:s28+$0x3AE8];
	[tilespmem:s21+$0x0] =	vst v18  }
0x1aa: {  	s23 =	sor.u32 s16, s10;
	[tilespmem:s18+$0x0] =	vst v21;
	v21 =	vld [tilespmem:s14+$0x2490]  }
0x1ab: {  	s26 =	sor.u32 s13, s2;
	[tilespmem:s23+$0x0] =	vst v22;
	v18 =	vld [tilespmem:s17+$0x2490]  }
0x1ac: {  	s25 =	sor.u32 s12, s10;
	[tilespmem:s26+$0x0] =	vst v19  }
0x1ad: {  	s2 =	sor.u32 s22, s2;
	s5 =	sadd.s32 $0xA500, s20;
	[tilespmem:s25+$0x0] =	vst v17;
	v17 =	vld [tilespmem:s31+$0x2490]  }
0x1ae: {  	s8 =	sor.u32 s11, s5;
	v19 =	vld [tilespmem:s24+$0x2490];
	[tilespmem:s2+$0x0] =	vst v20  }
0x1af: {  	s7 =	sor.u32 s15, s5;
	v20 =	vld [tilespmem:s0+$0x3CF0];
	[tilespmem:s8+$0x0] =	vst v21  }
0x1b0: {  	[tilespmem:s7+$0x0] =	vst v18;
	v18 =	vld [tilespmem:s3+$0x3CF0]  }
0x1b1: {  	s9 =	sor.u32 s16, s5;
	v22 =	vld [tilespmem:s14+$0x2698]  }
0x1b2: {  	s4 =	sor.u32 s12, s5;
	v21 =	vld [tilespmem:s17+$0x2698];
	[tilespmem:s9+$0x0] =	vst v17  }
0x1b3: {  	s10 =	sor.u32 s19, s1;
	v17 =	vld [tilespmem:s31+$0x2698];
	[tilespmem:s4+$0x0] =	vst v19  }
0x1b4: {  	p4 =	por $0x1, $0x1;
	s21 =	sadd.s32 $0xA580, s20;
	s18 =	sor.u32 s13, s1;
	[tilespmem:s10+$0x0] =	vst v20;
	v24 =	vld [tilespmem:s24+$0x2698]  }
.Ltmp4:
0x1b5: {  	s10 =	smov.u32 s24;
	v20 =	vld [tilespmem:s28+$0x3CF0];
	s24 =	sor.u32 s11, s21;
	[tilespmem:s18+$0x0] =	vst v18;
	(pc) =	sbr.rel @!p4 .LBB2_7-.Ltmp4, $4  }
0x1b6: {  	s23 =	sor.u32 s15, s21;
	v19 =	vld [tilespmem:s0+$0x3EF8];
	[tilespmem:s24+$0x0] =	vst v22  }
0x1b7: {  	p2 =	por $0x1, $0x1;
	s25 =	sor.u32 s16, s21;
	[tilespmem:s23+$0x0] =	vst v21;
	v23 =	vld [tilespmem:s14+$0x28A0]  }
0x1b8: {  	s5 =	sor.u32 s22, s1;
	s26 =	sor.u32 s12, s21;
	s9 =	sor.u32 s22, s6;
	v22 =	vld [tilespmem:s17+$0x28A0];
	[tilespmem:s25+$0x0] =	vst v17  }
0x1b9: {  	s21 =	sor.u32 s13, s6;
	s0 =	smov.u32 s31;
	s18 =	sor.u32 s19, s6;
	[tilespmem:s26+$0x0] =	vst v24;
	v21 =	vld [tilespmem:s31+$0x28A0]  }
0x1ba: {  	_ = 	snop  }
0x1bb: {  	s1 =	sadd.s32 $0xA600, s20;
	v24 =	vld [tilespmem:s10+$0x28A0];
	s2 =	simm.s32 $0x80;
	s31 =	simm.s32 $0x80  }
0x1bc: {  	[tilespmem:s5+$0x0] =	vst v20;
	v17 =	vld [tilespmem:s3+$0x3EF8];
	s4 =	sor.u32 s15, s1;
	s19 =	sand.u32 $0x40, s31;
	s2 =	sand.u32 $0x3FFFFF80, s2  }
0x1bd: {  	v18 =	vld [tilespmem:s28+$0x3EF8];
	s2 =	sadd.s32 $0x10400, s2;
	s25 =	sor.u32 $0x30, s19;
	[tilespmem:s4+$0x0] =	vst v22  }
0x1be: {  	s30 =	smov.u32 s10;
	s23 =	sor.u32 s11, s1;
	[tilespmem:s18+$0x0] =	vst v19;
	s28 =	sor.u32 s25, s2;
	v20 =	vld [tilespmem:s17+$0x2AA8]  }
0x1bf: {  	s26 =	simm.s32 $0x400;
	s7 =	sadd.s32 $0xA680, s20;
	s24 =	sor.u32 s16, s1;
	[tilespmem:s23+$0x0] =	vst v23;
	v19 =	vld [tilespmem:s28+$0x0]  }
0x1c0: {  	s1 =	sor.u32 s12, s1;
	s13 =	sor.u32 $0x10, s19;
	s23 =	sor.u32 s19, s2;
	v22 =	vld [tilespmem:s14+$0x2AA8]  }
0x1c1: {  	s26 =	sand.u32 $0x3FFFFC00, s26;
	s22 =	sor.u32 $0x20, s19;
	s3 =	sor.u32 s13, s2;
	v23 =	vld [tilespmem:s23+$0x0];
	[tilespmem:s24+$0x0] =	vst v21  }
0x1c2: {  	s6 =	sor.u32 s15, s7;
	s18 =	sadd.s32 $0x8400, s26;
	s10 =	sor.u32 s22, s2;
	v21 =	vld [tilespmem:s3+$0x0];
	[tilespmem:s1+$0x0] =	vst v24  }
0x1c3: {  	v56 =	vld [tilespmem:s10+$0x0];
	s1 =	sor.u32 s25, s18;
	[tilespmem:s6+$0x0] =	vst v20  }
0x1c4: {  	s8 =	sor.u32 s11, s7;
	[tilespmem:s1+$0x0] =	vst v19;
	v19 =	vld [tilespmem:s0+$0x2AA8]  }
0x1c5: {  	s2 =	sor.u32 s19, s18;
	[tilespmem:s8+$0x0] =	vst v22;
	v20 =	vld [tilespmem:s17+$0x2CB0]  }
0x1c6: {  	s6 =	sor.u32 s13, s18;
	[tilespmem:s2+$0x0] =	vst v23;
	v22 =	vld [tilespmem:s28+$0x208]  }
0x1c7: {  	s18 =	sor.u32 s22, s18;
	v23 =	vld [tilespmem:s23+$0x208];
	[tilespmem:s6+$0x0] =	vst v21  }
0x1c8: {  	s4 =	sadd.s32 $0xA700, s20;
	s8 =	sor.u32 s16, s7;
	[tilespmem:s18+$0x0] =	vst v56;
	v21 =	vld [tilespmem:s3+$0x208]  }
0x1c9: {  	s24 =	smov.u32 s0;
	s0 =	sor.u32 s15, s4;
	[tilespmem:s8+$0x0] =	vst v19  }
0x1ca: {  	v24 =	vld [tilespmem:s10+$0x208];
	[tilespmem:s0+$0x0] =	vst v20  }
0x1cb: {  	[tilespmem:s1+$0x80] =	vst v22;
	v20 =	vld [tilespmem:s30+$0x2AA8]  }
0x1cc: {  	[tilespmem:s2+$0x80] =	vst v23;
	v19 =	vld [tilespmem:s17+$0x2EB8]  }
0x1cd: {  	v22 =	vld [tilespmem:s28+$0x410];
	[tilespmem:s6+$0x80] =	vst v21  }
0x1ce: {  	v23 =	vld [tilespmem:s23+$0x410];
	[dreg:$0x6] =	wrdreg s21  }
0x1cf: {  	s7 =	sor.u32 s12, s7;
	s21 =	sadd.s32 $0xA780, s20;
	v21 =	vld [tilespmem:s3+$0x410];
	[tilespmem:s18+$0x80] =	vst v24  }
0x1d0: {  	s0 =	sor.u32 s15, s21;
	v24 =	vld [tilespmem:s10+$0x410];
	[tilespmem:s7+$0x0] =	vst v20  }
0x1d1: {  	v20 =	vld [tilespmem:s14+$0x2CB0];
	[tilespmem:s0+$0x0] =	vst v19  }
0x1d2: {  	[tilespmem:s1+$0x100] =	vst v22;
	v19 =	vld [tilespmem:s17+$0x30C0]  }
0x1d3: {  	[tilespmem:s2+$0x100] =	vst v23;
	v22 =	vld [tilespmem:s28+$0x618]  }
0x1d4: {  	v23 =	vld [tilespmem:s23+$0x618];
	[tilespmem:s6+$0x100] =	vst v21  }
0x1d5: {  	s8 =	sor.u32 s11, s4;
	s0 =	sadd.s32 $0xB400, s20;
	v21 =	vld [tilespmem:s3+$0x618];
	[tilespmem:s18+$0x100] =	vst v24  }
0x1d6: {  	s7 =	sor.u32 s15, s0;
	[tilespmem:s8+$0x0] =	vst v20  }
0x1d7: {  	v24 =	vld [tilespmem:s10+$0x618];
	[tilespmem:s7+$0x0] =	vst v19  }
0x1d8: {  	v20 =	vld [tilespmem:s24+$0x2CB0];
	[tilespmem:s1+$0x180] =	vst v22  }
0x1d9: {  	[tilespmem:s2+$0x180] =	vst v23;
	v19 =	vld [tilespmem:s17+$0x32C8]  }
0x1da: {  	v22 =	vld [tilespmem:s28+$0x820];
	[tilespmem:s6+$0x180] =	vst v21  }
0x1db: {  	v23 =	vld [tilespmem:s23+$0x820];
	[dreg:$0x8] =	wrdreg s9  }
0x1dc: {  	s8 =	sor.u32 s16, s4;
	s9 =	sadd.s32 $0xB480, s20;
	[tilespmem:s18+$0x180] =	vst v24  }
0x1dd: {  	v21 =	vld [tilespmem:s3+$0x820];
	s7 =	sor.u32 s15, s9;
	[tilespmem:s8+$0x0] =	vst v20  }
0x1de: {  	[tilespmem:s7+$0x0] =	vst v19;
	v19 =	vld [tilespmem:s10+$0x820]  }
0x1df: {  	[tilespmem:s1+$0x200] =	vst v22;
	v20 =	vld [tilespmem:s17+$0x34D0]  }
0x1e0: {  	[tilespmem:s2+$0x200] =	vst v23;
	v23 =	vld [tilespmem:s28+$0xA28]  }
0x1e1: {  	v57 =	vld [tilespmem:s23+$0xA28]  }
0x1e2: {  	s8 =	sadd.s32 $0xB500, s20;
	v22 =	vld [tilespmem:s30+$0x2CB0];
	[tilespmem:s6+$0x200] =	vst v21  }
0x1e3: {  	s7 =	sor.u32 s15, s8;
	v21 =	vld [tilespmem:s3+$0xA28];
	[tilespmem:s18+$0x200] =	vst v19  }
0x1e4: {  	[tilespmem:s7+$0x0] =	vst v20;
	v19 =	vld [tilespmem:s10+$0xA28]  }
0x1e5: {  	[tilespmem:s1+$0x280] =	vst v23;
	v20 =	vld [tilespmem:s17+$0x36D8]  }
0x1e6: {  	s4 =	sor.u32 s12, s4;
	[tilespmem:s2+$0x280] =	vst v57;
	v23 =	vld [tilespmem:s28+$0xC30]  }
0x1e7: {  	[tilespmem:s4+$0x0] =	vst v22;
	v24 =	vld [tilespmem:s23+$0xC30]  }
0x1e8: {  	v22 =	vld [tilespmem:s14+$0x2EB8];
	s7 =	sadd.s32 $0xB580, s20;
	[tilespmem:s6+$0x280] =	vst v21  }
0x1e9: {  	s5 =	sor.u32 s15, s7;
	v21 =	vld [tilespmem:s3+$0xC30];
	[tilespmem:s18+$0x280] =	vst v19  }
0x1ea: {  	[tilespmem:s5+$0x0] =	vst v20;
	v19 =	vld [tilespmem:s10+$0xC30]  }
0x1eb: {  	[tilespmem:s1+$0x300] =	vst v23;
	v20 =	vld [tilespmem:s17+$0x38E0]  }
0x1ec: {  	s5 =	sor.u32 s11, s21;
	[tilespmem:s2+$0x300] =	vst v24;
	v23 =	vld [tilespmem:s28+$0xE38]  }
0x1ed: {  	[tilespmem:s5+$0x0] =	vst v22;
	v22 =	vld [tilespmem:s24+$0x2EB8]  }
0x1ee: {  	v24 =	vld [tilespmem:s23+$0xE38];
	s5 =	sadd.s32 $0xB600, s20;
	[tilespmem:s6+$0x300] =	vst v21  }
0x1ef: {  	s4 =	sor.u32 s15, s5;
	v21 =	vld [tilespmem:s3+$0xE38];
	[tilespmem:s18+$0x300] =	vst v19  }
0x1f0: {  	[tilespmem:s4+$0x0] =	vst v20;
	v19 =	vld [tilespmem:s10+$0xE38]  }
0x1f1: {  	s4 =	sor.u32 s16, s21;
	[tilespmem:s1+$0x380] =	vst v23;
	v20 =	vld [tilespmem:s17+$0x3AE8]  }
0x1f2: {  	[tilespmem:s4+$0x0] =	vst v22;
	v22 =	vld [tilespmem:s30+$0x2EB8]  }
0x1f3: {  	[tilespmem:s2+$0x380] =	vst v24;
	v23 =	vld [tilespmem:s28+$0x1040]  }
0x1f4: {  	s2 =	sadd.s32 $0xB680, s20;
	v24 =	vld [tilespmem:s23+$0x1040];
	[tilespmem:s6+$0x380] =	vst v21  }
0x1f5: {  	v21 =	vld [tilespmem:s3+$0x1040];
	[tilespmem:s18+$0x380] =	vst v19;
	s18 =	sor.u32 s15, s2  }
0x1f6: {  	s21 =	sor.u32 s12, s21;
	s6 =	sadd.s32 $0x9400, s26;
	v19 =	vld [tilespmem:s10+$0x1040];
	[tilespmem:s18+$0x0] =	vst v20  }
0x1f7: {  	s18 =	sor.u32 s25, s6;
	[tilespmem:s21+$0x0] =	vst v22;
	v22 =	vld [tilespmem:s14+$0x30C0]  }
0x1f8: {  	s21 =	sor.u32 s19, s6;
	v20 =	vld [tilespmem:s17+$0x3CF0];
	[tilespmem:s18+$0x0] =	vst v23  }
0x1f9: {  	s18 =	sor.u32 s13, s6;
	[tilespmem:s21+$0x0] =	vst v24;
	v23 =	vld [tilespmem:s28+$0x1248]  }
0x1fa: {  	s21 =	sor.u32 s22, s6;
	v24 =	vld [tilespmem:s23+$0x1248];
	[tilespmem:s18+$0x0] =	vst v21  }
0x1fb: {  	s1 =	sadd.s32 $0xB700, s20;
	s18 =	sor.u32 s11, s0;
	v21 =	vld [tilespmem:s3+$0x1248];
	[tilespmem:s21+$0x0] =	vst v19  }
0x1fc: {  	s4 =	sadd.s32 $0x9480, s26;
	s6 =	sor.u32 s15, s1;
	[tilespmem:s18+$0x0] =	vst v22;
	v19 =	vld [tilespmem:s10+$0x1248]  }
0x1fd: {  	s21 =	sor.u32 s25, s4;
	v22 =	vld [tilespmem:s24+$0x30C0];
	[tilespmem:s6+$0x0] =	vst v20  }
0x1fe: {  	v20 =	vld [tilespmem:s17+$0x3EF8];
	[tilespmem:s21+$0x0] =	vst v23;
	s17 =	sor.u32 s19, s4  }
0x1ff: {  	s18 =	sor.u32 s13, s4;
	[tilespmem:s17+$0x0] =	vst v24;
	v23 =	vld [tilespmem:s28+$0x1450]  }
0x200: {  	s4 =	sor.u32 s22, s4;
	[tilespmem:s18+$0x0] =	vst v21;
	v21 =	vld [tilespmem:s23+$0x1450]  }
0x201: {  	s6 =	sadd.s32 $0xB780, s20;
	s21 =	sor.u32 s16, s0;
	v58 =	vld [tilespmem:s3+$0x1450];
	[tilespmem:s4+$0x0] =	vst v19  }
0x202: {  	s20 =	sor.u32 s15, s6;
	s17 =	sadd.s32 $0x9500, s26;
	[tilespmem:s21+$0x0] =	vst v22;
	v19 =	vld [tilespmem:s10+$0x1450]  }
0x203: {  	s18 =	sor.u32 s25, s17;
	v22 =	vld [tilespmem:s14+$0x32C8];
	[tilespmem:s20+$0x0] =	vst v20  }
0x204: {  	v20 =	vld [tilespmem:s30+$0x30C0];
	s20 =	sor.u32 s19, s17;
	[tilespmem:s18+$0x0] =	vst v23  }
0x205: {  	s21 =	sor.u32 s13, s17;
	[tilespmem:s20+$0x0] =	vst v21;
	v21 =	vld [tilespmem:s28+$0x1658]  }
0x206: {  	s4 =	sor.u32 s22, s17;
	[tilespmem:s21+$0x0] =	vst v58;
	v23 =	vld [tilespmem:s23+$0x1658]  }
0x207: {  	s15 =	sor.u32 s11, s9;
	v24 =	vld [tilespmem:s3+$0x1658];
	[tilespmem:s4+$0x0] =	vst v19  }
0x208: {  	s0 =	sor.u32 s12, s0;
	s17 =	sadd.s32 $0x9580, s26;
	[tilespmem:s15+$0x0] =	vst v22;
	v19 =	vld [tilespmem:s10+$0x1658]  }
0x209: {  	s18 =	sor.u32 s25, s17;
	[tilespmem:s0+$0x0] =	vst v20;
	v20 =	vld [tilespmem:s24+$0x32C8]  }
0x20a: {  	s20 =	sor.u32 s19, s17;
	[tilespmem:s18+$0x0] =	vst v21;
	v21 =	vld [tilespmem:s30+$0x32C8]  }
0x20b: {  	s21 =	sor.u32 s13, s17;
	[tilespmem:s20+$0x0] =	vst v23;
	v22 =	vld [tilespmem:s28+$0x1860]  }
0x20c: {  	s0 =	sor.u32 s22, s17;
	[tilespmem:s21+$0x0] =	vst v24;
	v23 =	vld [tilespmem:s23+$0x1860]  }
0x20d: {  	s15 =	sor.u32 s16, s9;
	[tilespmem:s0+$0x0] =	vst v19;
	v19 =	vld [tilespmem:s3+$0x1860]  }
0x20e: {  	s9 =	sor.u32 s12, s9;
	s17 =	sadd.s32 $0x9600, s26;
	[tilespmem:s15+$0x0] =	vst v20;
	v20 =	vld [tilespmem:s10+$0x1860]  }
0x20f: {  	s18 =	sor.u32 s25, s17;
	[tilespmem:s9+$0x0] =	vst v21;
	v21 =	vld [tilespmem:s14+$0x34D0]  }
0x210: {  	s20 =	sor.u32 s19, s17;
	[tilespmem:s18+$0x0] =	vst v22;
	v22 =	vld [tilespmem:s24+$0x34D0]  }
0x211: {  	s21 =	sor.u32 s13, s17;
	[tilespmem:s20+$0x0] =	vst v23;
	v23 =	vld [tilespmem:s28+$0x1A68]  }
0x212: {  	s4 =	sor.u32 s22, s17;
	v59 =	vld [tilespmem:s23+$0x1A68];
	[tilespmem:s21+$0x0] =	vst v19  }
0x213: {  	s0 =	sor.u32 s11, s8;
	v19 =	vld [tilespmem:s3+$0x1A68];
	[tilespmem:s4+$0x0] =	vst v20  }
0x214: {  	s17 =	sadd.s32 $0x9680, s26;
	s15 =	sor.u32 s16, s8;
	[tilespmem:s0+$0x0] =	vst v21;
	v20 =	vld [tilespmem:s10+$0x1A68]  }
0x215: {  	s18 =	sor.u32 s25, s17;
	v21 =	vld [tilespmem:s30+$0x34D0];
	[tilespmem:s15+$0x0] =	vst v22  }
0x216: {  	s20 =	sor.u32 s19, s17;
	v22 =	vld [tilespmem:s14+$0x36D8];
	[tilespmem:s18+$0x0] =	vst v23  }
0x217: {  	s21 =	sor.u32 s13, s17;
	[tilespmem:s20+$0x0] =	vst v59;
	v23 =	vld [tilespmem:s28+$0x1C70]  }
0x218: {  	s0 =	sor.u32 s22, s17;
	[tilespmem:s21+$0x0] =	vst v19;
	v19 =	vld [tilespmem:s23+$0x1C70]  }
0x219: {  	s8 =	sor.u32 s12, s8;
	v60 =	vld [tilespmem:s3+$0x1C70];
	[tilespmem:s0+$0x0] =	vst v20  }
0x21a: {  	s9 =	sor.u32 s11, s7;
	s15 =	sadd.s32 $0x9700, s26;
	[tilespmem:s8+$0x0] =	vst v21;
	v20 =	vld [tilespmem:s10+$0x1C70]  }
0x21b: {  	s17 =	sor.u32 s25, s15;
	v21 =	vld [tilespmem:s24+$0x36D8];
	[tilespmem:s9+$0x0] =	vst v22  }
0x21c: {  	s18 =	sor.u32 s19, s15;
	v22 =	vld [tilespmem:s30+$0x36D8];
	[tilespmem:s17+$0x0] =	vst v23  }
0x21d: {  	s20 =	sor.u32 s13, s15;
	[tilespmem:s18+$0x0] =	vst v19;
	v19 =	vld [tilespmem:s28+$0x1E78]  }
0x21e: {  	s21 =	sor.u32 s22, s15;
	[tilespmem:s20+$0x0] =	vst v60;
	v23 =	vld [tilespmem:s23+$0x1E78]  }
0x21f: {  	s0 =	sor.u32 s16, s7;
	[tilespmem:s21+$0x0] =	vst v20;
	v20 =	vld [tilespmem:s3+$0x1E78]  }
0x220: {  	s7 =	sor.u32 s12, s7;
	s9 =	sadd.s32 $0x9780, s26;
	[tilespmem:s0+$0x0] =	vst v21;
	v21 =	vld [tilespmem:s10+$0x1E78]  }
0x221: {  	s15 =	sor.u32 s25, s9;
	[tilespmem:s7+$0x0] =	vst v22;
	v22 =	vld [tilespmem:s14+$0x38E0]  }
0x222: {  	s17 =	sor.u32 s19, s9;
	[tilespmem:s15+$0x0] =	vst v19;
	v19 =	vld [tilespmem:s24+$0x38E0]  }
0x223: {  	s18 =	sor.u32 s13, s9;
	[tilespmem:s17+$0x0] =	vst v23;
	v23 =	vld [tilespmem:s28+$0x2080]  }
0x224: {  	s4 =	sor.u32 s22, s9;
	v61 =	vld [tilespmem:s23+$0x2080];
	[tilespmem:s18+$0x0] =	vst v20  }
0x225: {  	s20 =	sor.u32 s11, s5;
	v20 =	vld [tilespmem:s3+$0x2080];
	[tilespmem:s4+$0x0] =	vst v21  }
0x226: {  	s0 =	sadd.s32 $0xA400, s26;
	s21 =	sor.u32 s16, s5;
	[tilespmem:s20+$0x0] =	vst v22;
	v21 =	vld [tilespmem:s10+$0x2080]  }
0x227: {  	s9 =	sor.u32 s25, s0;
	[tilespmem:s21+$0x0] =	vst v19;
	v19 =	vld [tilespmem:s30+$0x38E0]  }
0x228: {  	s15 =	sor.u32 s19, s0;
	v22 =	vld [tilespmem:s14+$0x3AE8];
	[tilespmem:s9+$0x0] =	vst v23  }
0x229: {  	s17 =	sor.u32 s13, s0;
	[tilespmem:s15+$0x0] =	vst v61;
	v23 =	vld [tilespmem:s28+$0x2288]  }
0x22a: {  	s18 =	sor.u32 s22, s0;
	[tilespmem:s17+$0x0] =	vst v20;
	v20 =	vld [tilespmem:s23+$0x2288]  }
0x22b: {  	s5 =	sor.u32 s12, s5;
	v62 =	vld [tilespmem:s3+$0x2288];
	[tilespmem:s18+$0x0] =	vst v21  }
0x22c: {  	s20 =	sor.u32 s11, s2;
	s21 =	sadd.s32 $0xA480, s26;
	[tilespmem:s5+$0x0] =	vst v19;
	v19 =	vld [tilespmem:s10+$0x2288]  }
0x22d: {  	s0 =	sor.u32 s25, s21;
	[tilespmem:s20+$0x0] =	vst v22;
	v21 =	vld [tilespmem:s24+$0x3AE8]  }
0x22e: {  	s9 =	sor.u32 s19, s21;
	v22 =	vld [tilespmem:s30+$0x3AE8];
	[tilespmem:s0+$0x0] =	vst v23  }
0x22f: {  	s15 =	sor.u32 s13, s21;
	[tilespmem:s9+$0x0] =	vst v20;
	v20 =	vld [tilespmem:s28+$0x2490]  }
0x230: {  	s17 =	sor.u32 s22, s21;
	[tilespmem:s15+$0x0] =	vst v62;
	v23 =	vld [tilespmem:s23+$0x2490]  }
0x231: {  	s18 =	sor.u32 s16, s2;
	[tilespmem:s17+$0x0] =	vst v19;
	v19 =	vld [tilespmem:s3+$0x2490]  }
0x232: {  	s20 =	sadd.s32 $0xA500, s26;
	s2 =	sor.u32 s12, s2;
	[tilespmem:s18+$0x0] =	vst v21;
	v21 =	vld [tilespmem:s10+$0x2490]  }
0x233: {  	s21 =	sor.u32 s25, s20;
	[tilespmem:s2+$0x0] =	vst v22;
	v22 =	vld [tilespmem:s14+$0x3CF0]  }
0x234: {  	s0 =	sor.u32 s19, s20;
	[tilespmem:s21+$0x0] =	vst v20;
	v20 =	vld [tilespmem:s24+$0x3CF0]  }
0x235: {  	s5 =	sor.u32 s13, s20;
	[tilespmem:s0+$0x0] =	vst v23;
	v23 =	vld [tilespmem:s28+$0x2698]  }
0x236: {  	s4 =	sor.u32 s22, s20;
	v63 =	vld [tilespmem:s23+$0x2698];
	[tilespmem:s5+$0x0] =	vst v19  }
0x237: {  	s9 =	sor.u32 s11, s1;
	v25 =	vld [tilespmem:s3+$0x2698];
	[tilespmem:s4+$0x0] =	vst v21  }
0x238: {  	p4 =	por $0x1, $0x1;
	s15 =	sor.u32 s16, s1;
	s17 =	sadd.s32 $0xA580, s26;
	[tilespmem:s9+$0x0] =	vst v22;
	v21 =	vld [tilespmem:s10+$0x2698]  }
.Ltmp5:
0x239: {  	s20 =	sor.u32 s25, s17;
	v19 =	vld [tilespmem:s14+$0x3EF8];
	[tilespmem:s15+$0x0] =	vst v20;
	(pc) =	sbr.rel @!p4 .LBB2_9-.Ltmp5, $4  }
0x23a: {  	p3 =	por $0x1, $0x1;
	s21 =	sor.u32 s19, s17;
	v20 =	vld [tilespmem:s30+$0x3CF0];
	[tilespmem:s20+$0x0] =	vst v23  }
0x23b: {  	s29 =	sor.u32 s16, s6;
	s8 =	smov.u32 s26;
	s26 =	sor.u32 s13, s17;
	[tilespmem:s21+$0x0] =	vst v63;
	v22 =	vld [tilespmem:s28+$0x28A0]  }
0x23c: {  	s7 =	smov.u32 s28;
	s18 =	sor.u32 s11, s6;
	s28 =	sor.u32 s22, s17;
	[tilespmem:s26+$0x0] =	vst v25;
	v23 =	vld [tilespmem:s23+$0x28A0]  }
0x23d: {  	s5 =	sor.u32 s12, s1;
	s12 =	sor.u32 s12, s6;
	s26 =	simm.s32 $0x8;
	[tilespmem:s28+$0x0] =	vst v21;
	v21 =	vld [tilespmem:s3+$0x28A0]  }
.LBB2_10:
0x23e: {  	s26 =	sadd.s32 $0x4, s26;
	s6 =	rddreg [dreg:$0x8]  }
0x23f: {  	s1 =	sadd.s32 $0xA600, s8;
	v24 =	vld [tilespmem:s10+$0x28A0];
	s31 =	sadd.s32 $0x40, s31;
	[dreg:$0x9] =	wrdreg s26;
	[tilespmem:s18+$0x0] =	vst v19  }
0x240: {  	s2 =	sshll.u32 s26, $0x4;
	s4 =	sor.u32 s25, s1;
	[dreg:$0x4] =	wrdreg s31;
	v19 =	vld [tilespmem:s24+$0x3EF8];
	[tilespmem:s5+$0x0] =	vst v20  }
0x241: {  	s20 =	sand.u32 $0x40, s31;
	s21 =	sor.u32 s19, s1;
	s2 =	sand.u32 $0x3FFFFF80, s2;
	[tilespmem:s4+$0x0] =	vst v22;
	v20 =	vld [tilespmem:s30+$0x3EF8]  }
0x242: {  	s15 =	sor.u32 $0x30, s20;
	s0 =	sadd.s32 $0x10400, s2;
	s24 =	rddreg [dreg:$0x6];
	[tilespmem:s21+$0x0] =	vst v23;
	v22 =	vld [tilespmem:s7+$0x2AA8]  }
0x243: {  	s28 =	sor.u32 s13, s1;
	s9 =	sshll.u32 s26, $0x7;
	s18 =	sor.u32 s15, s0;
	[tilespmem:s24+$0x0] =	vst v17;
	v23 =	vld [tilespmem:s23+$0x2AA8]  }
0x244: {  	s16 =	sor.u32 s22, s1;
	s14 =	sor.u32 $0x10, s20;
	s11 =	sor.u32 s20, s0;
	v25 =	vld [tilespmem:s18+$0x0];
	[tilespmem:s6+$0x0] =	vst v18  }
0x245: {  	s17 =	sor.u32 $0x20, s20;
	s2 =	sor.u32 s14, s0;
	v26 =	vld [tilespmem:s11+$0x0];
	s6 =	sadd.s32 $0xA680, s8;
	[tilespmem:s28+$0x0] =	vst v21  }
0x246: {  	s4 =	sor.u32 s17, s0;
	s21 =	sand.u32 $0x3FFFFC00, s9;
	[tilespmem:s16+$0x0] =	vst v24;
	s28 =	sor.u32 s25, s6;
	v17 =	vmov v19;
	v19 =	vld [tilespmem:s2+$0x0]  }
0x247: {  	s31 =	smov.u32 s7;
	s9 =	sadd.s32 $0x8400, s21;
	s24 =	sor.u32 s19, s6;
	v18 =	vmov v20;
	v20 =	vld [tilespmem:s4+$0x0];
	[tilespmem:s28+$0x0] =	vst v22  }
0x248: {  	p4 =	slt.u32 s26, $0x1C;
	s28 =	smov.u32 s8;
	s8 =	sor.u32 s15, s9;
	[tilespmem:s24+$0x0] =	vst v23;
	v21 =	vld [tilespmem:s31+$0x2CB0]  }
0x249: {  	s16 =	smov.u32 s23;
	s23 =	sor.u32 s13, s6;
	s7 =	sor.u32 s20, s9;
	v22 =	vld [tilespmem:s3+$0x2AA8];
	[tilespmem:s8+$0x0] =	vst v25  }
0x24a: {  	s30 =	sor.u32 s22, s6;
	s5 =	sor.u32 s14, s9;
	s6 =	smov.u32 s3;
	[tilespmem:s7+$0x0] =	vst v26;
	v23 =	vld [tilespmem:s18+$0x208]  }
0x24b: {  	s24 =	sor.u32 s17, s9;
	s3 =	smov.u32 s2;
	s1 =	sadd.s32 $0xA700, s28;
	v61 =	vld [tilespmem:s11+$0x208];
	[tilespmem:s5+$0x0] =	vst v19  }
0x24c: {  	s26 =	smov.u32 s10;
	s10 =	smov.u32 s4;
	s0 =	sor.u32 s25, s1;
	v19 =	vld [tilespmem:s3+$0x208];
	[tilespmem:s24+$0x0] =	vst v20  }
0x24d: {  	v20 =	vld [tilespmem:s10+$0x208];
	[tilespmem:s0+$0x0] =	vst v21  }
0x24e: {  	[tilespmem:s23+$0x0] =	vst v22;
	v21 =	vld [tilespmem:s31+$0x2EB8]  }
0x24f: {  	v22 =	vld [tilespmem:s26+$0x2AA8];
	[tilespmem:s8+$0x80] =	vst v23  }
0x250: {  	[tilespmem:s7+$0x80] =	vst v61;
	v23 =	vld [tilespmem:s18+$0x410]  }
0x251: {  	s9 =	smov.u32 s12;
	s12 =	sadd.s32 $0xA780, s28;
	v24 =	vld [tilespmem:s11+$0x410];
	[tilespmem:s5+$0x80] =	vst v19  }
0x252: {  	s0 =	sor.u32 s25, s12;
	v19 =	vld [tilespmem:s3+$0x410];
	[tilespmem:s24+$0x80] =	vst v20  }
0x253: {  	v20 =	vld [tilespmem:s10+$0x410];
	[tilespmem:s0+$0x0] =	vst v21  }
0x254: {  	[tilespmem:s30+$0x0] =	vst v22;
	v21 =	vld [tilespmem:s31+$0x30C0]  }
0x255: {  	v22 =	vld [tilespmem:s16+$0x2CB0];
	[tilespmem:s8+$0x100] =	vst v23  }
0x256: {  	s23 =	sor.u32 s13, s12;
	[tilespmem:s7+$0x100] =	vst v24;
	v23 =	vld [tilespmem:s18+$0x618]  }
0x257: {  	[smem:$0x7E9] =	sst s23;
	s23 =	sadd.s32 $0xB400, s28;
	v24 =	vld [tilespmem:s11+$0x618];
	[tilespmem:s5+$0x100] =	vst v19  }
0x258: {  	s0 =	sor.u32 s25, s23;
	v19 =	vld [tilespmem:s3+$0x618];
	[tilespmem:s24+$0x100] =	vst v20  }
0x259: {  	s2 =	sor.u32 s19, s1;
	v20 =	vld [tilespmem:s10+$0x618];
	[tilespmem:s0+$0x0] =	vst v21  }
0x25a: {  	s4 =	smov.u32 s29;
	[tilespmem:s2+$0x0] =	vst v22;
	v21 =	vld [tilespmem:s31+$0x32C8]  }
0x25b: {  	[dreg:$0x6] =	wrdreg s4;
	v22 =	vld [tilespmem:s6+$0x2CB0];
	[tilespmem:s8+$0x180] =	vst v23  }
0x25c: {  	[dreg:$0x8] =	wrdreg s9;
	s0 =	sadd.s32 $0xB480, s28;
	[tilespmem:s7+$0x180] =	vst v24;
	v23 =	vld [tilespmem:s18+$0x820]  }
0x25d: {  	s4 =	sor.u32 s13, s1;
	s29 =	sor.u32 s19, s12;
	s2 =	sor.u32 s13, s0;
	v24 =	vld [tilespmem:s11+$0x820];
	[tilespmem:s5+$0x180] =	vst v19  }
0x25e: {  	s9 =	sor.u32 s22, s12;
	[smem:$0x7EB] =	sst s2;
	s2 =	sor.u32 s25, s0;
	v19 =	vld [tilespmem:s3+$0x820];
	[tilespmem:s24+$0x180] =	vst v20  }
0x25f: {  	s12 =	sor.u32 s19, s23;
	s30 =	sor.u32 s13, s23;
	s23 =	sor.u32 s22, s23;
	v20 =	vld [tilespmem:s10+$0x820];
	[tilespmem:s2+$0x0] =	vst v21  }
0x260: {  	[smem:$0x7EA] =	sst s23;
	s23 =	sor.u32 s19, s0;
	s0 =	sor.u32 s22, s0;
	[tilespmem:s4+$0x0] =	vst v22;
	v21 =	vld [tilespmem:s31+$0x34D0]  }
0x261: {  	[smem:$0x7EC] =	sst s0;
	s0 =	sadd.s32 $0xB500, s28;
	v22 =	vld [tilespmem:s26+$0x2CB0];
	[tilespmem:s8+$0x200] =	vst v23  }
0x262: {  	s4 =	sor.u32 s19, s0;
	[tilespmem:s7+$0x200] =	vst v24;
	v23 =	vld [tilespmem:s18+$0xA28]  }
0x263: {  	[smem:$0x7ED] =	sst s4;
	s4 =	sor.u32 s13, s0;
	v24 =	vld [tilespmem:s11+$0xA28];
	[tilespmem:s5+$0x200] =	vst v19  }
0x264: {  	[smem:$0x7EE] =	sst s4;
	s4 =	sor.u32 s25, s0;
	v19 =	vld [tilespmem:s3+$0xA28];
	[tilespmem:s24+$0x200] =	vst v20  }
0x265: {  	s1 =	sor.u32 s22, s1;
	v20 =	vld [tilespmem:s10+$0xA28];
	[tilespmem:s4+$0x0] =	vst v21  }
0x266: {  	[tilespmem:s1+$0x0] =	vst v22;
	v21 =	vld [tilespmem:s31+$0x36D8]  }
0x267: {  	v22 =	vld [tilespmem:s16+$0x2EB8];
	[tilespmem:s8+$0x280] =	vst v23  }
0x268: {  	s0 =	sor.u32 s22, s0;
	[tilespmem:s7+$0x280] =	vst v24;
	v23 =	vld [tilespmem:s18+$0xC30]  }
0x269: {  	[dreg:$0x1c] =	wrdreg s0;
	s0 =	sadd.s32 $0xB580, s28;
	v24 =	vld [tilespmem:s11+$0xC30];
	[tilespmem:s5+$0x280] =	vst v19  }
0x26a: {  	s1 =	sor.u32 s25, s0;
	v19 =	vld [tilespmem:s3+$0xC30];
	[tilespmem:s24+$0x280] =	vst v20  }
0x26b: {  	s2 =	sor.u32 s19, s0;
	s4 =	sor.u32 s13, s0;
	s0 =	sor.u32 s22, s0;
	v20 =	vld [tilespmem:s10+$0xC30];
	[tilespmem:s1+$0x0] =	vst v21  }
0x26c: {  	[dreg:$0x16] =	wrdreg s0;
	s0 =	sadd.s32 $0xB600, s28;
	[tilespmem:s29+$0x0] =	vst v22;
	v21 =	vld [tilespmem:s31+$0x38E0]  }
0x26d: {  	[dreg:$0x1e] =	wrdreg s2;
	s2 =	sor.u32 s19, s0;
	v22 =	vld [tilespmem:s6+$0x2EB8];
	[tilespmem:s8+$0x300] =	vst v23  }
0x26e: {  	[dreg:$0x18] =	wrdreg s2;
	[tilespmem:s7+$0x300] =	vst v24;
	v23 =	vld [tilespmem:s18+$0xE38]  }
0x26f: {  	s2 =	sld [smem:$0x7E9];
	v24 =	vld [tilespmem:s11+$0xE38];
	[tilespmem:s5+$0x300] =	vst v19  }
0x270: {  	s1 =	sor.u32 s25, s0;
	v19 =	vld [tilespmem:s3+$0xE38];
	[tilespmem:s24+$0x300] =	vst v20  }
0x271: {  	v20 =	vld [tilespmem:s10+$0xE38];
	[tilespmem:s1+$0x0] =	vst v21  }
0x272: {  	[tilespmem:s2+$0x0] =	vst v22;
	v21 =	vld [tilespmem:s31+$0x3AE8]  }
0x273: {  	v22 =	vld [tilespmem:s26+$0x2EB8];
	[tilespmem:s8+$0x380] =	vst v23  }
0x274: {  	[dreg:$0x1a] =	wrdreg s4;
	s4 =	sor.u32 s13, s0;
	[tilespmem:s7+$0x380] =	vst v24;
	v23 =	vld [tilespmem:s18+$0x1040]  }
0x275: {  	[dreg:$0x14] =	wrdreg s4;
	s4 =	sadd.s32 $0xB680, s28;
	v24 =	vld [tilespmem:s11+$0x1040];
	[tilespmem:s5+$0x380] =	vst v19  }
0x276: {  	s7 =	sor.u32 s25, s4;
	v19 =	vld [tilespmem:s3+$0x1040];
	[tilespmem:s24+$0x380] =	vst v20  }
0x277: {  	s0 =	sor.u32 s22, s0;
	s8 =	sadd.s32 $0x9400, s21;
	v20 =	vld [tilespmem:s10+$0x1040];
	[tilespmem:s7+$0x0] =	vst v21  }
0x278: {  	[dreg:$0xe] =	wrdreg s0;
	s5 =	sor.u32 s19, s4;
	s7 =	sor.u32 s15, s8;
	[tilespmem:s9+$0x0] =	vst v22;
	v22 =	vld [tilespmem:s16+$0x30C0]  }
0x279: {  	s1 =	sor.u32 s20, s8;
	[dreg:$0x12] =	wrdreg s5;
	v21 =	vld [tilespmem:s31+$0x3CF0];
	[tilespmem:s7+$0x0] =	vst v23  }
0x27a: {  	s5 =	sor.u32 s14, s8;
	s24 =	smov.u32 s6;
	s6 =	sor.u32 s13, s4;
	[tilespmem:s1+$0x0] =	vst v24;
	v23 =	vld [tilespmem:s18+$0x1248]  }
0x27b: {  	s2 =	sor.u32 s17, s8;
	[dreg:$0xb] =	wrdreg s6;
	s8 =	sadd.s32 $0xB700, s28;
	v24 =	vld [tilespmem:s11+$0x1248];
	[tilespmem:s5+$0x0] =	vst v19  }
0x27c: {  	s6 =	sor.u32 s22, s4;
	s9 =	sor.u32 s13, s8;
	s7 =	sadd.s32 $0x9480, s21;
	v19 =	vld [tilespmem:s3+$0x1248];
	[tilespmem:s2+$0x0] =	vst v20  }
0x27d: {  	s4 =	sor.u32 s25, s8;
	s0 =	sor.u32 s20, s7;
	s1 =	sor.u32 s14, s7;
	[tilespmem:s12+$0x0] =	vst v22;
	v20 =	vld [tilespmem:s10+$0x1248]  }
0x27e: {  	s5 =	sor.u32 s22, s8;
	s2 =	sor.u32 s19, s8;
	s8 =	sor.u32 s15, s7;
	v22 =	vld [tilespmem:s24+$0x30C0];
	[tilespmem:s4+$0x0] =	vst v21  }
0x27f: {  	[dreg:$0xd] =	wrdreg s2;
	s2 =	sor.u32 s17, s7;
	s7 =	smov.u32 s18;
	v21 =	vld [tilespmem:s31+$0x3EF8];
	[tilespmem:s8+$0x0] =	vst v23  }
0x280: {  	[tilespmem:s0+$0x0] =	vst v24;
	v23 =	vld [tilespmem:s7+$0x1450]  }
0x281: {  	v24 =	vld [tilespmem:s11+$0x1450];
	[tilespmem:s1+$0x0] =	vst v19;
	s1 =	sadd.s32 $0xB780, s28  }
0x282: {  	s8 =	smov.u32 s21;
	v19 =	vld [tilespmem:s3+$0x1450];
	s18 =	sor.u32 s19, s1;
	[tilespmem:s2+$0x0] =	vst v20  }
0x283: {  	s29 =	sor.u32 s13, s1;
	s4 =	sor.u32 s25, s1;
	s13 =	sadd.s32 $0x9500, s8;
	[tilespmem:s30+$0x0] =	vst v22;
	v20 =	vld [tilespmem:s10+$0x1450]  }
0x284: {  	s19 =	smov.u32 s20;
	s30 =	smov.u32 s26;
	v22 =	vld [tilespmem:s16+$0x32C8];
	s28 =	sor.u32 s15, s13;
	[tilespmem:s4+$0x0] =	vst v21  }
0x285: {  	s20 =	sor.u32 s19, s13;
	v21 =	vld [tilespmem:s30+$0x30C0];
	[tilespmem:s28+$0x0] =	vst v23  }
0x286: {  	s21 =	sor.u32 s14, s13;
	[tilespmem:s20+$0x0] =	vst v24;
	v23 =	vld [tilespmem:s7+$0x1658]  }
0x287: {  	s2 =	sor.u32 s17, s13;
	s4 =	sld [smem:$0x7EA];
	v24 =	vld [tilespmem:s11+$0x1658];
	[tilespmem:s21+$0x0] =	vst v19  }
0x288: {  	v19 =	vld [tilespmem:s3+$0x1658];
	[tilespmem:s2+$0x0] =	vst v20  }
0x289: {  	s25 =	smov.u32 s15;
	[tilespmem:s23+$0x0] =	vst v22;
	s2 =	sadd.s32 $0x9580, s8;
	v20 =	vld [tilespmem:s10+$0x1658]  }
0x28a: {  	s12 =	sor.u32 s22, s1;
	s22 =	smov.u32 s17;
	[tilespmem:s4+$0x0] =	vst v21;
	s17 =	sor.u32 s25, s2;
	v21 =	vld [tilespmem:s24+$0x32C8]  }
0x28b: {  	s13 =	smov.u32 s14;
	s14 =	sor.u32 s19, s2;
	[tilespmem:s17+$0x0] =	vst v23;
	v22 =	vld [tilespmem:s30+$0x32C8]  }
0x28c: {  	s21 =	sld [smem:$0x7EB];
	s15 =	sor.u32 s13, s2;
	[tilespmem:s14+$0x0] =	vst v24;
	v23 =	vld [tilespmem:s7+$0x1860]  }
0x28d: {  	s0 =	sor.u32 s22, s2;
	s17 =	sld [smem:$0x7EC];
	v24 =	vld [tilespmem:s11+$0x1860];
	[tilespmem:s15+$0x0] =	vst v19  }
0x28e: {  	v19 =	vld [tilespmem:s3+$0x1860];
	[tilespmem:s0+$0x0] =	vst v20  }
0x28f: {  	s20 =	sadd.s32 $0x9600, s8;
	[tilespmem:s21+$0x0] =	vst v21;
	v20 =	vld [tilespmem:s10+$0x1860]  }
0x290: {  	s15 =	sor.u32 s25, s20;
	v21 =	vld [tilespmem:s16+$0x34D0];
	[tilespmem:s17+$0x0] =	vst v22  }
0x291: {  	s23 =	sor.u32 s19, s20;
	v22 =	vld [tilespmem:s24+$0x34D0];
	[tilespmem:s15+$0x0] =	vst v23  }
0x292: {  	s28 =	sor.u32 s13, s20;
	s21 =	sld [smem:$0x7ED];
	[tilespmem:s23+$0x0] =	vst v24;
	v23 =	vld [tilespmem:s7+$0x1A68]  }
0x293: {  	s0 =	sor.u32 s22, s20;
	s17 =	sld [smem:$0x7EE];
	v24 =	vld [tilespmem:s11+$0x1A68];
	[tilespmem:s28+$0x0] =	vst v19  }
0x294: {  	v19 =	vld [tilespmem:s3+$0x1A68];
	[tilespmem:s0+$0x0] =	vst v20  }
0x295: {  	s20 =	sadd.s32 $0x9680, s8;
	[tilespmem:s21+$0x0] =	vst v21;
	v20 =	vld [tilespmem:s10+$0x1A68]  }
0x296: {  	s15 =	sor.u32 s25, s20;
	[tilespmem:s17+$0x0] =	vst v22;
	v22 =	vld [tilespmem:s16+$0x36D8]  }
0x297: {  	s23 =	sor.u32 s19, s20;
	v21 =	vld [tilespmem:s30+$0x34D0];
	[tilespmem:s15+$0x0] =	vst v23  }
0x298: {  	s28 =	sor.u32 s13, s20;
	[tilespmem:s23+$0x0] =	vst v24;
	v23 =	vld [tilespmem:s7+$0x1C70]  }
0x299: {  	s0 =	sor.u32 s22, s20;
	v24 =	vld [tilespmem:s11+$0x1C70];
	[tilespmem:s28+$0x0] =	vst v19  }
0x29a: {  	s17 =	rddreg [dreg:$0x1e];
	v19 =	vld [tilespmem:s3+$0x1C70];
	[tilespmem:s0+$0x0] =	vst v20  }
0x29b: {  	s21 =	rddreg [dreg:$0x1c];
	s20 =	sadd.s32 $0x9700, s8;
	[tilespmem:s17+$0x0] =	vst v22;
	v20 =	vld [tilespmem:s10+$0x1C70]  }
0x29c: {  	s15 =	sor.u32 s25, s20;
	[tilespmem:s21+$0x0] =	vst v21;
	v21 =	vld [tilespmem:s24+$0x36D8]  }
0x29d: {  	s23 =	sor.u32 s19, s20;
	[tilespmem:s15+$0x0] =	vst v23;
	v22 =	vld [tilespmem:s30+$0x36D8]  }
0x29e: {  	s28 =	sor.u32 s13, s20;
	[tilespmem:s23+$0x0] =	vst v24;
	v23 =	vld [tilespmem:s7+$0x1E78]  }
0x29f: {  	s0 =	sor.u32 s22, s20;
	v24 =	vld [tilespmem:s11+$0x1E78];
	[tilespmem:s28+$0x0] =	vst v19  }
0x2a0: {  	s21 =	rddreg [dreg:$0x1a];
	v19 =	vld [tilespmem:s3+$0x1E78];
	[tilespmem:s0+$0x0] =	vst v20  }
0x2a1: {  	s17 =	rddreg [dreg:$0x16];
	s20 =	sadd.s32 $0x9780, s8;
	[tilespmem:s21+$0x0] =	vst v21;
	v20 =	vld [tilespmem:s10+$0x1E78]  }
0x2a2: {  	s15 =	sor.u32 s25, s20;
	v21 =	vld [tilespmem:s16+$0x38E0];
	[tilespmem:s17+$0x0] =	vst v22  }
0x2a3: {  	s23 =	sor.u32 s19, s20;
	v22 =	vld [tilespmem:s24+$0x38E0];
	[tilespmem:s15+$0x0] =	vst v23  }
0x2a4: {  	s28 =	sor.u32 s13, s20;
	[tilespmem:s23+$0x0] =	vst v24;
	v23 =	vld [tilespmem:s7+$0x2080]  }
0x2a5: {  	s0 =	sor.u32 s22, s20;
	v24 =	vld [tilespmem:s11+$0x2080];
	[tilespmem:s28+$0x0] =	vst v19  }
0x2a6: {  	s21 =	rddreg [dreg:$0x18];
	v19 =	vld [tilespmem:s3+$0x2080];
	[tilespmem:s0+$0x0] =	vst v20  }
0x2a7: {  	s20 =	sadd.s32 $0xA400, s8;
	s17 =	rddreg [dreg:$0x14];
	[tilespmem:s21+$0x0] =	vst v21;
	v20 =	vld [tilespmem:s10+$0x2080]  }
0x2a8: {  	s15 =	sor.u32 s25, s20;
	[tilespmem:s17+$0x0] =	vst v22;
	v22 =	vld [tilespmem:s16+$0x3AE8]  }
0x2a9: {  	s23 =	sor.u32 s19, s20;
	v21 =	vld [tilespmem:s30+$0x38E0];
	[tilespmem:s15+$0x0] =	vst v23  }
0x2aa: {  	s28 =	sor.u32 s13, s20;
	[tilespmem:s23+$0x0] =	vst v24;
	v23 =	vld [tilespmem:s7+$0x2288]  }
0x2ab: {  	s0 =	sor.u32 s22, s20;
	v24 =	vld [tilespmem:s11+$0x2288];
	[tilespmem:s28+$0x0] =	vst v19  }
0x2ac: {  	s17 =	rddreg [dreg:$0x12];
	v19 =	vld [tilespmem:s3+$0x2288];
	[tilespmem:s0+$0x0] =	vst v20  }
0x2ad: {  	s21 =	rddreg [dreg:$0xe];
	s20 =	sadd.s32 $0xA480, s8;
	[tilespmem:s17+$0x0] =	vst v22;
	v20 =	vld [tilespmem:s10+$0x2288]  }
0x2ae: {  	s15 =	sor.u32 s25, s20;
	[tilespmem:s21+$0x0] =	vst v21;
	v21 =	vld [tilespmem:s24+$0x3AE8]  }
0x2af: {  	s23 =	sor.u32 s19, s20;
	[tilespmem:s15+$0x0] =	vst v23;
	v22 =	vld [tilespmem:s30+$0x3AE8]  }
0x2b0: {  	s28 =	sor.u32 s13, s20;
	[tilespmem:s23+$0x0] =	vst v24;
	v23 =	vld [tilespmem:s7+$0x2490]  }
0x2b1: {  	s0 =	sor.u32 s22, s20;
	v24 =	vld [tilespmem:s11+$0x2490];
	[tilespmem:s28+$0x0] =	vst v19  }
0x2b2: {  	s21 =	rddreg [dreg:$0xb];
	v19 =	vld [tilespmem:s3+$0x2490];
	[tilespmem:s0+$0x0] =	vst v20  }
0x2b3: {  	s20 =	sadd.s32 $0xA500, s8;
	[tilespmem:s21+$0x0] =	vst v21;
	v20 =	vld [tilespmem:s10+$0x2490]  }
0x2b4: {  	s14 =	sor.u32 s25, s20;
	v21 =	vld [tilespmem:s16+$0x3CF0];
	[tilespmem:s6+$0x0] =	vst v22  }
0x2b5: {  	s23 =	sor.u32 s19, s20;
	v22 =	vld [tilespmem:s24+$0x3CF0];
	[tilespmem:s14+$0x0] =	vst v23  }
0x2b6: {  	s28 =	sor.u32 s13, s20;
	[tilespmem:s23+$0x0] =	vst v24;
	v23 =	vld [tilespmem:s7+$0x2698]  }
0x2b7: {  	s0 =	sor.u32 s22, s20;
	v24 =	vld [tilespmem:s11+$0x2698];
	[tilespmem:s28+$0x0] =	vst v19  }
0x2b8: {  	s17 =	rddreg [dreg:$0xd];
	v62 =	vld [tilespmem:s3+$0x2698];
	[tilespmem:s0+$0x0] =	vst v20  }
0x2b9: {  	s15 =	sadd.s32 $0xA580, s8;
	[tilespmem:s17+$0x0] =	vst v21;
	v63 =	vld [tilespmem:s10+$0x2698]  }
.Ltmp6:
0x2ba: {  	s28 =	sor.u32 s25, s15;
	[tilespmem:s9+$0x0] =	vst v22;
	v19 =	vld [tilespmem:s16+$0x3EF8];
	(pc) =	sbr.rel @p4 .LBB2_10-.Ltmp6, $4  }
0x2bb: {  	s20 =	sor.u32 s19, s15;
	v20 =	vld [tilespmem:s30+$0x3CF0];
	[tilespmem:s28+$0x0] =	vst v23  }
0x2bc: {  	s21 =	sor.u32 s13, s15;
	s23 =	smov.u32 s11;
	[tilespmem:s20+$0x0] =	vst v24;
	v22 =	vld [tilespmem:s7+$0x28A0]  }
0x2bd: {  	s31 =	rddreg [dreg:$0x4];
	s0 =	sor.u32 s22, s15;
	v23 =	vld [tilespmem:s23+$0x28A0];
	[tilespmem:s21+$0x0] =	vst v62  }
0x2be: {  	s26 =	rddreg [dreg:$0x9];
	v21 =	vld [tilespmem:s3+$0x28A0];
	[tilespmem:s0+$0x0] =	vst v63  }
0x2bf: {  	s2 =	rddreg [dreg:$0x6]  }
0x2c0: {  	s6 =	rddreg [dreg:$0x8];
	s1 =	smov.u32 s24  }
0x2c1: {  	s28 =	smov.u32 s30;
	s21 =	smov.u32 s29;
	s30 =	sld [smem:$0x7F0]  }
0x2c2: {  	s9 =	smov.u32 s12;
	s29 =	simm.s32 $0x10400;
	s11 =	sld [smem:$0x7EF]  }
.LBB2_12:
0x2c3: {  	s0 =	sadd.s32 $0xA600, s8  }
0x2c4: {  	s4 =	sor.u32 s25, s0  }
0x2c5: {  	v24 =	vld [tilespmem:s10+$0x28A0];
	s12 =	sor.u32 s19, s0;
	[tilespmem:s4+$0x0] =	vst v22  }
0x2c6: {  	s14 =	sor.u32 s13, s0;
	[tilespmem:s12+$0x0] =	vst v23;
	v22 =	vld [tilespmem:s7+$0x2AA8]  }
0x2c7: {  	[tilespmem:s14+$0x0] =	vst v21;
	v23 =	vld [tilespmem:s23+$0x2AA8]  }
0x2c8: {  	v21 =	vld [tilespmem:s3+$0x2AA8]  }
0x2c9: {  	s15 =	sadd.s32 $0xA680, s8;
	s0 =	sor.u32 s22, s0  }
0x2ca: {  	s16 =	sor.u32 s25, s15;
	[tilespmem:s0+$0x0] =	vst v24  }
0x2cb: {  	s17 =	sor.u32 s19, s15;
	[tilespmem:s16+$0x0] =	vst v22;
	v22 =	vld [tilespmem:s10+$0x2AA8]  }
0x2cc: {  	s20 =	sor.u32 s13, s15;
	[tilespmem:s17+$0x0] =	vst v23;
	v23 =	vld [tilespmem:s7+$0x2CB0]  }
0x2cd: {  	[tilespmem:s20+$0x0] =	vst v21;
	v24 =	vld [tilespmem:s23+$0x2CB0]  }
0x2ce: {  	v21 =	vld [tilespmem:s3+$0x2CB0]  }
0x2cf: {  	s24 =	sadd.s32 $0xA700, s8;
	s4 =	sor.u32 s22, s15  }
0x2d0: {  	s26 =	sor.u32 s25, s24;
	[tilespmem:s4+$0x0] =	vst v22  }
0x2d1: {  	s31 =	sor.u32 s19, s24;
	[tilespmem:s26+$0x0] =	vst v23;
	v22 =	vld [tilespmem:s10+$0x2CB0]  }
0x2d2: {  	s12 =	sor.u32 s13, s24;
	[tilespmem:s31+$0x0] =	vst v24;
	v23 =	vld [tilespmem:s7+$0x2EB8]  }
0x2d3: {  	[tilespmem:s12+$0x0] =	vst v21;
	v24 =	vld [tilespmem:s23+$0x2EB8]  }
0x2d4: {  	v21 =	vld [tilespmem:s3+$0x2EB8]  }
0x2d5: {  	s14 =	sadd.s32 $0xA780, s8;
	s0 =	sor.u32 s22, s24  }
0x2d6: {  	s15 =	sor.u32 s25, s14;
	[tilespmem:s0+$0x0] =	vst v22  }
0x2d7: {  	s16 =	sor.u32 s19, s14;
	[tilespmem:s15+$0x0] =	vst v23;
	v22 =	vld [tilespmem:s10+$0x2EB8]  }
0x2d8: {  	s17 =	sor.u32 s13, s14;
	[tilespmem:s16+$0x0] =	vst v24;
	v23 =	vld [tilespmem:s7+$0x30C0]  }
0x2d9: {  	[tilespmem:s17+$0x0] =	vst v21;
	v24 =	vld [tilespmem:s23+$0x30C0]  }
0x2da: {  	v21 =	vld [tilespmem:s3+$0x30C0]  }
0x2db: {  	s20 =	sadd.s32 $0xB400, s8;
	s4 =	sor.u32 s22, s14  }
0x2dc: {  	s24 =	sor.u32 s25, s20;
	[tilespmem:s4+$0x0] =	vst v22  }
0x2dd: {  	s26 =	sor.u32 s19, s20;
	[tilespmem:s24+$0x0] =	vst v23;
	v22 =	vld [tilespmem:s10+$0x30C0]  }
0x2de: {  	s31 =	sor.u32 s13, s20;
	[tilespmem:s26+$0x0] =	vst v24;
	v23 =	vld [tilespmem:s7+$0x32C8]  }
0x2df: {  	[tilespmem:s31+$0x0] =	vst v21;
	v24 =	vld [tilespmem:s23+$0x32C8]  }
0x2e0: {  	v21 =	vld [tilespmem:s3+$0x32C8]  }
0x2e1: {  	s12 =	sadd.s32 $0xB480, s8;
	s0 =	sor.u32 s22, s20  }
0x2e2: {  	s14 =	sor.u32 s25, s12;
	[tilespmem:s0+$0x0] =	vst v22  }
0x2e3: {  	s15 =	sor.u32 s19, s12;
	[tilespmem:s14+$0x0] =	vst v23;
	v22 =	vld [tilespmem:s10+$0x32C8]  }
0x2e4: {  	s16 =	sor.u32 s13, s12;
	[tilespmem:s15+$0x0] =	vst v24;
	v23 =	vld [tilespmem:s7+$0x34D0]  }
0x2e5: {  	[tilespmem:s16+$0x0] =	vst v21;
	v24 =	vld [tilespmem:s23+$0x34D0]  }
0x2e6: {  	v21 =	vld [tilespmem:s3+$0x34D0]  }
0x2e7: {  	s17 =	sadd.s32 $0xB500, s8;
	s4 =	sor.u32 s22, s12  }
0x2e8: {  	s20 =	sor.u32 s25, s17;
	[tilespmem:s4+$0x0] =	vst v22  }
0x2e9: {  	s24 =	sor.u32 s19, s17;
	[tilespmem:s20+$0x0] =	vst v23;
	v22 =	vld [tilespmem:s10+$0x34D0]  }
0x2ea: {  	s26 =	sor.u32 s13, s17;
	[tilespmem:s24+$0x0] =	vst v24;
	v23 =	vld [tilespmem:s7+$0x36D8]  }
0x2eb: {  	[tilespmem:s26+$0x0] =	vst v21;
	v24 =	vld [tilespmem:s23+$0x36D8]  }
0x2ec: {  	v21 =	vld [tilespmem:s3+$0x36D8]  }
0x2ed: {  	s31 =	sadd.s32 $0xB580, s8;
	s0 =	sor.u32 s22, s17  }
0x2ee: {  	s12 =	sor.u32 s25, s31;
	[tilespmem:s0+$0x0] =	vst v22  }
0x2ef: {  	s14 =	sor.u32 s19, s31;
	[tilespmem:s12+$0x0] =	vst v23;
	v22 =	vld [tilespmem:s10+$0x36D8]  }
0x2f0: {  	s15 =	sor.u32 s13, s31;
	[tilespmem:s14+$0x0] =	vst v24;
	v23 =	vld [tilespmem:s7+$0x38E0]  }
0x2f1: {  	[tilespmem:s15+$0x0] =	vst v21;
	v24 =	vld [tilespmem:s23+$0x38E0]  }
0x2f2: {  	v21 =	vld [tilespmem:s3+$0x38E0]  }
0x2f3: {  	s16 =	sadd.s32 $0xB600, s8;
	s4 =	sor.u32 s22, s31  }
0x2f4: {  	s17 =	sor.u32 s25, s16;
	[tilespmem:s4+$0x0] =	vst v22  }
0x2f5: {  	s20 =	sor.u32 s19, s16;
	[tilespmem:s17+$0x0] =	vst v23;
	v22 =	vld [tilespmem:s10+$0x38E0]  }
0x2f6: {  	s24 =	sor.u32 s13, s16;
	[tilespmem:s20+$0x0] =	vst v24;
	v23 =	vld [tilespmem:s7+$0x3AE8]  }
0x2f7: {  	[tilespmem:s24+$0x0] =	vst v21;
	v24 =	vld [tilespmem:s23+$0x3AE8]  }
0x2f8: {  	v21 =	vld [tilespmem:s3+$0x3AE8]  }
0x2f9: {  	[tilespmem:s5+$0x0] =	vst @p2 v20;
	s26 =	sadd.s32 $0xB680, s8;
	s0 =	sor.u32 s22, s16  }
0x2fa: {  	s31 =	sor.u32 s25, s26;
	[tilespmem:s0+$0x0] =	vst v22  }
0x2fb: {  	s12 =	sor.u32 s19, s26;
	[tilespmem:s31+$0x0] =	vst v23;
	v22 =	vld [tilespmem:s10+$0x3AE8]  }
0x2fc: {  	s14 =	sor.u32 s13, s26;
	[tilespmem:s12+$0x0] =	vst v24;
	v23 =	vld [tilespmem:s7+$0x3CF0]  }
0x2fd: {  	[tilespmem:s14+$0x0] =	vst v21;
	v20 =	vld [tilespmem:s23+$0x3CF0]  }
0x2fe: {  	[tilespmem:s18+$0x0] =	vst @p2 v19;
	v21 =	vld [tilespmem:s3+$0x3CF0]  }
0x2ff: {  	v19 =	vld @p2 [tilespmem:s1+$0x3EF8];
	[tilespmem:s2+$0x0] =	vst @p3 v17;
	s16 =	sadd.s32 $0xB700, s8;
	s15 =	sor.u32 s22, s26  }
0x300: {  	s17 =	sor.u32 s25, s16;
	v24 =	vld @p2 [tilespmem:s28+$0x3EF8];
	[tilespmem:s15+$0x0] =	vst v22  }
0x301: {  	s18 =	sor.u32 s19, s16;
	[tilespmem:s17+$0x0] =	vst v23;
	v22 =	vld [tilespmem:s10+$0x3CF0]  }
0x302: {  	s20 =	sor.u32 s13, s16;
	[tilespmem:s18+$0x0] =	vst v20;
	v23 =	vld [tilespmem:s7+$0x3EF8]  }
0x303: {  	[tilespmem:s20+$0x0] =	vst v21;
	v17 =	vld [tilespmem:s23+$0x3EF8]  }
0x304: {  	[tilespmem:s6+$0x0] =	vst @p3 v18;
	v18 =	vld [tilespmem:s3+$0x3EF8]  }
0x305: {  	s0 =	sor.u32 s22, s16;
	s23 =	sadd.s32 $0xB780, s8  }
0x306: {  	s24 =	sor.u32 s25, s23;
	[tilespmem:s0+$0x0] =	vst v22  }
0x307: {  	s25 =	sor.u32 s19, s23;
	[tilespmem:s24+$0x0] =	vst v23  }
0x308: {  	s26 =	sor.u32 s13, s23;
	s0 =	smov.u32 @p2 s21;
	[tilespmem:s25+$0x0] =	vst v17  }
0x309: {  	s2 =	smov.u32 @p2 s9;
	v19 =	vpsel p2, v19, v0;
	v20 =	vld [tilespmem:s10+$0x3EF8];
	v17 =	vmov @p2 v24;
	s0 =	smov.u32 @p2 s0;
	[tilespmem:s26+$0x0] =	vst v18  }
0x30a: {  	[tilespmem:s0+$0x0] =	vst @p2 v19;
	v17 =	vpsel p2, v17, v0;
	s0 =	smov.u32 @p2 s2  }
0x30b: {  	[tilespmem:s0+$0x0] =	vst @p2 v17  }
0x30c: {  	s31 =	sld [smem:$0x7F3]  }
0x30d: {  	s1 =	sor.u32 s22, s23  }
0x30e: {  	s28 =	sshll.u32 s30, $0x11;
	[tilespmem:s1+$0x0] =	vst v20;
	s1 =	rddreg [dreg:$0x2]  }
0x30f: {  	s5 =	simm.s32 $0x0;
	s9 =	sor.u32 s31, s28;
	s4 =	sld [smem:$0x7F6]  }
0x310: {  	s2 =	simm.s32 $0x8400;
	s7 =	sld [smem:$0x7F7];
	s0 =	sadd.s32 s1, s9  }
0x311: {  	[hbm4b:s0+s5] =	stream.linear.scatter [tilespmem:s2], [sflag:$0x5], $0x1000, $0x38;
	[tilespmem:$0x14500] =	vst v63  }
0x312: {  	s6 =	simm.s32 $0x9400;
	s10 =	sld [smem:$0x7F8];
	s0 =	sadd.s32 s9, s4  }
0x313: {  	[hbm4b:s0+s5] =	stream.linear.scatter [tilespmem:s6], [sflag:$0x5], $0x1000, $0x38;
	[tilespmem:$0x14500] =	vst v63  }
0x314: {  	s8 =	simm.s32 $0xA400;
	s0 =	sadd.s32 s9, s7  }
0x315: {  	[hbm4b:s0+s5] =	stream.linear.scatter [tilespmem:s8], [sflag:$0x5], $0x1000, $0x38;
	[tilespmem:$0x14500] =	vst v63  }
0x316: {  	s12 =	simm.s32 $0xB400;
	s0 =	sadd.s32 s9, s10  }
0x317: {  	[hbm4b:s0+s5] =	stream.linear.scatter [tilespmem:s12], [sflag:$0x5], $0x1000, $0x38;
	[tilespmem:$0x14500] =	vst v63  }
0x318: {  	s0 =	simm.s32 @!p1 $0x6  }
0x319: {  	_ =	swait.ge @!p1 [sflag:s0], $0x1000  }
0x31a: {  	[sflag:s0] =	ssyncset.done @!p1 $0x0  }
0x31b: {  	[sflag:s0] =	ssyncadd.s32 @!p1 $0xFFFFF000  }
0x31c: {  	_ =	swait.ge @!p1 [sflag:s0], $0x1000  }
0x31d: {  	[sflag:s0] =	ssyncset.done @!p1 $0x0  }
0x31e: {  	[sflag:s0] =	ssyncadd.s32 @!p1 $0xFFFFF000  }
0x31f: {  	s13 =	sadd.s32 $0x3, s11;
	_ =	swait.ge @!p1 [sflag:s0], $0x1000  }
0x320: {  	s14 =	smulhi.u32 $0x51EB851F, s13;
	[sflag:s0] =	ssyncset.done @!p1 $0x0  }
0x321: {  	s16 =	simm.s32 $0x4;
	s18 =	simm.s32 $0x1;
	[sflag:s0] =	ssyncadd.s32 @!p1 $0xFFFFF000  }
0x322: {  	s20 =	simm.s32 $0x3;
	s2 =	sshrl.u32 s14, $0x6;
	_ =	swait.ge @!p1 [sflag:s0], $0x1000  }
0x323: {  	s22 =	simm.s32 $0x5;
	s15 =	smul.u32 $0xC8, s2;
	[sflag:s0] =	ssyncset.done @!p1 $0x0  }
0x324: {  	s19 =	simm.s32 $0x2;
	s23 =	simm.s32 $0x6;
	v21 =	vmov s22;
	[sflag:s0] =	ssyncadd.s32 @!p1 $0xFFFFF000  }
0x325: {  	v21 =	vshrl.u32 v21, $0x3;
	s24 =	simm.s32 $0x7;
	s0 =	ssub.s32 s13, s15;
	_ =	swait.ge [sflag:s16], $0x4000  }
0x326: {  	v22 =	vmov s23;
	v21 =	vshll.u32 v21, v1;
	v18 =	vmov s19;
	s25 =	simm.s32 $0x8;
	s0 =	sshll.u32 s0, $0xE;
	[sflag:s16] =	ssyncset.done $0x0  }
0x327: {  	s26 =	simm.s32 $0x9;
	v22 =	vshrl.u32 v22, $0x3;
	v45 =	vbroadcast v21, $0x0;
	v19 =	vmov s20;
	s17 =	sor.u32 s31, s0;
	[sflag:s16] =	ssyncadd.s32 $0xFFFFC000  }
0x328: {  	s19 =	simm.s32 $0x15;
	v23 =	vmov s24;
	v24 =	vmov s25;
	v26 =	vmov s26;
	s1 =	sshrl.u32 s17, $0x3;
	s7 =	rddreg [dreg:$0x0]  }
0x329: {  	s11 =	simm.s32 $0x200;
	v18 =	vshrl.u32 v18, $0x3;
	v21 =	vshll.u32 v22, v1;
	v50 =	vmov s19;
	s12 =	simm.s32 $0x1;
	s1 =	sadd.s32 s7, s1  }
0x32a: {  	v17 =	vmov s18;
	v19 =	vshrl.u32 v19, $0x3;
	v23 =	vshrl.u32 v23, $0x3;
	[tilespmem:s11], [sflag:$0x2] =	stream.linear.gather [hbm4b:s1+s5], $0x200, $0x38;
	[tilespmem:$0x14500] =	vst v63  }
0x32b: {  	v24 =	vshrl.u32 v24, $0x3;
	v26 =	vshrl.u32 v26, $0x3;
	v18 =	vshll.u32 v18, v1;
	s13 =	simm.s32 $0xF;
	s0 =	simm.s32 $0x0;
	_ =	swait.ge [sflag:s12], $0x200  }
0x32c: {  	v32 =	vshrl.u32 v17, $0x3;
	v17 =	vmov s13;
	v25 =	vmov s0;
	s4 =	sld [smem:$0x7F2]  }
0x32d: {  	s3 =	simm.s32 @!p0 $0x400;
	s20 =	simm.s32 $0x16;
	v56 =	vadd.s32 v11, v45;
	v17 =	vshrl.u32 v17, $0x3;
	v25 =	vshrl.u32 v25, $0x3;
	[sflag:s12] =	ssyncset.done $0x0  }
0x32e: {  	v52 =	vmov s20;
	s2 =	simm.s32 @!p0 $0x0;
	v17 =	vshll.u32 v17, v1;
	v25 =	vshll.u32 v25, v1;
	s1 =	simm.s32 @!p0 $0x200;
	[sflag:s12] =	ssyncadd.s32 $0xFFFFFE00  }
0x32f: {  	v33 =	vbroadcast v17, $0x0;
	v17 =	vbroadcast v25, $0x0;
	v25 =	vshll.u32 v32, v1;
	[tilespmem:s3], [sflag:$0x3] =	stream.indirect.gather @!p0 [hbm4b:s4+s1], $0x20, s2, s1, $0xb8;
	[tilespmem:$0x14500] =	vst v63  }
0x330: {  	s21 =	simm.s32 $0x4;
	s18 =	simm.s32 $0x14;
	v37 =	vbroadcast v18, $0x0;
	v18 =	vshll.u32 v19, v1;
	v25 =	vbroadcast v25, $0x0;
	s1 =	simm.s32 $0x4500  }
0x331: {  	v49 =	vmov s18;
	v20 =	vmov s21;
	v34 =	vadd.s32 v15, v33;
	v55 =	vld [tilespmem:s1+$0xE0]  }
0x332: {  	v39 =	vbroadcast v18, $0x0;
	v20 =	vshrl.u32 v20, $0x3;
	v38 =	vadd.s32 v3, v25;
	v19 =	vld [tilespmem:s1+$0xFFFFFF20]  }
0x333: {  	v40 =	vadd.s32 v5, v37;
	s28 =	simm.s32 $0xA;
	v18 =	vshll.u32 v20, v1;
	v36 =	vadd.s32 v0, v17;
	v35 =	vld [tilespmem:s1+$0xFFFFFF00]  }
0x334: {  	s21 =	simm.s32 $0x17;
	v42 =	vadd.s32 v7, v39;
	v27 =	vmov s28;
	v41 =	vbroadcast v18, $0x0;
	v20 =	vld [tilespmem:s1+$0xFFFFFF40]  }
0x335: {  	v53 =	vmov s21;
	v39 =	vadd.s32 v8, v39;
	v27 =	vshrl.u32 v27, $0x3;
	s6 =	simm.s32 $0xC;
	v18 =	vld [tilespmem:s1+$0xFFFFFF60]  }
0x336: {  	v44 =	vadd.s32 v9, v41;
	v41 =	vadd.s32 v10, v41;
	v29 =	vmov s6;
	s8 =	simm.s32 $0xD;
	s31 =	simm.s32 $0xB;
	v43 =	vld [tilespmem:s1+$0xFFFFFF80];
	[tilespmem:v34+s29+$0x0] =	vst.idx.msk $0xffff, v55  }
0x337: {  	v29 =	vshrl.u32 v29, $0x3;
	v30 =	vmov s8;
	v28 =	vmov s31;
	[tilespmem:v38+s29+$0x0] =	vst.idx.msk $0xffff, v19;
	v19 =	vld [tilespmem:s1+$0xFFFFFFA0]  }
0x338: {  	s10 =	simm.s32 $0xE;
	[tilespmem:v36+s29+$0x0] =	vst.idx.msk $0xffff, v35;
	v36 =	vbroadcast v21, $0x0;
	v21 =	vshll.u32 v23, v1;
	v23 =	vadd.s32 v16, v33;
	v22 =	vld [tilespmem:s1+$0xF0]  }
0x339: {  	v31 =	vmov s10;
	v28 =	vshrl.u32 v28, $0x3;
	v25 =	vadd.s32 v4, v25;
	[tilespmem:v40+s29+$0x0] =	vst.idx.msk $0xffff, v20;
	v51 =	vld [tilespmem:s1+$0xFFFFFF30]  }
0x33a: {  	[tilespmem:v42+s29+$0x0] =	vst.idx.msk $0xffff, v18;
	v55 =	vadd.s32 v6, v37;
	v46 =	vbroadcast v21, $0x0;
	v21 =	vshll.u32 v24, v1;
	v54 =	vld [tilespmem:s1+$0xFFFFFF50]  }
0x33b: {  	v20 =	vld [tilespmem:s1+$0xFFFFFFC0];
	[tilespmem:v44+s29+$0x0] =	vst.idx.msk $0xffff, v43;
	v24 =	vadd.s32 v13, v36;
	v40 =	vbroadcast v21, $0x0;
	v21 =	vshll.u32 v26, v1  }
0x33c: {  	v18 =	vshll.u32 v27, v1;
	v26 =	vld [tilespmem:s1+$0xFFFFFFE0];
	v57 =	vadd.s32 v15, v46;
	v47 =	vbroadcast v21, $0x0;
	[tilespmem:v56+s29+$0x0] =	vst.idx.msk $0xffff, v19  }
0x33d: {  	v27 =	vld [tilespmem:s1+$0x0];
	v48 =	vbroadcast v18, $0x0;
	v18 =	vshll.u32 v28, v1;
	v58 =	vadd.s32 v0, v40;
	[tilespmem:v23+s29+$0x0] =	vst.idx.msk $0xffff, v22  }
0x33e: {  	v30 =	vshrl.u32 v30, $0x3;
	s16 =	simm.s32 $0x12;
	v28 =	vld [tilespmem:s1+$0x20];
	v21 =	vshll.u32 v29, v1;
	v59 =	vadd.s32 v3, v47;
	[tilespmem:v25+s29+$0x0] =	vst.idx.msk $0xffff, v51  }
0x33f: {  	v31 =	vshrl.u32 v31, $0x3;
	v61 =	vmov s16;
	v19 =	vbroadcast v21, $0x0;
	v56 =	vld [tilespmem:s1+$0xFFFFFF70];
	[tilespmem:v55+s29+$0x0] =	vst.idx.msk $0xffff, v54  }
0x340: {  	v18 =	vbroadcast v18, $0x0;
	v21 =	vshll.u32 v30, v1;
	v22 =	vld [tilespmem:s1+$0x40];
	v23 =	vadd.s32 v5, v48;
	[tilespmem:v24+s29+$0x0] =	vst.idx.msk $0xffff, v20  }
0x341: {  	s26 =	simm.s32 $0x1C;
	s17 =	simm.s32 $0x13;
	v20 =	vbroadcast v21, $0x0;
	v21 =	vshll.u32 v31, v1;
	v31 =	vadd.s32 v9, v19;
	[tilespmem:v57+s29+$0x0] =	vst.idx.msk $0xffff, v26;
	v26 =	vld [tilespmem:s1+$0x80]  }
0x342: {  	s15 =	simm.s32 $0x11;
	v62 =	vmov s17;
	v32 =	vmov s26;
	v29 =	vadd.s32 v7, v18;
	v24 =	vld [tilespmem:s1+$0x60];
	[tilespmem:v58+s29+$0x0] =	vst.idx.msk $0xffff, v27  }
0x343: {  	s23 =	simm.s32 $0x19;
	s24 =	simm.s32 $0x1A;
	v38 =	vmov s15;
	v21 =	vbroadcast v21, $0x0;
	v27 =	vld [tilespmem:s1+$0xA0];
	v60 =	vadd.s32 v11, v20;
	[tilespmem:v59+s29+$0x0] =	vst.idx.msk $0xffff, v28  }
0x344: {  	v34 =	vmov s23;
	v35 =	vmov s24;
	v57 =	vld [tilespmem:s1+$0xFFFFFFB0];
	v58 =	vadd.s32 v12, v45;
	[tilespmem:v39+s29+$0x0] =	vst.idx.msk $0xffff, v56  }
0x345: {  	s14 =	simm.s32 $0x10;
	v42 =	vadd.s32 v14, v36;
	v36 =	vshrl.u32 v38, $0x3;
	v28 =	vld [tilespmem:s1+$0xC0];
	v63 =	vadd.s32 v13, v21;
	[tilespmem:v23+s29+$0x0] =	vst.idx.msk $0xffff, v22  }
0x346: {  	s25 =	simm.s32 $0x1B;
	v43 =	vadd.s32 v16, v46;
	v46 =	vadd.s32 v6, v48;
	v30 =	vmov s14;
	[tilespmem:v31+s29+$0x0] =	vst.idx.msk $0xffff, v26;
	v26 =	vld [tilespmem:s1+$0xFFFFFF90]  }
0x347: {  	s28 =	simm.s32 $0x1D;
	v44 =	vadd.s32 v2, v40;
	v33 =	vshrl.u32 v30, $0x3;
	v30 =	vmov s25;
	v37 =	vld [tilespmem:s1+$0xFFFFFFD0];
	[tilespmem:v29+s29+$0x0] =	vst.idx.msk $0xffff, v24  }
0x348: {  	s22 =	simm.s32 $0x18;
	s31 =	simm.s32 $0x1E;
	v25 =	vshrl.u32 v52, $0x3;
	v38 =	vld [tilespmem:s1+$0xFFFFFFF0];
	v45 =	vadd.s32 v4, v47;
	v22 =	vmov s28;
	[tilespmem:v60+s29+$0x0] =	vst.idx.msk $0xffff, v27  }
0x349: {  	v39 =	vld [tilespmem:s1+$0x10];
	v23 =	vmov s31;
	v24 =	vmov s22;
	v29 =	vshrl.u32 v62, $0x3;
	[tilespmem:v58+s29+$0x0] =	vst.idx.msk $0xffff, v57  }
0x34a: {  	v40 =	vld [tilespmem:s1+$0x30];
	v31 =	vshll.u32 v33, v1;
	v33 =	vshrl.u32 v61, $0x3;
	v24 =	vshrl.u32 v24, $0x3;
	[tilespmem:v63+s29+$0x0] =	vst.idx.msk $0xffff, v28  }
0x34b: {  	s3 =	simm.s32 $0x1F;
	s2 =	simm.s32 $0x20;
	v27 =	vshrl.u32 v50, $0x3;
	v28 =	vshrl.u32 v49, $0x3;
	[tilespmem:v41+s29+$0x0] =	vst.idx.msk $0xffff, v26;
	v26 =	vshrl.u32 v53, $0x3;
	v41 =	vld [tilespmem:s1+$0x50]  }
.LBB2_13:
0x34c: {  	p0 =	slt.u32 s2, $0x1F0;
	v34 =	vshrl.u32 v34, $0x3;
	v47 =	vmov s3;
	[tilespmem:v42+s29+$0x0] =	vst.idx.msk $0xffff, v37;
	v37 =	vld [tilespmem:s1+$0x70];
	v18 =	vadd.s32 v8, v18  }
0x34d: {  	v35 =	vshrl.u32 v35, $0x3;
	v19 =	vadd.s32 v10, v19;
	v42 =	vshrl.u32 v47, $0x3;
	[tilespmem:v43+s29+$0x0] =	vst.idx.msk $0xffff, v38;
	v38 =	vld [tilespmem:s1+$0x90]  }
0x34e: {  	v30 =	vshrl.u32 v30, $0x3;
	v20 =	vadd.s32 v12, v20;
	v42 =	vshll.u32 v42, v1;
	[tilespmem:v44+s29+$0x0] =	vst.idx.msk $0xffff, v39;
	v39 =	vld [tilespmem:s1+$0xB0]  }
0x34f: {  	v32 =	vshrl.u32 v32, $0x3;
	v21 =	vadd.s32 v14, v21;
	v42 =	vbroadcast v42, $0x0;
	[tilespmem:v45+s29+$0x0] =	vst.idx.msk $0xffff, v40;
	v40 =	vld [tilespmem:s1+$0xD0]  }
0x350: {  	v36 =	vshll.u32 v36, v1;
	v44 =	vadd.s32 v2, v17;
	v17 =	vbroadcast v31, $0x0;
	v43 =	vld [tilespmem:s1+$0xFFFFFF10];
	[tilespmem:v46+s29+$0x0] =	vst.idx.msk $0xffff, v41;
	s1 =	sadd.s32 $0x200, s1  }
0x351: {  	v33 =	vshll.u32 v33, v1;
	v31 =	vbroadcast v36, $0x0;
	v36 =	vld [tilespmem:s1+$0xE0];
	v41 =	vadd.s32 v15, v42;
	[tilespmem:v18+s29+$0x0] =	vst.idx.msk $0xffff, v37  }
0x352: {  	v29 =	vshll.u32 v29, v1;
	v33 =	vbroadcast v33, $0x0;
	v37 =	vadd.s32 v0, v17;
	v18 =	vld [tilespmem:s1+$0xFFFFFF00];
	[tilespmem:v19+s29+$0x0] =	vst.idx.msk $0xffff, v38  }
0x353: {  	v28 =	vshll.u32 v28, v1;
	v29 =	vbroadcast v29, $0x0;
	v38 =	vadd.s32 v3, v31;
	v19 =	vld [tilespmem:s1+$0xFFFFFF20];
	[tilespmem:v20+s29+$0x0] =	vst.idx.msk $0xffff, v39  }
0x354: {  	v22 =	vshrl.u32 v22, $0x3;
	v28 =	vbroadcast v28, $0x0;
	v39 =	vadd.s32 v5, v33;
	v20 =	vld [tilespmem:s1+$0xFFFFFF40];
	[tilespmem:v21+s29+$0x0] =	vst.idx.msk $0xffff, v40  }
0x355: {  	v27 =	vshll.u32 v27, v1;
	v23 =	vshrl.u32 v23, $0x3;
	v40 =	vadd.s32 v7, v29;
	v21 =	vld [tilespmem:s1+$0xFFFFFF60];
	[tilespmem:v44+s29+$0x0] =	vst.idx.msk $0xffff, v43  }
0x356: {  	v25 =	vshll.u32 v25, v1;
	v27 =	vbroadcast v27, $0x0;
	v44 =	vadd.s32 v9, v28;
	v43 =	vld [tilespmem:s1+$0xFFFFFF80];
	[tilespmem:v41+s29+$0x0] =	vst.idx.msk $0xffff, v36  }
0x357: {  	v25 =	vbroadcast v25, $0x0;
	v36 =	vadd.s32 v16, v42;
	[tilespmem:v37+s29+$0x0] =	vst.idx.msk $0xffff, v18;
	v18 =	vshll.u32 v26, v1;
	v26 =	vld [tilespmem:s1+$0xF0]  }
0x358: {  	v37 =	vadd.s32 v11, v27;
	[tilespmem:v38+s29+$0x0] =	vst.idx.msk $0xffff, v19;
	v19 =	vld [tilespmem:s1+$0xFFFFFFA0];
	v41 =	vbroadcast v18, $0x0;
	v18 =	vshll.u32 v24, v1  }
0x359: {  	v24 =	vadd.s32 v13, v25;
	[tilespmem:v39+s29+$0x0] =	vst.idx.msk $0xffff, v20;
	v20 =	vld [tilespmem:s1+$0xFFFFFFC0];
	v45 =	vbroadcast v18, $0x0;
	v18 =	vshll.u32 v34, v1  }
0x35a: {  	[tilespmem:v40+s29+$0x0] =	vst.idx.msk $0xffff, v21;
	v21 =	vld [tilespmem:s1+$0xFFFFFFE0];
	v34 =	vadd.s32 v15, v41;
	v46 =	vbroadcast v18, $0x0;
	v18 =	vshll.u32 v35, v1  }
0x35b: {  	[tilespmem:v44+s29+$0x0] =	vst.idx.msk $0xffff, v43;
	v35 =	vld [tilespmem:s1+$0x0];
	v38 =	vadd.s32 v0, v45;
	v47 =	vbroadcast v18, $0x0;
	v18 =	vshll.u32 v30, v1  }
0x35c: {  	v32 =	vshll.u32 v32, v1;
	v30 =	vld [tilespmem:s1+$0x20];
	v39 =	vadd.s32 v3, v46;
	v18 =	vbroadcast v18, $0x0;
	[tilespmem:v36+s29+$0x0] =	vst.idx.msk $0xffff, v26  }
0x35d: {  	v22 =	vshll.u32 v22, v1;
	[tilespmem:v37+s29+$0x0] =	vst.idx.msk $0xffff, v19;
	v26 =	vld [tilespmem:s1+$0x40];
	v36 =	vadd.s32 v5, v47;
	v19 =	vbroadcast v32, $0x0  }
0x35e: {  	[tilespmem:v24+s29+$0x0] =	vst.idx.msk $0xffff, v20;
	v24 =	vld [tilespmem:s1+$0x60];
	v32 =	vadd.s32 v7, v18;
	v20 =	vbroadcast v22, $0x0;
	v22 =	vshll.u32 v23, v1  }
0x35f: {  	s3 =	sadd.s32 $0x1, s2;
	v23 =	vmov s2;
	[tilespmem:v34+s29+$0x0] =	vst.idx.msk $0xffff, v21;
	v37 =	vld [tilespmem:s1+$0x80];
	v40 =	vadd.s32 v9, v19;
	v21 =	vbroadcast v22, $0x0  }
0x360: {  	s4 =	sadd.s32 $0x3, s2;
	v43 =	vmov s3;
	s3 =	sadd.s32 $0x2, s2;
	v23 =	vshrl.u32 v23, $0x3;
	[tilespmem:v38+s29+$0x0] =	vst.idx.msk $0xffff, v35;
	v22 =	vld [tilespmem:s1+$0xA0];
	v38 =	vadd.s32 v11, v20  }
0x361: {  	v48 =	vmov s4;
	s4 =	sadd.s32 $0x5, s2;
	v44 =	vmov s3;
	s3 =	sadd.s32 $0x4, s2;
	[tilespmem:v39+s29+$0x0] =	vst.idx.msk $0xffff, v30;
	v39 =	vld [tilespmem:s1+$0xC0];
	v42 =	vadd.s32 v13, v21  }
0x362: {  	v50 =	vmov s4;
	s4 =	sadd.s32 $0x7, s2;
	v52 =	vadd.s32 v4, v31;
	v49 =	vmov s3;
	s3 =	sadd.s32 $0x6, s2;
	v51 =	vld [tilespmem:s1+$0xFFFFFF30];
	[tilespmem:v36+s29+$0x0] =	vst.idx.msk $0xffff, v26  }
0x363: {  	v53 =	vmov s4;
	s4 =	sadd.s32 $0x9, s2;
	v55 =	vadd.s32 v6, v33;
	v26 =	vmov s3;
	s3 =	sadd.s32 $0x8, s2;
	v54 =	vld [tilespmem:s1+$0xFFFFFF50];
	[tilespmem:v32+s29+$0x0] =	vst.idx.msk $0xffff, v24  }
0x364: {  	v57 =	vadd.s32 v8, v29;
	v34 =	vmov s4;
	s4 =	sadd.s32 $0xB, s2;
	v24 =	vmov s3;
	s3 =	sadd.s32 $0xA, s2;
	v56 =	vld [tilespmem:s1+$0xFFFFFF70];
	[tilespmem:v40+s29+$0x0] =	vst.idx.msk $0xffff, v37  }
0x365: {  	v58 =	vadd.s32 v10, v28;
	v30 =	vmov s4;
	s4 =	sadd.s32 $0xD, s2;
	v35 =	vmov s3;
	s3 =	sadd.s32 $0xC, s2;
	v40 =	vld [tilespmem:s1+$0xFFFFFF90];
	[tilespmem:v38+s29+$0x0] =	vst.idx.msk $0xffff, v22  }
0x366: {  	v60 =	vadd.s32 v12, v27;
	v32 =	vmov s3;
	v22 =	vmov s4;
	s3 =	sadd.s32 $0xE, s2;
	v59 =	vld [tilespmem:s1+$0xFFFFFFB0];
	[tilespmem:v42+s29+$0x0] =	vst.idx.msk $0xffff, v39  }
.Ltmp7:
0x367: {  	v31 =	vshll.u32 v23, v1;
	v23 =	vmov s3;
	v42 =	vadd.s32 v14, v25;
	[tilespmem:v52+s29+$0x0] =	vst.idx.msk $0xffff, v51;
	v37 =	vld [tilespmem:s1+$0xFFFFFFD0];
	(pc) =	sbr.rel @p0 .LBB2_13-.Ltmp7, $4  }
0x368: {  	v33 =	vshrl.u32 v44, $0x3;
	v36 =	vshrl.u32 v43, $0x3;
	v43 =	vadd.s32 v16, v41;
	[tilespmem:v55+s29+$0x0] =	vst.idx.msk $0xffff, v54;
	v38 =	vld [tilespmem:s1+$0xFFFFFFF0]  }
0x369: {  	v29 =	vshrl.u32 v48, $0x3;
	v44 =	vadd.s32 v2, v45;
	v28 =	vshrl.u32 v49, $0x3;
	[tilespmem:v57+s29+$0x0] =	vst.idx.msk $0xffff, v56;
	v39 =	vld [tilespmem:s1+$0x10]  }
0x36a: {  	v27 =	vshrl.u32 v50, $0x3;
	v45 =	vadd.s32 v4, v46;
	v25 =	vshrl.u32 v26, $0x3;
	[tilespmem:v58+s29+$0x0] =	vst.idx.msk $0xffff, v40;
	v40 =	vld [tilespmem:s1+$0x30]  }
0x36b: {  	v46 =	vadd.s32 v6, v47;
	v24 =	vshrl.u32 v24, $0x3;
	v26 =	vshrl.u32 v53, $0x3;
	s3 =	sadd.s32 $0xF, s2;
	s2 =	sadd.s32 $0x10, s2;
	[tilespmem:v60+s29+$0x0] =	vst.idx.msk $0xffff, v59;
	v41 =	vld [tilespmem:s1+$0x50]  }
0x36c: {  	_ =	sdelay $0x3  }
0x36d: {  	v47 =	vmov s3;
	[tilespmem:v42+s29+$0x0] =	vst.idx.msk $0xffff, v37;
	v61 =	vld [tilespmem:s1+$0x70];
	v62 =	vadd.s32 v8, v18  }
0x36e: {  	v63 =	vld [tilespmem:s1+$0x90];
	v19 =	vadd.s32 v10, v19;
	v20 =	vadd.s32 v12, v20;
	v18 =	vshrl.u32 v47, $0x3;
	[tilespmem:v43+s29+$0x0] =	vst.idx.msk $0xffff, v38  }
0x36f: {  	v34 =	vshrl.u32 v34, $0x3;
	v48 =	vld [tilespmem:s1+$0xB0];
	v21 =	vadd.s32 v14, v21;
	v18 =	vshll.u32 v18, v1;
	[tilespmem:v44+s29+$0x0] =	vst.idx.msk $0xffff, v39  }
0x370: {  	v50 =	vld [tilespmem:s1+$0xD0];
	v51 =	vshll.u32 v36, v1;
	v17 =	vadd.s32 v2, v17;
	v49 =	vbroadcast v18, $0x0;
	[tilespmem:v45+s29+$0x0] =	vst.idx.msk $0xffff, v40  }
0x371: {  	v52 =	vld [tilespmem:s1+$0xFFFFFF10];
	s21 =	sadd.s32 $0x200, s1;
	v33 =	vshll.u32 v33, v1;
	v29 =	vshll.u32 v29, v1;
	v18 =	vbroadcast v31, $0x0;
	[tilespmem:v46+s29+$0x0] =	vst.idx.msk $0xffff, v41  }
0x372: {  	v28 =	vshll.u32 v28, v1;
	v53 =	vld [tilespmem:s21+$0xE0];
	v31 =	vbroadcast v51, $0x0;
	v54 =	vadd.s32 v15, v49;
	[tilespmem:v62+s29+$0x0] =	vst.idx.msk $0xffff, v61  }
0x373: {  	v27 =	vshll.u32 v27, v1;
	v55 =	vld [tilespmem:s21+$0xFFFFFF00];
	v33 =	vbroadcast v33, $0x0;
	v56 =	vadd.s32 v0, v18;
	[tilespmem:v19+s29+$0x0] =	vst.idx.msk $0xffff, v63  }
0x374: {  	v23 =	vshrl.u32 v23, $0x3;
	v29 =	vbroadcast v29, $0x0;
	v19 =	vld [tilespmem:s21+$0xFFFFFF20];
	v57 =	vadd.s32 v3, v31;
	[tilespmem:v20+s29+$0x0] =	vst.idx.msk $0xffff, v48  }
0x375: {  	v28 =	vbroadcast v28, $0x0;
	v34 =	vshll.u32 v34, v1;
	v58 =	vadd.s32 v5, v33;
	v20 =	vld [tilespmem:s21+$0xFFFFFF40];
	[tilespmem:v21+s29+$0x0] =	vst.idx.msk $0xffff, v50  }
0x376: {  	v25 =	vshll.u32 v25, v1;
	v34 =	vbroadcast v34, $0x0;
	v59 =	vadd.s32 v7, v29;
	v21 =	vld [tilespmem:s21+$0xFFFFFF60];
	[tilespmem:v17+s29+$0x0] =	vst.idx.msk $0xffff, v52  }
0x377: {  	v26 =	vshll.u32 v26, v1;
	v27 =	vbroadcast v27, $0x0;
	v60 =	vadd.s32 v9, v28;
	v17 =	vld [tilespmem:s21+$0xFFFFFF80];
	[tilespmem:v54+s29+$0x0] =	vst.idx.msk $0xffff, v53  }
0x378: {  	v25 =	vbroadcast v25, $0x0;
	v62 =	vadd.s32 v16, v49;
	v48 =	vld [tilespmem:s21+$0x20];
	v49 =	vadd.s32 v3, v34;
	[tilespmem:v56+s29+$0x0] =	vst.idx.msk $0xffff, v55  }
0x379: {  	v24 =	vshll.u32 v24, v1;
	v26 =	vbroadcast v26, $0x0;
	v63 =	vadd.s32 v11, v27;
	[tilespmem:v57+s29+$0x0] =	vst.idx.msk $0xffff, v19;
	v19 =	vld [tilespmem:s21+$0xFFFFFFA0]  }
0x37a: {  	v24 =	vbroadcast v24, $0x0;
	v23 =	vshll.u32 v23, v1;
	v45 =	vadd.s32 v13, v25;
	[tilespmem:v58+s29+$0x0] =	vst.idx.msk $0xffff, v20;
	v20 =	vld [tilespmem:s21+$0xFFFFFFC0]  }
0x37b: {  	v23 =	vbroadcast v23, $0x0;
	v46 =	vadd.s32 v15, v26;
	[tilespmem:v59+s29+$0x0] =	vst.idx.msk $0xffff, v21;
	v21 =	vld [tilespmem:s21+$0xFFFFFFE0]  }
0x37c: {  	v35 =	vshrl.u32 v35, $0x3;
	v30 =	vshrl.u32 v30, $0x3;
	v47 =	vadd.s32 v0, v24;
	[tilespmem:v60+s29+$0x0] =	vst.idx.msk $0xffff, v17;
	v17 =	vld [tilespmem:s21+$0x0]  }
0x37d: {  	v32 =	vshrl.u32 v32, $0x3;
	v35 =	vshll.u32 v35, v1;
	[tilespmem:v49+s29+$0x0] =	vst.idx.msk $0xffff, v48;
	v54 =	vld [tilespmem:s21+$0xC0];
	v55 =	vadd.s32 v13, v23  }
0x37e: {  	v22 =	vshrl.u32 v22, $0x3;
	v30 =	vshll.u32 v30, v1;
	v35 =	vbroadcast v35, $0x0;
	v61 =	vld [tilespmem:s21+$0xF0];
	[tilespmem:v63+s29+$0x0] =	vst.idx.msk $0xffff, v19  }
0x37f: {  	v32 =	vshll.u32 v32, v1;
	v30 =	vbroadcast v30, $0x0;
	v31 =	vadd.s32 v4, v31;
	v56 =	vld [tilespmem:s21+$0xFFFFFF30];
	[tilespmem:v45+s29+$0x0] =	vst.idx.msk $0xffff, v20  }
0x380: {  	v22 =	vshll.u32 v22, v1;
	v32 =	vbroadcast v32, $0x0;
	v50 =	vadd.s32 v5, v35;
	v19 =	vld [tilespmem:s21+$0x40];
	[tilespmem:v46+s29+$0x0] =	vst.idx.msk $0xffff, v21  }
0x381: {  	v22 =	vbroadcast v22, $0x0;
	v51 =	vadd.s32 v7, v30;
	v20 =	vld [tilespmem:s21+$0x60];
	[tilespmem:v47+s29+$0x0] =	vst.idx.msk $0xffff, v17  }
0x382: {  	v52 =	vadd.s32 v9, v32;
	v21 =	vld [tilespmem:s21+$0x80];
	[tilespmem:v55+s29+$0x0] =	vst.idx.msk $0xffff, v54  }
0x383: {  	v53 =	vadd.s32 v11, v22;
	v17 =	vld [tilespmem:s21+$0xA0];
	[tilespmem:v62+s29+$0x0] =	vst.idx.msk $0xffff, v61  }
0x384: {  	v18 =	vadd.s32 v2, v18;
	v63 =	vld [tilespmem:s21+$0xFFFFFF10];
	[tilespmem:v31+s29+$0x0] =	vst.idx.msk $0xffff, v56  }
0x385: {  	v33 =	vadd.s32 v6, v33;
	[tilespmem:v50+s29+$0x0] =	vst.idx.msk $0xffff, v19;
	v19 =	vld [tilespmem:s21+$0xFFFFFF50]  }
0x386: {  	v29 =	vadd.s32 v8, v29;
	[tilespmem:v51+s29+$0x0] =	vst.idx.msk $0xffff, v20;
	v20 =	vld [tilespmem:s21+$0xFFFFFF70]  }
0x387: {  	v28 =	vadd.s32 v10, v28;
	[tilespmem:v52+s29+$0x0] =	vst.idx.msk $0xffff, v21;
	v21 =	vld [tilespmem:s21+$0xFFFFFF90]  }
0x388: {  	v25 =	vadd.s32 v14, v25;
	v57 =	vld [tilespmem:s21+$0xFFFFFFD0];
	[tilespmem:v53+s29+$0x0] =	vst.idx.msk $0xffff, v17  }
0x389: {  	v27 =	vadd.s32 v12, v27;
	v17 =	vld [tilespmem:s21+$0xFFFFFFB0];
	[tilespmem:v18+s29+$0x0] =	vst.idx.msk $0xffff, v63  }
0x38a: {  	v26 =	vadd.s32 v16, v26;
	[tilespmem:v33+s29+$0x0] =	vst.idx.msk $0xffff, v19;
	v19 =	vld [tilespmem:s21+$0xFFFFFFF0]  }
0x38b: {  	v24 =	vadd.s32 v2, v24;
	[tilespmem:v29+s29+$0x0] =	vst.idx.msk $0xffff, v20;
	v20 =	vld [tilespmem:s21+$0x10]  }
0x38c: {  	v58 =	vadd.s32 v4, v34;
	[tilespmem:v28+s29+$0x0] =	vst.idx.msk $0xffff, v21;
	v21 =	vld [tilespmem:s21+$0x30]  }
0x38d: {  	v61 =	vadd.s32 v8, v30;
	[tilespmem:v25+s29+$0x0] =	vst.idx.msk $0xffff, v57;
	v60 =	vld [tilespmem:s21+$0x70]  }
0x38e: {  	v59 =	vadd.s32 v6, v35;
	[tilespmem:v27+s29+$0x0] =	vst.idx.msk $0xffff, v17;
	v17 =	vld [tilespmem:s21+$0x50]  }
0x38f: {  	v62 =	vadd.s32 v10, v32;
	[tilespmem:v26+s29+$0x0] =	vst.idx.msk $0xffff, v19;
	v19 =	vld [tilespmem:s21+$0x90]  }
0x390: {  	v22 =	vadd.s32 v12, v22;
	[tilespmem:v24+s29+$0x0] =	vst.idx.msk $0xffff, v20;
	v20 =	vld [tilespmem:s21+$0xB0]  }
0x391: {  	v23 =	vadd.s32 v14, v23;
	[tilespmem:v58+s29+$0x0] =	vst.idx.msk $0xffff, v21;
	v21 =	vld [tilespmem:s21+$0xD0]  }
0x392: {  	[tilespmem:v61+s29+$0x0] =	vst.idx.msk $0xffff, v60  }
0x393: {  	s22 =	simm.s32 $0x0;
	[tilespmem:v59+s29+$0x0] =	vst.idx.msk $0xffff, v17  }
0x394: {  	s8 =	sand.u32 $0x40, s0;
	s23 =	sand.u32 $0x3FFFFF80, s22;
	[tilespmem:v62+s29+$0x0] =	vst.idx.msk $0xffff, v19  }
0x395: {  	s19 =	sor.u32 $0x30, s8;
	s0 =	sadd.s32 $0x10400, s23;
	[tilespmem:v22+s29+$0x0] =	vst.idx.msk $0xffff, v20  }
0x396: {  	s28 =	sor.u32 s19, s0;
	[tilespmem:v23+s29+$0x0] =	vst.idx.msk $0xffff, v21  }
0x397: {  	s13 =	sor.u32 $0x10, s8;
	s31 =	sor.u32 s8, s0;
	v17 =	vld [tilespmem:s28+$0x0]  }
0x398: {  	s24 =	simm.s32 $0x0;
	s22 =	sor.u32 $0x20, s8;
	s16 =	sor.u32 s13, s0;
	v18 =	vld [tilespmem:s31+$0x0]  }
0x399: {  	s3 =	sand.u32 $0x3FFFFC00, s24;
	s10 =	sor.u32 s22, s0;
	v19 =	vld [tilespmem:s16+$0x0]  }
0x39a: {  	s25 =	sadd.s32 $0xC400, s3;
	v20 =	vld [tilespmem:s10+$0x0]  }
0x39b: {  	s26 =	sor.u32 s19, s25  }
0x39c: {  	s2 =	sor.u32 s8, s25;
	[tilespmem:s26+$0x0] =	vst v17  }
0x39d: {  	s4 =	sor.u32 s13, s25;
	[tilespmem:s2+$0x0] =	vst v18;
	v17 =	vld [tilespmem:s28+$0x208]  }
0x39e: {  	s0 =	sor.u32 s22, s25;
	[tilespmem:s4+$0x0] =	vst v19;
	v18 =	vld [tilespmem:s31+$0x208]  }
0x39f: {  	[tilespmem:s0+$0x0] =	vst v20;
	v19 =	vld [tilespmem:s16+$0x208]  }
0x3a0: {  	v20 =	vld [tilespmem:s10+$0x208];
	_ =	sdelay $0x1  }
0x3a1: {  	[tilespmem:s26+$0x80] =	vst v17  }
0x3a2: {  	[tilespmem:s2+$0x80] =	vst v18;
	v17 =	vld [tilespmem:s28+$0x410]  }
0x3a3: {  	[tilespmem:s4+$0x80] =	vst v19;
	v18 =	vld [tilespmem:s31+$0x410]  }
0x3a4: {  	[tilespmem:s0+$0x80] =	vst v20;
	v19 =	vld [tilespmem:s16+$0x410]  }
0x3a5: {  	v20 =	vld [tilespmem:s10+$0x410];
	_ =	sdelay $0x1  }
0x3a6: {  	[tilespmem:s26+$0x100] =	vst v17  }
0x3a7: {  	[tilespmem:s2+$0x100] =	vst v18;
	v17 =	vld [tilespmem:s28+$0x618]  }
0x3a8: {  	[tilespmem:s4+$0x100] =	vst v19;
	v18 =	vld [tilespmem:s31+$0x618]  }
0x3a9: {  	[tilespmem:s0+$0x100] =	vst v20;
	v19 =	vld [tilespmem:s16+$0x618]  }
0x3aa: {  	v20 =	vld [tilespmem:s10+$0x618];
	_ =	sdelay $0x1  }
0x3ab: {  	[tilespmem:s26+$0x180] =	vst v17  }
0x3ac: {  	[tilespmem:s2+$0x180] =	vst v18;
	v17 =	vld [tilespmem:s28+$0x820]  }
0x3ad: {  	[tilespmem:s4+$0x180] =	vst v19;
	v18 =	vld [tilespmem:s31+$0x820]  }
0x3ae: {  	[tilespmem:s0+$0x180] =	vst v20;
	v19 =	vld [tilespmem:s16+$0x820]  }
0x3af: {  	v20 =	vld [tilespmem:s10+$0x820];
	_ =	sdelay $0x1  }
0x3b0: {  	[tilespmem:s26+$0x200] =	vst v17  }
0x3b1: {  	[tilespmem:s2+$0x200] =	vst v18;
	v17 =	vld [tilespmem:s28+$0xA28]  }
0x3b2: {  	[tilespmem:s4+$0x200] =	vst v19;
	v18 =	vld [tilespmem:s31+$0xA28]  }
0x3b3: {  	[tilespmem:s0+$0x200] =	vst v20;
	v19 =	vld [tilespmem:s16+$0xA28]  }
0x3b4: {  	v20 =	vld [tilespmem:s10+$0xA28];
	_ =	sdelay $0x1  }
0x3b5: {  	[tilespmem:s26+$0x280] =	vst v17  }
0x3b6: {  	[tilespmem:s2+$0x280] =	vst v18;
	v17 =	vld [tilespmem:s28+$0xC30]  }
0x3b7: {  	[tilespmem:s4+$0x280] =	vst v19;
	v18 =	vld [tilespmem:s31+$0xC30]  }
0x3b8: {  	[tilespmem:s0+$0x280] =	vst v20;
	v19 =	vld [tilespmem:s16+$0xC30]  }
0x3b9: {  	v20 =	vld [tilespmem:s10+$0xC30];
	_ =	sdelay $0x1  }
0x3ba: {  	[tilespmem:s26+$0x300] =	vst v17  }
0x3bb: {  	[tilespmem:s2+$0x300] =	vst v18;
	v17 =	vld [tilespmem:s28+$0xE38]  }
0x3bc: {  	[tilespmem:s4+$0x300] =	vst v19;
	v18 =	vld [tilespmem:s31+$0xE38]  }
0x3bd: {  	[tilespmem:s0+$0x300] =	vst v20;
	v19 =	vld [tilespmem:s16+$0xE38]  }
0x3be: {  	v20 =	vld [tilespmem:s10+$0xE38];
	_ =	sdelay $0x1  }
0x3bf: {  	[tilespmem:s26+$0x380] =	vst v17  }
0x3c0: {  	[tilespmem:s2+$0x380] =	vst v18;
	v17 =	vld [tilespmem:s28+$0x1040]  }
0x3c1: {  	[tilespmem:s4+$0x380] =	vst v19;
	v18 =	vld [tilespmem:s31+$0x1040]  }
0x3c2: {  	[tilespmem:s0+$0x380] =	vst v20;
	v19 =	vld [tilespmem:s16+$0x1040]  }
0x3c3: {  	s4 =	sadd.s32 $0xD400, s3;
	v20 =	vld [tilespmem:s10+$0x1040]  }
0x3c4: {  	s5 =	sor.u32 s19, s4  }
0x3c5: {  	s6 =	sor.u32 s8, s4;
	[tilespmem:s5+$0x0] =	vst v17  }
0x3c6: {  	s7 =	sor.u32 s13, s4;
	[tilespmem:s6+$0x0] =	vst v18;
	v17 =	vld [tilespmem:s28+$0x1248]  }
0x3c7: {  	s0 =	sor.u32 s22, s4;
	[tilespmem:s7+$0x0] =	vst v19;
	v18 =	vld [tilespmem:s31+$0x1248]  }
0x3c8: {  	[tilespmem:s0+$0x0] =	vst v20;
	v19 =	vld [tilespmem:s16+$0x1248]  }
0x3c9: {  	s11 =	sadd.s32 $0xD480, s3;
	v20 =	vld [tilespmem:s10+$0x1248]  }
0x3ca: {  	s12 =	sor.u32 s19, s11  }
0x3cb: {  	s14 =	sor.u32 s8, s11;
	[tilespmem:s12+$0x0] =	vst v17  }
0x3cc: {  	s15 =	sor.u32 s13, s11;
	[tilespmem:s14+$0x0] =	vst v18;
	v17 =	vld [tilespmem:s28+$0x1450]  }
0x3cd: {  	s0 =	sor.u32 s22, s11;
	[tilespmem:s15+$0x0] =	vst v19;
	v18 =	vld [tilespmem:s31+$0x1450]  }
0x3ce: {  	[tilespmem:s0+$0x0] =	vst v20;
	v19 =	vld [tilespmem:s16+$0x1450]  }
0x3cf: {  	s17 =	sadd.s32 $0xD500, s3;
	v20 =	vld [tilespmem:s10+$0x1450]  }
0x3d0: {  	s18 =	sor.u32 s19, s17  }
0x3d1: {  	s20 =	sor.u32 s8, s17;
	[tilespmem:s18+$0x0] =	vst v17  }
0x3d2: {  	s21 =	sor.u32 s13, s17;
	[tilespmem:s20+$0x0] =	vst v18;
	v17 =	vld [tilespmem:s28+$0x1658]  }
0x3d3: {  	s0 =	sor.u32 s22, s17;
	[tilespmem:s21+$0x0] =	vst v19;
	v18 =	vld [tilespmem:s31+$0x1658]  }
0x3d4: {  	[tilespmem:s0+$0x0] =	vst v20;
	v19 =	vld [tilespmem:s16+$0x1658]  }
0x3d5: {  	s23 =	sadd.s32 $0xD580, s3;
	v20 =	vld [tilespmem:s10+$0x1658]  }
0x3d6: {  	s24 =	sor.u32 s19, s23  }
0x3d7: {  	s25 =	sor.u32 s8, s23;
	[tilespmem:s24+$0x0] =	vst v17  }
0x3d8: {  	s26 =	sor.u32 s13, s23;
	[tilespmem:s25+$0x0] =	vst v18;
	v17 =	vld [tilespmem:s28+$0x1860]  }
0x3d9: {  	s0 =	sor.u32 s22, s23;
	[tilespmem:s26+$0x0] =	vst v19;
	v18 =	vld [tilespmem:s31+$0x1860]  }
0x3da: {  	[tilespmem:s0+$0x0] =	vst v20;
	v19 =	vld [tilespmem:s16+$0x1860]  }
0x3db: {  	s4 =	sadd.s32 $0xD600, s3;
	v20 =	vld [tilespmem:s10+$0x1860]  }
0x3dc: {  	s5 =	sor.u32 s19, s4  }
0x3dd: {  	s6 =	sor.u32 s8, s4;
	[tilespmem:s5+$0x0] =	vst v17  }
0x3de: {  	s7 =	sor.u32 s13, s4;
	[tilespmem:s6+$0x0] =	vst v18;
	v17 =	vld [tilespmem:s28+$0x1A68]  }
0x3df: {  	s0 =	sor.u32 s22, s4;
	[tilespmem:s7+$0x0] =	vst v19;
	v18 =	vld [tilespmem:s31+$0x1A68]  }
0x3e0: {  	[tilespmem:s0+$0x0] =	vst v20;
	v19 =	vld [tilespmem:s16+$0x1A68]  }
0x3e1: {  	s11 =	sadd.s32 $0xD680, s3;
	v20 =	vld [tilespmem:s10+$0x1A68]  }
0x3e2: {  	s12 =	sor.u32 s19, s11  }
0x3e3: {  	s14 =	sor.u32 s8, s11;
	[tilespmem:s12+$0x0] =	vst v17  }
0x3e4: {  	s15 =	sor.u32 s13, s11;
	[tilespmem:s14+$0x0] =	vst v18;
	v17 =	vld [tilespmem:s28+$0x1C70]  }
0x3e5: {  	s0 =	sor.u32 s22, s11;
	[tilespmem:s15+$0x0] =	vst v19;
	v18 =	vld [tilespmem:s31+$0x1C70]  }
0x3e6: {  	[tilespmem:s0+$0x0] =	vst v20;
	v19 =	vld [tilespmem:s16+$0x1C70]  }
0x3e7: {  	s17 =	sadd.s32 $0xD700, s3;
	v20 =	vld [tilespmem:s10+$0x1C70]  }
0x3e8: {  	s18 =	sor.u32 s19, s17  }
0x3e9: {  	s20 =	sor.u32 s8, s17;
	[tilespmem:s18+$0x0] =	vst v17  }
0x3ea: {  	s21 =	sor.u32 s13, s17;
	[tilespmem:s20+$0x0] =	vst v18;
	v17 =	vld [tilespmem:s28+$0x1E78]  }
0x3eb: {  	s0 =	sor.u32 s22, s17;
	[tilespmem:s21+$0x0] =	vst v19;
	v18 =	vld [tilespmem:s31+$0x1E78]  }
0x3ec: {  	[tilespmem:s0+$0x0] =	vst v20;
	v19 =	vld [tilespmem:s16+$0x1E78]  }
0x3ed: {  	s23 =	sadd.s32 $0xD780, s3;
	v20 =	vld [tilespmem:s10+$0x1E78]  }
0x3ee: {  	s24 =	sor.u32 s19, s23  }
0x3ef: {  	s25 =	sor.u32 s8, s23;
	[tilespmem:s24+$0x0] =	vst v17  }
0x3f0: {  	s26 =	sor.u32 s13, s23;
	[tilespmem:s25+$0x0] =	vst v18;
	v17 =	vld [tilespmem:s28+$0x2080]  }
0x3f1: {  	s0 =	sor.u32 s22, s23;
	[tilespmem:s26+$0x0] =	vst v19;
	v18 =	vld [tilespmem:s31+$0x2080]  }
0x3f2: {  	[tilespmem:s0+$0x0] =	vst v20;
	v19 =	vld [tilespmem:s16+$0x2080]  }
0x3f3: {  	s4 =	sadd.s32 $0xE400, s3;
	v20 =	vld [tilespmem:s10+$0x2080]  }
0x3f4: {  	s5 =	sor.u32 s19, s4  }
0x3f5: {  	s6 =	sor.u32 s8, s4;
	[tilespmem:s5+$0x0] =	vst v17  }
0x3f6: {  	s7 =	sor.u32 s13, s4;
	[tilespmem:s6+$0x0] =	vst v18;
	v17 =	vld [tilespmem:s28+$0x2288]  }
0x3f7: {  	s0 =	sor.u32 s22, s4;
	[tilespmem:s7+$0x0] =	vst v19;
	v18 =	vld [tilespmem:s31+$0x2288]  }
0x3f8: {  	[tilespmem:s0+$0x0] =	vst v20;
	v19 =	vld [tilespmem:s16+$0x2288]  }
0x3f9: {  	s11 =	sadd.s32 $0xE480, s3;
	v20 =	vld [tilespmem:s10+$0x2288]  }
0x3fa: {  	s12 =	sor.u32 s19, s11  }
0x3fb: {  	s14 =	sor.u32 s8, s11;
	[tilespmem:s12+$0x0] =	vst v17  }
0x3fc: {  	s15 =	sor.u32 s13, s11;
	[tilespmem:s14+$0x0] =	vst v18;
	v17 =	vld [tilespmem:s28+$0x2490]  }
0x3fd: {  	s0 =	sor.u32 s22, s11;
	[tilespmem:s15+$0x0] =	vst v19;
	v18 =	vld [tilespmem:s31+$0x2490]  }
0x3fe: {  	[tilespmem:s0+$0x0] =	vst v20;
	v19 =	vld [tilespmem:s16+$0x2490]  }
0x3ff: {  	s17 =	sadd.s32 $0xE500, s3;
	v20 =	vld [tilespmem:s10+$0x2490]  }
0x400: {  	s18 =	sor.u32 s19, s17  }
0x401: {  	s20 =	sor.u32 s8, s17;
	[tilespmem:s18+$0x0] =	vst v17  }
0x402: {  	s21 =	sor.u32 s13, s17;
	[tilespmem:s20+$0x0] =	vst v18;
	v17 =	vld [tilespmem:s28+$0x2698]  }
0x403: {  	s0 =	sor.u32 s22, s17;
	[tilespmem:s21+$0x0] =	vst v19;
	v18 =	vld [tilespmem:s31+$0x2698]  }
0x404: {  	[tilespmem:s0+$0x0] =	vst v20;
	v19 =	vld [tilespmem:s16+$0x2698]  }
0x405: {  	p2 =	por $0x1, $0x1;
	s23 =	sadd.s32 $0xE580, s3;
	v20 =	vld [tilespmem:s10+$0x2698]  }
.Ltmp8:
0x406: {  	s24 =	sor.u32 s19, s23;
	(pc) =	sbr.rel @!p2 .LBB2_15-.Ltmp8, $4  }
0x407: {  	s25 =	sor.u32 s8, s23;
	[tilespmem:s24+$0x0] =	vst v17  }
0x408: {  	s26 =	sor.u32 s13, s23;
	[tilespmem:s25+$0x0] =	vst v18;
	v22 =	vld [tilespmem:s28+$0x28A0]  }
0x409: {  	s0 =	sor.u32 s22, s23;
	[tilespmem:s26+$0x0] =	vst v19;
	v23 =	vld [tilespmem:s31+$0x28A0]  }
0x40a: {  	p0 =	por $0x0, $0x0;
	p1 =	por $0x0, $0x0;
	[tilespmem:s0+$0x0] =	vst v20;
	v21 =	vld [tilespmem:s16+$0x28A0]  }
0x40b: {  	s0 =	sadd.s32 $0xE600, s3  }
0x40c: {  	s1 =	simm.s32 $0x40;
	s4 =	simm.s32 $0x40;
	s2 =	sor.u32 s19, s0  }
0x40d: {  	v17 =	vld [tilespmem:s10+$0x28A0];
	s11 =	sand.u32 $0x40, s4;
	s1 =	sand.u32 $0x3FFFFF80, s1;
	s17 =	sor.u32 s8, s0;
	[tilespmem:s2+$0x0] =	vst v22  }
0x40e: {  	s25 =	smov.u32 s16;
	s1 =	sadd.s32 $0x10400, s1;
	s15 =	sor.u32 $0x30, s11;
	[tilespmem:s17+$0x0] =	vst v23;
	v18 =	vld [tilespmem:s28+$0x2AA8]  }
0x40f: {  	s20 =	simm.s32 $0x200;
	s5 =	sadd.s32 $0xE680, s3;
	s17 =	sor.u32 s15, s1;
	v19 =	vld [tilespmem:s31+$0x2AA8]  }
0x410: {  	s18 =	sor.u32 s13, s0;
	s16 =	sor.u32 $0x10, s11;
	s14 =	sor.u32 s11, s1;
	v20 =	vld [tilespmem:s17+$0x0]  }
0x411: {  	s0 =	sor.u32 s22, s0;
	s12 =	sor.u32 $0x20, s11;
	s24 =	sor.u32 s16, s1;
	v22 =	vld [tilespmem:s14+$0x0];
	[tilespmem:s18+$0x0] =	vst v21  }
0x412: {  	s20 =	sand.u32 $0x3FFFFC00, s20;
	s21 =	sor.u32 s19, s5;
	s30 =	sor.u32 s12, s1;
	v21 =	vld [tilespmem:s24+$0x0];
	[tilespmem:s0+$0x0] =	vst v17  }
0x413: {  	s23 =	sor.u32 s8, s5;
	s4 =	sadd.s32 $0xC400, s20;
	v17 =	vld [tilespmem:s30+$0x0];
	[tilespmem:s21+$0x0] =	vst v18  }
0x414: {  	s0 =	sor.u32 s15, s4;
	[tilespmem:s23+$0x0] =	vst v19;
	v18 =	vld [tilespmem:s28+$0x2CB0]  }
0x415: {  	s1 =	sor.u32 s11, s4;
	[tilespmem:s0+$0x0] =	vst v20;
	v19 =	vld [tilespmem:s25+$0x2AA8]  }
0x416: {  	s2 =	sor.u32 s16, s4;
	[tilespmem:s1+$0x0] =	vst v22;
	v20 =	vld [tilespmem:s17+$0x208]  }
0x417: {  	s21 =	sor.u32 s12, s4;
	s4 =	sadd.s32 $0xE700, s3;
	[tilespmem:s2+$0x0] =	vst v21;
	v22 =	vld [tilespmem:s14+$0x208]  }
0x418: {  	s6 =	sor.u32 s19, s4;
	v21 =	vld [tilespmem:s24+$0x208];
	[tilespmem:s21+$0x0] =	vst v17  }
0x419: {  	s7 =	sor.u32 s13, s5;
	v17 =	vld [tilespmem:s30+$0x208];
	[tilespmem:s6+$0x0] =	vst v18  }
0x41a: {  	[tilespmem:s7+$0x0] =	vst v19;
	v18 =	vld [tilespmem:s28+$0x2EB8]  }
0x41b: {  	v19 =	vld [tilespmem:s10+$0x2AA8];
	[tilespmem:s0+$0x80] =	vst v20  }
0x41c: {  	[tilespmem:s1+$0x80] =	vst v22;
	v20 =	vld [tilespmem:s17+$0x410]  }
0x41d: {  	s23 =	sadd.s32 $0xE780, s3;
	[tilespmem:s2+$0x80] =	vst v21;
	v22 =	vld [tilespmem:s14+$0x410]  }
0x41e: {  	s26 =	sor.u32 s19, s23;
	v21 =	vld [tilespmem:s24+$0x410];
	[tilespmem:s21+$0x80] =	vst v17  }
0x41f: {  	s5 =	sor.u32 s22, s5;
	v17 =	vld [tilespmem:s30+$0x410];
	[tilespmem:s26+$0x0] =	vst v18  }
0x420: {  	[tilespmem:s5+$0x0] =	vst v19;
	v18 =	vld [tilespmem:s28+$0x30C0]  }
0x421: {  	v19 =	vld [tilespmem:s31+$0x2CB0];
	[tilespmem:s0+$0x100] =	vst v20  }
0x422: {  	[tilespmem:s1+$0x100] =	vst v22;
	v20 =	vld [tilespmem:s17+$0x618]  }
0x423: {  	s18 =	sadd.s32 $0xF400, s3;
	[tilespmem:s2+$0x100] =	vst v21;
	v22 =	vld [tilespmem:s14+$0x618]  }
0x424: {  	s7 =	sor.u32 s19, s18;
	v21 =	vld [tilespmem:s24+$0x618];
	[tilespmem:s21+$0x100] =	vst v17  }
0x425: {  	s26 =	sor.u32 s8, s4;
	v17 =	vld [tilespmem:s30+$0x618];
	[tilespmem:s7+$0x0] =	vst v18  }
0x426: {  	[tilespmem:s26+$0x0] =	vst v19;
	v18 =	vld [tilespmem:s28+$0x32C8]  }
0x427: {  	v19 =	vld [tilespmem:s25+$0x2CB0];
	[tilespmem:s0+$0x180] =	vst v20  }
0x428: {  	[tilespmem:s1+$0x180] =	vst v22;
	v20 =	vld [tilespmem:s17+$0x820]  }
0x429: {  	s26 =	smov.u32 s28;
	[tilespmem:s2+$0x180] =	vst v21;
	s28 =	smov.u32 s3;
	s3 =	sadd.s32 $0xF480, s3;
	v22 =	vld [tilespmem:s14+$0x820]  }
0x42a: {  	v21 =	vld [tilespmem:s24+$0x820];
	[tilespmem:s21+$0x180] =	vst v17;
	s6 =	sor.u32 s19, s3  }
0x42b: {  	s7 =	sor.u32 s13, s4;
	v17 =	vld [tilespmem:s30+$0x820];
	[tilespmem:s6+$0x0] =	vst v18  }
0x42c: {  	[tilespmem:s7+$0x0] =	vst v19;
	v18 =	vld [tilespmem:s26+$0x34D0]  }
0x42d: {  	v19 =	vld [tilespmem:s10+$0x2CB0];
	[tilespmem:s0+$0x200] =	vst v20  }
0x42e: {  	[tilespmem:s1+$0x200] =	vst v22;
	v20 =	vld [tilespmem:s17+$0xA28]  }
0x42f: {  	s7 =	sadd.s32 $0xF500, s28;
	[tilespmem:s2+$0x200] =	vst v21;
	v22 =	vld [tilespmem:s14+$0xA28]  }
0x430: {  	s6 =	sor.u32 s19, s7;
	v21 =	vld [tilespmem:s24+$0xA28];
	[tilespmem:s21+$0x200] =	vst v17  }
0x431: {  	s4 =	sor.u32 s22, s4;
	v17 =	vld [tilespmem:s30+$0xA28];
	[tilespmem:s6+$0x0] =	vst v18  }
0x432: {  	[tilespmem:s4+$0x0] =	vst v19;
	v18 =	vld [tilespmem:s26+$0x36D8]  }
0x433: {  	v19 =	vld [tilespmem:s31+$0x2EB8];
	[tilespmem:s0+$0x280] =	vst v20  }
0x434: {  	[tilespmem:s1+$0x280] =	vst v22;
	v20 =	vld [tilespmem:s17+$0xC30]  }
0x435: {  	s6 =	smov.u32 s19;
	s19 =	sadd.s32 $0xF580, s28;
	[tilespmem:s2+$0x280] =	vst v21;
	v22 =	vld [tilespmem:s14+$0xC30]  }
0x436: {  	s5 =	sor.u32 s6, s19;
	v21 =	vld [tilespmem:s24+$0xC30];
	[tilespmem:s21+$0x280] =	vst v17  }
0x437: {  	v17 =	vld [tilespmem:s30+$0xC30];
	[tilespmem:s5+$0x0] =	vst v18;
	s5 =	sor.u32 s8, s23  }
0x438: {  	[tilespmem:s5+$0x0] =	vst v19;
	v18 =	vld [tilespmem:s26+$0x38E0]  }
0x439: {  	[tilespmem:s0+$0x300] =	vst v20;
	v19 =	vld [tilespmem:s25+$0x2EB8]  }
0x43a: {  	[tilespmem:s1+$0x300] =	vst v22;
	v20 =	vld [tilespmem:s17+$0xE38]  }
0x43b: {  	[tilespmem:s2+$0x300] =	vst v21;
	s5 =	sadd.s32 $0xF600, s28;
	v22 =	vld [tilespmem:s14+$0xE38]  }
0x43c: {  	v21 =	vld [tilespmem:s24+$0xE38];
	[tilespmem:s21+$0x300] =	vst v17;
	s4 =	sor.u32 s6, s5  }
0x43d: {  	v17 =	vld [tilespmem:s30+$0xE38];
	[tilespmem:s4+$0x0] =	vst v18;
	s4 =	sor.u32 s13, s23  }
0x43e: {  	[tilespmem:s4+$0x0] =	vst v19;
	v18 =	vld [tilespmem:s26+$0x3AE8]  }
0x43f: {  	[tilespmem:s0+$0x380] =	vst v20;
	v19 =	vld [tilespmem:s10+$0x2EB8]  }
0x440: {  	[tilespmem:s1+$0x380] =	vst v22;
	v20 =	vld [tilespmem:s17+$0x1040]  }
0x441: {  	[tilespmem:s2+$0x380] =	vst v21;
	s4 =	sadd.s32 $0xF680, s28;
	v22 =	vld [tilespmem:s14+$0x1040]  }
0x442: {  	v21 =	vld [tilespmem:s24+$0x1040];
	[tilespmem:s21+$0x380] =	vst v17;
	s21 =	sor.u32 s6, s4  }
0x443: {  	s23 =	sor.u32 s22, s23;
	s2 =	sadd.s32 $0xD400, s20;
	v17 =	vld [tilespmem:s30+$0x1040];
	[tilespmem:s21+$0x0] =	vst v18  }
0x444: {  	s21 =	sor.u32 s15, s2;
	[tilespmem:s23+$0x0] =	vst v19;
	v19 =	vld [tilespmem:s31+$0x30C0]  }
0x445: {  	s23 =	sor.u32 s11, s2;
	v18 =	vld [tilespmem:s26+$0x3CF0];
	[tilespmem:s21+$0x0] =	vst v20  }
0x446: {  	s21 =	sor.u32 s16, s2;
	[tilespmem:s23+$0x0] =	vst v22;
	v20 =	vld [tilespmem:s17+$0x1248]  }
0x447: {  	s23 =	sor.u32 s12, s2;
	v22 =	vld [tilespmem:s14+$0x1248];
	[tilespmem:s21+$0x0] =	vst v21  }
0x448: {  	s0 =	sadd.s32 $0xF700, s28;
	[tilespmem:s23+$0x0] =	vst v17;
	s21 =	sor.u32 s8, s18;
	v21 =	vld [tilespmem:s24+$0x1248]  }
0x449: {  	s1 =	sadd.s32 $0xD480, s20;
	s2 =	sor.u32 s6, s0;
	v17 =	vld [tilespmem:s30+$0x1248];
	[tilespmem:s21+$0x0] =	vst v19  }
0x44a: {  	s23 =	sor.u32 s15, s1;
	v19 =	vld [tilespmem:s25+$0x30C0];
	[tilespmem:s2+$0x0] =	vst v18  }
0x44b: {  	v18 =	vld [tilespmem:s26+$0x3EF8];
	[tilespmem:s23+$0x0] =	vst v20;
	s26 =	sor.u32 s11, s1  }
0x44c: {  	s21 =	sor.u32 s16, s1;
	[tilespmem:s26+$0x0] =	vst v22;
	v20 =	vld [tilespmem:s17+$0x1450]  }
0x44d: {  	s1 =	sor.u32 s12, s1;
	[tilespmem:s21+$0x0] =	vst v21;
	v21 =	vld [tilespmem:s14+$0x1450]  }
0x44e: {  	s2 =	sadd.s32 $0xF780, s28;
	[tilespmem:s1+$0x0] =	vst v17;
	s26 =	sor.u32 s13, s18;
	v22 =	vld [tilespmem:s24+$0x1450]  }
0x44f: {  	s28 =	sadd.s32 $0xD500, s20;
	s23 =	sor.u32 s6, s2;
	v17 =	vld [tilespmem:s30+$0x1450];
	[tilespmem:s26+$0x0] =	vst v19  }
0x450: {  	s21 =	sor.u32 s15, s28;
	v19 =	vld [tilespmem:s31+$0x32C8];
	[tilespmem:s23+$0x0] =	vst v18  }
0x451: {  	v18 =	vld [tilespmem:s10+$0x30C0];
	s23 =	sor.u32 s11, s28;
	[tilespmem:s21+$0x0] =	vst v20  }
0x452: {  	s26 =	sor.u32 s16, s28;
	[tilespmem:s23+$0x0] =	vst v21;
	v20 =	vld [tilespmem:s17+$0x1658]  }
0x453: {  	s1 =	sor.u32 s12, s28;
	[tilespmem:s26+$0x0] =	vst v22;
	v21 =	vld [tilespmem:s14+$0x1658]  }
0x454: {  	s28 =	sor.u32 s22, s18;
	s18 =	sor.u32 s8, s3;
	[tilespmem:s1+$0x0] =	vst v17;
	v22 =	vld [tilespmem:s24+$0x1658]  }
0x455: {  	s21 =	sadd.s32 $0xD580, s20;
	v17 =	vld [tilespmem:s30+$0x1658];
	[tilespmem:s18+$0x0] =	vst v19  }
0x456: {  	s23 =	sor.u32 s15, s21;
	[tilespmem:s28+$0x0] =	vst v18;
	v18 =	vld [tilespmem:s25+$0x32C8]  }
0x457: {  	s26 =	sor.u32 s11, s21;
	v19 =	vld [tilespmem:s10+$0x32C8];
	[tilespmem:s23+$0x0] =	vst v20  }
0x458: {  	s28 =	sor.u32 s16, s21;
	[tilespmem:s26+$0x0] =	vst v21;
	v20 =	vld [tilespmem:s17+$0x1860]  }
0x459: {  	s18 =	sor.u32 s12, s21;
	[tilespmem:s28+$0x0] =	vst v22;
	v21 =	vld [tilespmem:s14+$0x1860]  }
0x45a: {  	s21 =	sor.u32 s13, s3;
	[tilespmem:s18+$0x0] =	vst v17;
	v17 =	vld [tilespmem:s24+$0x1860]  }
0x45b: {  	s23 =	sor.u32 s22, s3;
	s26 =	sadd.s32 $0xD600, s20;
	[tilespmem:s21+$0x0] =	vst v18;
	v18 =	vld [tilespmem:s30+$0x1860]  }
0x45c: {  	s28 =	sor.u32 s15, s26;
	[tilespmem:s23+$0x0] =	vst v19;
	v19 =	vld [tilespmem:s31+$0x34D0]  }
0x45d: {  	s3 =	sor.u32 s11, s26;
	[tilespmem:s28+$0x0] =	vst v20;
	v20 =	vld [tilespmem:s25+$0x34D0]  }
0x45e: {  	s18 =	sor.u32 s16, s26;
	[tilespmem:s3+$0x0] =	vst v21;
	v21 =	vld [tilespmem:s17+$0x1A68]  }
0x45f: {  	s1 =	sor.u32 s12, s26;
	[tilespmem:s18+$0x0] =	vst v17;
	v22 =	vld [tilespmem:s14+$0x1A68]  }
0x460: {  	s21 =	sor.u32 s8, s7;
	v17 =	vld [tilespmem:s24+$0x1A68];
	[tilespmem:s1+$0x0] =	vst v18  }
0x461: {  	s26 =	sadd.s32 $0xD680, s20;
	s23 =	sor.u32 s13, s7;
	[tilespmem:s21+$0x0] =	vst v19;
	v18 =	vld [tilespmem:s30+$0x1A68]  }
0x462: {  	s28 =	sor.u32 s15, s26;
	v19 =	vld [tilespmem:s10+$0x34D0];
	[tilespmem:s23+$0x0] =	vst v20  }
0x463: {  	s3 =	sor.u32 s11, s26;
	v20 =	vld [tilespmem:s31+$0x36D8];
	[tilespmem:s28+$0x0] =	vst v21  }
0x464: {  	s18 =	sor.u32 s16, s26;
	[tilespmem:s3+$0x0] =	vst v22;
	v21 =	vld [tilespmem:s17+$0x1C70]  }
0x465: {  	s21 =	sor.u32 s12, s26;
	[tilespmem:s18+$0x0] =	vst v17;
	v17 =	vld [tilespmem:s14+$0x1C70]  }
0x466: {  	s23 =	sor.u32 s22, s7;
	v22 =	vld [tilespmem:s24+$0x1C70];
	[tilespmem:s21+$0x0] =	vst v18  }
0x467: {  	s26 =	sor.u32 s8, s19;
	s28 =	sadd.s32 $0xD700, s20;
	[tilespmem:s23+$0x0] =	vst v19;
	v18 =	vld [tilespmem:s30+$0x1C70]  }
0x468: {  	s3 =	sor.u32 s15, s28;
	v19 =	vld [tilespmem:s25+$0x36D8];
	[tilespmem:s26+$0x0] =	vst v20  }
0x469: {  	s7 =	sor.u32 s11, s28;
	v20 =	vld [tilespmem:s10+$0x36D8];
	[tilespmem:s3+$0x0] =	vst v21  }
0x46a: {  	s18 =	sor.u32 s16, s28;
	[tilespmem:s7+$0x0] =	vst v17;
	v17 =	vld [tilespmem:s17+$0x1E78]  }
0x46b: {  	s21 =	sor.u32 s12, s28;
	[tilespmem:s18+$0x0] =	vst v22;
	v21 =	vld [tilespmem:s14+$0x1E78]  }
0x46c: {  	s23 =	sor.u32 s13, s19;
	[tilespmem:s21+$0x0] =	vst v18;
	v18 =	vld [tilespmem:s24+$0x1E78]  }
0x46d: {  	s28 =	sadd.s32 $0xD780, s20;
	s26 =	sor.u32 s22, s19;
	[tilespmem:s23+$0x0] =	vst v19;
	v19 =	vld [tilespmem:s30+$0x1E78]  }
0x46e: {  	s3 =	sor.u32 s15, s28;
	[tilespmem:s26+$0x0] =	vst v20;
	v20 =	vld [tilespmem:s31+$0x38E0]  }
0x46f: {  	s7 =	sor.u32 s11, s28;
	[tilespmem:s3+$0x0] =	vst v17;
	v17 =	vld [tilespmem:s25+$0x38E0]  }
0x470: {  	s18 =	sor.u32 s16, s28;
	[tilespmem:s7+$0x0] =	vst v21;
	v21 =	vld [tilespmem:s17+$0x2080]  }
0x471: {  	s1 =	sor.u32 s12, s28;
	[tilespmem:s18+$0x0] =	vst v18;
	v22 =	vld [tilespmem:s14+$0x2080]  }
0x472: {  	s19 =	sor.u32 s8, s5;
	v18 =	vld [tilespmem:s24+$0x2080];
	[tilespmem:s1+$0x0] =	vst v19  }
0x473: {  	s23 =	sadd.s32 $0xE400, s20;
	s21 =	sor.u32 s13, s5;
	[tilespmem:s19+$0x0] =	vst v20;
	v19 =	vld [tilespmem:s30+$0x2080]  }
0x474: {  	s26 =	sor.u32 s15, s23;
	[tilespmem:s21+$0x0] =	vst v17;
	v17 =	vld [tilespmem:s10+$0x38E0]  }
0x475: {  	s28 =	sor.u32 s11, s23;
	v20 =	vld [tilespmem:s31+$0x3AE8];
	[tilespmem:s26+$0x0] =	vst v21  }
0x476: {  	s3 =	sor.u32 s16, s23;
	[tilespmem:s28+$0x0] =	vst v22;
	v21 =	vld [tilespmem:s17+$0x2288]  }
0x477: {  	s7 =	sor.u32 s12, s23;
	[tilespmem:s3+$0x0] =	vst v18;
	v18 =	vld [tilespmem:s14+$0x2288]  }
0x478: {  	s5 =	sor.u32 s22, s5;
	v22 =	vld [tilespmem:s24+$0x2288];
	[tilespmem:s7+$0x0] =	vst v19  }
0x479: {  	s18 =	sor.u32 s8, s4;
	s19 =	sadd.s32 $0xE480, s20;
	[tilespmem:s5+$0x0] =	vst v17;
	v17 =	vld [tilespmem:s30+$0x2288]  }
0x47a: {  	s21 =	sor.u32 s15, s19;
	[tilespmem:s18+$0x0] =	vst v20;
	v19 =	vld [tilespmem:s25+$0x3AE8]  }
0x47b: {  	s23 =	sor.u32 s11, s19;
	v20 =	vld [tilespmem:s10+$0x3AE8];
	[tilespmem:s21+$0x0] =	vst v21  }
0x47c: {  	s26 =	sor.u32 s16, s19;
	[tilespmem:s23+$0x0] =	vst v18;
	v18 =	vld [tilespmem:s17+$0x2490]  }
0x47d: {  	s28 =	sor.u32 s12, s19;
	[tilespmem:s26+$0x0] =	vst v22;
	v21 =	vld [tilespmem:s14+$0x2490]  }
0x47e: {  	s3 =	sor.u32 s13, s4;
	[tilespmem:s28+$0x0] =	vst v17;
	v17 =	vld [tilespmem:s24+$0x2490]  }
0x47f: {  	s4 =	sor.u32 s22, s4;
	s5 =	sadd.s32 $0xE500, s20;
	[tilespmem:s3+$0x0] =	vst v19;
	v19 =	vld [tilespmem:s30+$0x2490]  }
0x480: {  	s6 =	sor.u32 s15, s5;
	[tilespmem:s4+$0x0] =	vst v20;
	v20 =	vld [tilespmem:s31+$0x3CF0]  }
0x481: {  	s7 =	sor.u32 s11, s5;
	[tilespmem:s6+$0x0] =	vst v18;
	v18 =	vld [tilespmem:s25+$0x3CF0]  }
0x482: {  	s18 =	sor.u32 s16, s5;
	[tilespmem:s7+$0x0] =	vst v21;
	v21 =	vld [tilespmem:s17+$0x2698]  }
0x483: {  	s1 =	sor.u32 s12, s5;
	v22 =	vld [tilespmem:s14+$0x2698];
	[tilespmem:s18+$0x0] =	vst v17  }
0x484: {  	s19 =	sor.u32 s8, s0;
	v17 =	vld [tilespmem:s24+$0x2698];
	[tilespmem:s1+$0x0] =	vst v19  }
0x485: {  	p2 =	por $0x1, $0x1;
	s21 =	sor.u32 s13, s0;
	s23 =	sadd.s32 $0xE580, s20;
	[tilespmem:s19+$0x0] =	vst v20;
	v24 =	vld [tilespmem:s30+$0x2698]  }
.Ltmp9:
0x486: {  	s26 =	sor.u32 s15, s23;
	v20 =	vld [tilespmem:s10+$0x3CF0];
	[tilespmem:s21+$0x0] =	vst v18;
	(pc) =	sbr.rel @!p2 .LBB2_17-.Ltmp9, $4  }
0x487: {  	s28 =	sor.u32 s11, s23;
	v19 =	vld [tilespmem:s31+$0x3EF8];
	[tilespmem:s26+$0x0] =	vst v21  }
0x488: {  	s3 =	smov.u32 s30;
	s30 =	sor.u32 s16, s23;
	[tilespmem:s28+$0x0] =	vst v22;
	v22 =	vld [tilespmem:s17+$0x28A0]  }
0x489: {  	p0 =	por $0x1, $0x1;
	s5 =	sor.u32 s22, s0;
	s31 =	sor.u32 s12, s23;
	[tilespmem:s30+$0x0] =	vst v17;
	v23 =	vld [tilespmem:s14+$0x28A0]  }
0x48a: {  	s18 =	sor.u32 s8, s2;
	s21 =	sor.u32 s13, s2;
	s26 =	sor.u32 s22, s2;
	[tilespmem:s31+$0x0] =	vst v24;
	v21 =	vld [tilespmem:s24+$0x28A0]  }
0x48b: {  	[smem:$0x7E8] =	sst s9;
	s0 =	sadd.s32 $0xE600, s20;
	s1 =	simm.s32 $0x80  }
0x48c: {  	s4 =	simm.s32 $0x80;
	s9 =	simm.s32 $0x80;
	v24 =	vld [tilespmem:s3+$0x28A0];
	[tilespmem:s5+$0x0] =	vst v20;
	s2 =	sor.u32 s15, s0  }
0x48d: {  	v17 =	vld [tilespmem:s25+$0x3EF8];
	s8 =	sand.u32 $0x40, s4;
	s1 =	sand.u32 $0x3FFFFF80, s1;
	[dreg:$0x5] =	wrdreg s9  }
0x48e: {  	s13 =	sor.u32 s11, s0;
	s1 =	sadd.s32 $0x10400, s1;
	s9 =	sor.u32 $0x30, s8;
	[tilespmem:s2+$0x0] =	vst v22;
	v18 =	vld [tilespmem:s10+$0x3EF8]  }
0x48f: {  	s30 =	smov.u32 s3;
	[tilespmem:s13+$0x0] =	vst v23;
	s28 =	sor.u32 s9, s1;
	v20 =	vld [tilespmem:s17+$0x2AA8]  }
0x490: {  	s19 =	simm.s32 $0x400;
	s6 =	sadd.s32 $0xE680, s20;
	s23 =	sor.u32 s12, s0;
	[tilespmem:s18+$0x0] =	vst v19;
	v19 =	vld [tilespmem:s28+$0x0]  }
0x491: {  	s13 =	sor.u32 $0x10, s8;
	s31 =	sor.u32 s8, s1;
	s18 =	sor.u32 s16, s0;
	v22 =	vld [tilespmem:s14+$0x2AA8]  }
0x492: {  	s25 =	sand.u32 $0x3FFFFC00, s19;
	s22 =	sor.u32 $0x20, s8;
	s3 =	sor.u32 s13, s1;
	v23 =	vld [tilespmem:s31+$0x0];
	[tilespmem:s18+$0x0] =	vst v21  }
0x493: {  	s5 =	sor.u32 s15, s6;
	s0 =	sor.u32 s22, s1;
	s10 =	sadd.s32 $0xC400, s25;
	v21 =	vld [tilespmem:s3+$0x0];
	[tilespmem:s23+$0x0] =	vst v24  }
0x494: {  	v56 =	vld [tilespmem:s0+$0x0];
	s1 =	sor.u32 s9, s10;
	[tilespmem:s5+$0x0] =	vst v20  }
0x495: {  	s7 =	sor.u32 s11, s6;
	[tilespmem:s1+$0x0] =	vst v19;
	v19 =	vld [tilespmem:s24+$0x2AA8]  }
0x496: {  	s2 =	sor.u32 s8, s10;
	[tilespmem:s7+$0x0] =	vst v22;
	v20 =	vld [tilespmem:s17+$0x2CB0]  }
0x497: {  	s4 =	sor.u32 s13, s10;
	[tilespmem:s2+$0x0] =	vst v23;
	v22 =	vld [tilespmem:s28+$0x208]  }
0x498: {  	s19 =	sor.u32 s22, s10;
	v23 =	vld [tilespmem:s31+$0x208];
	[tilespmem:s4+$0x0] =	vst v21  }
0x499: {  	s18 =	sor.u32 s16, s6;
	s5 =	sadd.s32 $0xE700, s20;
	[tilespmem:s19+$0x0] =	vst v56;
	v21 =	vld [tilespmem:s3+$0x208]  }
0x49a: {  	s7 =	sor.u32 s15, s5;
	[tilespmem:s18+$0x0] =	vst v19  }
0x49b: {  	v24 =	vld [tilespmem:s0+$0x208];
	[tilespmem:s7+$0x0] =	vst v20  }
0x49c: {  	[tilespmem:s1+$0x80] =	vst v22;
	v20 =	vld [tilespmem:s30+$0x2AA8]  }
0x49d: {  	[tilespmem:s2+$0x80] =	vst v23;
	v19 =	vld [tilespmem:s17+$0x2EB8]  }
0x49e: {  	v22 =	vld [tilespmem:s28+$0x410];
	[tilespmem:s4+$0x80] =	vst v21  }
0x49f: {  	v23 =	vld [tilespmem:s31+$0x410];
	[dreg:$0x7] =	wrdreg s21  }
0x4a0: {  	s6 =	sor.u32 s12, s6;
	s21 =	sadd.s32 $0xE780, s20;
	v21 =	vld [tilespmem:s3+$0x410];
	[tilespmem:s19+$0x80] =	vst v24  }
0x4a1: {  	s23 =	sor.u32 s15, s21;
	v24 =	vld [tilespmem:s0+$0x410];
	[tilespmem:s6+$0x0] =	vst v20  }
0x4a2: {  	v20 =	vld [tilespmem:s14+$0x2CB0];
	[tilespmem:s23+$0x0] =	vst v19  }
0x4a3: {  	[tilespmem:s1+$0x100] =	vst v22;
	v19 =	vld [tilespmem:s17+$0x30C0]  }
0x4a4: {  	[tilespmem:s2+$0x100] =	vst v23;
	v22 =	vld [tilespmem:s28+$0x618]  }
0x4a5: {  	v23 =	vld [tilespmem:s31+$0x618];
	[tilespmem:s4+$0x100] =	vst v21  }
0x4a6: {  	s18 =	sadd.s32 $0xF400, s20;
	s23 =	sor.u32 s11, s5;
	v21 =	vld [tilespmem:s3+$0x618];
	[tilespmem:s19+$0x100] =	vst v24  }
0x4a7: {  	s10 =	sor.u32 s15, s18;
	v24 =	vld [tilespmem:s0+$0x618];
	[tilespmem:s23+$0x0] =	vst v20  }
0x4a8: {  	v20 =	vld [tilespmem:s24+$0x2CB0];
	[tilespmem:s10+$0x0] =	vst v19  }
0x4a9: {  	[tilespmem:s1+$0x180] =	vst v22;
	v19 =	vld [tilespmem:s17+$0x32C8]  }
0x4aa: {  	[tilespmem:s2+$0x180] =	vst v23;
	v22 =	vld [tilespmem:s28+$0x820]  }
0x4ab: {  	v23 =	vld [tilespmem:s31+$0x820];
	[tilespmem:s4+$0x180] =	vst v21  }
0x4ac: {  	s23 =	sor.u32 s16, s5;
	s10 =	sadd.s32 $0xF480, s20;
	[tilespmem:s19+$0x180] =	vst v24  }
0x4ad: {  	s7 =	sor.u32 s15, s10;
	v21 =	vld [tilespmem:s3+$0x820];
	[tilespmem:s23+$0x0] =	vst v20  }
0x4ae: {  	[tilespmem:s7+$0x0] =	vst v19;
	v19 =	vld [tilespmem:s0+$0x820]  }
0x4af: {  	[tilespmem:s1+$0x200] =	vst v22;
	v20 =	vld [tilespmem:s17+$0x34D0]  }
0x4b0: {  	[tilespmem:s2+$0x200] =	vst v23;
	v23 =	vld [tilespmem:s28+$0xA28]  }
0x4b1: {  	v57 =	vld [tilespmem:s31+$0xA28]  }
0x4b2: {  	s23 =	sadd.s32 $0xF500, s20;
	v22 =	vld [tilespmem:s30+$0x2CB0];
	[tilespmem:s4+$0x200] =	vst v21  }
0x4b3: {  	s7 =	sor.u32 s15, s23;
	v21 =	vld [tilespmem:s3+$0xA28];
	[tilespmem:s19+$0x200] =	vst v19  }
0x4b4: {  	[tilespmem:s7+$0x0] =	vst v20;
	v19 =	vld [tilespmem:s0+$0xA28]  }
0x4b5: {  	[tilespmem:s1+$0x280] =	vst v23;
	v20 =	vld [tilespmem:s17+$0x36D8]  }
0x4b6: {  	s5 =	sor.u32 s12, s5;
	[tilespmem:s2+$0x280] =	vst v57;
	v23 =	vld [tilespmem:s28+$0xC30]  }
0x4b7: {  	[tilespmem:s5+$0x0] =	vst v22;
	v24 =	vld [tilespmem:s31+$0xC30]  }
0x4b8: {  	v22 =	vld [tilespmem:s14+$0x2EB8];
	s7 =	sadd.s32 $0xF580, s20;
	[tilespmem:s4+$0x280] =	vst v21  }
0x4b9: {  	s6 =	sor.u32 s15, s7;
	v21 =	vld [tilespmem:s3+$0xC30];
	[tilespmem:s19+$0x280] =	vst v19  }
0x4ba: {  	[tilespmem:s6+$0x0] =	vst v20;
	v19 =	vld [tilespmem:s0+$0xC30]  }
0x4bb: {  	[tilespmem:s1+$0x300] =	vst v23;
	v20 =	vld [tilespmem:s17+$0x38E0]  }
0x4bc: {  	s6 =	sor.u32 s11, s21;
	[tilespmem:s2+$0x300] =	vst v24;
	v23 =	vld [tilespmem:s28+$0xE38]  }
0x4bd: {  	[tilespmem:s6+$0x0] =	vst v22;
	v22 =	vld [tilespmem:s24+$0x2EB8]  }
0x4be: {  	s5 =	sadd.s32 $0xF600, s20;
	v24 =	vld [tilespmem:s31+$0xE38];
	[tilespmem:s4+$0x300] =	vst v21  }
0x4bf: {  	s6 =	sor.u32 s15, s5;
	v21 =	vld [tilespmem:s3+$0xE38];
	[tilespmem:s19+$0x300] =	vst v19  }
0x4c0: {  	[tilespmem:s6+$0x0] =	vst v20;
	v19 =	vld [tilespmem:s0+$0xE38]  }
0x4c1: {  	s6 =	sor.u32 s16, s21;
	[tilespmem:s1+$0x380] =	vst v23;
	v20 =	vld [tilespmem:s17+$0x3AE8]  }
0x4c2: {  	[tilespmem:s6+$0x0] =	vst v22;
	v22 =	vld [tilespmem:s30+$0x2EB8]  }
0x4c3: {  	[tilespmem:s2+$0x380] =	vst v24;
	v23 =	vld [tilespmem:s28+$0x1040]  }
0x4c4: {  	s2 =	sadd.s32 $0xF680, s20;
	v24 =	vld [tilespmem:s31+$0x1040];
	[tilespmem:s4+$0x380] =	vst v21  }
0x4c5: {  	s1 =	sor.u32 s15, s2;
	v21 =	vld [tilespmem:s3+$0x1040];
	[tilespmem:s19+$0x380] =	vst v19  }
0x4c6: {  	s6 =	sadd.s32 $0xD400, s25;
	s4 =	sor.u32 s12, s21;
	v19 =	vld [tilespmem:s0+$0x1040];
	[tilespmem:s1+$0x0] =	vst v20  }
0x4c7: {  	s21 =	sor.u32 s9, s6;
	[tilespmem:s4+$0x0] =	vst v22;
	v22 =	vld [tilespmem:s14+$0x30C0]  }
0x4c8: {  	s4 =	sor.u32 s8, s6;
	[tilespmem:s21+$0x0] =	vst v23;
	v20 =	vld [tilespmem:s17+$0x3CF0]  }
0x4c9: {  	s21 =	sor.u32 s13, s6;
	[tilespmem:s4+$0x0] =	vst v24;
	v23 =	vld [tilespmem:s28+$0x1248]  }
0x4ca: {  	s6 =	sor.u32 s22, s6;
	v24 =	vld [tilespmem:s31+$0x1248];
	[tilespmem:s21+$0x0] =	vst v21  }
0x4cb: {  	s4 =	sadd.s32 $0xF700, s20;
	s21 =	sor.u32 s11, s18;
	v21 =	vld [tilespmem:s3+$0x1248];
	[tilespmem:s6+$0x0] =	vst v19  }
0x4cc: {  	s1 =	sadd.s32 $0xD480, s25;
	s6 =	sor.u32 s15, s4;
	[tilespmem:s21+$0x0] =	vst v22;
	v19 =	vld [tilespmem:s0+$0x1248]  }
0x4cd: {  	s21 =	sor.u32 s9, s1;
	v22 =	vld [tilespmem:s24+$0x30C0];
	[tilespmem:s6+$0x0] =	vst v20  }
0x4ce: {  	[tilespmem:s21+$0x0] =	vst v23;
	v20 =	vld [tilespmem:s17+$0x3EF8];
	s17 =	sor.u32 s8, s1  }
0x4cf: {  	s21 =	sor.u32 s13, s1;
	v23 =	vld [tilespmem:s28+$0x1450];
	[tilespmem:s17+$0x0] =	vst v24  }
0x4d0: {  	[tilespmem:s21+$0x0] =	vst v21;
	s17 =	sor.u32 s22, s1;
	v21 =	vld [tilespmem:s31+$0x1450]  }
0x4d1: {  	s1 =	sadd.s32 $0xF780, s20;
	s21 =	sor.u32 s16, s18;
	v58 =	vld [tilespmem:s3+$0x1450];
	[tilespmem:s17+$0x0] =	vst v19  }
0x4d2: {  	s6 =	sadd.s32 $0xD500, s25;
	s20 =	sor.u32 s15, s1;
	[tilespmem:s21+$0x0] =	vst v22;
	v19 =	vld [tilespmem:s0+$0x1450]  }
0x4d3: {  	v22 =	vld [tilespmem:s14+$0x32C8];
	s17 =	sor.u32 s9, s6;
	[tilespmem:s20+$0x0] =	vst v20  }
0x4d4: {  	v20 =	vld [tilespmem:s30+$0x30C0];
	[tilespmem:s17+$0x0] =	vst v23;
	s20 =	sor.u32 s8, s6  }
0x4d5: {  	s21 =	sor.u32 s13, s6;
	[tilespmem:s20+$0x0] =	vst v21;
	v21 =	vld [tilespmem:s28+$0x1658]  }
0x4d6: {  	s6 =	sor.u32 s22, s6;
	[tilespmem:s21+$0x0] =	vst v58;
	v23 =	vld [tilespmem:s31+$0x1658]  }
0x4d7: {  	s17 =	sor.u32 s12, s18;
	s18 =	sor.u32 s11, s10;
	v24 =	vld [tilespmem:s3+$0x1658];
	[tilespmem:s6+$0x0] =	vst v19  }
0x4d8: {  	s20 =	sadd.s32 $0xD580, s25;
	[tilespmem:s18+$0x0] =	vst v22;
	v19 =	vld [tilespmem:s0+$0x1658]  }
0x4d9: {  	s21 =	sor.u32 s9, s20;
	[tilespmem:s17+$0x0] =	vst v20;
	v20 =	vld [tilespmem:s24+$0x32C8]  }
0x4da: {  	s17 =	sor.u32 s8, s20;
	[tilespmem:s21+$0x0] =	vst v21;
	v21 =	vld [tilespmem:s30+$0x32C8]  }
0x4db: {  	s18 =	sor.u32 s13, s20;
	[tilespmem:s17+$0x0] =	vst v23;
	v22 =	vld [tilespmem:s28+$0x1860]  }
0x4dc: {  	s20 =	sor.u32 s22, s20;
	[tilespmem:s18+$0x0] =	vst v24;
	v23 =	vld [tilespmem:s31+$0x1860]  }
0x4dd: {  	s21 =	sor.u32 s16, s10;
	[tilespmem:s20+$0x0] =	vst v19;
	v19 =	vld [tilespmem:s3+$0x1860]  }
0x4de: {  	s15 =	sadd.s32 $0xD600, s25;
	s10 =	sor.u32 s12, s10;
	[tilespmem:s21+$0x0] =	vst v20;
	v20 =	vld [tilespmem:s0+$0x1860]  }
0x4df: {  	s17 =	sor.u32 s9, s15;
	[tilespmem:s10+$0x0] =	vst v21;
	v21 =	vld [tilespmem:s14+$0x34D0]  }
0x4e0: {  	s18 =	sor.u32 s8, s15;
	[tilespmem:s17+$0x0] =	vst v22;
	v22 =	vld [tilespmem:s24+$0x34D0]  }
0x4e1: {  	s20 =	sor.u32 s13, s15;
	[tilespmem:s18+$0x0] =	vst v23;
	v23 =	vld [tilespmem:s28+$0x1A68]  }
0x4e2: {  	s6 =	sor.u32 s22, s15;
	v59 =	vld [tilespmem:s31+$0x1A68];
	[tilespmem:s20+$0x0] =	vst v19  }
0x4e3: {  	s21 =	sor.u32 s11, s23;
	v19 =	vld [tilespmem:s3+$0x1A68];
	[tilespmem:s6+$0x0] =	vst v20  }
0x4e4: {  	s15 =	sor.u32 s16, s23;
	s17 =	sadd.s32 $0xD680, s25;
	[tilespmem:s21+$0x0] =	vst v21;
	v20 =	vld [tilespmem:s0+$0x1A68]  }
0x4e5: {  	s18 =	sor.u32 s9, s17;
	v21 =	vld [tilespmem:s30+$0x34D0];
	[tilespmem:s15+$0x0] =	vst v22  }
0x4e6: {  	s20 =	sor.u32 s8, s17;
	v22 =	vld [tilespmem:s14+$0x36D8];
	[tilespmem:s18+$0x0] =	vst v23  }
0x4e7: {  	s21 =	sor.u32 s13, s17;
	[tilespmem:s20+$0x0] =	vst v59;
	v23 =	vld [tilespmem:s28+$0x1C70]  }
0x4e8: {  	s10 =	sor.u32 s22, s17;
	[tilespmem:s21+$0x0] =	vst v19;
	v19 =	vld [tilespmem:s31+$0x1C70]  }
0x4e9: {  	s15 =	sor.u32 s12, s23;
	v60 =	vld [tilespmem:s3+$0x1C70];
	[tilespmem:s10+$0x0] =	vst v20  }
0x4ea: {  	s17 =	sor.u32 s11, s7;
	s18 =	sadd.s32 $0xD700, s25;
	[tilespmem:s15+$0x0] =	vst v21;
	v20 =	vld [tilespmem:s0+$0x1C70]  }
0x4eb: {  	s20 =	sor.u32 s9, s18;
	v21 =	vld [tilespmem:s24+$0x36D8];
	[tilespmem:s17+$0x0] =	vst v22  }
0x4ec: {  	s21 =	sor.u32 s8, s18;
	v22 =	vld [tilespmem:s30+$0x36D8];
	[tilespmem:s20+$0x0] =	vst v23  }
0x4ed: {  	s23 =	sor.u32 s13, s18;
	[tilespmem:s21+$0x0] =	vst v19;
	v19 =	vld [tilespmem:s28+$0x1E78]  }
0x4ee: {  	s15 =	sor.u32 s22, s18;
	[tilespmem:s23+$0x0] =	vst v60;
	v23 =	vld [tilespmem:s31+$0x1E78]  }
0x4ef: {  	s17 =	sor.u32 s16, s7;
	[tilespmem:s15+$0x0] =	vst v20;
	v20 =	vld [tilespmem:s3+$0x1E78]  }
0x4f0: {  	s18 =	sadd.s32 $0xD780, s25;
	s7 =	sor.u32 s12, s7;
	[tilespmem:s17+$0x0] =	vst v21;
	v21 =	vld [tilespmem:s0+$0x1E78]  }
0x4f1: {  	s20 =	sor.u32 s9, s18;
	[tilespmem:s7+$0x0] =	vst v22;
	v22 =	vld [tilespmem:s14+$0x38E0]  }
0x4f2: {  	s21 =	sor.u32 s8, s18;
	[tilespmem:s20+$0x0] =	vst v19;
	v19 =	vld [tilespmem:s24+$0x38E0]  }
0x4f3: {  	s23 =	sor.u32 s13, s18;
	[tilespmem:s21+$0x0] =	vst v23;
	v23 =	vld [tilespmem:s28+$0x2080]  }
0x4f4: {  	s6 =	sor.u32 s22, s18;
	v61 =	vld [tilespmem:s31+$0x2080];
	[tilespmem:s23+$0x0] =	vst v20  }
0x4f5: {  	s10 =	sor.u32 s11, s5;
	v20 =	vld [tilespmem:s3+$0x2080];
	[tilespmem:s6+$0x0] =	vst v21  }
0x4f6: {  	s17 =	sadd.s32 $0xE400, s25;
	s15 =	sor.u32 s16, s5;
	[tilespmem:s10+$0x0] =	vst v22;
	v21 =	vld [tilespmem:s0+$0x2080]  }
0x4f7: {  	s18 =	sor.u32 s9, s17;
	[tilespmem:s15+$0x0] =	vst v19;
	v19 =	vld [tilespmem:s30+$0x38E0]  }
0x4f8: {  	s20 =	sor.u32 s8, s17;
	v22 =	vld [tilespmem:s14+$0x3AE8];
	[tilespmem:s18+$0x0] =	vst v23  }
0x4f9: {  	s21 =	sor.u32 s13, s17;
	[tilespmem:s20+$0x0] =	vst v61;
	v23 =	vld [tilespmem:s28+$0x2288]  }
0x4fa: {  	s23 =	sor.u32 s22, s17;
	[tilespmem:s21+$0x0] =	vst v20;
	v20 =	vld [tilespmem:s31+$0x2288]  }
0x4fb: {  	s5 =	sor.u32 s12, s5;
	v62 =	vld [tilespmem:s3+$0x2288];
	[tilespmem:s23+$0x0] =	vst v21  }
0x4fc: {  	s7 =	sor.u32 s11, s2;
	s10 =	sadd.s32 $0xE480, s25;
	[tilespmem:s5+$0x0] =	vst v19;
	v19 =	vld [tilespmem:s0+$0x2288]  }
0x4fd: {  	s15 =	sor.u32 s9, s10;
	[tilespmem:s7+$0x0] =	vst v22;
	v21 =	vld [tilespmem:s24+$0x3AE8]  }
0x4fe: {  	s17 =	sor.u32 s8, s10;
	v22 =	vld [tilespmem:s30+$0x3AE8];
	[tilespmem:s15+$0x0] =	vst v23  }
0x4ff: {  	s18 =	sor.u32 s13, s10;
	[tilespmem:s17+$0x0] =	vst v20;
	v20 =	vld [tilespmem:s28+$0x2490]  }
0x500: {  	s5 =	sor.u32 s22, s10;
	[tilespmem:s18+$0x0] =	vst v62;
	v23 =	vld [tilespmem:s31+$0x2490]  }
0x501: {  	s20 =	sor.u32 s16, s2;
	[tilespmem:s5+$0x0] =	vst v19;
	v19 =	vld [tilespmem:s3+$0x2490]  }
0x502: {  	s2 =	sor.u32 s12, s2;
	s21 =	sadd.s32 $0xE500, s25;
	[tilespmem:s20+$0x0] =	vst v21;
	v21 =	vld [tilespmem:s0+$0x2490]  }
0x503: {  	s23 =	sor.u32 s9, s21;
	[tilespmem:s2+$0x0] =	vst v22;
	v22 =	vld [tilespmem:s14+$0x3CF0]  }
0x504: {  	s6 =	sor.u32 s8, s21;
	[tilespmem:s23+$0x0] =	vst v20;
	v20 =	vld [tilespmem:s24+$0x3CF0]  }
0x505: {  	s7 =	sor.u32 s13, s21;
	[tilespmem:s6+$0x0] =	vst v23;
	v23 =	vld [tilespmem:s28+$0x2698]  }
0x506: {  	s5 =	sor.u32 s22, s21;
	v63 =	vld [tilespmem:s31+$0x2698];
	[tilespmem:s7+$0x0] =	vst v19  }
0x507: {  	s10 =	sor.u32 s11, s4;
	v25 =	vld [tilespmem:s3+$0x2698];
	[tilespmem:s5+$0x0] =	vst v21  }
0x508: {  	p2 =	por $0x1, $0x1;
	s15 =	sor.u32 s16, s4;
	s17 =	sadd.s32 $0xE580, s25;
	[tilespmem:s10+$0x0] =	vst v22;
	v21 =	vld [tilespmem:s0+$0x2698]  }
.Ltmp10:
0x509: {  	s20 =	sor.u32 s9, s17;
	v19 =	vld [tilespmem:s14+$0x3EF8];
	[tilespmem:s15+$0x0] =	vst v20;
	(pc) =	sbr.rel @!p2 .LBB2_19-.Ltmp10, $4  }
0x50a: {  	p1 =	por $0x1, $0x1;
	s19 =	smov.u32 s9;
	s21 =	sor.u32 s8, s17;
	v20 =	vld [tilespmem:s30+$0x3CF0];
	[tilespmem:s20+$0x0] =	vst v23  }
0x50b: {  	s29 =	sor.u32 s16, s1;
	s16 =	smov.u32 s3;
	s23 =	sor.u32 s13, s17;
	[tilespmem:s21+$0x0] =	vst v63;
	v22 =	vld [tilespmem:s28+$0x28A0]  }
0x50c: {  	s18 =	sor.u32 s11, s1;
	s2 =	sor.u32 s22, s17;
	s5 =	sor.u32 s12, s4;
	[tilespmem:s23+$0x0] =	vst v25;
	v23 =	vld [tilespmem:s31+$0x28A0]  }
0x50d: {  	s3 =	smov.u32 s25;
	s12 =	sor.u32 s12, s1;
	s25 =	simm.s32 $0x8;
	[tilespmem:s2+$0x0] =	vst v21;
	v21 =	vld [tilespmem:s16+$0x28A0]  }
.LBB2_20:
0x50e: {  	s1 =	sadd.s32 $0xE600, s3  }
0x50f: {  	s25 =	sadd.s32 $0x4, s25;
	v24 =	vld [tilespmem:s0+$0x28A0];
	s20 =	rddreg [dreg:$0x5];
	s4 =	sor.u32 s19, s1;
	[tilespmem:s18+$0x0] =	vst v19  }
0x510: {  	s23 =	rddreg [dreg:$0x7];
	s7 =	sadd.s32 $0xE680, s3;
	s2 =	sshll.u32 s25, $0x4;
	v19 =	vld [tilespmem:s24+$0x3EF8];
	[tilespmem:s4+$0x0] =	vst v22  }
0x511: {  	s21 =	sor.u32 s8, s1;
	s2 =	sand.u32 $0x3FFFFF80, s2;
	[tilespmem:s5+$0x0] =	vst v20;
	s5 =	sadd.s32 $0x40, s20;
	v22 =	vld [tilespmem:s28+$0x2AA8]  }
0x512: {  	s10 =	smov.u32 s19;
	s2 =	sadd.s32 $0x10400, s2;
	[tilespmem:s21+$0x0] =	vst v23;
	s20 =	sand.u32 $0x40, s5;
	v20 =	vld [tilespmem:s30+$0x3EF8]  }
0x513: {  	[tilespmem:s23+$0x0] =	vst v17;
	s24 =	sor.u32 s13, s1;
	v23 =	vld [tilespmem:s31+$0x2AA8];
	s15 =	sor.u32 $0x30, s20;
	s11 =	sor.u32 s20, s2  }
0x514: {  	[tilespmem:s24+$0x0] =	vst v21;
	[dreg:$0x5] =	wrdreg s5;
	s14 =	sor.u32 $0x10, s20;
	s18 =	sor.u32 s15, s2;
	v26 =	vld [tilespmem:s11+$0x0]  }
0x515: {  	[tilespmem:s26+$0x0] =	vst v18;
	s26 =	sshll.u32 s25, $0x7;
	s5 =	sor.u32 s19, s7;
	s6 =	sor.u32 s14, s2;
	v25 =	vld [tilespmem:s18+$0x0]  }
0x516: {  	s1 =	sor.u32 s22, s1;
	s17 =	sor.u32 $0x20, s20;
	s21 =	sand.u32 $0x3FFFFC00, s26;
	v17 =	vmov v19;
	v19 =	vld [tilespmem:s6+$0x0];
	[tilespmem:s5+$0x0] =	vst v22  }
0x517: {  	s9 =	sor.u32 s8, s7;
	[tilespmem:s1+$0x0] =	vst v24;
	s2 =	sor.u32 s17, s2;
	s24 =	sadd.s32 $0xC400, s21;
	v21 =	vld [tilespmem:s28+$0x2CB0]  }
0x518: {  	[dreg:$0xa] =	wrdreg s25;
	p2 =	slt.u32 s25, $0x1C;
	s4 =	sor.u32 s20, s24;
	v18 =	vmov v20;
	v20 =	vld [tilespmem:s2+$0x0];
	[tilespmem:s9+$0x0] =	vst v23  }
0x519: {  	s23 =	sor.u32 s13, s7;
	s30 =	sor.u32 s22, s7;
	s7 =	sor.u32 s15, s24;
	v22 =	vld [tilespmem:s16+$0x2AA8];
	[tilespmem:s4+$0x0] =	vst v26  }
0x51a: {  	s19 =	smov.u32 s16;
	s25 =	sadd.s32 $0xE700, s3;
	s5 =	sor.u32 s14, s24;
	[tilespmem:s7+$0x0] =	vst v25;
	v61 =	vld [tilespmem:s11+$0x208]  }
0x51b: {  	s16 =	smov.u32 s6;
	s9 =	smov.u32 s12;
	s12 =	sor.u32 s10, s25;
	[tilespmem:s5+$0x0] =	vst v19;
	v23 =	vld [tilespmem:s18+$0x208]  }
0x51c: {  	s24 =	sor.u32 s17, s24;
	v19 =	vld [tilespmem:s16+$0x208];
	[tilespmem:s12+$0x0] =	vst v21  }
0x51d: {  	s26 =	smov.u32 s0;
	s0 =	smov.u32 s2;
	[tilespmem:s24+$0x0] =	vst v20;
	v21 =	vld [tilespmem:s28+$0x2EB8]  }
0x51e: {  	s6 =	smov.u32 s29;
	[tilespmem:s23+$0x0] =	vst v22;
	v20 =	vld [tilespmem:s0+$0x208]  }
0x51f: {  	[dreg:$0x7] =	wrdreg s6;
	v22 =	vld [tilespmem:s26+$0x2AA8];
	[tilespmem:s4+$0x80] =	vst v61  }
0x520: {  	s1 =	sor.u32 s22, s25;
	s2 =	sadd.s32 $0xE780, s3;
	[dreg:$0x11] =	wrdreg s9;
	[tilespmem:s7+$0x80] =	vst v23;
	v24 =	vld [tilespmem:s11+$0x410]  }
0x521: {  	s9 =	sor.u32 s8, s25;
	s6 =	sor.u32 s13, s25;
	s25 =	sor.u32 s10, s2;
	[tilespmem:s5+$0x80] =	vst v19;
	v23 =	vld [tilespmem:s18+$0x410]  }
0x522: {  	v19 =	vld [tilespmem:s16+$0x410];
	[tilespmem:s25+$0x0] =	vst v21  }
0x523: {  	[tilespmem:s24+$0x80] =	vst v20;
	v21 =	vld [tilespmem:s28+$0x30C0]  }
0x524: {  	v20 =	vld [tilespmem:s0+$0x410];
	[tilespmem:s30+$0x0] =	vst v22  }
0x525: {  	s23 =	sor.u32 s13, s2;
	v22 =	vld [tilespmem:s31+$0x2CB0];
	[tilespmem:s4+$0x100] =	vst v24  }
0x526: {  	[smem:$0x7E2] =	sst s23;
	s23 =	sadd.s32 $0xF400, s3;
	[tilespmem:s7+$0x100] =	vst v23;
	v24 =	vld [tilespmem:s11+$0x618]  }
0x527: {  	s25 =	sor.u32 s10, s23;
	[tilespmem:s5+$0x100] =	vst v19;
	v23 =	vld [tilespmem:s18+$0x618]  }
0x528: {  	v19 =	vld [tilespmem:s16+$0x618];
	[tilespmem:s25+$0x0] =	vst v21  }
0x529: {  	[tilespmem:s24+$0x100] =	vst v20;
	v21 =	vld [tilespmem:s28+$0x32C8]  }
0x52a: {  	[tilespmem:s9+$0x0] =	vst v22;
	v20 =	vld [tilespmem:s0+$0x618]  }
0x52b: {  	v22 =	vld [tilespmem:s19+$0x2CB0];
	s9 =	sadd.s32 $0xF480, s3;
	[tilespmem:s4+$0x180] =	vst v24  }
0x52c: {  	s29 =	sor.u32 s8, s2;
	s2 =	sor.u32 s22, s2;
	s25 =	sor.u32 s13, s9;
	[tilespmem:s7+$0x180] =	vst v23;
	v24 =	vld [tilespmem:s11+$0x820]  }
0x52d: {  	[smem:$0x7E4] =	sst s25;
	s25 =	smov.u32 s31;
	s31 =	sor.u32 s10, s9;
	[tilespmem:s5+$0x180] =	vst v19;
	v23 =	vld [tilespmem:s18+$0x820]  }
0x52e: {  	[smem:$0x7E3] =	sst s2;
	v19 =	vld [tilespmem:s16+$0x820];
	[tilespmem:s31+$0x0] =	vst v21  }
0x52f: {  	s12 =	sor.u32 s8, s23;
	s2 =	sor.u32 s22, s23;
	s30 =	sor.u32 s13, s23;
	[tilespmem:s24+$0x180] =	vst v20;
	v21 =	vld [tilespmem:s28+$0x34D0]  }
0x530: {  	s23 =	sor.u32 s8, s9;
	s9 =	sor.u32 s22, s9;
	[tilespmem:s6+$0x0] =	vst v22;
	s6 =	sadd.s32 $0xF500, s3;
	v20 =	vld [tilespmem:s0+$0x820]  }
0x531: {  	[smem:$0x7E5] =	sst s9;
	s9 =	sor.u32 s8, s6;
	v22 =	vld [tilespmem:s26+$0x2CB0];
	[tilespmem:s4+$0x200] =	vst v24  }
0x532: {  	[smem:$0x7E6] =	sst s9;
	s9 =	sor.u32 s13, s6;
	[tilespmem:s7+$0x200] =	vst v23;
	v24 =	vld [tilespmem:s11+$0xA28]  }
0x533: {  	[smem:$0x7E7] =	sst s9;
	s9 =	sor.u32 s10, s6;
	[tilespmem:s5+$0x200] =	vst v19;
	v23 =	vld [tilespmem:s18+$0xA28]  }
0x534: {  	v19 =	vld [tilespmem:s16+$0xA28];
	[tilespmem:s9+$0x0] =	vst v21  }
0x535: {  	s6 =	sor.u32 s22, s6;
	[tilespmem:s24+$0x200] =	vst v20;
	v21 =	vld [tilespmem:s28+$0x36D8]  }
0x536: {  	[dreg:$0x1d] =	wrdreg s6;
	s6 =	sadd.s32 $0xF580, s3;
	v20 =	vld [tilespmem:s0+$0xA28];
	[tilespmem:s1+$0x0] =	vst v22  }
0x537: {  	v22 =	vld [tilespmem:s25+$0x2EB8];
	s9 =	sor.u32 s8, s6;
	[tilespmem:s4+$0x280] =	vst v24  }
0x538: {  	[dreg:$0x1f] =	wrdreg s9;
	s9 =	sor.u32 s13, s6;
	[tilespmem:s7+$0x280] =	vst v23;
	v24 =	vld [tilespmem:s11+$0xC30]  }
0x539: {  	[dreg:$0x1b] =	wrdreg s9;
	s9 =	sor.u32 s10, s6;
	s6 =	sor.u32 s22, s6;
	[tilespmem:s5+$0x280] =	vst v19;
	v23 =	vld [tilespmem:s18+$0xC30]  }
0x53a: {  	[dreg:$0x17] =	wrdreg s6;
	s6 =	sadd.s32 $0xF600, s3;
	v19 =	vld [tilespmem:s16+$0xC30];
	[tilespmem:s9+$0x0] =	vst v21  }
0x53b: {  	[tilespmem:s24+$0x280] =	vst v20;
	s9 =	sor.u32 s8, s6;
	v21 =	vld [tilespmem:s28+$0x38E0]  }
0x53c: {  	[tilespmem:s29+$0x0] =	vst v22;
	v20 =	vld [tilespmem:s0+$0xC30];
	[dreg:$0x19] =	wrdreg s9;
	s9 =	sor.u32 s13, s6  }
0x53d: {  	v22 =	vld [tilespmem:s19+$0x2EB8];
	[tilespmem:s4+$0x300] =	vst v24;
	[dreg:$0x15] =	wrdreg s9;
	s9 =	sor.u32 s10, s6;
	s6 =	sor.u32 s22, s6  }
0x53e: {  	[tilespmem:s7+$0x300] =	vst v23;
	v24 =	vld [tilespmem:s11+$0xE38];
	[dreg:$0x10] =	wrdreg s6  }
0x53f: {  	[tilespmem:s5+$0x300] =	vst v19;
	s6 =	sld [smem:$0x7E2];
	v23 =	vld [tilespmem:s18+$0xE38]  }
0x540: {  	v19 =	vld [tilespmem:s16+$0xE38];
	[tilespmem:s9+$0x0] =	vst v21  }
0x541: {  	[tilespmem:s24+$0x300] =	vst v20;
	v21 =	vld [tilespmem:s28+$0x3AE8]  }
0x542: {  	v20 =	vld [tilespmem:s0+$0xE38];
	[tilespmem:s6+$0x0] =	vst v22  }
0x543: {  	[tilespmem:s4+$0x380] =	vst v24  }
0x544: {  	v22 =	vld [tilespmem:s26+$0x2EB8];
	s9 =	sadd.s32 $0xF680, s3;
	[tilespmem:s7+$0x380] =	vst v23  }
0x545: {  	[tilespmem:s5+$0x380] =	vst v19;
	s7 =	sor.u32 s10, s9;
	v23 =	vld [tilespmem:s18+$0x1040]  }
0x546: {  	v24 =	vld [tilespmem:s11+$0x1040];
	[tilespmem:s7+$0x0] =	vst v21;
	s7 =	sld [smem:$0x7E3]  }
0x547: {  	v19 =	vld [tilespmem:s16+$0x1040];
	[tilespmem:s24+$0x380] =	vst v20  }
0x548: {  	s6 =	sor.u32 s8, s9;
	s5 =	sadd.s32 $0xD400, s21;
	v20 =	vld [tilespmem:s0+$0x1040]  }
0x549: {  	[dreg:$0x13] =	wrdreg s6;
	s6 =	sor.u32 s15, s5;
	v21 =	vld [tilespmem:s28+$0x3CF0];
	[tilespmem:s7+$0x0] =	vst v22  }
0x54a: {  	s1 =	sor.u32 s20, s5;
	[tilespmem:s6+$0x0] =	vst v23;
	v22 =	vld [tilespmem:s25+$0x30C0]  }
0x54b: {  	s4 =	sor.u32 s14, s5;
	[tilespmem:s1+$0x0] =	vst v24;
	v23 =	vld [tilespmem:s18+$0x1248]  }
0x54c: {  	s5 =	sor.u32 s17, s5;
	[tilespmem:s4+$0x0] =	vst v19;
	s1 =	sadd.s32 $0xF700, s3;
	v24 =	vld [tilespmem:s11+$0x1248]  }
0x54d: {  	v19 =	vld [tilespmem:s16+$0x1248];
	s6 =	sor.u32 s13, s1;
	s7 =	sor.u32 s10, s1;
	[tilespmem:s5+$0x0] =	vst v20  }
0x54e: {  	s5 =	sor.u32 s8, s1;
	[dreg:$0xc] =	wrdreg s6;
	s6 =	sadd.s32 $0xD480, s21;
	v20 =	vld [tilespmem:s0+$0x1248];
	[tilespmem:s7+$0x0] =	vst v21  }
0x54f: {  	[dreg:$0xf] =	wrdreg s5;
	s7 =	sor.u32 s15, s6;
	v21 =	vld [tilespmem:s28+$0x3EF8];
	[tilespmem:s12+$0x0] =	vst v22  }
0x550: {  	s5 =	sor.u32 s22, s1;
	s1 =	sor.u32 s20, s6;
	s28 =	smov.u32 s18;
	v22 =	vld [tilespmem:s19+$0x30C0];
	[tilespmem:s7+$0x0] =	vst v23  }
0x551: {  	s4 =	sor.u32 s14, s6;
	[tilespmem:s1+$0x0] =	vst v24;
	v23 =	vld [tilespmem:s28+$0x1450]  }
0x552: {  	s6 =	sor.u32 s17, s6;
	s12 =	sadd.s32 $0xF780, s3;
	[tilespmem:s4+$0x0] =	vst v19;
	v24 =	vld [tilespmem:s11+$0x1450]  }
0x553: {  	s24 =	smov.u32 s19;
	s3 =	smov.u32 s21;
	s19 =	sor.u32 s10, s12;
	v19 =	vld [tilespmem:s16+$0x1450];
	[tilespmem:s6+$0x0] =	vst v20  }
0x554: {  	s18 =	sor.u32 s8, s12;
	s21 =	sadd.s32 $0xD500, s3;
	v20 =	vld [tilespmem:s0+$0x1450];
	[tilespmem:s19+$0x0] =	vst v21  }
0x555: {  	s8 =	smov.u32 s20;
	s20 =	sor.u32 s15, s21;
	[tilespmem:s30+$0x0] =	vst v22;
	s30 =	smov.u32 s26;
	v22 =	vld [tilespmem:s25+$0x32C8]  }
0x556: {  	s4 =	sor.u32 s8, s21;
	v21 =	vld [tilespmem:s30+$0x30C0];
	[tilespmem:s20+$0x0] =	vst v23  }
0x557: {  	s10 =	sor.u32 s14, s21;
	[tilespmem:s4+$0x0] =	vst v24;
	v23 =	vld [tilespmem:s28+$0x1658]  }
0x558: {  	s6 =	sor.u32 s17, s21;
	[tilespmem:s10+$0x0] =	vst v19;
	v24 =	vld [tilespmem:s11+$0x1658]  }
0x559: {  	v19 =	vld [tilespmem:s16+$0x1658];
	[tilespmem:s6+$0x0] =	vst v20  }
0x55a: {  	s31 =	sor.u32 s13, s9;
	s21 =	sadd.s32 $0xD580, s3;
	s19 =	smov.u32 s15;
	v20 =	vld [tilespmem:s0+$0x1658];
	[tilespmem:s23+$0x0] =	vst v22  }
0x55b: {  	s9 =	sor.u32 s22, s9;
	s29 =	sor.u32 s13, s12;
	s10 =	sor.u32 s19, s21;
	[tilespmem:s2+$0x0] =	vst v21;
	v21 =	vld [tilespmem:s24+$0x32C8]  }
0x55c: {  	s12 =	sor.u32 s22, s12;
	s13 =	smov.u32 s14;
	s4 =	sor.u32 s8, s21;
	v22 =	vld [tilespmem:s30+$0x32C8];
	[tilespmem:s10+$0x0] =	vst v23  }
0x55d: {  	s22 =	smov.u32 s17;
	s7 =	sor.u32 s13, s21;
	s15 =	sld [smem:$0x7E4];
	[tilespmem:s4+$0x0] =	vst v24;
	v23 =	vld [tilespmem:s28+$0x1860]  }
0x55e: {  	s1 =	sor.u32 s22, s21;
	s23 =	sld [smem:$0x7E5];
	[tilespmem:s7+$0x0] =	vst v19;
	v24 =	vld [tilespmem:s11+$0x1860]  }
0x55f: {  	v19 =	vld [tilespmem:s16+$0x1860];
	[tilespmem:s1+$0x0] =	vst v20  }
0x560: {  	s14 =	sadd.s32 $0xD600, s3;
	v20 =	vld [tilespmem:s0+$0x1860];
	[tilespmem:s15+$0x0] =	vst v21  }
0x561: {  	s21 =	sor.u32 s19, s14;
	v21 =	vld [tilespmem:s25+$0x34D0];
	[tilespmem:s23+$0x0] =	vst v22  }
0x562: {  	s17 =	sor.u32 s8, s14;
	v22 =	vld [tilespmem:s24+$0x34D0];
	[tilespmem:s21+$0x0] =	vst v23  }
0x563: {  	s20 =	sor.u32 s13, s14;
	s10 =	sld [smem:$0x7E6];
	[tilespmem:s17+$0x0] =	vst v24;
	v23 =	vld [tilespmem:s28+$0x1A68]  }
0x564: {  	s1 =	sor.u32 s22, s14;
	[tilespmem:s20+$0x0] =	vst v19;
	s20 =	sld [smem:$0x7E7];
	v24 =	vld [tilespmem:s11+$0x1A68]  }
0x565: {  	v19 =	vld [tilespmem:s16+$0x1A68];
	[tilespmem:s1+$0x0] =	vst v20  }
0x566: {  	s6 =	sadd.s32 $0xD680, s3;
	[tilespmem:s10+$0x0] =	vst v21;
	v20 =	vld [tilespmem:s0+$0x1A68]  }
0x567: {  	s17 =	sor.u32 s19, s6;
	[tilespmem:s20+$0x0] =	vst v22;
	v22 =	vld [tilespmem:s25+$0x36D8]  }
0x568: {  	s14 =	sor.u32 s8, s6;
	v21 =	vld [tilespmem:s30+$0x34D0];
	[tilespmem:s17+$0x0] =	vst v23  }
0x569: {  	s15 =	sor.u32 s13, s6;
	[tilespmem:s14+$0x0] =	vst v24;
	v23 =	vld [tilespmem:s28+$0x1C70]  }
0x56a: {  	s1 =	sor.u32 s22, s6;
	[tilespmem:s15+$0x0] =	vst v19;
	v24 =	vld [tilespmem:s11+$0x1C70]  }
0x56b: {  	s15 =	rddreg [dreg:$0x1f];
	v19 =	vld [tilespmem:s16+$0x1C70];
	[tilespmem:s1+$0x0] =	vst v20  }
0x56c: {  	s23 =	rddreg [dreg:$0x1d];
	s21 =	sadd.s32 $0xD700, s3;
	[tilespmem:s15+$0x0] =	vst v22;
	v20 =	vld [tilespmem:s0+$0x1C70]  }
0x56d: {  	s14 =	sor.u32 s19, s21;
	[tilespmem:s23+$0x0] =	vst v21;
	v21 =	vld [tilespmem:s24+$0x36D8]  }
0x56e: {  	s4 =	sor.u32 s8, s21;
	v22 =	vld [tilespmem:s30+$0x36D8];
	[tilespmem:s14+$0x0] =	vst v23  }
0x56f: {  	s10 =	sor.u32 s13, s21;
	[tilespmem:s4+$0x0] =	vst v24;
	v23 =	vld [tilespmem:s28+$0x1E78]  }
0x570: {  	s1 =	sor.u32 s22, s21;
	[tilespmem:s10+$0x0] =	vst v19;
	v24 =	vld [tilespmem:s11+$0x1E78]  }
0x571: {  	s20 =	rddreg [dreg:$0x1b];
	v19 =	vld [tilespmem:s16+$0x1E78];
	[tilespmem:s1+$0x0] =	vst v20  }
0x572: {  	s17 =	sadd.s32 $0xD780, s3;
	s14 =	rddreg [dreg:$0x17];
	[tilespmem:s20+$0x0] =	vst v21;
	v20 =	vld [tilespmem:s0+$0x1E78]  }
0x573: {  	s10 =	sor.u32 s19, s17;
	v21 =	vld [tilespmem:s25+$0x38E0];
	[tilespmem:s14+$0x0] =	vst v22  }
0x574: {  	s21 =	sor.u32 s8, s17;
	v22 =	vld [tilespmem:s24+$0x38E0];
	[tilespmem:s10+$0x0] =	vst v23  }
0x575: {  	s23 =	sor.u32 s13, s17;
	[tilespmem:s21+$0x0] =	vst v24;
	v23 =	vld [tilespmem:s28+$0x2080]  }
0x576: {  	s1 =	sor.u32 s22, s17;
	[tilespmem:s23+$0x0] =	vst v19;
	v24 =	vld [tilespmem:s11+$0x2080]  }
0x577: {  	s17 =	rddreg [dreg:$0x19];
	v19 =	vld [tilespmem:s16+$0x2080];
	[tilespmem:s1+$0x0] =	vst v20  }
0x578: {  	s15 =	sadd.s32 $0xE400, s3;
	s10 =	rddreg [dreg:$0x15];
	[tilespmem:s17+$0x0] =	vst v21;
	v20 =	vld [tilespmem:s0+$0x2080]  }
0x579: {  	s23 =	sor.u32 s19, s15;
	[tilespmem:s10+$0x0] =	vst v22;
	v22 =	vld [tilespmem:s25+$0x3AE8]  }
0x57a: {  	s20 =	sor.u32 s8, s15;
	v21 =	vld [tilespmem:s30+$0x38E0];
	[tilespmem:s23+$0x0] =	vst v23  }
0x57b: {  	s21 =	sor.u32 s13, s15;
	[tilespmem:s20+$0x0] =	vst v24;
	v23 =	vld [tilespmem:s28+$0x2288]  }
0x57c: {  	s1 =	sor.u32 s22, s15;
	[tilespmem:s21+$0x0] =	vst v19;
	v24 =	vld [tilespmem:s11+$0x2288]  }
0x57d: {  	s23 =	rddreg [dreg:$0x13];
	v19 =	vld [tilespmem:s16+$0x2288];
	[tilespmem:s1+$0x0] =	vst v20  }
0x57e: {  	s14 =	sadd.s32 $0xE480, s3;
	s15 =	rddreg [dreg:$0x10];
	[tilespmem:s23+$0x0] =	vst v22;
	v20 =	vld [tilespmem:s0+$0x2288]  }
0x57f: {  	s21 =	sor.u32 s19, s14;
	[tilespmem:s15+$0x0] =	vst v21;
	v21 =	vld [tilespmem:s24+$0x3AE8]  }
0x580: {  	s17 =	sor.u32 s8, s14;
	v22 =	vld [tilespmem:s30+$0x3AE8];
	[tilespmem:s21+$0x0] =	vst v23  }
0x581: {  	s20 =	sor.u32 s13, s14;
	[tilespmem:s17+$0x0] =	vst v24;
	v23 =	vld [tilespmem:s28+$0x2490]  }
0x582: {  	s1 =	sor.u32 s22, s14;
	[tilespmem:s20+$0x0] =	vst v19;
	v24 =	vld [tilespmem:s11+$0x2490]  }
0x583: {  	v19 =	vld [tilespmem:s16+$0x2490];
	[tilespmem:s1+$0x0] =	vst v20  }
0x584: {  	s2 =	sadd.s32 $0xE500, s3;
	[tilespmem:s31+$0x0] =	vst v21;
	v20 =	vld [tilespmem:s0+$0x2490]  }
0x585: {  	s10 =	sor.u32 s19, s2;
	v21 =	vld [tilespmem:s25+$0x3CF0];
	[tilespmem:s9+$0x0] =	vst v22  }
0x586: {  	s4 =	sor.u32 s8, s2;
	v22 =	vld [tilespmem:s24+$0x3CF0];
	[tilespmem:s10+$0x0] =	vst v23  }
0x587: {  	s7 =	sor.u32 s13, s2;
	[tilespmem:s4+$0x0] =	vst v24;
	v23 =	vld [tilespmem:s28+$0x2698]  }
0x588: {  	s1 =	sor.u32 s22, s2;
	[tilespmem:s7+$0x0] =	vst v19;
	v24 =	vld [tilespmem:s11+$0x2698]  }
0x589: {  	s15 =	rddreg [dreg:$0xf];
	v62 =	vld [tilespmem:s16+$0x2698];
	[tilespmem:s1+$0x0] =	vst v20  }
0x58a: {  	s23 =	rddreg [dreg:$0xc];
	s14 =	sadd.s32 $0xE580, s3;
	[tilespmem:s15+$0x0] =	vst v21;
	v63 =	vld [tilespmem:s0+$0x2698]  }
.Ltmp11:
0x58b: {  	s21 =	sor.u32 s19, s14;
	[tilespmem:s23+$0x0] =	vst v22;
	v19 =	vld [tilespmem:s25+$0x3EF8];
	(pc) =	sbr.rel @p2 .LBB2_20-.Ltmp11, $4  }
0x58c: {  	s17 =	sor.u32 s8, s14;
	v20 =	vld [tilespmem:s30+$0x3CF0];
	[tilespmem:s21+$0x0] =	vst v23  }
0x58d: {  	s20 =	sor.u32 s13, s14;
	s31 =	smov.u32 s11;
	[tilespmem:s17+$0x0] =	vst v24;
	v22 =	vld [tilespmem:s28+$0x28A0]  }
0x58e: {  	s26 =	rddreg [dreg:$0x11];
	s1 =	sor.u32 s22, s14;
	[tilespmem:s20+$0x0] =	vst v62;
	v23 =	vld [tilespmem:s31+$0x28A0]  }
0x58f: {  	s25 =	rddreg [dreg:$0xa];
	v21 =	vld [tilespmem:s16+$0x28A0];
	[tilespmem:s1+$0x0] =	vst v63  }
0x590: {  	s2 =	rddreg [dreg:$0x7];
	s4 =	smov.u32 s26;
	s1 =	smov.u32 s24  }
0x591: {  	s10 =	smov.u32 s30;
	s21 =	smov.u32 s29;
	s30 =	sld [smem:$0x7F0]  }
0x592: {  	s26 =	smov.u32 s12;
	s29 =	simm.s32 $0x10400;
	s9 =	sld [smem:$0x7E8]  }
.LBB2_22:
0x593: {  	s6 =	sadd.s32 $0xE600, s3  }
0x594: {  	s7 =	sor.u32 s19, s6  }
0x595: {  	v24 =	vld [tilespmem:s0+$0x28A0];
	s25 =	sor.u32 s8, s6;
	[tilespmem:s7+$0x0] =	vst v22  }
0x596: {  	[tilespmem:s25+$0x0] =	vst v23;
	v22 =	vld [tilespmem:s28+$0x2AA8]  }
0x597: {  	s11 =	sor.u32 s13, s6;
	v23 =	vld [tilespmem:s31+$0x2AA8]  }
0x598: {  	[tilespmem:s11+$0x0] =	vst v21  }
0x599: {  	s12 =	sadd.s32 $0xE680, s3;
	s6 =	sor.u32 s22, s6;
	v21 =	vld [tilespmem:s16+$0x2AA8]  }
0x59a: {  	s14 =	sor.u32 s19, s12;
	[tilespmem:s6+$0x0] =	vst v24  }
0x59b: {  	s15 =	sor.u32 s8, s12;
	v59 =	vld [tilespmem:s0+$0x2AA8];
	[tilespmem:s14+$0x0] =	vst v22  }
0x59c: {  	[tilespmem:s15+$0x0] =	vst v23;
	v60 =	vld [tilespmem:s28+$0x2CB0]  }
0x59d: {  	s17 =	sor.u32 s13, s12;
	v61 =	vld [tilespmem:s31+$0x2CB0]  }
0x59e: {  	[tilespmem:s17+$0x0] =	vst v21  }
0x59f: {  	s20 =	sadd.s32 $0xE700, s3;
	s7 =	sor.u32 s22, s12;
	v21 =	vld [tilespmem:s16+$0x2CB0]  }
0x5a0: {  	s23 =	sor.u32 s19, s20;
	[tilespmem:s7+$0x0] =	vst v59  }
0x5a1: {  	s24 =	sor.u32 s8, s20;
	v22 =	vld [tilespmem:s0+$0x2CB0];
	[tilespmem:s23+$0x0] =	vst v60  }
0x5a2: {  	[tilespmem:s24+$0x0] =	vst v61;
	v23 =	vld [tilespmem:s28+$0x2EB8]  }
0x5a3: {  	s25 =	sor.u32 s13, s20;
	v24 =	vld [tilespmem:s31+$0x2EB8]  }
0x5a4: {  	[tilespmem:s25+$0x0] =	vst v21  }
0x5a5: {  	s11 =	sadd.s32 $0xE780, s3;
	s6 =	sor.u32 s22, s20;
	v21 =	vld [tilespmem:s16+$0x2EB8]  }
0x5a6: {  	s12 =	sor.u32 s19, s11;
	[tilespmem:s6+$0x0] =	vst v22  }
0x5a7: {  	s14 =	sor.u32 s8, s11;
	v22 =	vld [tilespmem:s0+$0x2EB8];
	[tilespmem:s12+$0x0] =	vst v23  }
0x5a8: {  	[tilespmem:s14+$0x0] =	vst v24;
	v23 =	vld [tilespmem:s28+$0x30C0]  }
0x5a9: {  	s15 =	sor.u32 s13, s11;
	v24 =	vld [tilespmem:s31+$0x30C0]  }
0x5aa: {  	[tilespmem:s15+$0x0] =	vst v21  }
0x5ab: {  	s17 =	sadd.s32 $0xF400, s3;
	s7 =	sor.u32 s22, s11;
	v21 =	vld [tilespmem:s16+$0x30C0]  }
0x5ac: {  	s20 =	sor.u32 s19, s17;
	[tilespmem:s7+$0x0] =	vst v22  }
0x5ad: {  	s23 =	sor.u32 s8, s17;
	v22 =	vld [tilespmem:s0+$0x30C0];
	[tilespmem:s20+$0x0] =	vst v23  }
0x5ae: {  	[tilespmem:s23+$0x0] =	vst v24;
	v23 =	vld [tilespmem:s28+$0x32C8]  }
0x5af: {  	s24 =	sor.u32 s13, s17;
	v24 =	vld [tilespmem:s31+$0x32C8]  }
0x5b0: {  	[tilespmem:s24+$0x0] =	vst v21  }
0x5b1: {  	s25 =	sadd.s32 $0xF480, s3;
	s6 =	sor.u32 s22, s17;
	v21 =	vld [tilespmem:s16+$0x32C8]  }
0x5b2: {  	s11 =	sor.u32 s19, s25;
	[tilespmem:s6+$0x0] =	vst v22  }
0x5b3: {  	s12 =	sor.u32 s8, s25;
	v22 =	vld [tilespmem:s0+$0x32C8];
	[tilespmem:s11+$0x0] =	vst v23  }
0x5b4: {  	[tilespmem:s12+$0x0] =	vst v24;
	v23 =	vld [tilespmem:s28+$0x34D0]  }
0x5b5: {  	s14 =	sor.u32 s13, s25;
	v24 =	vld [tilespmem:s31+$0x34D0]  }
0x5b6: {  	[tilespmem:s14+$0x0] =	vst v21  }
0x5b7: {  	s15 =	sadd.s32 $0xF500, s3;
	s7 =	sor.u32 s22, s25;
	v21 =	vld [tilespmem:s16+$0x34D0]  }
0x5b8: {  	s17 =	sor.u32 s19, s15;
	[tilespmem:s7+$0x0] =	vst v22  }
0x5b9: {  	s20 =	sor.u32 s8, s15;
	v22 =	vld [tilespmem:s0+$0x34D0];
	[tilespmem:s17+$0x0] =	vst v23  }
0x5ba: {  	[tilespmem:s20+$0x0] =	vst v24;
	v23 =	vld [tilespmem:s28+$0x36D8]  }
0x5bb: {  	s23 =	sor.u32 s13, s15;
	v24 =	vld [tilespmem:s31+$0x36D8]  }
0x5bc: {  	[tilespmem:s23+$0x0] =	vst v21  }
0x5bd: {  	s24 =	sadd.s32 $0xF580, s3;
	s6 =	sor.u32 s22, s15;
	v21 =	vld [tilespmem:s16+$0x36D8]  }
0x5be: {  	s25 =	sor.u32 s19, s24;
	[tilespmem:s6+$0x0] =	vst v22  }
0x5bf: {  	s11 =	sor.u32 s8, s24;
	v22 =	vld [tilespmem:s0+$0x36D8];
	[tilespmem:s25+$0x0] =	vst v23  }
0x5c0: {  	[tilespmem:s11+$0x0] =	vst v24;
	v23 =	vld [tilespmem:s28+$0x38E0]  }
0x5c1: {  	s12 =	sor.u32 s13, s24;
	v24 =	vld [tilespmem:s31+$0x38E0]  }
0x5c2: {  	[tilespmem:s12+$0x0] =	vst v21  }
0x5c3: {  	s14 =	sadd.s32 $0xF600, s3;
	s7 =	sor.u32 s22, s24;
	v21 =	vld [tilespmem:s16+$0x38E0]  }
0x5c4: {  	s15 =	sor.u32 s19, s14;
	[tilespmem:s7+$0x0] =	vst v22  }
0x5c5: {  	s17 =	sor.u32 s8, s14;
	v22 =	vld [tilespmem:s0+$0x38E0];
	[tilespmem:s15+$0x0] =	vst v23  }
0x5c6: {  	[tilespmem:s17+$0x0] =	vst v24;
	v23 =	vld [tilespmem:s28+$0x3AE8]  }
0x5c7: {  	s20 =	sor.u32 s13, s14;
	v24 =	vld [tilespmem:s31+$0x3AE8]  }
0x5c8: {  	[tilespmem:s20+$0x0] =	vst v21  }
0x5c9: {  	s23 =	sadd.s32 $0xF680, s3;
	s6 =	sor.u32 s22, s14;
	v21 =	vld [tilespmem:s16+$0x3AE8]  }
0x5ca: {  	s24 =	sor.u32 s19, s23;
	[tilespmem:s6+$0x0] =	vst v22  }
0x5cb: {  	s25 =	sor.u32 s8, s23;
	v22 =	vld [tilespmem:s0+$0x3AE8];
	[tilespmem:s24+$0x0] =	vst v23  }
0x5cc: {  	[tilespmem:s25+$0x0] =	vst v24;
	v23 =	vld [tilespmem:s28+$0x3CF0]  }
0x5cd: {  	[tilespmem:s5+$0x0] =	vst @p0 v20;
	s6 =	sor.u32 s13, s23;
	v62 =	vld [tilespmem:s31+$0x3CF0]  }
0x5ce: {  	v24 =	vld @p0 [tilespmem:s10+$0x3EF8];
	[tilespmem:s6+$0x0] =	vst v21  }
0x5cf: {  	[tilespmem:s18+$0x0] =	vst @p0 v19;
	s7 =	sor.u32 s22, s23;
	s10 =	sadd.s32 $0xF700, s3;
	v21 =	vld [tilespmem:s16+$0x3CF0]  }
0x5d0: {  	v19 =	vld @p0 [tilespmem:s1+$0x3EF8];
	s11 =	sor.u32 s19, s10;
	[tilespmem:s7+$0x0] =	vst v22  }
0x5d1: {  	s12 =	sor.u32 s8, s10;
	v22 =	vld [tilespmem:s0+$0x3CF0];
	[tilespmem:s11+$0x0] =	vst v23  }
0x5d2: {  	[tilespmem:s12+$0x0] =	vst v62;
	v23 =	vld [tilespmem:s28+$0x3EF8]  }
0x5d3: {  	[tilespmem:s2+$0x0] =	vst @p1 v17;
	s14 =	sor.u32 s13, s10;
	v17 =	vld [tilespmem:s31+$0x3EF8]  }
0x5d4: {  	[tilespmem:s14+$0x0] =	vst v21  }
0x5d5: {  	[tilespmem:s4+$0x0] =	vst @p1 v18;
	s15 =	sadd.s32 $0xF780, s3;
	s1 =	sor.u32 s22, s10;
	v18 =	vld [tilespmem:s16+$0x3EF8]  }
0x5d6: {  	s17 =	sor.u32 s19, s15;
	[tilespmem:s1+$0x0] =	vst v22  }
0x5d7: {  	s18 =	sor.u32 s8, s15;
	v63 =	vld [tilespmem:s0+$0x3EF8];
	s0 =	smov.u32 @p0 s21;
	[tilespmem:s17+$0x0] =	vst v23  }
0x5d8: {  	v19 =	vpsel p0, v19, v0;
	s0 =	smov.u32 @p0 s0;
	[tilespmem:s18+$0x0] =	vst v17  }
0x5d9: {  	s19 =	sor.u32 s13, s15;
	s1 =	smov.u32 @p0 s26;
	v17 =	vmov @p0 v24;
	[tilespmem:s0+$0x0] =	vst @p0 v19  }
0x5da: {  	s0 =	smov.u32 @p0 s1;
	[tilespmem:s19+$0x0] =	vst v18;
	v17 =	vpsel p0, v17, v0  }
0x5db: {  	s20 =	sor.u32 s22, s15;
	[tilespmem:s0+$0x0] =	vst @p0 v17  }
0x5dc: {  	[tilespmem:s20+$0x0] =	vst v63  }
0x5dd: {  	s0 =	sld [smem:$0x7F9];
	_ =	sdelay $0x1  }
0x5de: {  	s30 =	sadd.s32 $0x1, s30;
	s24 =	simm.s32 $0xD400;
	s23 =	sld [smem:$0x7FA]  }
0x5df: {  	s22 =	simm.s32 $0xC400;
	s21 =	simm.s32 $0x0;
	s0 =	sadd.s32 s9, s0  }
0x5e0: {  	[hbm4b:s0+s21] =	stream.linear.scatter [tilespmem:s22], [sflag:$0x6], $0x1000, $0x38;
	[tilespmem:$0x14500] =	vst v63  }
0x5e1: {  	p0 =	sne.s32 s30, $0x64;
	s25 =	sld [smem:$0x7FB];
	s0 =	sadd.s32 s9, s23  }
0x5e2: {  	[hbm4b:s0+s21] =	stream.linear.scatter [tilespmem:s24], [sflag:$0x6], $0x1000, $0x38;
	[tilespmem:$0x14500] =	vst v63  }
.Ltmp12:
0x5e3: {  	s28 =	sld [smem:$0x7FC];
	(pc) =	sbr.rel @p0 .LBB2_2-.Ltmp12, $4  }
.Ltmp13:
0x5e4: {  	s26 =	simm.s32 $0xE400;
	s0 =	sadd.s32 s9, s25;
	(pc) =	sbr.rel @!p0 .LBB2_23-.Ltmp13, $4  }
0x5e5: {  	[hbm4b:s0+s21] =	stream.linear.scatter [tilespmem:s26], [sflag:$0x6], $0x1000, $0x38;
	[tilespmem:$0x14500] =	vst v63  }
0x5e6: {  	s31 =	simm.s32 $0xF400;
	s0 =	sadd.s32 s9, s28  }
0x5e7: {  	[hbm4b:s0+s21] =	stream.linear.scatter [tilespmem:s31], [sflag:$0x6], $0x1000, $0x38;
	[tilespmem:$0x14500] =	vst v63  }
0x5e8: {  	_ = 	snop  }
.LBB2_5:
.Ltmp14:
0x5e9: {  	(pc) =	sbr.rel .LBB2_12-.Ltmp14, $2  }
0x5ea: {  	_ =	sdelay $0x2  }
0x5eb: {  	s10 =	smov.u32 s28  }
.LBB2_15:
.Ltmp15:
0x5ec: {  	(pc) =	sbr.rel .LBB2_22-.Ltmp15, $2  }
0x5ed: {  	_ =	sdelay $0x2  }
0x5ee: {  	s0 =	smov.u32 s10  }
.LBB2_7:
.Ltmp16:
0x5ef: {  	(pc) =	sbr.rel .LBB2_12-.Ltmp16, $4  }
0x5f0: {  	s1 =	smov.u32 s3  }
0x5f1: {  	s8 =	smov.u32 s20;
	s25 =	smov.u32 s15;
	s19 =	smov.u32 s11  }
0x5f2: {  	s7 =	smov.u32 s17;
	s23 =	smov.u32 s14;
	s13 =	smov.u32 s16  }
0x5f3: {  	s22 =	smov.u32 s12;
	s3 =	smov.u32 s0;
	s11 =	sld [smem:$0x7EF]  }
.LBB2_17:
.Ltmp17:
0x5f4: {  	(pc) =	sbr.rel .LBB2_22-.Ltmp17, $4  }
0x5f5: {  	s1 =	smov.u32 s25;
	s0 =	smov.u32 s3  }
0x5f6: {  	s3 =	smov.u32 s20;
	s19 =	smov.u32 s15;
	s8 =	smov.u32 s11  }
0x5f7: {  	s28 =	smov.u32 s17;
	s31 =	smov.u32 s14;
	s13 =	smov.u32 s16  }
0x5f8: {  	s22 =	smov.u32 s12;
	s16 =	smov.u32 s24;
	s30 =	sld [smem:$0x7F0]  }
.LBB2_9:
.Ltmp18:
0x5f9: {  	(pc) =	sbr.rel .LBB2_12-.Ltmp18, $4  }
0x5fa: {  	s2 =	rddreg [dreg:$0x6]  }
0x5fb: {  	s6 =	rddreg [dreg:$0x8];
	s1 =	smov.u32 s24  }
0x5fc: {  	s28 =	smov.u32 s30;
	s21 =	smov.u32 s29;
	s30 =	sld [smem:$0x7F0]  }
0x5fd: {  	s9 =	smov.u32 s12;
	s29 =	simm.s32 $0x10400;
	s11 =	sld [smem:$0x7EF]  }
.LBB2_19:
.Ltmp19:
0x5fe: {  	(pc) =	sbr.rel .LBB2_22-.Ltmp19, $4  }
0x5ff: {  	_ = 	snop  }
0x600: {  	s2 =	rddreg [dreg:$0x7];
	s4 =	smov.u32 s26;
	s1 =	smov.u32 s24  }
0x601: {  	s10 =	smov.u32 s30;
	s21 =	smov.u32 s29;
	s30 =	sld [smem:$0x7F0]  }
0x602: {  	s26 =	smov.u32 s12;
	s29 =	simm.s32 $0x10400;
	s9 =	sld [smem:$0x7E8]  }
.LBB2_24:
0x603: {  	_ =	sfence.sel $0x180000  }
0x604: {  	[bflag:$0x0] =	sbarrier.arrive $0xFFFF  }
0x605: {  	_ =	strace $0x90000047  }
0x606: {  	s0 =	stileid.u32;
	[bflag:$0x2] =	sbarrier.arrive $0xFFFF  }
0x607: {  	p0 =	sne.s32 s0, $0x0;
	s0 =	rddreg [dreg:$0x3]  }
0x608: {  	s0 =	sadd.s32 @!p0 $0x100000, s0  }
0x609: {  	[sflag:s0] =	ssyncadd.tile.s32 @!p0 $0x1;
	_ =	shalt  }
.Lfunc_end2:
_tile_overlayer_lowered:
.L_overlay_start_2:
0x60a: {  	(tag) =	ssettag $0x2  }
0x60b: {  	s0 =	rddreg [dreg:$0x0];
	s2 =	stileid.u32  }
0x60c: {  	s1 =	rddreg [dreg:$0x1];
	p0 =	sne.s32 s2, $0x0  }
0x60d: {  	s3 =	rddreg [dreg:$0x2];
	[bflag:$0x3] =	sbarrier.arrive $0xFFFF;
	s2 =	simm.s32 @!p0 $0x1C07  }
0x60e: {  	[timem:s3], [sflag:s2] =	dma.local @!p0 [hbm:s0], s1  }
0x60f: {  	s0 =	simm.s32 @!p0 $0x7  }
0x610: {  	_ =	swait.ge @!p0 [sflag:s0], s1  }
0x611: {  	s1 =	ssub.s32 @!p0 $0x0, s1;
	[sflag:s0] =	ssyncset.done @!p0 $0x0  }
0x612: {  	[sflag:s0] =	ssyncadd.s32 @!p0 s1  }
0x613: {  	[bflag:$0x3] =	sbarrier.arrive $0xFFFF  }
0x614: {  	_ =	shalt  }

</sc_bundles>
